<compile_context>
chip_gen: v7x
topology: tpu7x:2x2x1
jax: 0.10.2.dev20260603
libtpu: 0.0.44.dev20260713+nightly
codegen_flags: <defaults>
</compile_context>

<pallas_src>
import functools
import math

import jax
import jax.numpy as jnp
from jax import lax
from jax.experimental import pallas as pl
from jax.experimental.pallas import tpu as pltpu
from jax.experimental.pallas import tpu_sc as plsc

BETA = 0.1
PAD = 0
LOG1MBETA = math.log(1.0 - BETA)

NC = 2
NS = 16
L = 16
NW = NC * NS


def _make_sc_kernel(N, T, V):
    rows_per_w = N // NW
    blk = 80
    nblk = rows_per_w // blk
    ngrp = blk // L
    nvec = V // L

    mesh = plsc.VectorSubcoreMesh(
        core_axis_name="c", subcore_axis_name="s", num_cores=NC, num_subcores=NS)

    @functools.partial(
        pl.kernel,
        out_type=(
            jax.ShapeDtypeStruct((N,), jnp.float32),
            jax.ShapeDtypeStruct((NW, L), jnp.float32),
            jax.ShapeDtypeStruct((NW, L), jnp.float32),
        ),
        mesh=mesh,
        compiler_params=pltpu.CompilerParams(needs_layout_passes=False),
        scratch_types=[
            pltpu.VMEM((rows_per_w,), jnp.int32),
            pltpu.VMEM((128,), jnp.float32),
            pltpu.VMEM((blk,), jnp.int32),
            pltpu.VMEM((blk,), jnp.int32),
            pltpu.VMEM((blk, V), jnp.float32),
            pltpu.VMEM((blk, V), jnp.float32),
            pltpu.VMEM((blk, V), jnp.float32),
            pltpu.VMEM((blk, V), jnp.float32),
            pltpu.VMEM((blk, L), jnp.float32),
            pltpu.VMEM((blk, L), jnp.float32),
            pltpu.VMEM((rows_per_w,), jnp.float32),
            pltpu.VMEM((L,), jnp.float32),
            pltpu.VMEM((L,), jnp.float32),
            pltpu.SemaphoreType.DMA,
            pltpu.SemaphoreType.DMA,
            pltpu.SemaphoreType.DMA,
            pltpu.SemaphoreType.DMA,
        ],
    )
    def sc_kernel(inp_hbm, mat_hbm, len_hbm, tgt_hbm,
                  q_out, p_out, cnt_out,
                  tgt_v, len_v, idx0, idx1, x0, x1, m0, m1,
                  mdx_v, ms_v, q_v, p_acc, cnt_acc,
                  sem_x0, sem_x1, sem_m0, sem_m1):
        wid = lax.axis_index("s") * NC + lax.axis_index("c")
        wbase = wid * rows_per_w

        pltpu.sync_copy(tgt_hbm.at[pl.ds(wbase, rows_per_w)], tgt_v)
        pltpu.sync_copy(len_hbm, len_v)

        zeros = jnp.zeros((L,), jnp.float32)
        p_acc[...] = zeros
        cnt_acc[...] = zeros

        iota = lax.iota(jnp.int32, L)
        slots = ((idx0, x0, m0, sem_x0, sem_m0),
                 (idx1, x1, m1, sem_x1, sem_m1))

        def compute_idx(b, idx_v):
            base_l = b * blk
            for g in range(ngrp):
                pvec = base_l + g * L + iota
                cur = tgt_v[pl.ds(base_l + g * L, L)]
                prev = plsc.load_gather(tgt_v, [jnp.maximum(pvec - 1, 0)])
                forth = jnp.where(pvec % T == 0, 0, prev)
                idx_v[pl.ds(g * L, L)] = forth * V + cur

        def start_dma(b, slot):
            idx_v, x_v, m_v, sem_x, sem_m = slot
            compute_idx(b, idx_v)
            pltpu.async_copy(mat_hbm.at[idx_v], m_v, sem_m)
            pltpu.async_copy(inp_hbm.at[pl.ds(wbase + b * blk, blk)], x_v, sem_x)

        def process_block(b, sidx):
            idx_v, x_v, m_v, sem_x, sem_m = slots[sidx]
            nxt = slots[1 - sidx]

            @pl.when(b + 1 < nblk)
            def _():
                start_dma(b + 1, nxt)

            pltpu.make_async_copy(mat_hbm.at[idx_v], m_v, sem_m).wait()
            pltpu.make_async_copy(
                inp_hbm.at[pl.ds(0, blk)], x_v, sem_x).wait()

            base_l = b * blk

            def row_body(r, _):
                mv = m_v[r, pl.ds(0, L)]
                mdx = mv * x_v[r, pl.ds(0, L)]
                ms = mv
                for j in range(1, nvec):
                    mv = m_v[r, pl.ds(16 * j, L)]
                    mdx = mdx + mv * x_v[r, pl.ds(16 * j, L)]
                    ms = ms + mv
                mdx_v[r, :] = jnp.broadcast_to(jnp.sum(mdx), (L,))
                ms_v[r, :] = jnp.broadcast_to(jnp.sum(ms), (L,))
                return 0

            lax.fori_loop(0, blk, row_body, 0, unroll=4)

            for g in range(ngrp):
                pvec = base_l + g * L + iota
                cur = tgt_v[pl.ds(base_l + g * L, L)]
                lrows = g * L + iota
                xt = plsc.load_gather(x_v, [lrows, cur])
                mt = plsc.load_gather(m_v, [lrows, cur])
                zero16 = jnp.zeros((L,), jnp.int32)
                mdx = plsc.load_gather(mdx_v, [lrows, zero16])
                ms = plsc.load_gather(ms_v, [lrows, zero16])
                bidx = wid * (rows_per_w // T) + pvec // T
                lens = plsc.load_gather(len_v, [bidx])
                s = 1.0 - jnp.exp(LOG1MBETA / lens)
                notpad = (cur != PAD).astype(jnp.float32)
                sb = s * notpad
                sms = sb * ms
                e = notpad - sms - sb * mt
                q_v[pl.ds(base_l + g * L, L)] = sms + e
                p_acc[...] = p_acc[...] + sb * mdx + e * xt
                cnt_acc[...] = cnt_acc[...] + (1.0 - notpad)

        start_dma(0, slots[0])

        def pair_body(i, _):
            process_block(2 * i, 0)
            process_block(2 * i + 1, 1)
            return 0

        lax.fori_loop(0, nblk // 2, pair_body, 0)

        pltpu.sync_copy(q_v, q_out.at[pl.ds(wbase, rows_per_w)])
        pltpu.sync_copy(p_acc, p_out.at[wid])
        pltpu.sync_copy(cnt_acc, cnt_out.at[wid])

    return sc_kernel


def _make_tc_kernel(N, V, RB=3200):
    def body(x_ref, lse_ref):
        x = x_ref[...]
        mx = jnp.max(x, axis=1, keepdims=True)
        se = jnp.sum(jnp.exp(x - mx), axis=1, keepdims=True)
        lse_ref[...] = mx + jnp.log(se)

    return pl.pallas_call(
        body,
        grid=(N // RB,),
        in_specs=[pl.BlockSpec((RB, V), lambda i: (i, 0))],
        out_specs=pl.BlockSpec((RB, 1), lambda i: (i, 0)),
        out_shape=jax.ShapeDtypeStruct((N, 1), jnp.float32),
    )


def kernel(input, matric, length, target):
    B, T, V = input.shape
    N = B * T
    inp2 = input.reshape(N, V)
    mat2 = matric.reshape(V * V, V)
    tgt = target.reshape(N).astype(jnp.int32)
    lse = _make_tc_kernel(N, V)(inp2)
    q, p, cnt = _make_sc_kernel(N, T, V)(inp2, mat2, length, tgt)
    num = jnp.sum(p) - jnp.sum(q * lse.reshape(N))
    return -num / jnp.sum(cnt)

# --- scband reference (transcript-rebuilt; emitter-appended) ---
"""Pipeline reference for scband-pair-wise-weight-smooth-loss-84327387890129 (READ-ONLY COPY).

The authoritative reference and input builder live on the scoring server;
editing this copy changes nothing except your own understanding.
"""

import jax, jax.numpy as jnp
import numpy as np

BETA = 0.1
PAD = 0

def setup_inputs(seed: int = 0) -> dict:
    key = jax.random.key(seed)
    k1, k2, k3, k4 = jax.random.split(key, 4)
    B, T, V = 128, 200, 256
    inp = jax.random.normal(k1, (B, T, V), dtype=jnp.float32)
    target = jax.random.randint(k2, (B, T), 0, V)
    length = jax.random.randint(k3, (B,), 1, T + 1).astype(jnp.float32)
    # stand-in for np.load('confusion_matrices/Attn_confusion_matrices.npy'):
    # row-stochastic confusion distributions over the vocab, shape [V, V, V]
    matric = jax.nn.softmax(jax.random.normal(k4, (V, V, V), dtype=jnp.float32), axis=-1)
    return {"input": inp, "matric": matric, "length": length, "target": target}

def reference(input, matric, length, target):
    B, T, V = input.shape
    # forth_target: previous token (0 for first position)
    forth = jnp.concatenate([jnp.zeros((B, 1), dtype=target.dtype), target[:, :-1]], axis=1).reshape(-1)
    tgt = target.reshape(-1)
    ignore = tgt == PAD
    total = ignore.sum().astype(jnp.float32)
    log_prob = jax.nn.log_softmax(input.reshape(-1, V), axis=-1)
    smoothing = (1.0 - jnp.power(1.0 - BETA, 1.0 / length))[:, None]
    smoothing = jnp.broadcast_to(smoothing, (B, T)).reshape(-1)
    # gather pairwise confusion rows: matric[prev_token, cur_token, :]
    weight = smoothing[:, None] * matric[forth, tgt, :]
    src = 1.0 - weight.sum(axis=1)
    # scatter-overwrite: weight[i, target[i]] = src[i]
    weight = weight.at[jnp.arange(B * T), tgt].set(src)
    loss = jnp.where(ignore[:, None], 0.0, -weight * log_prob).sum() / total
    return loss

if __name__ == "__main__":
    import jax
    _d = setup_inputs()
    print(jax.jit(kernel)(*tuple(_d.values())))

</pallas_src>

<mosaic_0001>
#map = affine_map<(d0, d1) -> (0, 0)>
#map1 = affine_map<(d0, d1) -> (0)>
module attributes {stable_mosaic.version = 14 : i64} {
  func.func @sc_kernel(%arg0: i32, %arg1: i32, %arg2: memref<25600x256xf32, #tpu.memory_space<hbm>>, %arg3: memref<65536x256xf32, #tpu.memory_space<hbm>>, %arg4: memref<128xf32, #tpu.memory_space<hbm>>, %arg5: memref<25600xi32, #tpu.memory_space<hbm>>, %arg6: memref<25600xf32, #tpu.memory_space<hbm>>, %arg7: memref<32x16xf32, #tpu.memory_space<hbm>>, %arg8: memref<32x16xf32, #tpu.memory_space<hbm>>, %arg9: memref<800xi32, #tpu.memory_space<vmem>>, %arg10: memref<128xf32, #tpu.memory_space<vmem>>, %arg11: memref<80xi32, #tpu.memory_space<vmem>>, %arg12: memref<80xi32, #tpu.memory_space<vmem>>, %arg13: memref<80x256xf32, #tpu.memory_space<vmem>>, %arg14: memref<80x256xf32, #tpu.memory_space<vmem>>, %arg15: memref<80x256xf32, #tpu.memory_space<vmem>>, %arg16: memref<80x256xf32, #tpu.memory_space<vmem>>, %arg17: memref<80x16xf32, #tpu.memory_space<vmem>>, %arg18: memref<80x16xf32, #tpu.memory_space<vmem>>, %arg19: memref<800xf32, #tpu.memory_space<vmem>>, %arg20: memref<16xf32, #tpu.memory_space<vmem>>, %arg21: memref<16xf32, #tpu.memory_space<vmem>>, %arg22: memref<!tpu.dma_semaphore, #tpu.memory_space<semaphore_mem>>, %arg23: memref<!tpu.dma_semaphore, #tpu.memory_space<semaphore_mem>>, %arg24: memref<!tpu.dma_semaphore, #tpu.memory_space<semaphore_mem>>, %arg25: memref<!tpu.dma_semaphore, #tpu.memory_space<semaphore_mem>>) attributes {dimension_semantics = [#tpu.dimension_semantics<core_parallel>, #tpu.dimension_semantics<subcore_parallel>], iteration_bounds = array<i64: 2, 16>, scalar_prefetch = 0 : i64, scratch_operands = 17 : i64, tpu.core_type = #tpu.core_type<sc_vector_subcore>, window_params = [{transform_indices = #map}, {transform_indices = #map}, {transform_indices = #map1}, {transform_indices = #map1}, {transform_indices = #map1}, {transform_indices = #map}, {transform_indices = #map}]} {
    %mul3A = arith.constant 2 : i32
    %mul3A_0 = arith.muli %arg1, %mul3A : i32
    %add3A = arith.addi %mul3A_0, %arg0 : i32
    %mul3A_1 = arith.constant 800 : i32
    %mul3A_2 = arith.muli %add3A, %mul3A_1 : i32
    "tpu.region"() ({
      %run_scoped3A = tpu.sem_alloc : memref<!tpu.dma_semaphore, #tpu.memory_space<semaphore_mem>>
      %dma_start3A_240 = tpu.memref_slice %arg5[%mul3A_2] : memref<25600xi32, #tpu.memory_space<hbm>> -> memref<800xi32, #tpu.memory_space<hbm>>
      %dma_start3A_241 = tpu.memref_slice %arg5[%mul3A_2] : memref<25600xi32, #tpu.memory_space<hbm>> -> memref<800xi32, #tpu.memory_space<hbm>>
      tpu.enqueue_dma source(%dma_start3A_241 : memref<800xi32, #tpu.memory_space<hbm>>) target(%arg9 : memref<800xi32, #tpu.memory_space<vmem>>) target_semaphore(%run_scoped3A : memref<!tpu.dma_semaphore, #tpu.memory_space<semaphore_mem>>)
      %dma_wait3A = tpu.memref_slice %arg5[%mul3A_2] : memref<25600xi32, #tpu.memory_space<hbm>> -> memref<800xi32, #tpu.memory_space<hbm>>
      %dma_wait3A_242 = tpu.memref_slice %arg5[%mul3A_2] : memref<25600xi32, #tpu.memory_space<hbm>> -> memref<800xi32, #tpu.memory_space<hbm>>
      tpu.wait_dma2 semaphore(%run_scoped3A : memref<!tpu.dma_semaphore, #tpu.memory_space<semaphore_mem>>) src(%dma_wait3A_242 : memref<800xi32, #tpu.memory_space<hbm>>) dst(%arg9 : memref<800xi32, #tpu.memory_space<vmem>>)
      tpu.yield
    }) : () -> ()
    "tpu.region"() ({
      %run_scoped3A = tpu.sem_alloc : memref<!tpu.dma_semaphore, #tpu.memory_space<semaphore_mem>>
      tpu.enqueue_dma source(%arg4 : memref<128xf32, #tpu.memory_space<hbm>>) target(%arg10 : memref<128xf32, #tpu.memory_space<vmem>>) target_semaphore(%run_scoped3A : memref<!tpu.dma_semaphore, #tpu.memory_space<semaphore_mem>>)
      tpu.wait_dma2 semaphore(%run_scoped3A : memref<!tpu.dma_semaphore, #tpu.memory_space<semaphore_mem>>) src(%arg4 : memref<128xf32, #tpu.memory_space<hbm>>) dst(%arg10 : memref<128xf32, #tpu.memory_space<vmem>>)
      tpu.yield
    }) : () -> ()
    %broadcast_in_dim3A = arith.constant 0.000000e+00 : f32
    %broadcast_in_dim3A_3 = vector.broadcast %broadcast_in_dim3A : f32 to vector<16xf32>
    %swap3A = arith.constant 0 : index
    %swap3A_4 = tpu.vector_load %arg20[%swap3A] {strides = array<i32>} : memref<16xf32, #tpu.memory_space<vmem>>, vector<16xf32>,
    tpu.vector_store %arg20[%swap3A], %broadcast_in_dim3A_3 {strides = array<i32>} : memref<16xf32, #tpu.memory_space<vmem>>, vector<16xf32>,
    %swap3A_5 = arith.constant 0 : index
    %swap3A_6 = tpu.vector_load %arg21[%swap3A_5] {strides = array<i32>} : memref<16xf32, #tpu.memory_space<vmem>>, vector<16xf32>,
    tpu.vector_store %arg21[%swap3A_5], %broadcast_in_dim3A_3 {strides = array<i32>} : memref<16xf32, #tpu.memory_space<vmem>>, vector<16xf32>,
    %iota3A = tpu.iota {dimensions = array<i32: 0>} : vector<16xi32>
    %add3A_7 = arith.constant 0 : i32
    %add3A_8 = vector.broadcast %add3A_7 : i32 to vector<16xi32>
    %add3A_9 = arith.addi %add3A_8, %iota3A : vector<16xi32>
    %get3A = arith.constant 0 : index
    %get3A_10 = tpu.vector_load %arg9[%get3A] {strides = array<i32>} : memref<800xi32, #tpu.memory_space<vmem>>, vector<16xi32>,
    %sub3A = arith.constant 1 : i32
    %sub3A_11 = vector.broadcast %sub3A : i32 to vector<16xi32>
    %sub3A_12 = arith.subi %add3A_9, %sub3A_11 : vector<16xi32>
    %max3A = arith.constant 0 : i32
    %max3A_13 = vector.broadcast %max3A : i32 to vector<16xi32>
    %max3A_14 = arith.maxsi %sub3A_12, %max3A_13 : vector<16xi32>
    %gather3A = tpu.vector_load_idx %arg9[%max3A_14] : memref<800xi32, #tpu.memory_space<vmem>>[vector<16xi32>], vector<16xi32>,
    %jit3A = arith.constant 200 : i32
    %eq3A = arith.constant 0 : i32
    %eq3A_15 = arith.cmpi eq, %jit3A, %eq3A : i32
    %jit3A_16 = arith.constant 1 : i32
    %select_n3A = arith.select %eq3A_15, %jit3A_16, %jit3A : i32
    %rem3A = vector.broadcast %select_n3A : i32 to vector<16xi32>
    %rem3A_17 = arith.remsi %add3A_9, %rem3A : vector<16xi32>
    %ne3A = arith.constant 0 : i32
    %ne3A_18 = vector.broadcast %ne3A : i32 to vector<16xi32>
    %ne3A_19 = arith.cmpi ne, %rem3A_17, %ne3A_18 : vector<16xi32>
    %lt3A = arith.constant 0 : i32
    %lt3A_20 = vector.broadcast %lt3A : i32 to vector<16xi32>
    %lt3A_21 = arith.cmpi slt, %rem3A_17, %lt3A_20 : vector<16xi32>
    %lt3A_22 = arith.constant 0 : i32
    %lt3A_23 = arith.cmpi slt, %select_n3A, %lt3A_22 : i32
    %ne3A_24 = vector.broadcast %lt3A_23 : i1 to vector<16xi1>
    %ne3A_25 = vector.broadcast %ne3A_24 : vector<16xi1> to vector<16xi1>
    %ne3A_26 = arith.xori %lt3A_21, %ne3A_25 : vector<16xi1>
    %and3A = arith.andi %ne3A_26, %ne3A_19 : vector<16xi1>
    %add3A_27 = vector.broadcast %select_n3A : i32 to vector<16xi32>
    %add3A_28 = arith.addi %rem3A_17, %add3A_27 : vector<16xi32>
    %select_n3A_29 = arith.select %and3A, %add3A_28, %rem3A_17 : vector<16xi1>, vector<16xi32>
    %eq3A_30 = arith.constant 0 : i32
    %eq3A_31 = vector.broadcast %eq3A_30 : i32 to vector<16xi32>
    %eq3A_32 = arith.cmpi eq, %select_n3A_29, %eq3A_31 : vector<16xi32>
    %jit3A_33 = arith.constant 0 : i32
    %broadcast_in_dim3A_34 = vector.broadcast %jit3A_33 : i32 to vector<16xi32>
    %select_n3A_35 = arith.select %eq3A_32, %broadcast_in_dim3A_34, %gather3A : vector<16xi1>, vector<16xi32>
    %mul3A_36 = arith.constant 256 : i32
    %mul3A_37 = vector.broadcast %mul3A_36 : i32 to vector<16xi32>
    %mul3A_38 = arith.muli %select_n3A_35, %mul3A_37 : vector<16xi32>
    %add3A_39 = arith.addi %mul3A_38, %get3A_10 : vector<16xi32>
    %swap3A_40 = arith.constant 0 : index
    %swap3A_41 = tpu.vector_load %arg11[%swap3A_40] {strides = array<i32>} : memref<80xi32, #tpu.memory_space<vmem>>, vector<16xi32>,
    tpu.vector_store %arg11[%swap3A_40], %add3A_39 {strides = array<i32>} : memref<80xi32, #tpu.memory_space<vmem>>, vector<16xi32>,
    %add3A_42 = arith.constant 16 : i32
    %add3A_43 = vector.broadcast %add3A_42 : i32 to vector<16xi32>
    %add3A_44 = arith.addi %add3A_43, %iota3A : vector<16xi32>
    %get3A_45 = arith.constant 16 : index
    %get3A_46 = tpu.vector_load %arg9[%get3A_45] {strides = array<i32>} : memref<800xi32, #tpu.memory_space<vmem>>, vector<16xi32>,
    %sub3A_47 = arith.constant 1 : i32
    %sub3A_48 = vector.broadcast %sub3A_47 : i32 to vector<16xi32>
    %sub3A_49 = arith.subi %add3A_44, %sub3A_48 : vector<16xi32>
    %max3A_50 = arith.constant 0 : i32
    %max3A_51 = vector.broadcast %max3A_50 : i32 to vector<16xi32>
    %max3A_52 = arith.maxsi %sub3A_49, %max3A_51 : vector<16xi32>
    %gather3A_53 = tpu.vector_load_idx %arg9[%max3A_52] : memref<800xi32, #tpu.memory_space<vmem>>[vector<16xi32>], vector<16xi32>,
    %jit3A_54 = arith.constant 200 : i32
    %eq3A_55 = arith.constant 0 : i32
    %eq3A_56 = arith.cmpi eq, %jit3A_54, %eq3A_55 : i32
    %jit3A_57 = arith.constant 1 : i32
    %select_n3A_58 = arith.select %eq3A_56, %jit3A_57, %jit3A_54 : i32
    %rem3A_59 = vector.broadcast %select_n3A_58 : i32 to vector<16xi32>
    %rem3A_60 = arith.remsi %add3A_44, %rem3A_59 : vector<16xi32>
    %ne3A_61 = arith.constant 0 : i32
    %ne3A_62 = vector.broadcast %ne3A_61 : i32 to vector<16xi32>
    %ne3A_63 = arith.cmpi ne, %rem3A_60, %ne3A_62 : vector<16xi32>
    %lt3A_64 = arith.constant 0 : i32
    %lt3A_65 = vector.broadcast %lt3A_64 : i32 to vector<16xi32>
    %lt3A_66 = arith.cmpi slt, %rem3A_60, %lt3A_65 : vector<16xi32>
    %lt3A_67 = arith.constant 0 : i32
    %lt3A_68 = arith.cmpi slt, %select_n3A_58, %lt3A_67 : i32
    %ne3A_69 = vector.broadcast %lt3A_68 : i1 to vector<16xi1>
    %ne3A_70 = vector.broadcast %ne3A_69 : vector<16xi1> to vector<16xi1>
    %ne3A_71 = arith.xori %lt3A_66, %ne3A_70 : vector<16xi1>
    %and3A_72 = arith.andi %ne3A_71, %ne3A_63 : vector<16xi1>
    %add3A_73 = vector.broadcast %select_n3A_58 : i32 to vector<16xi32>
    %add3A_74 = arith.addi %rem3A_60, %add3A_73 : vector<16xi32>
    %select_n3A_75 = arith.select %and3A_72, %add3A_74, %rem3A_60 : vector<16xi1>, vector<16xi32>
    %eq3A_76 = arith.constant 0 : i32
    %eq3A_77 = vector.broadcast %eq3A_76 : i32 to vector<16xi32>
    %eq3A_78 = arith.cmpi eq, %select_n3A_75, %eq3A_77 : vector<16xi32>
    %jit3A_79 = arith.constant 0 : i32
    %broadcast_in_dim3A_80 = vector.broadcast %jit3A_79 : i32 to vector<16xi32>
    %select_n3A_81 = arith.select %eq3A_78, %broadcast_in_dim3A_80, %gather3A_53 : vector<16xi1>, vector<16xi32>
    %mul3A_82 = arith.constant 256 : i32
    %mul3A_83 = vector.broadcast %mul3A_82 : i32 to vector<16xi32>
    %mul3A_84 = arith.muli %select_n3A_81, %mul3A_83 : vector<16xi32>
    %add3A_85 = arith.addi %mul3A_84, %get3A_46 : vector<16xi32>
    %swap3A_86 = arith.constant 16 : index
    %swap3A_87 = tpu.vector_load %arg11[%swap3A_86] {strides = array<i32>} : memref<80xi32, #tpu.memory_space<vmem>>, vector<16xi32>,
    tpu.vector_store %arg11[%swap3A_86], %add3A_85 {strides = array<i32>} : memref<80xi32, #tpu.memory_space<vmem>>, vector<16xi32>,
    %add3A_88 = arith.constant 32 : i32
    %add3A_89 = vector.broadcast %add3A_88 : i32 to vector<16xi32>
    %add3A_90 = arith.addi %add3A_89, %iota3A : vector<16xi32>
    %get3A_91 = arith.constant 32 : index
    %get3A_92 = tpu.vector_load %arg9[%get3A_91] {strides = array<i32>} : memref<800xi32, #tpu.memory_space<vmem>>, vector<16xi32>,
    %sub3A_93 = arith.constant 1 : i32
    %sub3A_94 = vector.broadcast %sub3A_93 : i32 to vector<16xi32>
    %sub3A_95 = arith.subi %add3A_90, %sub3A_94 : vector<16xi32>
    %max3A_96 = arith.constant 0 : i32
    %max3A_97 = vector.broadcast %max3A_96 : i32 to vector<16xi32>
    %max3A_98 = arith.maxsi %sub3A_95, %max3A_97 : vector<16xi32>
    %gather3A_99 = tpu.vector_load_idx %arg9[%max3A_98] : memref<800xi32, #tpu.memory_space<vmem>>[vector<16xi32>], vector<16xi32>,
    %jit3A_100 = arith.constant 200 : i32
    %eq3A_101 = arith.constant 0 : i32
    %eq3A_102 = arith.cmpi eq, %jit3A_100, %eq3A_101 : i32
    %jit3A_103 = arith.constant 1 : i32
    %select_n3A_104 = arith.select %eq3A_102, %jit3A_103, %jit3A_100 : i32
    %rem3A_105 = vector.broadcast %select_n3A_104 : i32 to vector<16xi32>
    %rem3A_106 = arith.remsi %add3A_90, %rem3A_105 : vector<16xi32>
    %ne3A_107 = arith.constant 0 : i32
    %ne3A_108 = vector.broadcast %ne3A_107 : i32 to vector<16xi32>
    %ne3A_109 = arith.cmpi ne, %rem3A_106, %ne3A_108 : vector<16xi32>
    %lt3A_110 = arith.constant 0 : i32
    %lt3A_111 = vector.broadcast %lt3A_110 : i32 to vector<16xi32>
    %lt3A_112 = arith.cmpi slt, %rem3A_106, %lt3A_111 : vector<16xi32>
    %lt3A_113 = arith.constant 0 : i32
    %lt3A_114 = arith.cmpi slt, %select_n3A_104, %lt3A_113 : i32
    %ne3A_115 = vector.broadcast %lt3A_114 : i1 to vector<16xi1>
    %ne3A_116 = vector.broadcast %ne3A_115 : vector<16xi1> to vector<16xi1>
    %ne3A_117 = arith.xori %lt3A_112, %ne3A_116 : vector<16xi1>
    %and3A_118 = arith.andi %ne3A_117, %ne3A_109 : vector<16xi1>
    %add3A_119 = vector.broadcast %select_n3A_104 : i32 to vector<16xi32>
    %add3A_120 = arith.addi %rem3A_106, %add3A_119 : vector<16xi32>
    %select_n3A_121 = arith.select %and3A_118, %add3A_120, %rem3A_106 : vector<16xi1>, vector<16xi32>
    %eq3A_122 = arith.constant 0 : i32
    %eq3A_123 = vector.broadcast %eq3A_122 : i32 to vector<16xi32>
    %eq3A_124 = arith.cmpi eq, %select_n3A_121, %eq3A_123 : vector<16xi32>
    %jit3A_125 = arith.constant 0 : i32
    %broadcast_in_dim3A_126 = vector.broadcast %jit3A_125 : i32 to vector<16xi32>
    %select_n3A_127 = arith.select %eq3A_124, %broadcast_in_dim3A_126, %gather3A_99 : vector<16xi1>, vector<16xi32>
    %mul3A_128 = arith.constant 256 : i32
    %mul3A_129 = vector.broadcast %mul3A_128 : i32 to vector<16xi32>
    %mul3A_130 = arith.muli %select_n3A_127, %mul3A_129 : vector<16xi32>
    %add3A_131 = arith.addi %mul3A_130, %get3A_92 : vector<16xi32>
    %swap3A_132 = arith.constant 32 : index
    %swap3A_133 = tpu.vector_load %arg11[%swap3A_132] {strides = array<i32>} : memref<80xi32, #tpu.memory_space<vmem>>, vector<16xi32>,
    tpu.vector_store %arg11[%swap3A_132], %add3A_131 {strides = array<i32>} : memref<80xi32, #tpu.memory_space<vmem>>, vector<16xi32>,
    %add3A_134 = arith.constant 48 : i32
    %add3A_135 = vector.broadcast %add3A_134 : i32 to vector<16xi32>
    %add3A_136 = arith.addi %add3A_135, %iota3A : vector<16xi32>
    %get3A_137 = arith.constant 48 : index
    %get3A_138 = tpu.vector_load %arg9[%get3A_137] {strides = array<i32>} : memref<800xi32, #tpu.memory_space<vmem>>, vector<16xi32>,
    %sub3A_139 = arith.constant 1 : i32
    %sub3A_140 = vector.broadcast %sub3A_139 : i32 to vector<16xi32>
    %sub3A_141 = arith.subi %add3A_136, %sub3A_140 : vector<16xi32>
    %max3A_142 = arith.constant 0 : i32
    %max3A_143 = vector.broadcast %max3A_142 : i32 to vector<16xi32>
    %max3A_144 = arith.maxsi %sub3A_141, %max3A_143 : vector<16xi32>
    %gather3A_145 = tpu.vector_load_idx %arg9[%max3A_144] : memref<800xi32, #tpu.memory_space<vmem>>[vector<16xi32>], vector<16xi32>,
    %jit3A_146 = arith.constant 200 : i32
    %eq3A_147 = arith.constant 0 : i32
    %eq3A_148 = arith.cmpi eq, %jit3A_146, %eq3A_147 : i32
    %jit3A_149 = arith.constant 1 : i32
    %select_n3A_150 = arith.select %eq3A_148, %jit3A_149, %jit3A_146 : i32
    %rem3A_151 = vector.broadcast %select_n3A_150 : i32 to vector<16xi32>
    %rem3A_152 = arith.remsi %add3A_136, %rem3A_151 : vector<16xi32>
    %ne3A_153 = arith.constant 0 : i32
    %ne3A_154 = vector.broadcast %ne3A_153 : i32 to vector<16xi32>
    %ne3A_155 = arith.cmpi ne, %rem3A_152, %ne3A_154 : vector<16xi32>
    %lt3A_156 = arith.constant 0 : i32
    %lt3A_157 = vector.broadcast %lt3A_156 : i32 to vector<16xi32>
    %lt3A_158 = arith.cmpi slt, %rem3A_152, %lt3A_157 : vector<16xi32>
    %lt3A_159 = arith.constant 0 : i32
    %lt3A_160 = arith.cmpi slt, %select_n3A_150, %lt3A_159 : i32
    %ne3A_161 = vector.broadcast %lt3A_160 : i1 to vector<16xi1>
    %ne3A_162 = vector.broadcast %ne3A_161 : vector<16xi1> to vector<16xi1>
    %ne3A_163 = arith.xori %lt3A_158, %ne3A_162 : vector<16xi1>
    %and3A_164 = arith.andi %ne3A_163, %ne3A_155 : vector<16xi1>
    %add3A_165 = vector.broadcast %select_n3A_150 : i32 to vector<16xi32>
    %add3A_166 = arith.addi %rem3A_152, %add3A_165 : vector<16xi32>
    %select_n3A_167 = arith.select %and3A_164, %add3A_166, %rem3A_152 : vector<16xi1>, vector<16xi32>
    %eq3A_168 = arith.constant 0 : i32
    %eq3A_169 = vector.broadcast %eq3A_168 : i32 to vector<16xi32>
    %eq3A_170 = arith.cmpi eq, %select_n3A_167, %eq3A_169 : vector<16xi32>
    %jit3A_171 = arith.constant 0 : i32
    %broadcast_in_dim3A_172 = vector.broadcast %jit3A_171 : i32 to vector<16xi32>
    %select_n3A_173 = arith.select %eq3A_170, %broadcast_in_dim3A_172, %gather3A_145 : vector<16xi1>, vector<16xi32>
    %mul3A_174 = arith.constant 256 : i32
    %mul3A_175 = vector.broadcast %mul3A_174 : i32 to vector<16xi32>
    %mul3A_176 = arith.muli %select_n3A_173, %mul3A_175 : vector<16xi32>
    %add3A_177 = arith.addi %mul3A_176, %get3A_138 : vector<16xi32>
    %swap3A_178 = arith.constant 48 : index
    %swap3A_179 = tpu.vector_load %arg11[%swap3A_178] {strides = array<i32>} : memref<80xi32, #tpu.memory_space<vmem>>, vector<16xi32>,
    tpu.vector_store %arg11[%swap3A_178], %add3A_177 {strides = array<i32>} : memref<80xi32, #tpu.memory_space<vmem>>, vector<16xi32>,
    %add3A_180 = arith.constant 64 : i32
    %add3A_181 = vector.broadcast %add3A_180 : i32 to vector<16xi32>
    %add3A_182 = arith.addi %add3A_181, %iota3A : vector<16xi32>
    %get3A_183 = arith.constant 64 : index
    %get3A_184 = tpu.vector_load %arg9[%get3A_183] {strides = array<i32>} : memref<800xi32, #tpu.memory_space<vmem>>, vector<16xi32>,
    %sub3A_185 = arith.constant 1 : i32
    %sub3A_186 = vector.broadcast %sub3A_185 : i32 to vector<16xi32>
    %sub3A_187 = arith.subi %add3A_182, %sub3A_186 : vector<16xi32>
    %max3A_188 = arith.constant 0 : i32
    %max3A_189 = vector.broadcast %max3A_188 : i32 to vector<16xi32>
    %max3A_190 = arith.maxsi %sub3A_187, %max3A_189 : vector<16xi32>
    %gather3A_191 = tpu.vector_load_idx %arg9[%max3A_190] : memref<800xi32, #tpu.memory_space<vmem>>[vector<16xi32>], vector<16xi32>,
    %jit3A_192 = arith.constant 200 : i32
    %eq3A_193 = arith.constant 0 : i32
    %eq3A_194 = arith.cmpi eq, %jit3A_192, %eq3A_193 : i32
    %jit3A_195 = arith.constant 1 : i32
    %select_n3A_196 = arith.select %eq3A_194, %jit3A_195, %jit3A_192 : i32
    %rem3A_197 = vector.broadcast %select_n3A_196 : i32 to vector<16xi32>
    %rem3A_198 = arith.remsi %add3A_182, %rem3A_197 : vector<16xi32>
    %ne3A_199 = arith.constant 0 : i32
    %ne3A_200 = vector.broadcast %ne3A_199 : i32 to vector<16xi32>
    %ne3A_201 = arith.cmpi ne, %rem3A_198, %ne3A_200 : vector<16xi32>
    %lt3A_202 = arith.constant 0 : i32
    %lt3A_203 = vector.broadcast %lt3A_202 : i32 to vector<16xi32>
    %lt3A_204 = arith.cmpi slt, %rem3A_198, %lt3A_203 : vector<16xi32>
    %lt3A_205 = arith.constant 0 : i32
    %lt3A_206 = arith.cmpi slt, %select_n3A_196, %lt3A_205 : i32
    %ne3A_207 = vector.broadcast %lt3A_206 : i1 to vector<16xi1>
    %ne3A_208 = vector.broadcast %ne3A_207 : vector<16xi1> to vector<16xi1>
    %ne3A_209 = arith.xori %lt3A_204, %ne3A_208 : vector<16xi1>
    %and3A_210 = arith.andi %ne3A_209, %ne3A_201 : vector<16xi1>
    %add3A_211 = vector.broadcast %select_n3A_196 : i32 to vector<16xi32>
    %add3A_212 = arith.addi %rem3A_198, %add3A_211 : vector<16xi32>
    %select_n3A_213 = arith.select %and3A_210, %add3A_212, %rem3A_198 : vector<16xi1>, vector<16xi32>
    %eq3A_214 = arith.constant 0 : i32
    %eq3A_215 = vector.broadcast %eq3A_214 : i32 to vector<16xi32>
    %eq3A_216 = arith.cmpi eq, %select_n3A_213, %eq3A_215 : vector<16xi32>
    %jit3A_217 = arith.constant 0 : i32
    %broadcast_in_dim3A_218 = vector.broadcast %jit3A_217 : i32 to vector<16xi32>
    %select_n3A_219 = arith.select %eq3A_216, %broadcast_in_dim3A_218, %gather3A_191 : vector<16xi1>, vector<16xi32>
    %mul3A_220 = arith.constant 256 : i32
    %mul3A_221 = vector.broadcast %mul3A_220 : i32 to vector<16xi32>
    %mul3A_222 = arith.muli %select_n3A_219, %mul3A_221 : vector<16xi32>
    %add3A_223 = arith.addi %mul3A_222, %get3A_184 : vector<16xi32>
    %swap3A_224 = arith.constant 64 : index
    %swap3A_225 = tpu.vector_load %arg11[%swap3A_224] {strides = array<i32>} : memref<80xi32, #tpu.memory_space<vmem>>, vector<16xi32>,
    tpu.vector_store %arg11[%swap3A_224], %add3A_223 {strides = array<i32>} : memref<80xi32, #tpu.memory_space<vmem>>, vector<16xi32>,
    %dma_start3A = arith.constant 0 : i32
    %dma_start3A_226 = arith.constant 0 : i32
    %dma_start3A_227 = tpu.memref_slice %arg3[%dma_start3A, %dma_start3A_226] : memref<65536x256xf32, #tpu.memory_space<hbm>> -> memref<65536x256xf32, #tpu.memory_space<hbm>>
    tpu.enqueue_indirect_dma source(%dma_start3A_227 : memref<65536x256xf32, #tpu.memory_space<hbm>>) target(%arg15 : memref<80x256xf32, #tpu.memory_space<vmem>>) offsets(%arg11 : memref<80xi32, #tpu.memory_space<vmem>>) semaphore(%arg24 : memref<!tpu.dma_semaphore, #tpu.memory_space<semaphore_mem>>)
    %add3A_228 = arith.constant 0 : i32
    %add3A_229 = arith.addi %mul3A_2, %add3A_228 : i32
    %dma_start3A_230 = arith.constant 0 : i32
    %dma_start3A_231 = tpu.memref_slice %arg2[%add3A_229, %dma_start3A_230] : memref<25600x256xf32, #tpu.memory_space<hbm>> -> memref<80x256xf32, #tpu.memory_space<hbm>>
    %dma_start3A_232 = arith.constant 0 : i32
    %dma_start3A_233 = tpu.memref_slice %arg2[%add3A_229, %dma_start3A_232] : memref<25600x256xf32, #tpu.memory_space<hbm>> -> memref<80x256xf32, #tpu.memory_space<hbm>>
    tpu.enqueue_dma source(%dma_start3A_233 : memref<80x256xf32, #tpu.memory_space<hbm>>) target(%arg13 : memref<80x256xf32, #tpu.memory_space<vmem>>) target_semaphore(%arg22 : memref<!tpu.dma_semaphore, #tpu.memory_space<semaphore_mem>>)
    %scan3A = arith.constant 0 : i32
    %scan3A_234 = arith.constant 0 : i32
    %scan3A_235 = arith.constant 5 : i32
    %scan3A_236 = arith.addi %scan3A_234, %scan3A_235 : i32
    %scan3A_237 = arith.constant 1 : i32
    %scan3A_238 = scf.for %scan3A_240 = %scan3A_234 to %scan3A_236 step %scan3A_237 iter_args(%scan3A_241 = %scan3A) -> (i32)  : i32 {
      %mul3A_242 = arith.constant 2 : i32
      %mul3A_243 = arith.muli %mul3A_242, %scan3A_240 : i32
      %add3A_244 = arith.constant 1 : i32
      %add3A_245 = arith.addi %mul3A_243, %add3A_244 : i32
      %lt3A_246 = arith.constant 10 : i32
      %lt3A_247 = arith.cmpi slt, %add3A_245, %lt3A_246 : i32
      %convert_element_type3A = arith.extui %lt3A_247 : i1 to i32
      %cond3A = arith.constant 0 : i32
      %cond3A_248 = arith.cmpi ne, %convert_element_type3A, %cond3A : i32
      scf.if %cond3A_248 {
        %add3A_1203 = arith.constant 1 : i32
        %add3A_1204 = arith.addi %mul3A_243, %add3A_1203 : i32
        %mul3A_1205 = arith.constant 80 : i32
        %mul3A_1206 = arith.muli %add3A_1204, %mul3A_1205 : i32
        %add3A_1207 = arith.constant 0 : i32
        %add3A_1208 = arith.addi %mul3A_1206, %add3A_1207 : i32
        %add3A_1209 = vector.broadcast %add3A_1208 : i32 to vector<16xi32>
        %add3A_1210 = arith.addi %add3A_1209, %iota3A : vector<16xi32>
        %add3A_1211 = arith.constant 0 : i32
        %add3A_1212 = arith.addi %mul3A_1206, %add3A_1211 : i32
        %get3A_1213 = arith.index_cast %add3A_1212 : i32 to index
        %get3A_1214 = tpu.vector_load %arg9[%get3A_1213] {strides = array<i32>} : memref<800xi32, #tpu.memory_space<vmem>>, vector<16xi32>,
        %sub3A_1215 = arith.constant 1 : i32
        %sub3A_1216 = vector.broadcast %sub3A_1215 : i32 to vector<16xi32>
        %sub3A_1217 = arith.subi %add3A_1210, %sub3A_1216 : vector<16xi32>
        %max3A_1218 = arith.constant 0 : i32
        %max3A_1219 = vector.broadcast %max3A_1218 : i32 to vector<16xi32>
        %max3A_1220 = arith.maxsi %sub3A_1217, %max3A_1219 : vector<16xi32>
        %gather3A_1221 = tpu.vector_load_idx %arg9[%max3A_1220] : memref<800xi32, #tpu.memory_space<vmem>>[vector<16xi32>], vector<16xi32>,
        %jit3A_1222 = arith.constant 200 : i32
        %eq3A_1223 = arith.constant 0 : i32
        %eq3A_1224 = arith.cmpi eq, %jit3A_1222, %eq3A_1223 : i32
        %jit3A_1225 = arith.constant 1 : i32
        %select_n3A_1226 = arith.select %eq3A_1224, %jit3A_1225, %jit3A_1222 : i32
        %rem3A_1227 = vector.broadcast %select_n3A_1226 : i32 to vector<16xi32>
        %rem3A_1228 = arith.remsi %add3A_1210, %rem3A_1227 : vector<16xi32>
        %ne3A_1229 = arith.constant 0 : i32
        %ne3A_1230 = vector.broadcast %ne3A_1229 : i32 to vector<16xi32>
        %ne3A_1231 = arith.cmpi ne, %rem3A_1228, %ne3A_1230 : vector<16xi32>
        %lt3A_1232 = arith.constant 0 : i32
        %lt3A_1233 = vector.broadcast %lt3A_1232 : i32 to vector<16xi32>
        %lt3A_1234 = arith.cmpi slt, %rem3A_1228, %lt3A_1233 : vector<16xi32>
        %lt3A_1235 = arith.constant 0 : i32
        %lt3A_1236 = arith.cmpi slt, %select_n3A_1226, %lt3A_1235 : i32
        %ne3A_1237 = vector.broadcast %lt3A_1236 : i1 to vector<16xi1>
        %ne3A_1238 = vector.broadcast %ne3A_1237 : vector<16xi1> to vector<16xi1>
        %ne3A_1239 = arith.xori %lt3A_1234, %ne3A_1238 : vector<16xi1>
        %and3A_1240 = arith.andi %ne3A_1239, %ne3A_1231 : vector<16xi1>
        %add3A_1241 = vector.broadcast %select_n3A_1226 : i32 to vector<16xi32>
        %add3A_1242 = arith.addi %rem3A_1228, %add3A_1241 : vector<16xi32>
        %select_n3A_1243 = arith.select %and3A_1240, %add3A_1242, %rem3A_1228 : vector<16xi1>, vector<16xi32>
        %eq3A_1244 = arith.constant 0 : i32
        %eq3A_1245 = vector.broadcast %eq3A_1244 : i32 to vector<16xi32>
        %eq3A_1246 = arith.cmpi eq, %select_n3A_1243, %eq3A_1245 : vector<16xi32>
        %jit3A_1247 = arith.constant 0 : i32
        %broadcast_in_dim3A_1248 = vector.broadcast %jit3A_1247 : i32 to vector<16xi32>
        %select_n3A_1249 = arith.select %eq3A_1246, %broadcast_in_dim3A_1248, %gather3A_1221 : vector<16xi1>, vector<16xi32>
        %mul3A_1250 = arith.constant 256 : i32
        %mul3A_1251 = vector.broadcast %mul3A_1250 : i32 to vector<16xi32>
        %mul3A_1252 = arith.muli %select_n3A_1249, %mul3A_1251 : vector<16xi32>
        %add3A_1253 = arith.addi %mul3A_1252, %get3A_1214 : vector<16xi32>
        %swap3A_1254 = arith.constant 0 : index
        %swap3A_1255 = tpu.vector_load %arg12[%swap3A_1254] {strides = array<i32>} : memref<80xi32, #tpu.memory_space<vmem>>, vector<16xi32>,
        tpu.vector_store %arg12[%swap3A_1254], %add3A_1253 {strides = array<i32>} : memref<80xi32, #tpu.memory_space<vmem>>, vector<16xi32>,
        %add3A_1256 = arith.constant 16 : i32
        %add3A_1257 = arith.addi %mul3A_1206, %add3A_1256 : i32
        %add3A_1258 = vector.broadcast %add3A_1257 : i32 to vector<16xi32>
        %add3A_1259 = arith.addi %add3A_1258, %iota3A : vector<16xi32>
        %add3A_1260 = arith.constant 16 : i32
        %add3A_1261 = arith.addi %mul3A_1206, %add3A_1260 : i32
        %get3A_1262 = arith.index_cast %add3A_1261 : i32 to index
        %get3A_1263 = tpu.vector_load %arg9[%get3A_1262] {strides = array<i32>} : memref<800xi32, #tpu.memory_space<vmem>>, vector<16xi32>,
        %sub3A_1264 = arith.constant 1 : i32
        %sub3A_1265 = vector.broadcast %sub3A_1264 : i32 to vector<16xi32>
        %sub3A_1266 = arith.subi %add3A_1259, %sub3A_1265 : vector<16xi32>
        %max3A_1267 = arith.constant 0 : i32
        %max3A_1268 = vector.broadcast %max3A_1267 : i32 to vector<16xi32>
        %max3A_1269 = arith.maxsi %sub3A_1266, %max3A_1268 : vector<16xi32>
        %gather3A_1270 = tpu.vector_load_idx %arg9[%max3A_1269] : memref<800xi32, #tpu.memory_space<vmem>>[vector<16xi32>], vector<16xi32>,
        %jit3A_1271 = arith.constant 200 : i32
        %eq3A_1272 = arith.constant 0 : i32
        %eq3A_1273 = arith.cmpi eq, %jit3A_1271, %eq3A_1272 : i32
        %jit3A_1274 = arith.constant 1 : i32
        %select_n3A_1275 = arith.select %eq3A_1273, %jit3A_1274, %jit3A_1271 : i32
        %rem3A_1276 = vector.broadcast %select_n3A_1275 : i32 to vector<16xi32>
        %rem3A_1277 = arith.remsi %add3A_1259, %rem3A_1276 : vector<16xi32>
        %ne3A_1278 = arith.constant 0 : i32
        %ne3A_1279 = vector.broadcast %ne3A_1278 : i32 to vector<16xi32>
        %ne3A_1280 = arith.cmpi ne, %rem3A_1277, %ne3A_1279 : vector<16xi32>
        %lt3A_1281 = arith.constant 0 : i32
        %lt3A_1282 = vector.broadcast %lt3A_1281 : i32 to vector<16xi32>
        %lt3A_1283 = arith.cmpi slt, %rem3A_1277, %lt3A_1282 : vector<16xi32>
        %lt3A_1284 = arith.constant 0 : i32
        %lt3A_1285 = arith.cmpi slt, %select_n3A_1275, %lt3A_1284 : i32
        %ne3A_1286 = vector.broadcast %lt3A_1285 : i1 to vector<16xi1>
        %ne3A_1287 = vector.broadcast %ne3A_1286 : vector<16xi1> to vector<16xi1>
        %ne3A_1288 = arith.xori %lt3A_1283, %ne3A_1287 : vector<16xi1>
        %and3A_1289 = arith.andi %ne3A_1288, %ne3A_1280 : vector<16xi1>
        %add3A_1290 = vector.broadcast %select_n3A_1275 : i32 to vector<16xi32>
        %add3A_1291 = arith.addi %rem3A_1277, %add3A_1290 : vector<16xi32>
        %select_n3A_1292 = arith.select %and3A_1289, %add3A_1291, %rem3A_1277 : vector<16xi1>, vector<16xi32>
        %eq3A_1293 = arith.constant 0 : i32
        %eq3A_1294 = vector.broadcast %eq3A_1293 : i32 to vector<16xi32>
        %eq3A_1295 = arith.cmpi eq, %select_n3A_1292, %eq3A_1294 : vector<16xi32>
        %jit3A_1296 = arith.constant 0 : i32
        %broadcast_in_dim3A_1297 = vector.broadcast %jit3A_1296 : i32 to vector<16xi32>
        %select_n3A_1298 = arith.select %eq3A_1295, %broadcast_in_dim3A_1297, %gather3A_1270 : vector<16xi1>, vector<16xi32>
        %mul3A_1299 = arith.constant 256 : i32
        %mul3A_1300 = vector.broadcast %mul3A_1299 : i32 to vector<16xi32>
        %mul3A_1301 = arith.muli %select_n3A_1298, %mul3A_1300 : vector<16xi32>
        %add3A_1302 = arith.addi %mul3A_1301, %get3A_1263 : vector<16xi32>
        %swap3A_1303 = arith.constant 16 : index
        %swap3A_1304 = tpu.vector_load %arg12[%swap3A_1303] {strides = array<i32>} : memref<80xi32, #tpu.memory_space<vmem>>, vector<16xi32>,
        tpu.vector_store %arg12[%swap3A_1303], %add3A_1302 {strides = array<i32>} : memref<80xi32, #tpu.memory_space<vmem>>, vector<16xi32>,
        %add3A_1305 = arith.constant 32 : i32
        %add3A_1306 = arith.addi %mul3A_1206, %add3A_1305 : i32
        %add3A_1307 = vector.broadcast %add3A_1306 : i32 to vector<16xi32>
        %add3A_1308 = arith.addi %add3A_1307, %iota3A : vector<16xi32>
        %add3A_1309 = arith.constant 32 : i32
        %add3A_1310 = arith.addi %mul3A_1206, %add3A_1309 : i32
        %get3A_1311 = arith.index_cast %add3A_1310 : i32 to index
        %get3A_1312 = tpu.vector_load %arg9[%get3A_1311] {strides = array<i32>} : memref<800xi32, #tpu.memory_space<vmem>>, vector<16xi32>,
        %sub3A_1313 = arith.constant 1 : i32
        %sub3A_1314 = vector.broadcast %sub3A_1313 : i32 to vector<16xi32>
        %sub3A_1315 = arith.subi %add3A_1308, %sub3A_1314 : vector<16xi32>
        %max3A_1316 = arith.constant 0 : i32
        %max3A_1317 = vector.broadcast %max3A_1316 : i32 to vector<16xi32>
        %max3A_1318 = arith.maxsi %sub3A_1315, %max3A_1317 : vector<16xi32>
        %gather3A_1319 = tpu.vector_load_idx %arg9[%max3A_1318] : memref<800xi32, #tpu.memory_space<vmem>>[vector<16xi32>], vector<16xi32>,
        %jit3A_1320 = arith.constant 200 : i32
        %eq3A_1321 = arith.constant 0 : i32
        %eq3A_1322 = arith.cmpi eq, %jit3A_1320, %eq3A_1321 : i32
        %jit3A_1323 = arith.constant 1 : i32
        %select_n3A_1324 = arith.select %eq3A_1322, %jit3A_1323, %jit3A_1320 : i32
        %rem3A_1325 = vector.broadcast %select_n3A_1324 : i32 to vector<16xi32>
        %rem3A_1326 = arith.remsi %add3A_1308, %rem3A_1325 : vector<16xi32>
        %ne3A_1327 = arith.constant 0 : i32
        %ne3A_1328 = vector.broadcast %ne3A_1327 : i32 to vector<16xi32>
        %ne3A_1329 = arith.cmpi ne, %rem3A_1326, %ne3A_1328 : vector<16xi32>
        %lt3A_1330 = arith.constant 0 : i32
        %lt3A_1331 = vector.broadcast %lt3A_1330 : i32 to vector<16xi32>
        %lt3A_1332 = arith.cmpi slt, %rem3A_1326, %lt3A_1331 : vector<16xi32>
        %lt3A_1333 = arith.constant 0 : i32
        %lt3A_1334 = arith.cmpi slt, %select_n3A_1324, %lt3A_1333 : i32
        %ne3A_1335 = vector.broadcast %lt3A_1334 : i1 to vector<16xi1>
        %ne3A_1336 = vector.broadcast %ne3A_1335 : vector<16xi1> to vector<16xi1>
        %ne3A_1337 = arith.xori %lt3A_1332, %ne3A_1336 : vector<16xi1>
        %and3A_1338 = arith.andi %ne3A_1337, %ne3A_1329 : vector<16xi1>
        %add3A_1339 = vector.broadcast %select_n3A_1324 : i32 to vector<16xi32>
        %add3A_1340 = arith.addi %rem3A_1326, %add3A_1339 : vector<16xi32>
        %select_n3A_1341 = arith.select %and3A_1338, %add3A_1340, %rem3A_1326 : vector<16xi1>, vector<16xi32>
        %eq3A_1342 = arith.constant 0 : i32
        %eq3A_1343 = vector.broadcast %eq3A_1342 : i32 to vector<16xi32>
        %eq3A_1344 = arith.cmpi eq, %select_n3A_1341, %eq3A_1343 : vector<16xi32>
        %jit3A_1345 = arith.constant 0 : i32
        %broadcast_in_dim3A_1346 = vector.broadcast %jit3A_1345 : i32 to vector<16xi32>
        %select_n3A_1347 = arith.select %eq3A_1344, %broadcast_in_dim3A_1346, %gather3A_1319 : vector<16xi1>, vector<16xi32>
        %mul3A_1348 = arith.constant 256 : i32
        %mul3A_1349 = vector.broadcast %mul3A_1348 : i32 to vector<16xi32>
        %mul3A_1350 = arith.muli %select_n3A_1347, %mul3A_1349 : vector<16xi32>
        %add3A_1351 = arith.addi %mul3A_1350, %get3A_1312 : vector<16xi32>
        %swap3A_1352 = arith.constant 32 : index
        %swap3A_1353 = tpu.vector_load %arg12[%swap3A_1352] {strides = array<i32>} : memref<80xi32, #tpu.memory_space<vmem>>, vector<16xi32>,
        tpu.vector_store %arg12[%swap3A_1352], %add3A_1351 {strides = array<i32>} : memref<80xi32, #tpu.memory_space<vmem>>, vector<16xi32>,
        %add3A_1354 = arith.constant 48 : i32
        %add3A_1355 = arith.addi %mul3A_1206, %add3A_1354 : i32
        %add3A_1356 = vector.broadcast %add3A_1355 : i32 to vector<16xi32>
        %add3A_1357 = arith.addi %add3A_1356, %iota3A : vector<16xi32>
        %add3A_1358 = arith.constant 48 : i32
        %add3A_1359 = arith.addi %mul3A_1206, %add3A_1358 : i32
        %get3A_1360 = arith.index_cast %add3A_1359 : i32 to index
        %get3A_1361 = tpu.vector_load %arg9[%get3A_1360] {strides = array<i32>} : memref<800xi32, #tpu.memory_space<vmem>>, vector<16xi32>,
        %sub3A_1362 = arith.constant 1 : i32
        %sub3A_1363 = vector.broadcast %sub3A_1362 : i32 to vector<16xi32>
        %sub3A_1364 = arith.subi %add3A_1357, %sub3A_1363 : vector<16xi32>
        %max3A_1365 = arith.constant 0 : i32
        %max3A_1366 = vector.broadcast %max3A_1365 : i32 to vector<16xi32>
        %max3A_1367 = arith.maxsi %sub3A_1364, %max3A_1366 : vector<16xi32>
        %gather3A_1368 = tpu.vector_load_idx %arg9[%max3A_1367] : memref<800xi32, #tpu.memory_space<vmem>>[vector<16xi32>], vector<16xi32>,
        %jit3A_1369 = arith.constant 200 : i32
        %eq3A_1370 = arith.constant 0 : i32
        %eq3A_1371 = arith.cmpi eq, %jit3A_1369, %eq3A_1370 : i32
        %jit3A_1372 = arith.constant 1 : i32
        %select_n3A_1373 = arith.select %eq3A_1371, %jit3A_1372, %jit3A_1369 : i32
        %rem3A_1374 = vector.broadcast %select_n3A_1373 : i32 to vector<16xi32>
        %rem3A_1375 = arith.remsi %add3A_1357, %rem3A_1374 : vector<16xi32>
        %ne3A_1376 = arith.constant 0 : i32
        %ne3A_1377 = vector.broadcast %ne3A_1376 : i32 to vector<16xi32>
        %ne3A_1378 = arith.cmpi ne, %rem3A_1375, %ne3A_1377 : vector<16xi32>
        %lt3A_1379 = arith.constant 0 : i32
        %lt3A_1380 = vector.broadcast %lt3A_1379 : i32 to vector<16xi32>
        %lt3A_1381 = arith.cmpi slt, %rem3A_1375, %lt3A_1380 : vector<16xi32>
        %lt3A_1382 = arith.constant 0 : i32
        %lt3A_1383 = arith.cmpi slt, %select_n3A_1373, %lt3A_1382 : i32
        %ne3A_1384 = vector.broadcast %lt3A_1383 : i1 to vector<16xi1>
        %ne3A_1385 = vector.broadcast %ne3A_1384 : vector<16xi1> to vector<16xi1>
        %ne3A_1386 = arith.xori %lt3A_1381, %ne3A_1385 : vector<16xi1>
        %and3A_1387 = arith.andi %ne3A_1386, %ne3A_1378 : vector<16xi1>
        %add3A_1388 = vector.broadcast %select_n3A_1373 : i32 to vector<16xi32>
        %add3A_1389 = arith.addi %rem3A_1375, %add3A_1388 : vector<16xi32>
        %select_n3A_1390 = arith.select %and3A_1387, %add3A_1389, %rem3A_1375 : vector<16xi1>, vector<16xi32>
        %eq3A_1391 = arith.constant 0 : i32
        %eq3A_1392 = vector.broadcast %eq3A_1391 : i32 to vector<16xi32>
        %eq3A_1393 = arith.cmpi eq, %select_n3A_1390, %eq3A_1392 : vector<16xi32>
        %jit3A_1394 = arith.constant 0 : i32
        %broadcast_in_dim3A_1395 = vector.broadcast %jit3A_1394 : i32 to vector<16xi32>
        %select_n3A_1396 = arith.select %eq3A_1393, %broadcast_in_dim3A_1395, %gather3A_1368 : vector<16xi1>, vector<16xi32>
        %mul3A_1397 = arith.constant 256 : i32
        %mul3A_1398 = vector.broadcast %mul3A_1397 : i32 to vector<16xi32>
        %mul3A_1399 = arith.muli %select_n3A_1396, %mul3A_1398 : vector<16xi32>
        %add3A_1400 = arith.addi %mul3A_1399, %get3A_1361 : vector<16xi32>
        %swap3A_1401 = arith.constant 48 : index
        %swap3A_1402 = tpu.vector_load %arg12[%swap3A_1401] {strides = array<i32>} : memref<80xi32, #tpu.memory_space<vmem>>, vector<16xi32>,
        tpu.vector_store %arg12[%swap3A_1401], %add3A_1400 {strides = array<i32>} : memref<80xi32, #tpu.memory_space<vmem>>, vector<16xi32>,
        %add3A_1403 = arith.constant 64 : i32
        %add3A_1404 = arith.addi %mul3A_1206, %add3A_1403 : i32
        %add3A_1405 = vector.broadcast %add3A_1404 : i32 to vector<16xi32>
        %add3A_1406 = arith.addi %add3A_1405, %iota3A : vector<16xi32>
        %add3A_1407 = arith.constant 64 : i32
        %add3A_1408 = arith.addi %mul3A_1206, %add3A_1407 : i32
        %get3A_1409 = arith.index_cast %add3A_1408 : i32 to index
        %get3A_1410 = tpu.vector_load %arg9[%get3A_1409] {strides = array<i32>} : memref<800xi32, #tpu.memory_space<vmem>>, vector<16xi32>,
        %sub3A_1411 = arith.constant 1 : i32
        %sub3A_1412 = vector.broadcast %sub3A_1411 : i32 to vector<16xi32>
        %sub3A_1413 = arith.subi %add3A_1406, %sub3A_1412 : vector<16xi32>
        %max3A_1414 = arith.constant 0 : i32
        %max3A_1415 = vector.broadcast %max3A_1414 : i32 to vector<16xi32>
        %max3A_1416 = arith.maxsi %sub3A_1413, %max3A_1415 : vector<16xi32>
        %gather3A_1417 = tpu.vector_load_idx %arg9[%max3A_1416] : memref<800xi32, #tpu.memory_space<vmem>>[vector<16xi32>], vector<16xi32>,
        %jit3A_1418 = arith.constant 200 : i32
        %eq3A_1419 = arith.constant 0 : i32
        %eq3A_1420 = arith.cmpi eq, %jit3A_1418, %eq3A_1419 : i32
        %jit3A_1421 = arith.constant 1 : i32
        %select_n3A_1422 = arith.select %eq3A_1420, %jit3A_1421, %jit3A_1418 : i32
        %rem3A_1423 = vector.broadcast %select_n3A_1422 : i32 to vector<16xi32>
        %rem3A_1424 = arith.remsi %add3A_1406, %rem3A_1423 : vector<16xi32>
        %ne3A_1425 = arith.constant 0 : i32
        %ne3A_1426 = vector.broadcast %ne3A_1425 : i32 to vector<16xi32>
        %ne3A_1427 = arith.cmpi ne, %rem3A_1424, %ne3A_1426 : vector<16xi32>
        %lt3A_1428 = arith.constant 0 : i32
        %lt3A_1429 = vector.broadcast %lt3A_1428 : i32 to vector<16xi32>
        %lt3A_1430 = arith.cmpi slt, %rem3A_1424, %lt3A_1429 : vector<16xi32>
        %lt3A_1431 = arith.constant 0 : i32
        %lt3A_1432 = arith.cmpi slt, %select_n3A_1422, %lt3A_1431 : i32
        %ne3A_1433 = vector.broadcast %lt3A_1432 : i1 to vector<16xi1>
        %ne3A_1434 = vector.broadcast %ne3A_1433 : vector<16xi1> to vector<16xi1>
        %ne3A_1435 = arith.xori %lt3A_1430, %ne3A_1434 : vector<16xi1>
        %and3A_1436 = arith.andi %ne3A_1435, %ne3A_1427 : vector<16xi1>
        %add3A_1437 = vector.broadcast %select_n3A_1422 : i32 to vector<16xi32>
        %add3A_1438 = arith.addi %rem3A_1424, %add3A_1437 : vector<16xi32>
        %select_n3A_1439 = arith.select %and3A_1436, %add3A_1438, %rem3A_1424 : vector<16xi1>, vector<16xi32>
        %eq3A_1440 = arith.constant 0 : i32
        %eq3A_1441 = vector.broadcast %eq3A_1440 : i32 to vector<16xi32>
        %eq3A_1442 = arith.cmpi eq, %select_n3A_1439, %eq3A_1441 : vector<16xi32>
        %jit3A_1443 = arith.constant 0 : i32
        %broadcast_in_dim3A_1444 = vector.broadcast %jit3A_1443 : i32 to vector<16xi32>
        %select_n3A_1445 = arith.select %eq3A_1442, %broadcast_in_dim3A_1444, %gather3A_1417 : vector<16xi1>, vector<16xi32>
        %mul3A_1446 = arith.constant 256 : i32
        %mul3A_1447 = vector.broadcast %mul3A_1446 : i32 to vector<16xi32>
        %mul3A_1448 = arith.muli %select_n3A_1445, %mul3A_1447 : vector<16xi32>
        %add3A_1449 = arith.addi %mul3A_1448, %get3A_1410 : vector<16xi32>
        %swap3A_1450 = arith.constant 64 : index
        %swap3A_1451 = tpu.vector_load %arg12[%swap3A_1450] {strides = array<i32>} : memref<80xi32, #tpu.memory_space<vmem>>, vector<16xi32>,
        tpu.vector_store %arg12[%swap3A_1450], %add3A_1449 {strides = array<i32>} : memref<80xi32, #tpu.memory_space<vmem>>, vector<16xi32>,
        %dma_start3A_1452 = arith.constant 0 : i32
        %dma_start3A_1453 = arith.constant 0 : i32
        %dma_start3A_1454 = tpu.memref_slice %arg3[%dma_start3A_1452, %dma_start3A_1453] : memref<65536x256xf32, #tpu.memory_space<hbm>> -> memref<65536x256xf32, #tpu.memory_space<hbm>>
        tpu.enqueue_indirect_dma source(%dma_start3A_1454 : memref<65536x256xf32, #tpu.memory_space<hbm>>) target(%arg16 : memref<80x256xf32, #tpu.memory_space<vmem>>) offsets(%arg12 : memref<80xi32, #tpu.memory_space<vmem>>) semaphore(%arg25 : memref<!tpu.dma_semaphore, #tpu.memory_space<semaphore_mem>>)
        %mul3A_1455 = arith.constant 80 : i32
        %mul3A_1456 = arith.muli %add3A_1204, %mul3A_1455 : i32
        %add3A_1457 = arith.addi %mul3A_2, %mul3A_1456 : i32
        %dma_start3A_1458 = arith.constant 0 : i32
        %dma_start3A_1459 = tpu.memref_slice %arg2[%add3A_1457, %dma_start3A_1458] : memref<25600x256xf32, #tpu.memory_space<hbm>> -> memref<80x256xf32, #tpu.memory_space<hbm>>
        %dma_start3A_1460 = arith.constant 0 : i32
        %dma_start3A_1461 = tpu.memref_slice %arg2[%add3A_1457, %dma_start3A_1460] : memref<25600x256xf32, #tpu.memory_space<hbm>> -> memref<80x256xf32, #tpu.memory_space<hbm>>
        tpu.enqueue_dma source(%dma_start3A_1461 : memref<80x256xf32, #tpu.memory_space<hbm>>) target(%arg14 : memref<80x256xf32, #tpu.memory_space<vmem>>) target_semaphore(%arg23 : memref<!tpu.dma_semaphore, #tpu.memory_space<semaphore_mem>>)
      } else {
      }
      %dma_wait3A = arith.constant 0 : i32
      %dma_wait3A_249 = arith.constant 0 : i32
      %dma_wait3A_250 = tpu.memref_slice %arg3[%dma_wait3A, %dma_wait3A_249] : memref<65536x256xf32, #tpu.memory_space<hbm>> -> memref<65536x256xf32, #tpu.memory_space<hbm>>
      tpu.wait_indirect_dma semaphore(%arg24 : memref<!tpu.dma_semaphore, #tpu.memory_space<semaphore_mem>>) src(%dma_wait3A_250 : memref<65536x256xf32, #tpu.memory_space<hbm>>) dst(%arg15 : memref<80x256xf32, #tpu.memory_space<vmem>>)
      %dma_wait3A_251 = arith.constant 0 : i32
      %dma_wait3A_252 = arith.constant 0 : i32
      %dma_wait3A_253 = tpu.memref_slice %arg2[%dma_wait3A_251, %dma_wait3A_252] : memref<25600x256xf32, #tpu.memory_space<hbm>> -> memref<80x256xf32, #tpu.memory_space<hbm>>
      %dma_wait3A_254 = arith.constant 0 : i32
      %dma_wait3A_255 = arith.constant 0 : i32
      %dma_wait3A_256 = tpu.memref_slice %arg2[%dma_wait3A_254, %dma_wait3A_255] : memref<25600x256xf32, #tpu.memory_space<hbm>> -> memref<80x256xf32, #tpu.memory_space<hbm>>
      tpu.wait_dma2 semaphore(%arg22 : memref<!tpu.dma_semaphore, #tpu.memory_space<semaphore_mem>>) src(%dma_wait3A_256 : memref<80x256xf32, #tpu.memory_space<hbm>>) dst(%arg13 : memref<80x256xf32, #tpu.memory_space<vmem>>)
      %mul3A_257 = arith.constant 80 : i32
      %mul3A_258 = arith.muli %mul3A_243, %mul3A_257 : i32
      %scan3A_259 = arith.constant 0 : i32
      %scan3A_260 = arith.constant 0 : i32
      %scan3A_261 = arith.constant 80 : i32
      %scan3A_262 = arith.addi %scan3A_260, %scan3A_261 : i32
      %scan3A_263 = arith.constant 4 : i32
      %scan3A_264 = scf.for %scan3A_1203 = %scan3A_260 to %scan3A_262 step %scan3A_263 iter_args(%scan3A_1204 = %scan3A_259) -> (i32)  : i32 {
        %get3A_1205 = arith.index_cast %scan3A_1203 : i32 to index
        %get3A_1206 = arith.constant 0 : index
        %get3A_1207 = tpu.vector_load %arg15[%get3A_1205, %get3A_1206] {strides = array<i32>} : memref<80x256xf32, #tpu.memory_space<vmem>>, vector<16xf32>,
        %get3A_1208 = arith.index_cast %scan3A_1203 : i32 to index
        %get3A_1209 = arith.constant 0 : index
        %get3A_1210 = tpu.vector_load %arg13[%get3A_1208, %get3A_1209] {strides = array<i32>} : memref<80x256xf32, #tpu.memory_space<vmem>>, vector<16xf32>,
        %mul3A_1211 = arith.mulf %get3A_1207, %get3A_1210 : vector<16xf32>
        %get3A_1212 = arith.index_cast %scan3A_1203 : i32 to index
        %get3A_1213 = arith.constant 16 : index
        %get3A_1214 = tpu.vector_load %arg15[%get3A_1212, %get3A_1213] {strides = array<i32>} : memref<80x256xf32, #tpu.memory_space<vmem>>, vector<16xf32>,
        %get3A_1215 = arith.index_cast %scan3A_1203 : i32 to index
        %get3A_1216 = arith.constant 16 : index
        %get3A_1217 = tpu.vector_load %arg13[%get3A_1215, %get3A_1216] {strides = array<i32>} : memref<80x256xf32, #tpu.memory_space<vmem>>, vector<16xf32>,
        %mul3A_1218 = arith.mulf %get3A_1214, %get3A_1217 : vector<16xf32>
        %add3A_1219 = arith.addf %mul3A_1211, %mul3A_1218 : vector<16xf32>
        %add3A_1220 = arith.addf %get3A_1207, %get3A_1214 : vector<16xf32>
        %get3A_1221 = arith.index_cast %scan3A_1203 : i32 to index
        %get3A_1222 = arith.constant 32 : index
        %get3A_1223 = tpu.vector_load %arg15[%get3A_1221, %get3A_1222] {strides = array<i32>} : memref<80x256xf32, #tpu.memory_space<vmem>>, vector<16xf32>,
        %get3A_1224 = arith.index_cast %scan3A_1203 : i32 to index
        %get3A_1225 = arith.constant 32 : index
        %get3A_1226 = tpu.vector_load %arg13[%get3A_1224, %get3A_1225] {strides = array<i32>} : memref<80x256xf32, #tpu.memory_space<vmem>>, vector<16xf32>,
        %mul3A_1227 = arith.mulf %get3A_1223, %get3A_1226 : vector<16xf32>
        %add3A_1228 = arith.addf %add3A_1219, %mul3A_1227 : vector<16xf32>
        %add3A_1229 = arith.addf %add3A_1220, %get3A_1223 : vector<16xf32>
        %get3A_1230 = arith.index_cast %scan3A_1203 : i32 to index
        %get3A_1231 = arith.constant 48 : index
        %get3A_1232 = tpu.vector_load %arg15[%get3A_1230, %get3A_1231] {strides = array<i32>} : memref<80x256xf32, #tpu.memory_space<vmem>>, vector<16xf32>,
        %get3A_1233 = arith.index_cast %scan3A_1203 : i32 to index
        %get3A_1234 = arith.constant 48 : index
        %get3A_1235 = tpu.vector_load %arg13[%get3A_1233, %get3A_1234] {strides = array<i32>} : memref<80x256xf32, #tpu.memory_space<vmem>>, vector<16xf32>,
        %mul3A_1236 = arith.mulf %get3A_1232, %get3A_1235 : vector<16xf32>
        %add3A_1237 = arith.addf %add3A_1228, %mul3A_1236 : vector<16xf32>
        %add3A_1238 = arith.addf %add3A_1229, %get3A_1232 : vector<16xf32>
        %get3A_1239 = arith.index_cast %scan3A_1203 : i32 to index
        %get3A_1240 = arith.constant 64 : index
        %get3A_1241 = tpu.vector_load %arg15[%get3A_1239, %get3A_1240] {strides = array<i32>} : memref<80x256xf32, #tpu.memory_space<vmem>>, vector<16xf32>,
        %get3A_1242 = arith.index_cast %scan3A_1203 : i32 to index
        %get3A_1243 = arith.constant 64 : index
        %get3A_1244 = tpu.vector_load %arg13[%get3A_1242, %get3A_1243] {strides = array<i32>} : memref<80x256xf32, #tpu.memory_space<vmem>>, vector<16xf32>,
        %mul3A_1245 = arith.mulf %get3A_1241, %get3A_1244 : vector<16xf32>
        %add3A_1246 = arith.addf %add3A_1237, %mul3A_1245 : vector<16xf32>
        %add3A_1247 = arith.addf %add3A_1238, %get3A_1241 : vector<16xf32>
        %get3A_1248 = arith.index_cast %scan3A_1203 : i32 to index
        %get3A_1249 = arith.constant 80 : index
        %get3A_1250 = tpu.vector_load %arg15[%get3A_1248, %get3A_1249] {strides = array<i32>} : memref<80x256xf32, #tpu.memory_space<vmem>>, vector<16xf32>,
        %get3A_1251 = arith.index_cast %scan3A_1203 : i32 to index
        %get3A_1252 = arith.constant 80 : index
        %get3A_1253 = tpu.vector_load %arg13[%get3A_1251, %get3A_1252] {strides = array<i32>} : memref<80x256xf32, #tpu.memory_space<vmem>>, vector<16xf32>,
        %mul3A_1254 = arith.mulf %get3A_1250, %get3A_1253 : vector<16xf32>
        %add3A_1255 = arith.addf %add3A_1246, %mul3A_1254 : vector<16xf32>
        %add3A_1256 = arith.addf %add3A_1247, %get3A_1250 : vector<16xf32>
        %get3A_1257 = arith.index_cast %scan3A_1203 : i32 to index
        %get3A_1258 = arith.constant 96 : index
        %get3A_1259 = tpu.vector_load %arg15[%get3A_1257, %get3A_1258] {strides = array<i32>} : memref<80x256xf32, #tpu.memory_space<vmem>>, vector<16xf32>,
        %get3A_1260 = arith.index_cast %scan3A_1203 : i32 to index
        %get3A_1261 = arith.constant 96 : index
        %get3A_1262 = tpu.vector_load %arg13[%get3A_1260, %get3A_1261] {strides = array<i32>} : memref<80x256xf32, #tpu.memory_space<vmem>>, vector<16xf32>,
        %mul3A_1263 = arith.mulf %get3A_1259, %get3A_1262 : vector<16xf32>
        %add3A_1264 = arith.addf %add3A_1255, %mul3A_1263 : vector<16xf32>
        %add3A_1265 = arith.addf %add3A_1256, %get3A_1259 : vector<16xf32>
        %get3A_1266 = arith.index_cast %scan3A_1203 : i32 to index
        %get3A_1267 = arith.constant 112 : index
        %get3A_1268 = tpu.vector_load %arg15[%get3A_1266, %get3A_1267] {strides = array<i32>} : memref<80x256xf32, #tpu.memory_space<vmem>>, vector<16xf32>,
        %get3A_1269 = arith.index_cast %scan3A_1203 : i32 to index
        %get3A_1270 = arith.constant 112 : index
        %get3A_1271 = tpu.vector_load %arg13[%get3A_1269, %get3A_1270] {strides = array<i32>} : memref<80x256xf32, #tpu.memory_space<vmem>>, vector<16xf32>,
        %mul3A_1272 = arith.mulf %get3A_1268, %get3A_1271 : vector<16xf32>
        %add3A_1273 = arith.addf %add3A_1264, %mul3A_1272 : vector<16xf32>
        %add3A_1274 = arith.addf %add3A_1265, %get3A_1268 : vector<16xf32>
        %get3A_1275 = arith.index_cast %scan3A_1203 : i32 to index
        %get3A_1276 = arith.constant 128 : index
        %get3A_1277 = tpu.vector_load %arg15[%get3A_1275, %get3A_1276] {strides = array<i32>} : memref<80x256xf32, #tpu.memory_space<vmem>>, vector<16xf32>,
        %get3A_1278 = arith.index_cast %scan3A_1203 : i32 to index
        %get3A_1279 = arith.constant 128 : index
        %get3A_1280 = tpu.vector_load %arg13[%get3A_1278, %get3A_1279] {strides = array<i32>} : memref<80x256xf32, #tpu.memory_space<vmem>>, vector<16xf32>,
        %mul3A_1281 = arith.mulf %get3A_1277, %get3A_1280 : vector<16xf32>
        %add3A_1282 = arith.addf %add3A_1273, %mul3A_1281 : vector<16xf32>
        %add3A_1283 = arith.addf %add3A_1274, %get3A_1277 : vector<16xf32>
        %get3A_1284 = arith.index_cast %scan3A_1203 : i32 to index
        %get3A_1285 = arith.constant 144 : index
        %get3A_1286 = tpu.vector_load %arg15[%get3A_1284, %get3A_1285] {strides = array<i32>} : memref<80x256xf32, #tpu.memory_space<vmem>>, vector<16xf32>,
        %get3A_1287 = arith.index_cast %scan3A_1203 : i32 to index
        %get3A_1288 = arith.constant 144 : index
        %get3A_1289 = tpu.vector_load %arg13[%get3A_1287, %get3A_1288] {strides = array<i32>} : memref<80x256xf32, #tpu.memory_space<vmem>>, vector<16xf32>,
        %mul3A_1290 = arith.mulf %get3A_1286, %get3A_1289 : vector<16xf32>
        %add3A_1291 = arith.addf %add3A_1282, %mul3A_1290 : vector<16xf32>
        %add3A_1292 = arith.addf %add3A_1283, %get3A_1286 : vector<16xf32>
        %get3A_1293 = arith.index_cast %scan3A_1203 : i32 to index
        %get3A_1294 = arith.constant 160 : index
        %get3A_1295 = tpu.vector_load %arg15[%get3A_1293, %get3A_1294] {strides = array<i32>} : memref<80x256xf32, #tpu.memory_space<vmem>>, vector<16xf32>,
        %get3A_1296 = arith.index_cast %scan3A_1203 : i32 to index
        %get3A_1297 = arith.constant 160 : index
        %get3A_1298 = tpu.vector_load %arg13[%get3A_1296, %get3A_1297] {strides = array<i32>} : memref<80x256xf32, #tpu.memory_space<vmem>>, vector<16xf32>,
        %mul3A_1299 = arith.mulf %get3A_1295, %get3A_1298 : vector<16xf32>
        %add3A_1300 = arith.addf %add3A_1291, %mul3A_1299 : vector<16xf32>
        %add3A_1301 = arith.addf %add3A_1292, %get3A_1295 : vector<16xf32>
        %get3A_1302 = arith.index_cast %scan3A_1203 : i32 to index
        %get3A_1303 = arith.constant 176 : index
        %get3A_1304 = tpu.vector_load %arg15[%get3A_1302, %get3A_1303] {strides = array<i32>} : memref<80x256xf32, #tpu.memory_space<vmem>>, vector<16xf32>,
        %get3A_1305 = arith.index_cast %scan3A_1203 : i32 to index
        %get3A_1306 = arith.constant 176 : index
        %get3A_1307 = tpu.vector_load %arg13[%get3A_1305, %get3A_1306] {strides = array<i32>} : memref<80x256xf32, #tpu.memory_space<vmem>>, vector<16xf32>,
        %mul3A_1308 = arith.mulf %get3A_1304, %get3A_1307 : vector<16xf32>
        %add3A_1309 = arith.addf %add3A_1300, %mul3A_1308 : vector<16xf32>
        %add3A_1310 = arith.addf %add3A_1301, %get3A_1304 : vector<16xf32>
        %get3A_1311 = arith.index_cast %scan3A_1203 : i32 to index
        %get3A_1312 = arith.constant 192 : index
        %get3A_1313 = tpu.vector_load %arg15[%get3A_1311, %get3A_1312] {strides = array<i32>} : memref<80x256xf32, #tpu.memory_space<vmem>>, vector<16xf32>,
        %get3A_1314 = arith.index_cast %scan3A_1203 : i32 to index
        %get3A_1315 = arith.constant 192 : index
        %get3A_1316 = tpu.vector_load %arg13[%get3A_1314, %get3A_1315] {strides = array<i32>} : memref<80x256xf32, #tpu.memory_space<vmem>>, vector<16xf32>,
        %mul3A_1317 = arith.mulf %get3A_1313, %get3A_1316 : vector<16xf32>
        %add3A_1318 = arith.addf %add3A_1309, %mul3A_1317 : vector<16xf32>
        %add3A_1319 = arith.addf %add3A_1310, %get3A_1313 : vector<16xf32>
        %get3A_1320 = arith.index_cast %scan3A_1203 : i32 to index
        %get3A_1321 = arith.constant 208 : index
        %get3A_1322 = tpu.vector_load %arg15[%get3A_1320, %get3A_1321] {strides = array<i32>} : memref<80x256xf32, #tpu.memory_space<vmem>>, vector<16xf32>,
        %get3A_1323 = arith.index_cast %scan3A_1203 : i32 to index
        %get3A_1324 = arith.constant 208 : index
        %get3A_1325 = tpu.vector_load %arg13[%get3A_1323, %get3A_1324] {strides = array<i32>} : memref<80x256xf32, #tpu.memory_space<vmem>>, vector<16xf32>,
        %mul3A_1326 = arith.mulf %get3A_1322, %get3A_1325 : vector<16xf32>
        %add3A_1327 = arith.addf %add3A_1318, %mul3A_1326 : vector<16xf32>
        %add3A_1328 = arith.addf %add3A_1319, %get3A_1322 : vector<16xf32>
        %get3A_1329 = arith.index_cast %scan3A_1203 : i32 to index
        %get3A_1330 = arith.constant 224 : index
        %get3A_1331 = tpu.vector_load %arg15[%get3A_1329, %get3A_1330] {strides = array<i32>} : memref<80x256xf32, #tpu.memory_space<vmem>>, vector<16xf32>,
        %get3A_1332 = arith.index_cast %scan3A_1203 : i32 to index
        %get3A_1333 = arith.constant 224 : index
        %get3A_1334 = tpu.vector_load %arg13[%get3A_1332, %get3A_1333] {strides = array<i32>} : memref<80x256xf32, #tpu.memory_space<vmem>>, vector<16xf32>,
        %mul3A_1335 = arith.mulf %get3A_1331, %get3A_1334 : vector<16xf32>
        %add3A_1336 = arith.addf %add3A_1327, %mul3A_1335 : vector<16xf32>
        %add3A_1337 = arith.addf %add3A_1328, %get3A_1331 : vector<16xf32>
        %get3A_1338 = arith.index_cast %scan3A_1203 : i32 to index
        %get3A_1339 = arith.constant 240 : index
        %get3A_1340 = tpu.vector_load %arg15[%get3A_1338, %get3A_1339] {strides = array<i32>} : memref<80x256xf32, #tpu.memory_space<vmem>>, vector<16xf32>,
        %get3A_1341 = arith.index_cast %scan3A_1203 : i32 to index
        %get3A_1342 = arith.constant 240 : index
        %get3A_1343 = tpu.vector_load %arg13[%get3A_1341, %get3A_1342] {strides = array<i32>} : memref<80x256xf32, #tpu.memory_space<vmem>>, vector<16xf32>,
        %mul3A_1344 = arith.mulf %get3A_1340, %get3A_1343 : vector<16xf32>
        %add3A_1345 = arith.addf %add3A_1336, %mul3A_1344 : vector<16xf32>
        %add3A_1346 = arith.addf %add3A_1337, %get3A_1340 : vector<16xf32>
        %reduce_sum3A = arith.constant true
        %reduce_sum3A_1347 = vector.broadcast %reduce_sum3A : i1 to vector<16xi1>
        %reduce_sum3A_1348 = tpu.scan <sum>, %add3A_1345 masked %reduce_sum3A_1347 : vector<16xf32>, vector<16xi1> -> vector<16xf32>
        %reduce_sum3A_1349 = vector.extract %reduce_sum3A_1348[15] : f32 from vector<16xf32>
        %broadcast_in_dim3A_1350 = vector.broadcast %reduce_sum3A_1349 : f32 to vector<16xf32>
        %swap3A_1351 = arith.index_cast %scan3A_1203 : i32 to index
        %swap3A_1352 = arith.constant 0 : index
        %swap3A_1353 = tpu.vector_load %arg17[%swap3A_1351, %swap3A_1352] {strides = array<i32>} : memref<80x16xf32, #tpu.memory_space<vmem>>, vector<16xf32>,
        tpu.vector_store %arg17[%swap3A_1351, %swap3A_1352], %broadcast_in_dim3A_1350 {strides = array<i32>} : memref<80x16xf32, #tpu.memory_space<vmem>>, vector<16xf32>,
        %reduce_sum3A_1354 = arith.constant true
        %reduce_sum3A_1355 = vector.broadcast %reduce_sum3A_1354 : i1 to vector<16xi1>
        %reduce_sum3A_1356 = tpu.scan <sum>, %add3A_1346 masked %reduce_sum3A_1355 : vector<16xf32>, vector<16xi1> -> vector<16xf32>
        %reduce_sum3A_1357 = vector.extract %reduce_sum3A_1356[15] : f32 from vector<16xf32>
        %broadcast_in_dim3A_1358 = vector.broadcast %reduce_sum3A_1357 : f32 to vector<16xf32>
        %swap3A_1359 = arith.index_cast %scan3A_1203 : i32 to index
        %swap3A_1360 = arith.constant 0 : index
        %swap3A_1361 = tpu.vector_load %arg18[%swap3A_1359, %swap3A_1360] {strides = array<i32>} : memref<80x16xf32, #tpu.memory_space<vmem>>, vector<16xf32>,
        tpu.vector_store %arg18[%swap3A_1359, %swap3A_1360], %broadcast_in_dim3A_1358 {strides = array<i32>} : memref<80x16xf32, #tpu.memory_space<vmem>>, vector<16xf32>,
        %scan3A_1362 = arith.constant 0 : i32
        %scan3A_1363 = arith.constant 1 : i32
        %scan3A_1364 = arith.addi %scan3A_1203, %scan3A_1363 : i32
        %get3A_1365 = arith.index_cast %scan3A_1364 : i32 to index
        %get3A_1366 = arith.constant 0 : index
        %get3A_1367 = tpu.vector_load %arg15[%get3A_1365, %get3A_1366] {strides = array<i32>} : memref<80x256xf32, #tpu.memory_space<vmem>>, vector<16xf32>,
        %get3A_1368 = arith.index_cast %scan3A_1364 : i32 to index
        %get3A_1369 = arith.constant 0 : index
        %get3A_1370 = tpu.vector_load %arg13[%get3A_1368, %get3A_1369] {strides = array<i32>} : memref<80x256xf32, #tpu.memory_space<vmem>>, vector<16xf32>,
        %mul3A_1371 = arith.mulf %get3A_1367, %get3A_1370 : vector<16xf32>
        %get3A_1372 = arith.index_cast %scan3A_1364 : i32 to index
        %get3A_1373 = arith.constant 16 : index
        %get3A_1374 = tpu.vector_load %arg15[%get3A_1372, %get3A_1373] {strides = array<i32>} : memref<80x256xf32, #tpu.memory_space<vmem>>, vector<16xf32>,
        %get3A_1375 = arith.index_cast %scan3A_1364 : i32 to index
        %get3A_1376 = arith.constant 16 : index
        %get3A_1377 = tpu.vector_load %arg13[%get3A_1375, %get3A_1376] {strides = array<i32>} : memref<80x256xf32, #tpu.memory_space<vmem>>, vector<16xf32>,
        %mul3A_1378 = arith.mulf %get3A_1374, %get3A_1377 : vector<16xf32>
        %add3A_1379 = arith.addf %mul3A_1371, %mul3A_1378 : vector<16xf32>
        %add3A_1380 = arith.addf %get3A_1367, %get3A_1374 : vector<16xf32>
        %get3A_1381 = arith.index_cast %scan3A_1364 : i32 to index
        %get3A_1382 = arith.constant 32 : index
        %get3A_1383 = tpu.vector_load %arg15[%get3A_1381, %get3A_1382] {strides = array<i32>} : memref<80x256xf32, #tpu.memory_space<vmem>>, vector<16xf32>,
        %get3A_1384 = arith.index_cast %scan3A_1364 : i32 to index
        %get3A_1385 = arith.constant 32 : index
        %get3A_1386 = tpu.vector_load %arg13[%get3A_1384, %get3A_1385] {strides = array<i32>} : memref<80x256xf32, #tpu.memory_space<vmem>>, vector<16xf32>,
        %mul3A_1387 = arith.mulf %get3A_1383, %get3A_1386 : vector<16xf32>
        %add3A_1388 = arith.addf %add3A_1379, %mul3A_1387 : vector<16xf32>
        %add3A_1389 = arith.addf %add3A_1380, %get3A_1383 : vector<16xf32>
        %get3A_1390 = arith.index_cast %scan3A_1364 : i32 to index
        %get3A_1391 = arith.constant 48 : index
        %get3A_1392 = tpu.vector_load %arg15[%get3A_1390, %get3A_1391] {strides = array<i32>} : memref<80x256xf32, #tpu.memory_space<vmem>>, vector<16xf32>,
        %get3A_1393 = arith.index_cast %scan3A_1364 : i32 to index
        %get3A_1394 = arith.constant 48 : index
        %get3A_1395 = tpu.vector_load %arg13[%get3A_1393, %get3A_1394] {strides = array<i32>} : memref<80x256xf32, #tpu.memory_space<vmem>>, vector<16xf32>,
        %mul3A_1396 = arith.mulf %get3A_1392, %get3A_1395 : vector<16xf32>
        %add3A_1397 = arith.addf %add3A_1388, %mul3A_1396 : vector<16xf32>
        %add3A_1398 = arith.addf %add3A_1389, %get3A_1392 : vector<16xf32>
        %get3A_1399 = arith.index_cast %scan3A_1364 : i32 to index
        %get3A_1400 = arith.constant 64 : index
        %get3A_1401 = tpu.vector_load %arg15[%get3A_1399, %get3A_1400] {strides = array<i32>} : memref<80x256xf32, #tpu.memory_space<vmem>>, vector<16xf32>,
        %get3A_1402 = arith.index_cast %scan3A_1364 : i32 to index
        %get3A_1403 = arith.constant 64 : index
        %get3A_1404 = tpu.vector_load %arg13[%get3A_1402, %get3A_1403] {strides = array<i32>} : memref<80x256xf32, #tpu.memory_space<vmem>>, vector<16xf32>,
        %mul3A_1405 = arith.mulf %get3A_1401, %get3A_1404 : vector<16xf32>
        %add3A_1406 = arith.addf %add3A_1397, %mul3A_1405 : vector<16xf32>
        %add3A_1407 = arith.addf %add3A_1398, %get3A_1401 : vector<16xf32>
        %get3A_1408 = arith.index_cast %scan3A_1364 : i32 to index
        %get3A_1409 = arith.constant 80 : index
        %get3A_1410 = tpu.vector_load %arg15[%get3A_1408, %get3A_1409] {strides = array<i32>} : memref<80x256xf32, #tpu.memory_space<vmem>>, vector<16xf32>,
        %get3A_1411 = arith.index_cast %scan3A_1364 : i32 to index
        %get3A_1412 = arith.constant 80 : index
        %get3A_1413 = tpu.vector_load %arg13[%get3A_1411, %get3A_1412] {strides = array<i32>} : memref<80x256xf32, #tpu.memory_space<vmem>>, vector<16xf32>,
        %mul3A_1414 = arith.mulf %get3A_1410, %get3A_1413 : vector<16xf32>
        %add3A_1415 = arith.addf %add3A_1406, %mul3A_1414 : vector<16xf32>
        %add3A_1416 = arith.addf %add3A_1407, %get3A_1410 : vector<16xf32>
        %get3A_1417 = arith.index_cast %scan3A_1364 : i32 to index
        %get3A_1418 = arith.constant 96 : index
        %get3A_1419 = tpu.vector_load %arg15[%get3A_1417, %get3A_1418] {strides = array<i32>} : memref<80x256xf32, #tpu.memory_space<vmem>>, vector<16xf32>,
        %get3A_1420 = arith.index_cast %scan3A_1364 : i32 to index
        %get3A_1421 = arith.constant 96 : index
        %get3A_1422 = tpu.vector_load %arg13[%get3A_1420, %get3A_1421] {strides = array<i32>} : memref<80x256xf32, #tpu.memory_space<vmem>>, vector<16xf32>,
        %mul3A_1423 = arith.mulf %get3A_1419, %get3A_1422 : vector<16xf32>
        %add3A_1424 = arith.addf %add3A_1415, %mul3A_1423 : vector<16xf32>
        %add3A_1425 = arith.addf %add3A_1416, %get3A_1419 : vector<16xf32>
        %get3A_1426 = arith.index_cast %scan3A_1364 : i32 to index
        %get3A_1427 = arith.constant 112 : index
        %get3A_1428 = tpu.vector_load %arg15[%get3A_1426, %get3A_1427] {strides = array<i32>} : memref<80x256xf32, #tpu.memory_space<vmem>>, vector<16xf32>,
        %get3A_1429 = arith.index_cast %scan3A_1364 : i32 to index
        %get3A_1430 = arith.constant 112 : index
        %get3A_1431 = tpu.vector_load %arg13[%get3A_1429, %get3A_1430] {strides = array<i32>} : memref<80x256xf32, #tpu.memory_space<vmem>>, vector<16xf32>,
        %mul3A_1432 = arith.mulf %get3A_1428, %get3A_1431 : vector<16xf32>
        %add3A_1433 = arith.addf %add3A_1424, %mul3A_1432 : vector<16xf32>
        %add3A_1434 = arith.addf %add3A_1425, %get3A_1428 : vector<16xf32>
        %get3A_1435 = arith.index_cast %scan3A_1364 : i32 to index
        %get3A_1436 = arith.constant 128 : index
        %get3A_1437 = tpu.vector_load %arg15[%get3A_1435, %get3A_1436] {strides = array<i32>} : memref<80x256xf32, #tpu.memory_space<vmem>>, vector<16xf32>,
        %get3A_1438 = arith.index_cast %scan3A_1364 : i32 to index
        %get3A_1439 = arith.constant 128 : index
        %get3A_1440 = tpu.vector_load %arg13[%get3A_1438, %get3A_1439] {strides = array<i32>} : memref<80x256xf32, #tpu.memory_space<vmem>>, vector<16xf32>,
        %mul3A_1441 = arith.mulf %get3A_1437, %get3A_1440 : vector<16xf32>
        %add3A_1442 = arith.addf %add3A_1433, %mul3A_1441 : vector<16xf32>
        %add3A_1443 = arith.addf %add3A_1434, %get3A_1437 : vector<16xf32>
        %get3A_1444 = arith.index_cast %scan3A_1364 : i32 to index
        %get3A_1445 = arith.constant 144 : index
        %get3A_1446 = tpu.vector_load %arg15[%get3A_1444, %get3A_1445] {strides = array<i32>} : memref<80x256xf32, #tpu.memory_space<vmem>>, vector<16xf32>,
        %get3A_1447 = arith.index_cast %scan3A_1364 : i32 to index
        %get3A_1448 = arith.constant 144 : index
        %get3A_1449 = tpu.vector_load %arg13[%get3A_1447, %get3A_1448] {strides = array<i32>} : memref<80x256xf32, #tpu.memory_space<vmem>>, vector<16xf32>,
        %mul3A_1450 = arith.mulf %get3A_1446, %get3A_1449 : vector<16xf32>
        %add3A_1451 = arith.addf %add3A_1442, %mul3A_1450 : vector<16xf32>
        %add3A_1452 = arith.addf %add3A_1443, %get3A_1446 : vector<16xf32>
        %get3A_1453 = arith.index_cast %scan3A_1364 : i32 to index
        %get3A_1454 = arith.constant 160 : index
        %get3A_1455 = tpu.vector_load %arg15[%get3A_1453, %get3A_1454] {strides = array<i32>} : memref<80x256xf32, #tpu.memory_space<vmem>>, vector<16xf32>,
        %get3A_1456 = arith.index_cast %scan3A_1364 : i32 to index
        %get3A_1457 = arith.constant 160 : index
        %get3A_1458 = tpu.vector_load %arg13[%get3A_1456, %get3A_1457] {strides = array<i32>} : memref<80x256xf32, #tpu.memory_space<vmem>>, vector<16xf32>,
        %mul3A_1459 = arith.mulf %get3A_1455, %get3A_1458 : vector<16xf32>
        %add3A_1460 = arith.addf %add3A_1451, %mul3A_1459 : vector<16xf32>
        %add3A_1461 = arith.addf %add3A_1452, %get3A_1455 : vector<16xf32>
        %get3A_1462 = arith.index_cast %scan3A_1364 : i32 to index
        %get3A_1463 = arith.constant 176 : index
        %get3A_1464 = tpu.vector_load %arg15[%get3A_1462, %get3A_1463] {strides = array<i32>} : memref<80x256xf32, #tpu.memory_space<vmem>>, vector<16xf32>,
        %get3A_1465 = arith.index_cast %scan3A_1364 : i32 to index
        %get3A_1466 = arith.constant 176 : index
        %get3A_1467 = tpu.vector_load %arg13[%get3A_1465, %get3A_1466] {strides = array<i32>} : memref<80x256xf32, #tpu.memory_space<vmem>>, vector<16xf32>,
        %mul3A_1468 = arith.mulf %get3A_1464, %get3A_1467 : vector<16xf32>
        %add3A_1469 = arith.addf %add3A_1460, %mul3A_1468 : vector<16xf32>
        %add3A_1470 = arith.addf %add3A_1461, %get3A_1464 : vector<16xf32>
        %get3A_1471 = arith.index_cast %scan3A_1364 : i32 to index
        %get3A_1472 = arith.constant 192 : index
        %get3A_1473 = tpu.vector_load %arg15[%get3A_1471, %get3A_1472] {strides = array<i32>} : memref<80x256xf32, #tpu.memory_space<vmem>>, vector<16xf32>,
        %get3A_1474 = arith.index_cast %scan3A_1364 : i32 to index
        %get3A_1475 = arith.constant 192 : index
        %get3A_1476 = tpu.vector_load %arg13[%get3A_1474, %get3A_1475] {strides = array<i32>} : memref<80x256xf32, #tpu.memory_space<vmem>>, vector<16xf32>,
        %mul3A_1477 = arith.mulf %get3A_1473, %get3A_1476 : vector<16xf32>
        %add3A_1478 = arith.addf %add3A_1469, %mul3A_1477 : vector<16xf32>
        %add3A_1479 = arith.addf %add3A_1470, %get3A_1473 : vector<16xf32>
        %get3A_1480 = arith.index_cast %scan3A_1364 : i32 to index
        %get3A_1481 = arith.constant 208 : index
        %get3A_1482 = tpu.vector_load %arg15[%get3A_1480, %get3A_1481] {strides = array<i32>} : memref<80x256xf32, #tpu.memory_space<vmem>>, vector<16xf32>,
        %get3A_1483 = arith.index_cast %scan3A_1364 : i32 to index
        %get3A_1484 = arith.constant 208 : index
        %get3A_1485 = tpu.vector_load %arg13[%get3A_1483, %get3A_1484] {strides = array<i32>} : memref<80x256xf32, #tpu.memory_space<vmem>>, vector<16xf32>,
        %mul3A_1486 = arith.mulf %get3A_1482, %get3A_1485 : vector<16xf32>
        %add3A_1487 = arith.addf %add3A_1478, %mul3A_1486 : vector<16xf32>
        %add3A_1488 = arith.addf %add3A_1479, %get3A_1482 : vector<16xf32>
        %get3A_1489 = arith.index_cast %scan3A_1364 : i32 to index
        %get3A_1490 = arith.constant 224 : index
        %get3A_1491 = tpu.vector_load %arg15[%get3A_1489, %get3A_1490] {strides = array<i32>} : memref<80x256xf32, #tpu.memory_space<vmem>>, vector<16xf32>,
        %get3A_1492 = arith.index_cast %scan3A_1364 : i32 to index
        %get3A_1493 = arith.constant 224 : index
        %get3A_1494 = tpu.vector_load %arg13[%get3A_1492, %get3A_1493] {strides = array<i32>} : memref<80x256xf32, #tpu.memory_space<vmem>>, vector<16xf32>,
        %mul3A_1495 = arith.mulf %get3A_1491, %get3A_1494 : vector<16xf32>
        %add3A_1496 = arith.addf %add3A_1487, %mul3A_1495 : vector<16xf32>
        %add3A_1497 = arith.addf %add3A_1488, %get3A_1491 : vector<16xf32>
        %get3A_1498 = arith.index_cast %scan3A_1364 : i32 to index
        %get3A_1499 = arith.constant 240 : index
        %get3A_1500 = tpu.vector_load %arg15[%get3A_1498, %get3A_1499] {strides = array<i32>} : memref<80x256xf32, #tpu.memory_space<vmem>>, vector<16xf32>,
        %get3A_1501 = arith.index_cast %scan3A_1364 : i32 to index
        %get3A_1502 = arith.constant 240 : index
        %get3A_1503 = tpu.vector_load %arg13[%get3A_1501, %get3A_1502] {strides = array<i32>} : memref<80x256xf32, #tpu.memory_space<vmem>>, vector<16xf32>,
        %mul3A_1504 = arith.mulf %get3A_1500, %get3A_1503 : vector<16xf32>
        %add3A_1505 = arith.addf %add3A_1496, %mul3A_1504 : vector<16xf32>
        %add3A_1506 = arith.addf %add3A_1497, %get3A_1500 : vector<16xf32>
        %reduce_sum3A_1507 = arith.constant true
        %reduce_sum3A_1508 = vector.broadcast %reduce_sum3A_1507 : i1 to vector<16xi1>
        %reduce_sum3A_1509 = tpu.scan <sum>, %add3A_1505 masked %reduce_sum3A_1508 : vector<16xf32>, vector<16xi1> -> vector<16xf32>
        %reduce_sum3A_1510 = vector.extract %reduce_sum3A_1509[15] : f32 from vector<16xf32>
        %broadcast_in_dim3A_1511 = vector.broadcast %reduce_sum3A_1510 : f32 to vector<16xf32>
        %swap3A_1512 = arith.index_cast %scan3A_1364 : i32 to index
        %swap3A_1513 = arith.constant 0 : index
        %swap3A_1514 = tpu.vector_load %arg17[%swap3A_1512, %swap3A_1513] {strides = array<i32>} : memref<80x16xf32, #tpu.memory_space<vmem>>, vector<16xf32>,
        tpu.vector_store %arg17[%swap3A_1512, %swap3A_1513], %broadcast_in_dim3A_1511 {strides = array<i32>} : memref<80x16xf32, #tpu.memory_space<vmem>>, vector<16xf32>,
        %reduce_sum3A_1515 = arith.constant true
        %reduce_sum3A_1516 = vector.broadcast %reduce_sum3A_1515 : i1 to vector<16xi1>
        %reduce_sum3A_1517 = tpu.scan <sum>, %add3A_1506 masked %reduce_sum3A_1516 : vector<16xf32>, vector<16xi1> -> vector<16xf32>
        %reduce_sum3A_1518 = vector.extract %reduce_sum3A_1517[15] : f32 from vector<16xf32>
        %broadcast_in_dim3A_1519 = vector.broadcast %reduce_sum3A_1518 : f32 to vector<16xf32>
        %swap3A_1520 = arith.index_cast %scan3A_1364 : i32 to index
        %swap3A_1521 = arith.constant 0 : index
        %swap3A_1522 = tpu.vector_load %arg18[%swap3A_1520, %swap3A_1521] {strides = array<i32>} : memref<80x16xf32, #tpu.memory_space<vmem>>, vector<16xf32>,
        tpu.vector_store %arg18[%swap3A_1520, %swap3A_1521], %broadcast_in_dim3A_1519 {strides = array<i32>} : memref<80x16xf32, #tpu.memory_space<vmem>>, vector<16xf32>,
        %scan3A_1523 = arith.constant 0 : i32
        %scan3A_1524 = arith.constant 2 : i32
        %scan3A_1525 = arith.addi %scan3A_1203, %scan3A_1524 : i32
        %get3A_1526 = arith.index_cast %scan3A_1525 : i32 to index
        %get3A_1527 = arith.constant 0 : index
        %get3A_1528 = tpu.vector_load %arg15[%get3A_1526, %get3A_1527] {strides = array<i32>} : memref<80x256xf32, #tpu.memory_space<vmem>>, vector<16xf32>,
        %get3A_1529 = arith.index_cast %scan3A_1525 : i32 to index
        %get3A_1530 = arith.constant 0 : index
        %get3A_1531 = tpu.vector_load %arg13[%get3A_1529, %get3A_1530] {strides = array<i32>} : memref<80x256xf32, #tpu.memory_space<vmem>>, vector<16xf32>,
        %mul3A_1532 = arith.mulf %get3A_1528, %get3A_1531 : vector<16xf32>
        %get3A_1533 = arith.index_cast %scan3A_1525 : i32 to index
        %get3A_1534 = arith.constant 16 : index
        %get3A_1535 = tpu.vector_load %arg15[%get3A_1533, %get3A_1534] {strides = array<i32>} : memref<80x256xf32, #tpu.memory_space<vmem>>, vector<16xf32>,
        %get3A_1536 = arith.index_cast %scan3A_1525 : i32 to index
        %get3A_1537 = arith.constant 16 : index
        %get3A_1538 = tpu.vector_load %arg13[%get3A_1536, %get3A_1537] {strides = array<i32>} : memref<80x256xf32, #tpu.memory_space<vmem>>, vector<16xf32>,
        %mul3A_1539 = arith.mulf %get3A_1535, %get3A_1538 : vector<16xf32>
        %add3A_1540 = arith.addf %mul3A_1532, %mul3A_1539 : vector<16xf32>
        %add3A_1541 = arith.addf %get3A_1528, %get3A_1535 : vector<16xf32>
        %get3A_1542 = arith.index_cast %scan3A_1525 : i32 to index
        %get3A_1543 = arith.constant 32 : index
        %get3A_1544 = tpu.vector_load %arg15[%get3A_1542, %get3A_1543] {strides = array<i32>} : memref<80x256xf32, #tpu.memory_space<vmem>>, vector<16xf32>,
        %get3A_1545 = arith.index_cast %scan3A_1525 : i32 to index
        %get3A_1546 = arith.constant 32 : index
        %get3A_1547 = tpu.vector_load %arg13[%get3A_1545, %get3A_1546] {strides = array<i32>} : memref<80x256xf32, #tpu.memory_space<vmem>>, vector<16xf32>,
        %mul3A_1548 = arith.mulf %get3A_1544, %get3A_1547 : vector<16xf32>
        %add3A_1549 = arith.addf %add3A_1540, %mul3A_1548 : vector<16xf32>
        %add3A_1550 = arith.addf %add3A_1541, %get3A_1544 : vector<16xf32>
        %get3A_1551 = arith.index_cast %scan3A_1525 : i32 to index
        %get3A_1552 = arith.constant 48 : index
        %get3A_1553 = tpu.vector_load %arg15[%get3A_1551, %get3A_1552] {strides = array<i32>} : memref<80x256xf32, #tpu.memory_space<vmem>>, vector<16xf32>,
        %get3A_1554 = arith.index_cast %scan3A_1525 : i32 to index
        %get3A_1555 = arith.constant 48 : index
        %get3A_1556 = tpu.vector_load %arg13[%get3A_1554, %get3A_1555] {strides = array<i32>} : memref<80x256xf32, #tpu.memory_space<vmem>>, vector<16xf32>,
        %mul3A_1557 = arith.mulf %get3A_1553, %get3A_1556 : vector<16xf32>
        %add3A_1558 = arith.addf %add3A_1549, %mul3A_1557 : vector<16xf32>
        %add3A_1559 = arith.addf %add3A_1550, %get3A_1553 : vector<16xf32>
        %get3A_1560 = arith.index_cast %scan3A_1525 : i32 to index
        %get3A_1561 = arith.constant 64 : index
        %get3A_1562 = tpu.vector_load %arg15[%get3A_1560, %get3A_1561] {strides = array<i32>} : memref<80x256xf32, #tpu.memory_space<vmem>>, vector<16xf32>,
        %get3A_1563 = arith.index_cast %scan3A_1525 : i32 to index
        %get3A_1564 = arith.constant 64 : index
        %get3A_1565 = tpu.vector_load %arg13[%get3A_1563, %get3A_1564] {strides = array<i32>} : memref<80x256xf32, #tpu.memory_space<vmem>>, vector<16xf32>,
        %mul3A_1566 = arith.mulf %get3A_1562, %get3A_1565 : vector<16xf32>
        %add3A_1567 = arith.addf %add3A_1558, %mul3A_1566 : vector<16xf32>
        %add3A_1568 = arith.addf %add3A_1559, %get3A_1562 : vector<16xf32>
        %get3A_1569 = arith.index_cast %scan3A_1525 : i32 to index
        %get3A_1570 = arith.constant 80 : index
        %get3A_1571 = tpu.vector_load %arg15[%get3A_1569, %get3A_1570] {strides = array<i32>} : memref<80x256xf32, #tpu.memory_space<vmem>>, vector<16xf32>,
        %get3A_1572 = arith.index_cast %scan3A_1525 : i32 to index
        %get3A_1573 = arith.constant 80 : index
        %get3A_1574 = tpu.vector_load %arg13[%get3A_1572, %get3A_1573] {strides = array<i32>} : memref<80x256xf32, #tpu.memory_space<vmem>>, vector<16xf32>,
        %mul3A_1575 = arith.mulf %get3A_1571, %get3A_1574 : vector<16xf32>
        %add3A_1576 = arith.addf %add3A_1567, %mul3A_1575 : vector<16xf32>
        %add3A_1577 = arith.addf %add3A_1568, %get3A_1571 : vector<16xf32>
        %get3A_1578 = arith.index_cast %scan3A_1525 : i32 to index
        %get3A_1579 = arith.constant 96 : index
        %get3A_1580 = tpu.vector_load %arg15[%get3A_1578, %get3A_1579] {strides = array<i32>} : memref<80x256xf32, #tpu.memory_space<vmem>>, vector<16xf32>,
        %get3A_1581 = arith.index_cast %scan3A_1525 : i32 to index
        %get3A_1582 = arith.constant 96 : index
        %get3A_1583 = tpu.vector_load %arg13[%get3A_1581, %get3A_1582] {strides = array<i32>} : memref<80x256xf32, #tpu.memory_space<vmem>>, vector<16xf32>,
        %mul3A_1584 = arith.mulf %get3A_1580, %get3A_1583 : vector<16xf32>
        %add3A_1585 = arith.addf %add3A_1576, %mul3A_1584 : vector<16xf32>
        %add3A_1586 = arith.addf %add3A_1577, %get3A_1580 : vector<16xf32>
        %get3A_1587 = arith.index_cast %scan3A_1525 : i32 to index
        %get3A_1588 = arith.constant 112 : index
        %get3A_1589 = tpu.vector_load %arg15[%get3A_1587, %get3A_1588] {strides = array<i32>} : memref<80x256xf32, #tpu.memory_space<vmem>>, vector<16xf32>,
        %get3A_1590 = arith.index_cast %scan3A_1525 : i32 to index
        %get3A_1591 = arith.constant 112 : index
        %get3A_1592 = tpu.vector_load %arg13[%get3A_1590, %get3A_1591] {strides = array<i32>} : memref<80x256xf32, #tpu.memory_space<vmem>>, vector<16xf32>,
        %mul3A_1593 = arith.mulf %get3A_1589, %get3A_1592 : vector<16xf32>
        %add3A_1594 = arith.addf %add3A_1585, %mul3A_1593 : vector<16xf32>
        %add3A_1595 = arith.addf %add3A_1586, %get3A_1589 : vector<16xf32>
        %get3A_1596 = arith.index_cast %scan3A_1525 : i32 to index
        %get3A_1597 = arith.constant 128 : index
        %get3A_1598 = tpu.vector_load %arg15[%get3A_1596, %get3A_1597] {strides = array<i32>} : memref<80x256xf32, #tpu.memory_space<vmem>>, vector<16xf32>,
        %get3A_1599 = arith.index_cast %scan3A_1525 : i32 to index
        %get3A_1600 = arith.constant 128 : index
        %get3A_1601 = tpu.vector_load %arg13[%get3A_1599, %get3A_1600] {strides = array<i32>} : memref<80x256xf32, #tpu.memory_space<vmem>>, vector<16xf32>,
        %mul3A_1602 = arith.mulf %get3A_1598, %get3A_1601 : vector<16xf32>
        %add3A_1603 = arith.addf %add3A_1594, %mul3A_1602 : vector<16xf32>
        %add3A_1604 = arith.addf %add3A_1595, %get3A_1598 : vector<16xf32>
        %get3A_1605 = arith.index_cast %scan3A_1525 : i32 to index
        %get3A_1606 = arith.constant 144 : index
        %get3A_1607 = tpu.vector_load %arg15[%get3A_1605, %get3A_1606] {strides = array<i32>} : memref<80x256xf32, #tpu.memory_space<vmem>>, vector<16xf32>,
        %get3A_1608 = arith.index_cast %scan3A_1525 : i32 to index
        %get3A_1609 = arith.constant 144 : index
        %get3A_1610 = tpu.vector_load %arg13[%get3A_1608, %get3A_1609] {strides = array<i32>} : memref<80x256xf32, #tpu.memory_space<vmem>>, vector<16xf32>,
        %mul3A_1611 = arith.mulf %get3A_1607, %get3A_1610 : vector<16xf32>
        %add3A_1612 = arith.addf %add3A_1603, %mul3A_1611 : vector<16xf32>
        %add3A_1613 = arith.addf %add3A_1604, %get3A_1607 : vector<16xf32>
        %get3A_1614 = arith.index_cast %scan3A_1525 : i32 to index
        %get3A_1615 = arith.constant 160 : index
        %get3A_1616 = tpu.vector_load %arg15[%get3A_1614, %get3A_1615] {strides = array<i32>} : memref<80x256xf32, #tpu.memory_space<vmem>>, vector<16xf32>,
        %get3A_1617 = arith.index_cast %scan3A_1525 : i32 to index
        %get3A_1618 = arith.constant 160 : index
        %get3A_1619 = tpu.vector_load %arg13[%get3A_1617, %get3A_1618] {strides = array<i32>} : memref<80x256xf32, #tpu.memory_space<vmem>>, vector<16xf32>,
        %mul3A_1620 = arith.mulf %get3A_1616, %get3A_1619 : vector<16xf32>
        %add3A_1621 = arith.addf %add3A_1612, %mul3A_1620 : vector<16xf32>
        %add3A_1622 = arith.addf %add3A_1613, %get3A_1616 : vector<16xf32>
        %get3A_1623 = arith.index_cast %scan3A_1525 : i32 to index
        %get3A_1624 = arith.constant 176 : index
        %get3A_1625 = tpu.vector_load %arg15[%get3A_1623, %get3A_1624] {strides = array<i32>} : memref<80x256xf32, #tpu.memory_space<vmem>>, vector<16xf32>,
        %get3A_1626 = arith.index_cast %scan3A_1525 : i32 to index
        %get3A_1627 = arith.constant 176 : index
        %get3A_1628 = tpu.vector_load %arg13[%get3A_1626, %get3A_1627] {strides = array<i32>} : memref<80x256xf32, #tpu.memory_space<vmem>>, vector<16xf32>,
        %mul3A_1629 = arith.mulf %get3A_1625, %get3A_1628 : vector<16xf32>
        %add3A_1630 = arith.addf %add3A_1621, %mul3A_1629 : vector<16xf32>
        %add3A_1631 = arith.addf %add3A_1622, %get3A_1625 : vector<16xf32>
        %get3A_1632 = arith.index_cast %scan3A_1525 : i32 to index
        %get3A_1633 = arith.constant 192 : index
        %get3A_1634 = tpu.vector_load %arg15[%get3A_1632, %get3A_1633] {strides = array<i32>} : memref<80x256xf32, #tpu.memory_space<vmem>>, vector<16xf32>,
        %get3A_1635 = arith.index_cast %scan3A_1525 : i32 to index
        %get3A_1636 = arith.constant 192 : index
        %get3A_1637 = tpu.vector_load %arg13[%get3A_1635, %get3A_1636] {strides = array<i32>} : memref<80x256xf32, #tpu.memory_space<vmem>>, vector<16xf32>,
        %mul3A_1638 = arith.mulf %get3A_1634, %get3A_1637 : vector<16xf32>
        %add3A_1639 = arith.addf %add3A_1630, %mul3A_1638 : vector<16xf32>
        %add3A_1640 = arith.addf %add3A_1631, %get3A_1634 : vector<16xf32>
        %get3A_1641 = arith.index_cast %scan3A_1525 : i32 to index
        %get3A_1642 = arith.constant 208 : index
        %get3A_1643 = tpu.vector_load %arg15[%get3A_1641, %get3A_1642] {strides = array<i32>} : memref<80x256xf32, #tpu.memory_space<vmem>>, vector<16xf32>,
        %get3A_1644 = arith.index_cast %scan3A_1525 : i32 to index
        %get3A_1645 = arith.constant 208 : index
        %get3A_1646 = tpu.vector_load %arg13[%get3A_1644, %get3A_1645] {strides = array<i32>} : memref<80x256xf32, #tpu.memory_space<vmem>>, vector<16xf32>,
        %mul3A_1647 = arith.mulf %get3A_1643, %get3A_1646 : vector<16xf32>
        %add3A_1648 = arith.addf %add3A_1639, %mul3A_1647 : vector<16xf32>
        %add3A_1649 = arith.addf %add3A_1640, %get3A_1643 : vector<16xf32>
        %get3A_1650 = arith.index_cast %scan3A_1525 : i32 to index
        %get3A_1651 = arith.constant 224 : index
        %get3A_1652 = tpu.vector_load %arg15[%get3A_1650, %get3A_1651] {strides = array<i32>} : memref<80x256xf32, #tpu.memory_space<vmem>>, vector<16xf32>,
        %get3A_1653 = arith.index_cast %scan3A_1525 : i32 to index
        %get3A_1654 = arith.constant 224 : index
        %get3A_1655 = tpu.vector_load %arg13[%get3A_1653, %get3A_1654] {strides = array<i32>} : memref<80x256xf32, #tpu.memory_space<vmem>>, vector<16xf32>,
        %mul3A_1656 = arith.mulf %get3A_1652, %get3A_1655 : vector<16xf32>
        %add3A_1657 = arith.addf %add3A_1648, %mul3A_1656 : vector<16xf32>
        %add3A_1658 = arith.addf %add3A_1649, %get3A_1652 : vector<16xf32>
        %get3A_1659 = arith.index_cast %scan3A_1525 : i32 to index
        %get3A_1660 = arith.constant 240 : index
        %get3A_1661 = tpu.vector_load %arg15[%get3A_1659, %get3A_1660] {strides = array<i32>} : memref<80x256xf32, #tpu.memory_space<vmem>>, vector<16xf32>,
        %get3A_1662 = arith.index_cast %scan3A_1525 : i32 to index
        %get3A_1663 = arith.constant 240 : index
        %get3A_1664 = tpu.vector_load %arg13[%get3A_1662, %get3A_1663] {strides = array<i32>} : memref<80x256xf32, #tpu.memory_space<vmem>>, vector<16xf32>,
        %mul3A_1665 = arith.mulf %get3A_1661, %get3A_1664 : vector<16xf32>
        %add3A_1666 = arith.addf %add3A_1657, %mul3A_1665 : vector<16xf32>
        %add3A_1667 = arith.addf %add3A_1658, %get3A_1661 : vector<16xf32>
        %reduce_sum3A_1668 = arith.constant true
        %reduce_sum3A_1669 = vector.broadcast %reduce_sum3A_1668 : i1 to vector<16xi1>
        %reduce_sum3A_1670 = tpu.scan <sum>, %add3A_1666 masked %reduce_sum3A_1669 : vector<16xf32>, vector<16xi1> -> vector<16xf32>
        %reduce_sum3A_1671 = vector.extract %reduce_sum3A_1670[15] : f32 from vector<16xf32>
        %broadcast_in_dim3A_1672 = vector.broadcast %reduce_sum3A_1671 : f32 to vector<16xf32>
        %swap3A_1673 = arith.index_cast %scan3A_1525 : i32 to index
        %swap3A_1674 = arith.constant 0 : index
        %swap3A_1675 = tpu.vector_load %arg17[%swap3A_1673, %swap3A_1674] {strides = array<i32>} : memref<80x16xf32, #tpu.memory_space<vmem>>, vector<16xf32>,
        tpu.vector_store %arg17[%swap3A_1673, %swap3A_1674], %broadcast_in_dim3A_1672 {strides = array<i32>} : memref<80x16xf32, #tpu.memory_space<vmem>>, vector<16xf32>,
        %reduce_sum3A_1676 = arith.constant true
        %reduce_sum3A_1677 = vector.broadcast %reduce_sum3A_1676 : i1 to vector<16xi1>
        %reduce_sum3A_1678 = tpu.scan <sum>, %add3A_1667 masked %reduce_sum3A_1677 : vector<16xf32>, vector<16xi1> -> vector<16xf32>
        %reduce_sum3A_1679 = vector.extract %reduce_sum3A_1678[15] : f32 from vector<16xf32>
        %broadcast_in_dim3A_1680 = vector.broadcast %reduce_sum3A_1679 : f32 to vector<16xf32>
        %swap3A_1681 = arith.index_cast %scan3A_1525 : i32 to index
        %swap3A_1682 = arith.constant 0 : index
        %swap3A_1683 = tpu.vector_load %arg18[%swap3A_1681, %swap3A_1682] {strides = array<i32>} : memref<80x16xf32, #tpu.memory_space<vmem>>, vector<16xf32>,
        tpu.vector_store %arg18[%swap3A_1681, %swap3A_1682], %broadcast_in_dim3A_1680 {strides = array<i32>} : memref<80x16xf32, #tpu.memory_space<vmem>>, vector<16xf32>,
        %scan3A_1684 = arith.constant 0 : i32
        %scan3A_1685 = arith.constant 3 : i32
        %scan3A_1686 = arith.addi %scan3A_1203, %scan3A_1685 : i32
        %get3A_1687 = arith.index_cast %scan3A_1686 : i32 to index
        %get3A_1688 = arith.constant 0 : index
        %get3A_1689 = tpu.vector_load %arg15[%get3A_1687, %get3A_1688] {strides = array<i32>} : memref<80x256xf32, #tpu.memory_space<vmem>>, vector<16xf32>,
        %get3A_1690 = arith.index_cast %scan3A_1686 : i32 to index
        %get3A_1691 = arith.constant 0 : index
        %get3A_1692 = tpu.vector_load %arg13[%get3A_1690, %get3A_1691] {strides = array<i32>} : memref<80x256xf32, #tpu.memory_space<vmem>>, vector<16xf32>,
        %mul3A_1693 = arith.mulf %get3A_1689, %get3A_1692 : vector<16xf32>
        %get3A_1694 = arith.index_cast %scan3A_1686 : i32 to index
        %get3A_1695 = arith.constant 16 : index
        %get3A_1696 = tpu.vector_load %arg15[%get3A_1694, %get3A_1695] {strides = array<i32>} : memref<80x256xf32, #tpu.memory_space<vmem>>, vector<16xf32>,
        %get3A_1697 = arith.index_cast %scan3A_1686 : i32 to index
        %get3A_1698 = arith.constant 16 : index
        %get3A_1699 = tpu.vector_load %arg13[%get3A_1697, %get3A_1698] {strides = array<i32>} : memref<80x256xf32, #tpu.memory_space<vmem>>, vector<16xf32>,
        %mul3A_1700 = arith.mulf %get3A_1696, %get3A_1699 : vector<16xf32>
        %add3A_1701 = arith.addf %mul3A_1693, %mul3A_1700 : vector<16xf32>
        %add3A_1702 = arith.addf %get3A_1689, %get3A_1696 : vector<16xf32>
        %get3A_1703 = arith.index_cast %scan3A_1686 : i32 to index
        %get3A_1704 = arith.constant 32 : index
        %get3A_1705 = tpu.vector_load %arg15[%get3A_1703, %get3A_1704] {strides = array<i32>} : memref<80x256xf32, #tpu.memory_space<vmem>>, vector<16xf32>,
        %get3A_1706 = arith.index_cast %scan3A_1686 : i32 to index
        %get3A_1707 = arith.constant 32 : index
        %get3A_1708 = tpu.vector_load %arg13[%get3A_1706, %get3A_1707] {strides = array<i32>} : memref<80x256xf32, #tpu.memory_space<vmem>>, vector<16xf32>,
        %mul3A_1709 = arith.mulf %get3A_1705, %get3A_1708 : vector<16xf32>
        %add3A_1710 = arith.addf %add3A_1701, %mul3A_1709 : vector<16xf32>
        %add3A_1711 = arith.addf %add3A_1702, %get3A_1705 : vector<16xf32>
        %get3A_1712 = arith.index_cast %scan3A_1686 : i32 to index
        %get3A_1713 = arith.constant 48 : index
        %get3A_1714 = tpu.vector_load %arg15[%get3A_1712, %get3A_1713] {strides = array<i32>} : memref<80x256xf32, #tpu.memory_space<vmem>>, vector<16xf32>,
        %get3A_1715 = arith.index_cast %scan3A_1686 : i32 to index
        %get3A_1716 = arith.constant 48 : index
        %get3A_1717 = tpu.vector_load %arg13[%get3A_1715, %get3A_1716] {strides = array<i32>} : memref<80x256xf32, #tpu.memory_space<vmem>>, vector<16xf32>,
        %mul3A_1718 = arith.mulf %get3A_1714, %get3A_1717 : vector<16xf32>
        %add3A_1719 = arith.addf %add3A_1710, %mul3A_1718 : vector<16xf32>
        %add3A_1720 = arith.addf %add3A_1711, %get3A_1714 : vector<16xf32>
        %get3A_1721 = arith.index_cast %scan3A_1686 : i32 to index
        %get3A_1722 = arith.constant 64 : index
        %get3A_1723 = tpu.vector_load %arg15[%get3A_1721, %get3A_1722] {strides = array<i32>} : memref<80x256xf32, #tpu.memory_space<vmem>>, vector<16xf32>,
        %get3A_1724 = arith.index_cast %scan3A_1686 : i32 to index
        %get3A_1725 = arith.constant 64 : index
        %get3A_1726 = tpu.vector_load %arg13[%get3A_1724, %get3A_1725] {strides = array<i32>} : memref<80x256xf32, #tpu.memory_space<vmem>>, vector<16xf32>,
        %mul3A_1727 = arith.mulf %get3A_1723, %get3A_1726 : vector<16xf32>
        %add3A_1728 = arith.addf %add3A_1719, %mul3A_1727 : vector<16xf32>
        %add3A_1729 = arith.addf %add3A_1720, %get3A_1723 : vector<16xf32>
        %get3A_1730 = arith.index_cast %scan3A_1686 : i32 to index
        %get3A_1731 = arith.constant 80 : index
        %get3A_1732 = tpu.vector_load %arg15[%get3A_1730, %get3A_1731] {strides = array<i32>} : memref<80x256xf32, #tpu.memory_space<vmem>>, vector<16xf32>,
        %get3A_1733 = arith.index_cast %scan3A_1686 : i32 to index
        %get3A_1734 = arith.constant 80 : index
        %get3A_1735 = tpu.vector_load %arg13[%get3A_1733, %get3A_1734] {strides = array<i32>} : memref<80x256xf32, #tpu.memory_space<vmem>>, vector<16xf32>,
        %mul3A_1736 = arith.mulf %get3A_1732, %get3A_1735 : vector<16xf32>
        %add3A_1737 = arith.addf %add3A_1728, %mul3A_1736 : vector<16xf32>
        %add3A_1738 = arith.addf %add3A_1729, %get3A_1732 : vector<16xf32>
        %get3A_1739 = arith.index_cast %scan3A_1686 : i32 to index
        %get3A_1740 = arith.constant 96 : index
        %get3A_1741 = tpu.vector_load %arg15[%get3A_1739, %get3A_1740] {strides = array<i32>} : memref<80x256xf32, #tpu.memory_space<vmem>>, vector<16xf32>,
        %get3A_1742 = arith.index_cast %scan3A_1686 : i32 to index
        %get3A_1743 = arith.constant 96 : index
        %get3A_1744 = tpu.vector_load %arg13[%get3A_1742, %get3A_1743] {strides = array<i32>} : memref<80x256xf32, #tpu.memory_space<vmem>>, vector<16xf32>,
        %mul3A_1745 = arith.mulf %get3A_1741, %get3A_1744 : vector<16xf32>
        %add3A_1746 = arith.addf %add3A_1737, %mul3A_1745 : vector<16xf32>
        %add3A_1747 = arith.addf %add3A_1738, %get3A_1741 : vector<16xf32>
        %get3A_1748 = arith.index_cast %scan3A_1686 : i32 to index
        %get3A_1749 = arith.constant 112 : index
        %get3A_1750 = tpu.vector_load %arg15[%get3A_1748, %get3A_1749] {strides = array<i32>} : memref<80x256xf32, #tpu.memory_space<vmem>>, vector<16xf32>,
        %get3A_1751 = arith.index_cast %scan3A_1686 : i32 to index
        %get3A_1752 = arith.constant 112 : index
        %get3A_1753 = tpu.vector_load %arg13[%get3A_1751, %get3A_1752] {strides = array<i32>} : memref<80x256xf32, #tpu.memory_space<vmem>>, vector<16xf32>,
        %mul3A_1754 = arith.mulf %get3A_1750, %get3A_1753 : vector<16xf32>
        %add3A_1755 = arith.addf %add3A_1746, %mul3A_1754 : vector<16xf32>
        %add3A_1756 = arith.addf %add3A_1747, %get3A_1750 : vector<16xf32>
        %get3A_1757 = arith.index_cast %scan3A_1686 : i32 to index
        %get3A_1758 = arith.constant 128 : index
        %get3A_1759 = tpu.vector_load %arg15[%get3A_1757, %get3A_1758] {strides = array<i32>} : memref<80x256xf32, #tpu.memory_space<vmem>>, vector<16xf32>,
        %get3A_1760 = arith.index_cast %scan3A_1686 : i32 to index
        %get3A_1761 = arith.constant 128 : index
        %get3A_1762 = tpu.vector_load %arg13[%get3A_1760, %get3A_1761] {strides = array<i32>} : memref<80x256xf32, #tpu.memory_space<vmem>>, vector<16xf32>,
        %mul3A_1763 = arith.mulf %get3A_1759, %get3A_1762 : vector<16xf32>
        %add3A_1764 = arith.addf %add3A_1755, %mul3A_1763 : vector<16xf32>
        %add3A_1765 = arith.addf %add3A_1756, %get3A_1759 : vector<16xf32>
        %get3A_1766 = arith.index_cast %scan3A_1686 : i32 to index
        %get3A_1767 = arith.constant 144 : index
        %get3A_1768 = tpu.vector_load %arg15[%get3A_1766, %get3A_1767] {strides = array<i32>} : memref<80x256xf32, #tpu.memory_space<vmem>>, vector<16xf32>,
        %get3A_1769 = arith.index_cast %scan3A_1686 : i32 to index
        %get3A_1770 = arith.constant 144 : index
        %get3A_1771 = tpu.vector_load %arg13[%get3A_1769, %get3A_1770] {strides = array<i32>} : memref<80x256xf32, #tpu.memory_space<vmem>>, vector<16xf32>,
        %mul3A_1772 = arith.mulf %get3A_1768, %get3A_1771 : vector<16xf32>
        %add3A_1773 = arith.addf %add3A_1764, %mul3A_1772 : vector<16xf32>
        %add3A_1774 = arith.addf %add3A_1765, %get3A_1768 : vector<16xf32>
        %get3A_1775 = arith.index_cast %scan3A_1686 : i32 to index
        %get3A_1776 = arith.constant 160 : index
        %get3A_1777 = tpu.vector_load %arg15[%get3A_1775, %get3A_1776] {strides = array<i32>} : memref<80x256xf32, #tpu.memory_space<vmem>>, vector<16xf32>,
        %get3A_1778 = arith.index_cast %scan3A_1686 : i32 to index
        %get3A_1779 = arith.constant 160 : index
        %get3A_1780 = tpu.vector_load %arg13[%get3A_1778, %get3A_1779] {strides = array<i32>} : memref<80x256xf32, #tpu.memory_space<vmem>>, vector<16xf32>,
        %mul3A_1781 = arith.mulf %get3A_1777, %get3A_1780 : vector<16xf32>
        %add3A_1782 = arith.addf %add3A_1773, %mul3A_1781 : vector<16xf32>
        %add3A_1783 = arith.addf %add3A_1774, %get3A_1777 : vector<16xf32>
        %get3A_1784 = arith.index_cast %scan3A_1686 : i32 to index
        %get3A_1785 = arith.constant 176 : index
        %get3A_1786 = tpu.vector_load %arg15[%get3A_1784, %get3A_1785] {strides = array<i32>} : memref<80x256xf32, #tpu.memory_space<vmem>>, vector<16xf32>,
        %get3A_1787 = arith.index_cast %scan3A_1686 : i32 to index
        %get3A_1788 = arith.constant 176 : index
        %get3A_1789 = tpu.vector_load %arg13[%get3A_1787, %get3A_1788] {strides = array<i32>} : memref<80x256xf32, #tpu.memory_space<vmem>>, vector<16xf32>,
        %mul3A_1790 = arith.mulf %get3A_1786, %get3A_1789 : vector<16xf32>
        %add3A_1791 = arith.addf %add3A_1782, %mul3A_1790 : vector<16xf32>
        %add3A_1792 = arith.addf %add3A_1783, %get3A_1786 : vector<16xf32>
        %get3A_1793 = arith.index_cast %scan3A_1686 : i32 to index
        %get3A_1794 = arith.constant 192 : index
        %get3A_1795 = tpu.vector_load %arg15[%get3A_1793, %get3A_1794] {strides = array<i32>} : memref<80x256xf32, #tpu.memory_space<vmem>>, vector<16xf32>,
        %get3A_1796 = arith.index_cast %scan3A_1686 : i32 to index
        %get3A_1797 = arith.constant 192 : index
        %get3A_1798 = tpu.vector_load %arg13[%get3A_1796, %get3A_1797] {strides = array<i32>} : memref<80x256xf32, #tpu.memory_space<vmem>>, vector<16xf32>,
        %mul3A_1799 = arith.mulf %get3A_1795, %get3A_1798 : vector<16xf32>
        %add3A_1800 = arith.addf %add3A_1791, %mul3A_1799 : vector<16xf32>
        %add3A_1801 = arith.addf %add3A_1792, %get3A_1795 : vector<16xf32>
        %get3A_1802 = arith.index_cast %scan3A_1686 : i32 to index
        %get3A_1803 = arith.constant 208 : index
        %get3A_1804 = tpu.vector_load %arg15[%get3A_1802, %get3A_1803] {strides = array<i32>} : memref<80x256xf32, #tpu.memory_space<vmem>>, vector<16xf32>,
        %get3A_1805 = arith.index_cast %scan3A_1686 : i32 to index
        %get3A_1806 = arith.constant 208 : index
        %get3A_1807 = tpu.vector_load %arg13[%get3A_1805, %get3A_1806] {strides = array<i32>} : memref<80x256xf32, #tpu.memory_space<vmem>>, vector<16xf32>,
        %mul3A_1808 = arith.mulf %get3A_1804, %get3A_1807 : vector<16xf32>
        %add3A_1809 = arith.addf %add3A_1800, %mul3A_1808 : vector<16xf32>
        %add3A_1810 = arith.addf %add3A_1801, %get3A_1804 : vector<16xf32>
        %get3A_1811 = arith.index_cast %scan3A_1686 : i32 to index
        %get3A_1812 = arith.constant 224 : index
        %get3A_1813 = tpu.vector_load %arg15[%get3A_1811, %get3A_1812] {strides = array<i32>} : memref<80x256xf32, #tpu.memory_space<vmem>>, vector<16xf32>,
        %get3A_1814 = arith.index_cast %scan3A_1686 : i32 to index
        %get3A_1815 = arith.constant 224 : index
        %get3A_1816 = tpu.vector_load %arg13[%get3A_1814, %get3A_1815] {strides = array<i32>} : memref<80x256xf32, #tpu.memory_space<vmem>>, vector<16xf32>,
        %mul3A_1817 = arith.mulf %get3A_1813, %get3A_1816 : vector<16xf32>
        %add3A_1818 = arith.addf %add3A_1809, %mul3A_1817 : vector<16xf32>
        %add3A_1819 = arith.addf %add3A_1810, %get3A_1813 : vector<16xf32>
        %get3A_1820 = arith.index_cast %scan3A_1686 : i32 to index
        %get3A_1821 = arith.constant 240 : index
        %get3A_1822 = tpu.vector_load %arg15[%get3A_1820, %get3A_1821] {strides = array<i32>} : memref<80x256xf32, #tpu.memory_space<vmem>>, vector<16xf32>,
        %get3A_1823 = arith.index_cast %scan3A_1686 : i32 to index
        %get3A_1824 = arith.constant 240 : index
        %get3A_1825 = tpu.vector_load %arg13[%get3A_1823, %get3A_1824] {strides = array<i32>} : memref<80x256xf32, #tpu.memory_space<vmem>>, vector<16xf32>,
        %mul3A_1826 = arith.mulf %get3A_1822, %get3A_1825 : vector<16xf32>
        %add3A_1827 = arith.addf %add3A_1818, %mul3A_1826 : vector<16xf32>
        %add3A_1828 = arith.addf %add3A_1819, %get3A_1822 : vector<16xf32>
        %reduce_sum3A_1829 = arith.constant true
        %reduce_sum3A_1830 = vector.broadcast %reduce_sum3A_1829 : i1 to vector<16xi1>
        %reduce_sum3A_1831 = tpu.scan <sum>, %add3A_1827 masked %reduce_sum3A_1830 : vector<16xf32>, vector<16xi1> -> vector<16xf32>
        %reduce_sum3A_1832 = vector.extract %reduce_sum3A_1831[15] : f32 from vector<16xf32>
        %broadcast_in_dim3A_1833 = vector.broadcast %reduce_sum3A_1832 : f32 to vector<16xf32>
        %swap3A_1834 = arith.index_cast %scan3A_1686 : i32 to index
        %swap3A_1835 = arith.constant 0 : index
        %swap3A_1836 = tpu.vector_load %arg17[%swap3A_1834, %swap3A_1835] {strides = array<i32>} : memref<80x16xf32, #tpu.memory_space<vmem>>, vector<16xf32>,
        tpu.vector_store %arg17[%swap3A_1834, %swap3A_1835], %broadcast_in_dim3A_1833 {strides = array<i32>} : memref<80x16xf32, #tpu.memory_space<vmem>>, vector<16xf32>,
        %reduce_sum3A_1837 = arith.constant true
        %reduce_sum3A_1838 = vector.broadcast %reduce_sum3A_1837 : i1 to vector<16xi1>
        %reduce_sum3A_1839 = tpu.scan <sum>, %add3A_1828 masked %reduce_sum3A_1838 : vector<16xf32>, vector<16xi1> -> vector<16xf32>
        %reduce_sum3A_1840 = vector.extract %reduce_sum3A_1839[15] : f32 from vector<16xf32>
        %broadcast_in_dim3A_1841 = vector.broadcast %reduce_sum3A_1840 : f32 to vector<16xf32>
        %swap3A_1842 = arith.index_cast %scan3A_1686 : i32 to index
        %swap3A_1843 = arith.constant 0 : index
        %swap3A_1844 = tpu.vector_load %arg18[%swap3A_1842, %swap3A_1843] {strides = array<i32>} : memref<80x16xf32, #tpu.memory_space<vmem>>, vector<16xf32>,
        tpu.vector_store %arg18[%swap3A_1842, %swap3A_1843], %broadcast_in_dim3A_1841 {strides = array<i32>} : memref<80x16xf32, #tpu.memory_space<vmem>>, vector<16xf32>,
        %scan3A_1845 = arith.constant 0 : i32
        scf.yield %scan3A_1845 : i32
      }
      %scan3A_265 = arith.constant 80 : i32
      %add3A_266 = arith.constant 0 : i32
      %add3A_267 = arith.addi %mul3A_258, %add3A_266 : i32
      %add3A_268 = vector.broadcast %add3A_267 : i32 to vector<16xi32>
      %add3A_269 = arith.addi %add3A_268, %iota3A : vector<16xi32>
      %add3A_270 = arith.constant 0 : i32
      %add3A_271 = arith.addi %mul3A_258, %add3A_270 : i32
      %get3A_272 = arith.index_cast %add3A_271 : i32 to index
      %get3A_273 = tpu.vector_load %arg9[%get3A_272] {strides = array<i32>} : memref<800xi32, #tpu.memory_space<vmem>>, vector<16xi32>,
      %add3A_274 = arith.constant 0 : i32
      %add3A_275 = vector.broadcast %add3A_274 : i32 to vector<16xi32>
      %add3A_276 = arith.addi %add3A_275, %iota3A : vector<16xi32>
      %gather3A_277 = tpu.vector_load_idx %arg13[%add3A_276, %get3A_273] : memref<80x256xf32, #tpu.memory_space<vmem>>[vector<16xi32>, vector<16xi32>], vector<16xf32>,
      %gather3A_278 = tpu.vector_load_idx %arg15[%add3A_276, %get3A_273] : memref<80x256xf32, #tpu.memory_space<vmem>>[vector<16xi32>, vector<16xi32>], vector<16xf32>,
      %broadcast_in_dim3A_279 = arith.constant 0 : i32
      %broadcast_in_dim3A_280 = vector.broadcast %broadcast_in_dim3A_279 : i32 to vector<16xi32>
      %gather3A_281 = tpu.vector_load_idx %arg17[%add3A_276, %broadcast_in_dim3A_280] : memref<80x16xf32, #tpu.memory_space<vmem>>[vector<16xi32>, vector<16xi32>], vector<16xf32>,
      %gather3A_282 = tpu.vector_load_idx %arg18[%add3A_276, %broadcast_in_dim3A_280] : memref<80x16xf32, #tpu.memory_space<vmem>>[vector<16xi32>, vector<16xi32>], vector<16xf32>,
      %mul3A_283 = arith.constant 4 : i32
      %mul3A_284 = arith.muli %add3A, %mul3A_283 : i32
      %jit3A_285 = arith.constant 200 : i32
      %div3A = vector.broadcast %jit3A_285 : i32 to vector<16xi32>
      %div3A_286 = arith.divsi %add3A_269, %div3A : vector<16xi32>
      %sign3A = arith.constant 0 : i32
      %sign3A_287 = vector.broadcast %sign3A : i32 to vector<16xi32>
      %sign3A_288 = arith.cmpi sgt, %add3A_269, %sign3A_287 : vector<16xi32>
      %sign3A_289 = arith.extui %sign3A_288 : vector<16xi1> to vector<16xi32>
      %sign3A_290 = arith.constant 0 : i32
      %sign3A_291 = vector.broadcast %sign3A_290 : i32 to vector<16xi32>
      %sign3A_292 = arith.cmpi slt, %add3A_269, %sign3A_291 : vector<16xi32>
      %sign3A_293 = arith.extui %sign3A_292 : vector<16xi1> to vector<16xi32>
      %sign3A_294 = arith.subi %sign3A_289, %sign3A_293 : vector<16xi32>
      %sign3A_295 = arith.constant 0 : i32
      %sign3A_296 = arith.cmpi sgt, %jit3A_285, %sign3A_295 : i32
      %sign3A_297 = arith.extui %sign3A_296 : i1 to i32
      %sign3A_298 = arith.constant 0 : i32
      %sign3A_299 = arith.cmpi slt, %jit3A_285, %sign3A_298 : i32
      %sign3A_300 = arith.extui %sign3A_299 : i1 to i32
      %sign3A_301 = arith.subi %sign3A_297, %sign3A_300 : i32
      %ne3A_302 = vector.broadcast %sign3A_301 : i32 to vector<16xi32>
      %ne3A_303 = arith.cmpi ne, %sign3A_294, %ne3A_302 : vector<16xi32>
      %rem3A_304 = vector.broadcast %jit3A_285 : i32 to vector<16xi32>
      %rem3A_305 = arith.remsi %add3A_269, %rem3A_304 : vector<16xi32>
      %ne3A_306 = arith.constant 0 : i32
      %ne3A_307 = vector.broadcast %ne3A_306 : i32 to vector<16xi32>
      %ne3A_308 = arith.cmpi ne, %rem3A_305, %ne3A_307 : vector<16xi32>
      %and3A_309 = arith.andi %ne3A_303, %ne3A_308 : vector<16xi1>
      %sub3A_310 = arith.constant 1 : i32
      %sub3A_311 = vector.broadcast %sub3A_310 : i32 to vector<16xi32>
      %sub3A_312 = arith.subi %div3A_286, %sub3A_311 : vector<16xi32>
      %select_n3A_313 = arith.select %and3A_309, %sub3A_312, %div3A_286 : vector<16xi1>, vector<16xi32>
      %add3A_314 = vector.broadcast %mul3A_284 : i32 to vector<16xi32>
      %add3A_315 = arith.addi %add3A_314, %select_n3A_313 : vector<16xi32>
      %gather3A_316 = tpu.vector_load_idx %arg10[%add3A_315] : memref<128xf32, #tpu.memory_space<vmem>>[vector<16xi32>], vector<16xf32>,
      %div3A_317 = arith.constant -0.105360515 : f32
      %div3A_318 = vector.broadcast %div3A_317 : f32 to vector<16xf32>
      %div3A_319 = arith.divf %div3A_318, %gather3A_316 : vector<16xf32>
      %exp3A = math.exp %div3A_319 : vector<16xf32>
      %sub3A_320 = arith.constant 1.000000e+00 : f32
      %sub3A_321 = vector.broadcast %sub3A_320 : f32 to vector<16xf32>
      %sub3A_322 = arith.subf %sub3A_321, %exp3A : vector<16xf32>
      %ne3A_323 = arith.constant 0 : i32
      %ne3A_324 = vector.broadcast %ne3A_323 : i32 to vector<16xi32>
      %ne3A_325 = arith.cmpi ne, %get3A_273, %ne3A_324 : vector<16xi32>
      %convert_element_type3A_326 = arith.extui %ne3A_325 : vector<16xi1> to vector<16xi32>
      %convert_element_type3A_327 = arith.sitofp %convert_element_type3A_326 : vector<16xi32> to vector<16xf32>
      %mul3A_328 = arith.mulf %sub3A_322, %convert_element_type3A_327 : vector<16xf32>
      %mul3A_329 = arith.mulf %mul3A_328, %gather3A_282 : vector<16xf32>
      %sub3A_330 = arith.subf %convert_element_type3A_327, %mul3A_329 : vector<16xf32>
      %mul3A_331 = arith.mulf %mul3A_328, %gather3A_278 : vector<16xf32>
      %sub3A_332 = arith.subf %sub3A_330, %mul3A_331 : vector<16xf32>
      %add3A_333 = arith.addf %mul3A_329, %sub3A_332 : vector<16xf32>
      %add3A_334 = arith.constant 0 : i32
      %add3A_335 = arith.addi %mul3A_258, %add3A_334 : i32
      %swap3A_336 = arith.index_cast %add3A_335 : i32 to index
      %swap3A_337 = tpu.vector_load %arg19[%swap3A_336] {strides = array<i32>} : memref<800xf32, #tpu.memory_space<vmem>>, vector<16xf32>,
      tpu.vector_store %arg19[%swap3A_336], %add3A_333 {strides = array<i32>} : memref<800xf32, #tpu.memory_space<vmem>>, vector<16xf32>,
      %get3A_338 = arith.constant 0 : index
      %get3A_339 = tpu.vector_load %arg20[%get3A_338] {strides = array<i32>} : memref<16xf32, #tpu.memory_space<vmem>>, vector<16xf32>,
      %mul3A_340 = arith.mulf %mul3A_328, %gather3A_281 : vector<16xf32>
      %add3A_341 = arith.addf %get3A_339, %mul3A_340 : vector<16xf32>
      %mul3A_342 = arith.mulf %sub3A_332, %gather3A_277 : vector<16xf32>
      %add3A_343 = arith.addf %add3A_341, %mul3A_342 : vector<16xf32>
      %swap3A_344 = arith.constant 0 : index
      %swap3A_345 = tpu.vector_load %arg20[%swap3A_344] {strides = array<i32>} : memref<16xf32, #tpu.memory_space<vmem>>, vector<16xf32>,
      tpu.vector_store %arg20[%swap3A_344], %add3A_343 {strides = array<i32>} : memref<16xf32, #tpu.memory_space<vmem>>, vector<16xf32>,
      %get3A_346 = arith.constant 0 : index
      %get3A_347 = tpu.vector_load %arg21[%get3A_346] {strides = array<i32>} : memref<16xf32, #tpu.memory_space<vmem>>, vector<16xf32>,
      %sub3A_348 = arith.constant 1.000000e+00 : f32
      %sub3A_349 = vector.broadcast %sub3A_348 : f32 to vector<16xf32>
      %sub3A_350 = arith.subf %sub3A_349, %convert_element_type3A_327 : vector<16xf32>
      %add3A_351 = arith.addf %get3A_347, %sub3A_350 : vector<16xf32>
      %swap3A_352 = arith.constant 0 : index
      %swap3A_353 = tpu.vector_load %arg21[%swap3A_352] {strides = array<i32>} : memref<16xf32, #tpu.memory_space<vmem>>, vector<16xf32>,
      tpu.vector_store %arg21[%swap3A_352], %add3A_351 {strides = array<i32>} : memref<16xf32, #tpu.memory_space<vmem>>, vector<16xf32>,
      %add3A_354 = arith.constant 16 : i32
      %add3A_355 = arith.addi %mul3A_258, %add3A_354 : i32
      %add3A_356 = vector.broadcast %add3A_355 : i32 to vector<16xi32>
      %add3A_357 = arith.addi %add3A_356, %iota3A : vector<16xi32>
      %add3A_358 = arith.constant 16 : i32
      %add3A_359 = arith.addi %mul3A_258, %add3A_358 : i32
      %get3A_360 = arith.index_cast %add3A_359 : i32 to index
      %get3A_361 = tpu.vector_load %arg9[%get3A_360] {strides = array<i32>} : memref<800xi32, #tpu.memory_space<vmem>>, vector<16xi32>,
      %add3A_362 = arith.constant 16 : i32
      %add3A_363 = vector.broadcast %add3A_362 : i32 to vector<16xi32>
      %add3A_364 = arith.addi %add3A_363, %iota3A : vector<16xi32>
      %gather3A_365 = tpu.vector_load_idx %arg13[%add3A_364, %get3A_361] : memref<80x256xf32, #tpu.memory_space<vmem>>[vector<16xi32>, vector<16xi32>], vector<16xf32>,
      %gather3A_366 = tpu.vector_load_idx %arg15[%add3A_364, %get3A_361] : memref<80x256xf32, #tpu.memory_space<vmem>>[vector<16xi32>, vector<16xi32>], vector<16xf32>,
      %broadcast_in_dim3A_367 = arith.constant 0 : i32
      %broadcast_in_dim3A_368 = vector.broadcast %broadcast_in_dim3A_367 : i32 to vector<16xi32>
      %gather3A_369 = tpu.vector_load_idx %arg17[%add3A_364, %broadcast_in_dim3A_368] : memref<80x16xf32, #tpu.memory_space<vmem>>[vector<16xi32>, vector<16xi32>], vector<16xf32>,
      %gather3A_370 = tpu.vector_load_idx %arg18[%add3A_364, %broadcast_in_dim3A_368] : memref<80x16xf32, #tpu.memory_space<vmem>>[vector<16xi32>, vector<16xi32>], vector<16xf32>,
      %mul3A_371 = arith.constant 4 : i32
      %mul3A_372 = arith.muli %add3A, %mul3A_371 : i32
      %jit3A_373 = arith.constant 200 : i32
      %div3A_374 = vector.broadcast %jit3A_373 : i32 to vector<16xi32>
      %div3A_375 = arith.divsi %add3A_357, %div3A_374 : vector<16xi32>
      %sign3A_376 = arith.constant 0 : i32
      %sign3A_377 = vector.broadcast %sign3A_376 : i32 to vector<16xi32>
      %sign3A_378 = arith.cmpi sgt, %add3A_357, %sign3A_377 : vector<16xi32>
      %sign3A_379 = arith.extui %sign3A_378 : vector<16xi1> to vector<16xi32>
      %sign3A_380 = arith.constant 0 : i32
      %sign3A_381 = vector.broadcast %sign3A_380 : i32 to vector<16xi32>
      %sign3A_382 = arith.cmpi slt, %add3A_357, %sign3A_381 : vector<16xi32>
      %sign3A_383 = arith.extui %sign3A_382 : vector<16xi1> to vector<16xi32>
      %sign3A_384 = arith.subi %sign3A_379, %sign3A_383 : vector<16xi32>
      %sign3A_385 = arith.constant 0 : i32
      %sign3A_386 = arith.cmpi sgt, %jit3A_373, %sign3A_385 : i32
      %sign3A_387 = arith.extui %sign3A_386 : i1 to i32
      %sign3A_388 = arith.constant 0 : i32
      %sign3A_389 = arith.cmpi slt, %jit3A_373, %sign3A_388 : i32
      %sign3A_390 = arith.extui %sign3A_389 : i1 to i32
      %sign3A_391 = arith.subi %sign3A_387, %sign3A_390 : i32
      %ne3A_392 = vector.broadcast %sign3A_391 : i32 to vector<16xi32>
      %ne3A_393 = arith.cmpi ne, %sign3A_384, %ne3A_392 : vector<16xi32>
      %rem3A_394 = vector.broadcast %jit3A_373 : i32 to vector<16xi32>
      %rem3A_395 = arith.remsi %add3A_357, %rem3A_394 : vector<16xi32>
      %ne3A_396 = arith.constant 0 : i32
      %ne3A_397 = vector.broadcast %ne3A_396 : i32 to vector<16xi32>
      %ne3A_398 = arith.cmpi ne, %rem3A_395, %ne3A_397 : vector<16xi32>
      %and3A_399 = arith.andi %ne3A_393, %ne3A_398 : vector<16xi1>
      %sub3A_400 = arith.constant 1 : i32
      %sub3A_401 = vector.broadcast %sub3A_400 : i32 to vector<16xi32>
      %sub3A_402 = arith.subi %div3A_375, %sub3A_401 : vector<16xi32>
      %select_n3A_403 = arith.select %and3A_399, %sub3A_402, %div3A_375 : vector<16xi1>, vector<16xi32>
      %add3A_404 = vector.broadcast %mul3A_372 : i32 to vector<16xi32>
      %add3A_405 = arith.addi %add3A_404, %select_n3A_403 : vector<16xi32>
      %gather3A_406 = tpu.vector_load_idx %arg10[%add3A_405] : memref<128xf32, #tpu.memory_space<vmem>>[vector<16xi32>], vector<16xf32>,
      %div3A_407 = arith.constant -0.105360515 : f32
      %div3A_408 = vector.broadcast %div3A_407 : f32 to vector<16xf32>
      %div3A_409 = arith.divf %div3A_408, %gather3A_406 : vector<16xf32>
      %exp3A_410 = math.exp %div3A_409 : vector<16xf32>
      %sub3A_411 = arith.constant 1.000000e+00 : f32
      %sub3A_412 = vector.broadcast %sub3A_411 : f32 to vector<16xf32>
      %sub3A_413 = arith.subf %sub3A_412, %exp3A_410 : vector<16xf32>
      %ne3A_414 = arith.constant 0 : i32
      %ne3A_415 = vector.broadcast %ne3A_414 : i32 to vector<16xi32>
      %ne3A_416 = arith.cmpi ne, %get3A_361, %ne3A_415 : vector<16xi32>
      %convert_element_type3A_417 = arith.extui %ne3A_416 : vector<16xi1> to vector<16xi32>
      %convert_element_type3A_418 = arith.sitofp %convert_element_type3A_417 : vector<16xi32> to vector<16xf32>
      %mul3A_419 = arith.mulf %sub3A_413, %convert_element_type3A_418 : vector<16xf32>
      %mul3A_420 = arith.mulf %mul3A_419, %gather3A_370 : vector<16xf32>
      %sub3A_421 = arith.subf %convert_element_type3A_418, %mul3A_420 : vector<16xf32>
      %mul3A_422 = arith.mulf %mul3A_419, %gather3A_366 : vector<16xf32>
      %sub3A_423 = arith.subf %sub3A_421, %mul3A_422 : vector<16xf32>
      %add3A_424 = arith.addf %mul3A_420, %sub3A_423 : vector<16xf32>
      %add3A_425 = arith.constant 16 : i32
      %add3A_426 = arith.addi %mul3A_258, %add3A_425 : i32
      %swap3A_427 = arith.index_cast %add3A_426 : i32 to index
      %swap3A_428 = tpu.vector_load %arg19[%swap3A_427] {strides = array<i32>} : memref<800xf32, #tpu.memory_space<vmem>>, vector<16xf32>,
      tpu.vector_store %arg19[%swap3A_427], %add3A_424 {strides = array<i32>} : memref<800xf32, #tpu.memory_space<vmem>>, vector<16xf32>,
      %get3A_429 = arith.constant 0 : index
      %get3A_430 = tpu.vector_load %arg20[%get3A_429] {strides = array<i32>} : memref<16xf32, #tpu.memory_space<vmem>>, vector<16xf32>,
      %mul3A_431 = arith.mulf %mul3A_419, %gather3A_369 : vector<16xf32>
      %add3A_432 = arith.addf %get3A_430, %mul3A_431 : vector<16xf32>
      %mul3A_433 = arith.mulf %sub3A_423, %gather3A_365 : vector<16xf32>
      %add3A_434 = arith.addf %add3A_432, %mul3A_433 : vector<16xf32>
      %swap3A_435 = arith.constant 0 : index
      %swap3A_436 = tpu.vector_load %arg20[%swap3A_435] {strides = array<i32>} : memref<16xf32, #tpu.memory_space<vmem>>, vector<16xf32>,
      tpu.vector_store %arg20[%swap3A_435], %add3A_434 {strides = array<i32>} : memref<16xf32, #tpu.memory_space<vmem>>, vector<16xf32>,
      %get3A_437 = arith.constant 0 : index
      %get3A_438 = tpu.vector_load %arg21[%get3A_437] {strides = array<i32>} : memref<16xf32, #tpu.memory_space<vmem>>, vector<16xf32>,
      %sub3A_439 = arith.constant 1.000000e+00 : f32
      %sub3A_440 = vector.broadcast %sub3A_439 : f32 to vector<16xf32>
      %sub3A_441 = arith.subf %sub3A_440, %convert_element_type3A_418 : vector<16xf32>
      %add3A_442 = arith.addf %get3A_438, %sub3A_441 : vector<16xf32>
      %swap3A_443 = arith.constant 0 : index
      %swap3A_444 = tpu.vector_load %arg21[%swap3A_443] {strides = array<i32>} : memref<16xf32, #tpu.memory_space<vmem>>, vector<16xf32>,
      tpu.vector_store %arg21[%swap3A_443], %add3A_442 {strides = array<i32>} : memref<16xf32, #tpu.memory_space<vmem>>, vector<16xf32>,
      %add3A_445 = arith.constant 32 : i32
      %add3A_446 = arith.addi %mul3A_258, %add3A_445 : i32
      %add3A_447 = vector.broadcast %add3A_446 : i32 to vector<16xi32>
      %add3A_448 = arith.addi %add3A_447, %iota3A : vector<16xi32>
      %add3A_449 = arith.constant 32 : i32
      %add3A_450 = arith.addi %mul3A_258, %add3A_449 : i32
      %get3A_451 = arith.index_cast %add3A_450 : i32 to index
      %get3A_452 = tpu.vector_load %arg9[%get3A_451] {strides = array<i32>} : memref<800xi32, #tpu.memory_space<vmem>>, vector<16xi32>,
      %add3A_453 = arith.constant 32 : i32
      %add3A_454 = vector.broadcast %add3A_453 : i32 to vector<16xi32>
      %add3A_455 = arith.addi %add3A_454, %iota3A : vector<16xi32>
      %gather3A_456 = tpu.vector_load_idx %arg13[%add3A_455, %get3A_452] : memref<80x256xf32, #tpu.memory_space<vmem>>[vector<16xi32>, vector<16xi32>], vector<16xf32>,
      %gather3A_457 = tpu.vector_load_idx %arg15[%add3A_455, %get3A_452] : memref<80x256xf32, #tpu.memory_space<vmem>>[vector<16xi32>, vector<16xi32>], vector<16xf32>,
      %broadcast_in_dim3A_458 = arith.constant 0 : i32
      %broadcast_in_dim3A_459 = vector.broadcast %broadcast_in_dim3A_458 : i32 to vector<16xi32>
      %gather3A_460 = tpu.vector_load_idx %arg17[%add3A_455, %broadcast_in_dim3A_459] : memref<80x16xf32, #tpu.memory_space<vmem>>[vector<16xi32>, vector<16xi32>], vector<16xf32>,
      %gather3A_461 = tpu.vector_load_idx %arg18[%add3A_455, %broadcast_in_dim3A_459] : memref<80x16xf32, #tpu.memory_space<vmem>>[vector<16xi32>, vector<16xi32>], vector<16xf32>,
      %mul3A_462 = arith.constant 4 : i32
      %mul3A_463 = arith.muli %add3A, %mul3A_462 : i32
      %jit3A_464 = arith.constant 200 : i32
      %div3A_465 = vector.broadcast %jit3A_464 : i32 to vector<16xi32>
      %div3A_466 = arith.divsi %add3A_448, %div3A_465 : vector<16xi32>
      %sign3A_467 = arith.constant 0 : i32
      %sign3A_468 = vector.broadcast %sign3A_467 : i32 to vector<16xi32>
      %sign3A_469 = arith.cmpi sgt, %add3A_448, %sign3A_468 : vector<16xi32>
      %sign3A_470 = arith.extui %sign3A_469 : vector<16xi1> to vector<16xi32>
      %sign3A_471 = arith.constant 0 : i32
      %sign3A_472 = vector.broadcast %sign3A_471 : i32 to vector<16xi32>
      %sign3A_473 = arith.cmpi slt, %add3A_448, %sign3A_472 : vector<16xi32>
      %sign3A_474 = arith.extui %sign3A_473 : vector<16xi1> to vector<16xi32>
      %sign3A_475 = arith.subi %sign3A_470, %sign3A_474 : vector<16xi32>
      %sign3A_476 = arith.constant 0 : i32
      %sign3A_477 = arith.cmpi sgt, %jit3A_464, %sign3A_476 : i32
      %sign3A_478 = arith.extui %sign3A_477 : i1 to i32
      %sign3A_479 = arith.constant 0 : i32
      %sign3A_480 = arith.cmpi slt, %jit3A_464, %sign3A_479 : i32
      %sign3A_481 = arith.extui %sign3A_480 : i1 to i32
      %sign3A_482 = arith.subi %sign3A_478, %sign3A_481 : i32
      %ne3A_483 = vector.broadcast %sign3A_482 : i32 to vector<16xi32>
      %ne3A_484 = arith.cmpi ne, %sign3A_475, %ne3A_483 : vector<16xi32>
      %rem3A_485 = vector.broadcast %jit3A_464 : i32 to vector<16xi32>
      %rem3A_486 = arith.remsi %add3A_448, %rem3A_485 : vector<16xi32>
      %ne3A_487 = arith.constant 0 : i32
      %ne3A_488 = vector.broadcast %ne3A_487 : i32 to vector<16xi32>
      %ne3A_489 = arith.cmpi ne, %rem3A_486, %ne3A_488 : vector<16xi32>
      %and3A_490 = arith.andi %ne3A_484, %ne3A_489 : vector<16xi1>
      %sub3A_491 = arith.constant 1 : i32
      %sub3A_492 = vector.broadcast %sub3A_491 : i32 to vector<16xi32>
      %sub3A_493 = arith.subi %div3A_466, %sub3A_492 : vector<16xi32>
      %select_n3A_494 = arith.select %and3A_490, %sub3A_493, %div3A_466 : vector<16xi1>, vector<16xi32>
      %add3A_495 = vector.broadcast %mul3A_463 : i32 to vector<16xi32>
      %add3A_496 = arith.addi %add3A_495, %select_n3A_494 : vector<16xi32>
      %gather3A_497 = tpu.vector_load_idx %arg10[%add3A_496] : memref<128xf32, #tpu.memory_space<vmem>>[vector<16xi32>], vector<16xf32>,
      %div3A_498 = arith.constant -0.105360515 : f32
      %div3A_499 = vector.broadcast %div3A_498 : f32 to vector<16xf32>
      %div3A_500 = arith.divf %div3A_499, %gather3A_497 : vector<16xf32>
      %exp3A_501 = math.exp %div3A_500 : vector<16xf32>
      %sub3A_502 = arith.constant 1.000000e+00 : f32
      %sub3A_503 = vector.broadcast %sub3A_502 : f32 to vector<16xf32>
      %sub3A_504 = arith.subf %sub3A_503, %exp3A_501 : vector<16xf32>
      %ne3A_505 = arith.constant 0 : i32
      %ne3A_506 = vector.broadcast %ne3A_505 : i32 to vector<16xi32>
      %ne3A_507 = arith.cmpi ne, %get3A_452, %ne3A_506 : vector<16xi32>
      %convert_element_type3A_508 = arith.extui %ne3A_507 : vector<16xi1> to vector<16xi32>
      %convert_element_type3A_509 = arith.sitofp %convert_element_type3A_508 : vector<16xi32> to vector<16xf32>
      %mul3A_510 = arith.mulf %sub3A_504, %convert_element_type3A_509 : vector<16xf32>
      %mul3A_511 = arith.mulf %mul3A_510, %gather3A_461 : vector<16xf32>
      %sub3A_512 = arith.subf %convert_element_type3A_509, %mul3A_511 : vector<16xf32>
      %mul3A_513 = arith.mulf %mul3A_510, %gather3A_457 : vector<16xf32>
      %sub3A_514 = arith.subf %sub3A_512, %mul3A_513 : vector<16xf32>
      %add3A_515 = arith.addf %mul3A_511, %sub3A_514 : vector<16xf32>
      %add3A_516 = arith.constant 32 : i32
      %add3A_517 = arith.addi %mul3A_258, %add3A_516 : i32
      %swap3A_518 = arith.index_cast %add3A_517 : i32 to index
      %swap3A_519 = tpu.vector_load %arg19[%swap3A_518] {strides = array<i32>} : memref<800xf32, #tpu.memory_space<vmem>>, vector<16xf32>,
      tpu.vector_store %arg19[%swap3A_518], %add3A_515 {strides = array<i32>} : memref<800xf32, #tpu.memory_space<vmem>>, vector<16xf32>,
      %get3A_520 = arith.constant 0 : index
      %get3A_521 = tpu.vector_load %arg20[%get3A_520] {strides = array<i32>} : memref<16xf32, #tpu.memory_space<vmem>>, vector<16xf32>,
      %mul3A_522 = arith.mulf %mul3A_510, %gather3A_460 : vector<16xf32>
      %add3A_523 = arith.addf %get3A_521, %mul3A_522 : vector<16xf32>
      %mul3A_524 = arith.mulf %sub3A_514, %gather3A_456 : vector<16xf32>
      %add3A_525 = arith.addf %add3A_523, %mul3A_524 : vector<16xf32>
      %swap3A_526 = arith.constant 0 : index
      %swap3A_527 = tpu.vector_load %arg20[%swap3A_526] {strides = array<i32>} : memref<16xf32, #tpu.memory_space<vmem>>, vector<16xf32>,
      tpu.vector_store %arg20[%swap3A_526], %add3A_525 {strides = array<i32>} : memref<16xf32, #tpu.memory_space<vmem>>, vector<16xf32>,
      %get3A_528 = arith.constant 0 : index
      %get3A_529 = tpu.vector_load %arg21[%get3A_528] {strides = array<i32>} : memref<16xf32, #tpu.memory_space<vmem>>, vector<16xf32>,
      %sub3A_530 = arith.constant 1.000000e+00 : f32
      %sub3A_531 = vector.broadcast %sub3A_530 : f32 to vector<16xf32>
      %sub3A_532 = arith.subf %sub3A_531, %convert_element_type3A_509 : vector<16xf32>
      %add3A_533 = arith.addf %get3A_529, %sub3A_532 : vector<16xf32>
      %swap3A_534 = arith.constant 0 : index
      %swap3A_535 = tpu.vector_load %arg21[%swap3A_534] {strides = array<i32>} : memref<16xf32, #tpu.memory_space<vmem>>, vector<16xf32>,
      tpu.vector_store %arg21[%swap3A_534], %add3A_533 {strides = array<i32>} : memref<16xf32, #tpu.memory_space<vmem>>, vector<16xf32>,
      %add3A_536 = arith.constant 48 : i32
      %add3A_537 = arith.addi %mul3A_258, %add3A_536 : i32
      %add3A_538 = vector.broadcast %add3A_537 : i32 to vector<16xi32>
      %add3A_539 = arith.addi %add3A_538, %iota3A : vector<16xi32>
      %add3A_540 = arith.constant 48 : i32
      %add3A_541 = arith.addi %mul3A_258, %add3A_540 : i32
      %get3A_542 = arith.index_cast %add3A_541 : i32 to index
      %get3A_543 = tpu.vector_load %arg9[%get3A_542] {strides = array<i32>} : memref<800xi32, #tpu.memory_space<vmem>>, vector<16xi32>,
      %add3A_544 = arith.constant 48 : i32
      %add3A_545 = vector.broadcast %add3A_544 : i32 to vector<16xi32>
      %add3A_546 = arith.addi %add3A_545, %iota3A : vector<16xi32>
      %gather3A_547 = tpu.vector_load_idx %arg13[%add3A_546, %get3A_543] : memref<80x256xf32, #tpu.memory_space<vmem>>[vector<16xi32>, vector<16xi32>], vector<16xf32>,
      %gather3A_548 = tpu.vector_load_idx %arg15[%add3A_546, %get3A_543] : memref<80x256xf32, #tpu.memory_space<vmem>>[vector<16xi32>, vector<16xi32>], vector<16xf32>,
      %broadcast_in_dim3A_549 = arith.constant 0 : i32
      %broadcast_in_dim3A_550 = vector.broadcast %broadcast_in_dim3A_549 : i32 to vector<16xi32>
      %gather3A_551 = tpu.vector_load_idx %arg17[%add3A_546, %broadcast_in_dim3A_550] : memref<80x16xf32, #tpu.memory_space<vmem>>[vector<16xi32>, vector<16xi32>], vector<16xf32>,
      %gather3A_552 = tpu.vector_load_idx %arg18[%add3A_546, %broadcast_in_dim3A_550] : memref<80x16xf32, #tpu.memory_space<vmem>>[vector<16xi32>, vector<16xi32>], vector<16xf32>,
      %mul3A_553 = arith.constant 4 : i32
      %mul3A_554 = arith.muli %add3A, %mul3A_553 : i32
      %jit3A_555 = arith.constant 200 : i32
      %div3A_556 = vector.broadcast %jit3A_555 : i32 to vector<16xi32>
      %div3A_557 = arith.divsi %add3A_539, %div3A_556 : vector<16xi32>
      %sign3A_558 = arith.constant 0 : i32
      %sign3A_559 = vector.broadcast %sign3A_558 : i32 to vector<16xi32>
      %sign3A_560 = arith.cmpi sgt, %add3A_539, %sign3A_559 : vector<16xi32>
      %sign3A_561 = arith.extui %sign3A_560 : vector<16xi1> to vector<16xi32>
      %sign3A_562 = arith.constant 0 : i32
      %sign3A_563 = vector.broadcast %sign3A_562 : i32 to vector<16xi32>
      %sign3A_564 = arith.cmpi slt, %add3A_539, %sign3A_563 : vector<16xi32>
      %sign3A_565 = arith.extui %sign3A_564 : vector<16xi1> to vector<16xi32>
      %sign3A_566 = arith.subi %sign3A_561, %sign3A_565 : vector<16xi32>
      %sign3A_567 = arith.constant 0 : i32
      %sign3A_568 = arith.cmpi sgt, %jit3A_555, %sign3A_567 : i32
      %sign3A_569 = arith.extui %sign3A_568 : i1 to i32
      %sign3A_570 = arith.constant 0 : i32
      %sign3A_571 = arith.cmpi slt, %jit3A_555, %sign3A_570 : i32
      %sign3A_572 = arith.extui %sign3A_571 : i1 to i32
      %sign3A_573 = arith.subi %sign3A_569, %sign3A_572 : i32
      %ne3A_574 = vector.broadcast %sign3A_573 : i32 to vector<16xi32>
      %ne3A_575 = arith.cmpi ne, %sign3A_566, %ne3A_574 : vector<16xi32>
      %rem3A_576 = vector.broadcast %jit3A_555 : i32 to vector<16xi32>
      %rem3A_577 = arith.remsi %add3A_539, %rem3A_576 : vector<16xi32>
      %ne3A_578 = arith.constant 0 : i32
      %ne3A_579 = vector.broadcast %ne3A_578 : i32 to vector<16xi32>
      %ne3A_580 = arith.cmpi ne, %rem3A_577, %ne3A_579 : vector<16xi32>
      %and3A_581 = arith.andi %ne3A_575, %ne3A_580 : vector<16xi1>
      %sub3A_582 = arith.constant 1 : i32
      %sub3A_583 = vector.broadcast %sub3A_582 : i32 to vector<16xi32>
      %sub3A_584 = arith.subi %div3A_557, %sub3A_583 : vector<16xi32>
      %select_n3A_585 = arith.select %and3A_581, %sub3A_584, %div3A_557 : vector<16xi1>, vector<16xi32>
      %add3A_586 = vector.broadcast %mul3A_554 : i32 to vector<16xi32>
      %add3A_587 = arith.addi %add3A_586, %select_n3A_585 : vector<16xi32>
      %gather3A_588 = tpu.vector_load_idx %arg10[%add3A_587] : memref<128xf32, #tpu.memory_space<vmem>>[vector<16xi32>], vector<16xf32>,
      %div3A_589 = arith.constant -0.105360515 : f32
      %div3A_590 = vector.broadcast %div3A_589 : f32 to vector<16xf32>
      %div3A_591 = arith.divf %div3A_590, %gather3A_588 : vector<16xf32>
      %exp3A_592 = math.exp %div3A_591 : vector<16xf32>
      %sub3A_593 = arith.constant 1.000000e+00 : f32
      %sub3A_594 = vector.broadcast %sub3A_593 : f32 to vector<16xf32>
      %sub3A_595 = arith.subf %sub3A_594, %exp3A_592 : vector<16xf32>
      %ne3A_596 = arith.constant 0 : i32
      %ne3A_597 = vector.broadcast %ne3A_596 : i32 to vector<16xi32>
      %ne3A_598 = arith.cmpi ne, %get3A_543, %ne3A_597 : vector<16xi32>
      %convert_element_type3A_599 = arith.extui %ne3A_598 : vector<16xi1> to vector<16xi32>
      %convert_element_type3A_600 = arith.sitofp %convert_element_type3A_599 : vector<16xi32> to vector<16xf32>
      %mul3A_601 = arith.mulf %sub3A_595, %convert_element_type3A_600 : vector<16xf32>
      %mul3A_602 = arith.mulf %mul3A_601, %gather3A_552 : vector<16xf32>
      %sub3A_603 = arith.subf %convert_element_type3A_600, %mul3A_602 : vector<16xf32>
      %mul3A_604 = arith.mulf %mul3A_601, %gather3A_548 : vector<16xf32>
      %sub3A_605 = arith.subf %sub3A_603, %mul3A_604 : vector<16xf32>
      %add3A_606 = arith.addf %mul3A_602, %sub3A_605 : vector<16xf32>
      %add3A_607 = arith.constant 48 : i32
      %add3A_608 = arith.addi %mul3A_258, %add3A_607 : i32
      %swap3A_609 = arith.index_cast %add3A_608 : i32 to index
      %swap3A_610 = tpu.vector_load %arg19[%swap3A_609] {strides = array<i32>} : memref<800xf32, #tpu.memory_space<vmem>>, vector<16xf32>,
      tpu.vector_store %arg19[%swap3A_609], %add3A_606 {strides = array<i32>} : memref<800xf32, #tpu.memory_space<vmem>>, vector<16xf32>,
      %get3A_611 = arith.constant 0 : index
      %get3A_612 = tpu.vector_load %arg20[%get3A_611] {strides = array<i32>} : memref<16xf32, #tpu.memory_space<vmem>>, vector<16xf32>,
      %mul3A_613 = arith.mulf %mul3A_601, %gather3A_551 : vector<16xf32>
      %add3A_614 = arith.addf %get3A_612, %mul3A_613 : vector<16xf32>
      %mul3A_615 = arith.mulf %sub3A_605, %gather3A_547 : vector<16xf32>
      %add3A_616 = arith.addf %add3A_614, %mul3A_615 : vector<16xf32>
      %swap3A_617 = arith.constant 0 : index
      %swap3A_618 = tpu.vector_load %arg20[%swap3A_617] {strides = array<i32>} : memref<16xf32, #tpu.memory_space<vmem>>, vector<16xf32>,
      tpu.vector_store %arg20[%swap3A_617], %add3A_616 {strides = array<i32>} : memref<16xf32, #tpu.memory_space<vmem>>, vector<16xf32>,
      %get3A_619 = arith.constant 0 : index
      %get3A_620 = tpu.vector_load %arg21[%get3A_619] {strides = array<i32>} : memref<16xf32, #tpu.memory_space<vmem>>, vector<16xf32>,
      %sub3A_621 = arith.constant 1.000000e+00 : f32
      %sub3A_622 = vector.broadcast %sub3A_621 : f32 to vector<16xf32>
      %sub3A_623 = arith.subf %sub3A_622, %convert_element_type3A_600 : vector<16xf32>
      %add3A_624 = arith.addf %get3A_620, %sub3A_623 : vector<16xf32>
      %swap3A_625 = arith.constant 0 : index
      %swap3A_626 = tpu.vector_load %arg21[%swap3A_625] {strides = array<i32>} : memref<16xf32, #tpu.memory_space<vmem>>, vector<16xf32>,
      tpu.vector_store %arg21[%swap3A_625], %add3A_624 {strides = array<i32>} : memref<16xf32, #tpu.memory_space<vmem>>, vector<16xf32>,
      %add3A_627 = arith.constant 64 : i32
      %add3A_628 = arith.addi %mul3A_258, %add3A_627 : i32
      %add3A_629 = vector.broadcast %add3A_628 : i32 to vector<16xi32>
      %add3A_630 = arith.addi %add3A_629, %iota3A : vector<16xi32>
      %add3A_631 = arith.constant 64 : i32
      %add3A_632 = arith.addi %mul3A_258, %add3A_631 : i32
      %get3A_633 = arith.index_cast %add3A_632 : i32 to index
      %get3A_634 = tpu.vector_load %arg9[%get3A_633] {strides = array<i32>} : memref<800xi32, #tpu.memory_space<vmem>>, vector<16xi32>,
      %add3A_635 = arith.constant 64 : i32
      %add3A_636 = vector.broadcast %add3A_635 : i32 to vector<16xi32>
      %add3A_637 = arith.addi %add3A_636, %iota3A : vector<16xi32>
      %gather3A_638 = tpu.vector_load_idx %arg13[%add3A_637, %get3A_634] : memref<80x256xf32, #tpu.memory_space<vmem>>[vector<16xi32>, vector<16xi32>], vector<16xf32>,
      %gather3A_639 = tpu.vector_load_idx %arg15[%add3A_637, %get3A_634] : memref<80x256xf32, #tpu.memory_space<vmem>>[vector<16xi32>, vector<16xi32>], vector<16xf32>,
      %broadcast_in_dim3A_640 = arith.constant 0 : i32
      %broadcast_in_dim3A_641 = vector.broadcast %broadcast_in_dim3A_640 : i32 to vector<16xi32>
      %gather3A_642 = tpu.vector_load_idx %arg17[%add3A_637, %broadcast_in_dim3A_641] : memref<80x16xf32, #tpu.memory_space<vmem>>[vector<16xi32>, vector<16xi32>], vector<16xf32>,
      %gather3A_643 = tpu.vector_load_idx %arg18[%add3A_637, %broadcast_in_dim3A_641] : memref<80x16xf32, #tpu.memory_space<vmem>>[vector<16xi32>, vector<16xi32>], vector<16xf32>,
      %mul3A_644 = arith.constant 4 : i32
      %mul3A_645 = arith.muli %add3A, %mul3A_644 : i32
      %jit3A_646 = arith.constant 200 : i32
      %div3A_647 = vector.broadcast %jit3A_646 : i32 to vector<16xi32>
      %div3A_648 = arith.divsi %add3A_630, %div3A_647 : vector<16xi32>
      %sign3A_649 = arith.constant 0 : i32
      %sign3A_650 = vector.broadcast %sign3A_649 : i32 to vector<16xi32>
      %sign3A_651 = arith.cmpi sgt, %add3A_630, %sign3A_650 : vector<16xi32>
      %sign3A_652 = arith.extui %sign3A_651 : vector<16xi1> to vector<16xi32>
      %sign3A_653 = arith.constant 0 : i32
      %sign3A_654 = vector.broadcast %sign3A_653 : i32 to vector<16xi32>
      %sign3A_655 = arith.cmpi slt, %add3A_630, %sign3A_654 : vector<16xi32>
      %sign3A_656 = arith.extui %sign3A_655 : vector<16xi1> to vector<16xi32>
      %sign3A_657 = arith.subi %sign3A_652, %sign3A_656 : vector<16xi32>
      %sign3A_658 = arith.constant 0 : i32
      %sign3A_659 = arith.cmpi sgt, %jit3A_646, %sign3A_658 : i32
      %sign3A_660 = arith.extui %sign3A_659 : i1 to i32
      %sign3A_661 = arith.constant 0 : i32
      %sign3A_662 = arith.cmpi slt, %jit3A_646, %sign3A_661 : i32
      %sign3A_663 = arith.extui %sign3A_662 : i1 to i32
      %sign3A_664 = arith.subi %sign3A_660, %sign3A_663 : i32
      %ne3A_665 = vector.broadcast %sign3A_664 : i32 to vector<16xi32>
      %ne3A_666 = arith.cmpi ne, %sign3A_657, %ne3A_665 : vector<16xi32>
      %rem3A_667 = vector.broadcast %jit3A_646 : i32 to vector<16xi32>
      %rem3A_668 = arith.remsi %add3A_630, %rem3A_667 : vector<16xi32>
      %ne3A_669 = arith.constant 0 : i32
      %ne3A_670 = vector.broadcast %ne3A_669 : i32 to vector<16xi32>
      %ne3A_671 = arith.cmpi ne, %rem3A_668, %ne3A_670 : vector<16xi32>
      %and3A_672 = arith.andi %ne3A_666, %ne3A_671 : vector<16xi1>
      %sub3A_673 = arith.constant 1 : i32
      %sub3A_674 = vector.broadcast %sub3A_673 : i32 to vector<16xi32>
      %sub3A_675 = arith.subi %div3A_648, %sub3A_674 : vector<16xi32>
      %select_n3A_676 = arith.select %and3A_672, %sub3A_675, %div3A_648 : vector<16xi1>, vector<16xi32>
      %add3A_677 = vector.broadcast %mul3A_645 : i32 to vector<16xi32>
      %add3A_678 = arith.addi %add3A_677, %select_n3A_676 : vector<16xi32>
      %gather3A_679 = tpu.vector_load_idx %arg10[%add3A_678] : memref<128xf32, #tpu.memory_space<vmem>>[vector<16xi32>], vector<16xf32>,
      %div3A_680 = arith.constant -0.105360515 : f32
      %div3A_681 = vector.broadcast %div3A_680 : f32 to vector<16xf32>
      %div3A_682 = arith.divf %div3A_681, %gather3A_679 : vector<16xf32>
      %exp3A_683 = math.exp %div3A_682 : vector<16xf32>
      %sub3A_684 = arith.constant 1.000000e+00 : f32
      %sub3A_685 = vector.broadcast %sub3A_684 : f32 to vector<16xf32>
      %sub3A_686 = arith.subf %sub3A_685, %exp3A_683 : vector<16xf32>
      %ne3A_687 = arith.constant 0 : i32
      %ne3A_688 = vector.broadcast %ne3A_687 : i32 to vector<16xi32>
      %ne3A_689 = arith.cmpi ne, %get3A_634, %ne3A_688 : vector<16xi32>
      %convert_element_type3A_690 = arith.extui %ne3A_689 : vector<16xi1> to vector<16xi32>
      %convert_element_type3A_691 = arith.sitofp %convert_element_type3A_690 : vector<16xi32> to vector<16xf32>
      %mul3A_692 = arith.mulf %sub3A_686, %convert_element_type3A_691 : vector<16xf32>
      %mul3A_693 = arith.mulf %mul3A_692, %gather3A_643 : vector<16xf32>
      %sub3A_694 = arith.subf %convert_element_type3A_691, %mul3A_693 : vector<16xf32>
      %mul3A_695 = arith.mulf %mul3A_692, %gather3A_639 : vector<16xf32>
      %sub3A_696 = arith.subf %sub3A_694, %mul3A_695 : vector<16xf32>
      %add3A_697 = arith.addf %mul3A_693, %sub3A_696 : vector<16xf32>
      %add3A_698 = arith.constant 64 : i32
      %add3A_699 = arith.addi %mul3A_258, %add3A_698 : i32
      %swap3A_700 = arith.index_cast %add3A_699 : i32 to index
      %swap3A_701 = tpu.vector_load %arg19[%swap3A_700] {strides = array<i32>} : memref<800xf32, #tpu.memory_space<vmem>>, vector<16xf32>,
      tpu.vector_store %arg19[%swap3A_700], %add3A_697 {strides = array<i32>} : memref<800xf32, #tpu.memory_space<vmem>>, vector<16xf32>,
      %get3A_702 = arith.constant 0 : index
      %get3A_703 = tpu.vector_load %arg20[%get3A_702] {strides = array<i32>} : memref<16xf32, #tpu.memory_space<vmem>>, vector<16xf32>,
      %mul3A_704 = arith.mulf %mul3A_692, %gather3A_642 : vector<16xf32>
      %add3A_705 = arith.addf %get3A_703, %mul3A_704 : vector<16xf32>
      %mul3A_706 = arith.mulf %sub3A_696, %gather3A_638 : vector<16xf32>
      %add3A_707 = arith.addf %add3A_705, %mul3A_706 : vector<16xf32>
      %swap3A_708 = arith.constant 0 : index
      %swap3A_709 = tpu.vector_load %arg20[%swap3A_708] {strides = array<i32>} : memref<16xf32, #tpu.memory_space<vmem>>, vector<16xf32>,
      tpu.vector_store %arg20[%swap3A_708], %add3A_707 {strides = array<i32>} : memref<16xf32, #tpu.memory_space<vmem>>, vector<16xf32>,
      %get3A_710 = arith.constant 0 : index
      %get3A_711 = tpu.vector_load %arg21[%get3A_710] {strides = array<i32>} : memref<16xf32, #tpu.memory_space<vmem>>, vector<16xf32>,
      %sub3A_712 = arith.constant 1.000000e+00 : f32
      %sub3A_713 = vector.broadcast %sub3A_712 : f32 to vector<16xf32>
      %sub3A_714 = arith.subf %sub3A_713, %convert_element_type3A_691 : vector<16xf32>
      %add3A_715 = arith.addf %get3A_711, %sub3A_714 : vector<16xf32>
      %swap3A_716 = arith.constant 0 : index
      %swap3A_717 = tpu.vector_load %arg21[%swap3A_716] {strides = array<i32>} : memref<16xf32, #tpu.memory_space<vmem>>, vector<16xf32>,
      tpu.vector_store %arg21[%swap3A_716], %add3A_715 {strides = array<i32>} : memref<16xf32, #tpu.memory_space<vmem>>, vector<16xf32>,
      %mul3A_718 = arith.constant 2 : i32
      %mul3A_719 = arith.muli %mul3A_718, %scan3A_240 : i32
      %add3A_720 = arith.constant 1 : i32
      %add3A_721 = arith.addi %mul3A_719, %add3A_720 : i32
      %add3A_722 = arith.constant 1 : i32
      %add3A_723 = arith.addi %add3A_721, %add3A_722 : i32
      %lt3A_724 = arith.constant 10 : i32
      %lt3A_725 = arith.cmpi slt, %add3A_723, %lt3A_724 : i32
      %convert_element_type3A_726 = arith.extui %lt3A_725 : i1 to i32
      %cond3A_727 = arith.constant 0 : i32
      %cond3A_728 = arith.cmpi ne, %convert_element_type3A_726, %cond3A_727 : i32
      scf.if %cond3A_728 {
        %add3A_1203 = arith.constant 1 : i32
        %add3A_1204 = arith.addi %add3A_721, %add3A_1203 : i32
        %mul3A_1205 = arith.constant 80 : i32
        %mul3A_1206 = arith.muli %add3A_1204, %mul3A_1205 : i32
        %add3A_1207 = arith.constant 0 : i32
        %add3A_1208 = arith.addi %mul3A_1206, %add3A_1207 : i32
        %add3A_1209 = vector.broadcast %add3A_1208 : i32 to vector<16xi32>
        %add3A_1210 = arith.addi %add3A_1209, %iota3A : vector<16xi32>
        %add3A_1211 = arith.constant 0 : i32
        %add3A_1212 = arith.addi %mul3A_1206, %add3A_1211 : i32
        %get3A_1213 = arith.index_cast %add3A_1212 : i32 to index
        %get3A_1214 = tpu.vector_load %arg9[%get3A_1213] {strides = array<i32>} : memref<800xi32, #tpu.memory_space<vmem>>, vector<16xi32>,
        %sub3A_1215 = arith.constant 1 : i32
        %sub3A_1216 = vector.broadcast %sub3A_1215 : i32 to vector<16xi32>
        %sub3A_1217 = arith.subi %add3A_1210, %sub3A_1216 : vector<16xi32>
        %max3A_1218 = arith.constant 0 : i32
        %max3A_1219 = vector.broadcast %max3A_1218 : i32 to vector<16xi32>
        %max3A_1220 = arith.maxsi %sub3A_1217, %max3A_1219 : vector<16xi32>
        %gather3A_1221 = tpu.vector_load_idx %arg9[%max3A_1220] : memref<800xi32, #tpu.memory_space<vmem>>[vector<16xi32>], vector<16xi32>,
        %jit3A_1222 = arith.constant 200 : i32
        %eq3A_1223 = arith.constant 0 : i32
        %eq3A_1224 = arith.cmpi eq, %jit3A_1222, %eq3A_1223 : i32
        %jit3A_1225 = arith.constant 1 : i32
        %select_n3A_1226 = arith.select %eq3A_1224, %jit3A_1225, %jit3A_1222 : i32
        %rem3A_1227 = vector.broadcast %select_n3A_1226 : i32 to vector<16xi32>
        %rem3A_1228 = arith.remsi %add3A_1210, %rem3A_1227 : vector<16xi32>
        %ne3A_1229 = arith.constant 0 : i32
        %ne3A_1230 = vector.broadcast %ne3A_1229 : i32 to vector<16xi32>
        %ne3A_1231 = arith.cmpi ne, %rem3A_1228, %ne3A_1230 : vector<16xi32>
        %lt3A_1232 = arith.constant 0 : i32
        %lt3A_1233 = vector.broadcast %lt3A_1232 : i32 to vector<16xi32>
        %lt3A_1234 = arith.cmpi slt, %rem3A_1228, %lt3A_1233 : vector<16xi32>
        %lt3A_1235 = arith.constant 0 : i32
        %lt3A_1236 = arith.cmpi slt, %select_n3A_1226, %lt3A_1235 : i32
        %ne3A_1237 = vector.broadcast %lt3A_1236 : i1 to vector<16xi1>
        %ne3A_1238 = vector.broadcast %ne3A_1237 : vector<16xi1> to vector<16xi1>
        %ne3A_1239 = arith.xori %lt3A_1234, %ne3A_1238 : vector<16xi1>
        %and3A_1240 = arith.andi %ne3A_1239, %ne3A_1231 : vector<16xi1>
        %add3A_1241 = vector.broadcast %select_n3A_1226 : i32 to vector<16xi32>
        %add3A_1242 = arith.addi %rem3A_1228, %add3A_1241 : vector<16xi32>
        %select_n3A_1243 = arith.select %and3A_1240, %add3A_1242, %rem3A_1228 : vector<16xi1>, vector<16xi32>
        %eq3A_1244 = arith.constant 0 : i32
        %eq3A_1245 = vector.broadcast %eq3A_1244 : i32 to vector<16xi32>
        %eq3A_1246 = arith.cmpi eq, %select_n3A_1243, %eq3A_1245 : vector<16xi32>
        %jit3A_1247 = arith.constant 0 : i32
        %broadcast_in_dim3A_1248 = vector.broadcast %jit3A_1247 : i32 to vector<16xi32>
        %select_n3A_1249 = arith.select %eq3A_1246, %broadcast_in_dim3A_1248, %gather3A_1221 : vector<16xi1>, vector<16xi32>
        %mul3A_1250 = arith.constant 256 : i32
        %mul3A_1251 = vector.broadcast %mul3A_1250 : i32 to vector<16xi32>
        %mul3A_1252 = arith.muli %select_n3A_1249, %mul3A_1251 : vector<16xi32>
        %add3A_1253 = arith.addi %mul3A_1252, %get3A_1214 : vector<16xi32>
        %swap3A_1254 = arith.constant 0 : index
        %swap3A_1255 = tpu.vector_load %arg11[%swap3A_1254] {strides = array<i32>} : memref<80xi32, #tpu.memory_space<vmem>>, vector<16xi32>,
        tpu.vector_store %arg11[%swap3A_1254], %add3A_1253 {strides = array<i32>} : memref<80xi32, #tpu.memory_space<vmem>>, vector<16xi32>,
        %add3A_1256 = arith.constant 16 : i32
        %add3A_1257 = arith.addi %mul3A_1206, %add3A_1256 : i32
        %add3A_1258 = vector.broadcast %add3A_1257 : i32 to vector<16xi32>
        %add3A_1259 = arith.addi %add3A_1258, %iota3A : vector<16xi32>
        %add3A_1260 = arith.constant 16 : i32
        %add3A_1261 = arith.addi %mul3A_1206, %add3A_1260 : i32
        %get3A_1262 = arith.index_cast %add3A_1261 : i32 to index
        %get3A_1263 = tpu.vector_load %arg9[%get3A_1262] {strides = array<i32>} : memref<800xi32, #tpu.memory_space<vmem>>, vector<16xi32>,
        %sub3A_1264 = arith.constant 1 : i32
        %sub3A_1265 = vector.broadcast %sub3A_1264 : i32 to vector<16xi32>
        %sub3A_1266 = arith.subi %add3A_1259, %sub3A_1265 : vector<16xi32>
        %max3A_1267 = arith.constant 0 : i32
        %max3A_1268 = vector.broadcast %max3A_1267 : i32 to vector<16xi32>
        %max3A_1269 = arith.maxsi %sub3A_1266, %max3A_1268 : vector<16xi32>
        %gather3A_1270 = tpu.vector_load_idx %arg9[%max3A_1269] : memref<800xi32, #tpu.memory_space<vmem>>[vector<16xi32>], vector<16xi32>,
        %jit3A_1271 = arith.constant 200 : i32
        %eq3A_1272 = arith.constant 0 : i32
        %eq3A_1273 = arith.cmpi eq, %jit3A_1271, %eq3A_1272 : i32
        %jit3A_1274 = arith.constant 1 : i32
        %select_n3A_1275 = arith.select %eq3A_1273, %jit3A_1274, %jit3A_1271 : i32
        %rem3A_1276 = vector.broadcast %select_n3A_1275 : i32 to vector<16xi32>
        %rem3A_1277 = arith.remsi %add3A_1259, %rem3A_1276 : vector<16xi32>
        %ne3A_1278 = arith.constant 0 : i32
        %ne3A_1279 = vector.broadcast %ne3A_1278 : i32 to vector<16xi32>
        %ne3A_1280 = arith.cmpi ne, %rem3A_1277, %ne3A_1279 : vector<16xi32>
        %lt3A_1281 = arith.constant 0 : i32
        %lt3A_1282 = vector.broadcast %lt3A_1281 : i32 to vector<16xi32>
        %lt3A_1283 = arith.cmpi slt, %rem3A_1277, %lt3A_1282 : vector<16xi32>
        %lt3A_1284 = arith.constant 0 : i32
        %lt3A_1285 = arith.cmpi slt, %select_n3A_1275, %lt3A_1284 : i32
        %ne3A_1286 = vector.broadcast %lt3A_1285 : i1 to vector<16xi1>
        %ne3A_1287 = vector.broadcast %ne3A_1286 : vector<16xi1> to vector<16xi1>
        %ne3A_1288 = arith.xori %lt3A_1283, %ne3A_1287 : vector<16xi1>
        %and3A_1289 = arith.andi %ne3A_1288, %ne3A_1280 : vector<16xi1>
        %add3A_1290 = vector.broadcast %select_n3A_1275 : i32 to vector<16xi32>
        %add3A_1291 = arith.addi %rem3A_1277, %add3A_1290 : vector<16xi32>
        %select_n3A_1292 = arith.select %and3A_1289, %add3A_1291, %rem3A_1277 : vector<16xi1>, vector<16xi32>
        %eq3A_1293 = arith.constant 0 : i32
        %eq3A_1294 = vector.broadcast %eq3A_1293 : i32 to vector<16xi32>
        %eq3A_1295 = arith.cmpi eq, %select_n3A_1292, %eq3A_1294 : vector<16xi32>
        %jit3A_1296 = arith.constant 0 : i32
        %broadcast_in_dim3A_1297 = vector.broadcast %jit3A_1296 : i32 to vector<16xi32>
        %select_n3A_1298 = arith.select %eq3A_1295, %broadcast_in_dim3A_1297, %gather3A_1270 : vector<16xi1>, vector<16xi32>
        %mul3A_1299 = arith.constant 256 : i32
        %mul3A_1300 = vector.broadcast %mul3A_1299 : i32 to vector<16xi32>
        %mul3A_1301 = arith.muli %select_n3A_1298, %mul3A_1300 : vector<16xi32>
        %add3A_1302 = arith.addi %mul3A_1301, %get3A_1263 : vector<16xi32>
        %swap3A_1303 = arith.constant 16 : index
        %swap3A_1304 = tpu.vector_load %arg11[%swap3A_1303] {strides = array<i32>} : memref<80xi32, #tpu.memory_space<vmem>>, vector<16xi32>,
        tpu.vector_store %arg11[%swap3A_1303], %add3A_1302 {strides = array<i32>} : memref<80xi32, #tpu.memory_space<vmem>>, vector<16xi32>,
        %add3A_1305 = arith.constant 32 : i32
        %add3A_1306 = arith.addi %mul3A_1206, %add3A_1305 : i32
        %add3A_1307 = vector.broadcast %add3A_1306 : i32 to vector<16xi32>
        %add3A_1308 = arith.addi %add3A_1307, %iota3A : vector<16xi32>
        %add3A_1309 = arith.constant 32 : i32
        %add3A_1310 = arith.addi %mul3A_1206, %add3A_1309 : i32
        %get3A_1311 = arith.index_cast %add3A_1310 : i32 to index
        %get3A_1312 = tpu.vector_load %arg9[%get3A_1311] {strides = array<i32>} : memref<800xi32, #tpu.memory_space<vmem>>, vector<16xi32>,
        %sub3A_1313 = arith.constant 1 : i32
        %sub3A_1314 = vector.broadcast %sub3A_1313 : i32 to vector<16xi32>
        %sub3A_1315 = arith.subi %add3A_1308, %sub3A_1314 : vector<16xi32>
        %max3A_1316 = arith.constant 0 : i32
        %max3A_1317 = vector.broadcast %max3A_1316 : i32 to vector<16xi32>
        %max3A_1318 = arith.maxsi %sub3A_1315, %max3A_1317 : vector<16xi32>
        %gather3A_1319 = tpu.vector_load_idx %arg9[%max3A_1318] : memref<800xi32, #tpu.memory_space<vmem>>[vector<16xi32>], vector<16xi32>,
        %jit3A_1320 = arith.constant 200 : i32
        %eq3A_1321 = arith.constant 0 : i32
        %eq3A_1322 = arith.cmpi eq, %jit3A_1320, %eq3A_1321 : i32
        %jit3A_1323 = arith.constant 1 : i32
        %select_n3A_1324 = arith.select %eq3A_1322, %jit3A_1323, %jit3A_1320 : i32
        %rem3A_1325 = vector.broadcast %select_n3A_1324 : i32 to vector<16xi32>
        %rem3A_1326 = arith.remsi %add3A_1308, %rem3A_1325 : vector<16xi32>
        %ne3A_1327 = arith.constant 0 : i32
        %ne3A_1328 = vector.broadcast %ne3A_1327 : i32 to vector<16xi32>
        %ne3A_1329 = arith.cmpi ne, %rem3A_1326, %ne3A_1328 : vector<16xi32>
        %lt3A_1330 = arith.constant 0 : i32
        %lt3A_1331 = vector.broadcast %lt3A_1330 : i32 to vector<16xi32>
        %lt3A_1332 = arith.cmpi slt, %rem3A_1326, %lt3A_1331 : vector<16xi32>
        %lt3A_1333 = arith.constant 0 : i32
        %lt3A_1334 = arith.cmpi slt, %select_n3A_1324, %lt3A_1333 : i32
        %ne3A_1335 = vector.broadcast %lt3A_1334 : i1 to vector<16xi1>
        %ne3A_1336 = vector.broadcast %ne3A_1335 : vector<16xi1> to vector<16xi1>
        %ne3A_1337 = arith.xori %lt3A_1332, %ne3A_1336 : vector<16xi1>
        %and3A_1338 = arith.andi %ne3A_1337, %ne3A_1329 : vector<16xi1>
        %add3A_1339 = vector.broadcast %select_n3A_1324 : i32 to vector<16xi32>
        %add3A_1340 = arith.addi %rem3A_1326, %add3A_1339 : vector<16xi32>
        %select_n3A_1341 = arith.select %and3A_1338, %add3A_1340, %rem3A_1326 : vector<16xi1>, vector<16xi32>
        %eq3A_1342 = arith.constant 0 : i32
        %eq3A_1343 = vector.broadcast %eq3A_1342 : i32 to vector<16xi32>
        %eq3A_1344 = arith.cmpi eq, %select_n3A_1341, %eq3A_1343 : vector<16xi32>
        %jit3A_1345 = arith.constant 0 : i32
        %broadcast_in_dim3A_1346 = vector.broadcast %jit3A_1345 : i32 to vector<16xi32>
        %select_n3A_1347 = arith.select %eq3A_1344, %broadcast_in_dim3A_1346, %gather3A_1319 : vector<16xi1>, vector<16xi32>
        %mul3A_1348 = arith.constant 256 : i32
        %mul3A_1349 = vector.broadcast %mul3A_1348 : i32 to vector<16xi32>
        %mul3A_1350 = arith.muli %select_n3A_1347, %mul3A_1349 : vector<16xi32>
        %add3A_1351 = arith.addi %mul3A_1350, %get3A_1312 : vector<16xi32>
        %swap3A_1352 = arith.constant 32 : index
        %swap3A_1353 = tpu.vector_load %arg11[%swap3A_1352] {strides = array<i32>} : memref<80xi32, #tpu.memory_space<vmem>>, vector<16xi32>,
        tpu.vector_store %arg11[%swap3A_1352], %add3A_1351 {strides = array<i32>} : memref<80xi32, #tpu.memory_space<vmem>>, vector<16xi32>,
        %add3A_1354 = arith.constant 48 : i32
        %add3A_1355 = arith.addi %mul3A_1206, %add3A_1354 : i32
        %add3A_1356 = vector.broadcast %add3A_1355 : i32 to vector<16xi32>
        %add3A_1357 = arith.addi %add3A_1356, %iota3A : vector<16xi32>
        %add3A_1358 = arith.constant 48 : i32
        %add3A_1359 = arith.addi %mul3A_1206, %add3A_1358 : i32
        %get3A_1360 = arith.index_cast %add3A_1359 : i32 to index
        %get3A_1361 = tpu.vector_load %arg9[%get3A_1360] {strides = array<i32>} : memref<800xi32, #tpu.memory_space<vmem>>, vector<16xi32>,
        %sub3A_1362 = arith.constant 1 : i32
        %sub3A_1363 = vector.broadcast %sub3A_1362 : i32 to vector<16xi32>
        %sub3A_1364 = arith.subi %add3A_1357, %sub3A_1363 : vector<16xi32>
        %max3A_1365 = arith.constant 0 : i32
        %max3A_1366 = vector.broadcast %max3A_1365 : i32 to vector<16xi32>
        %max3A_1367 = arith.maxsi %sub3A_1364, %max3A_1366 : vector<16xi32>
        %gather3A_1368 = tpu.vector_load_idx %arg9[%max3A_1367] : memref<800xi32, #tpu.memory_space<vmem>>[vector<16xi32>], vector<16xi32>,
        %jit3A_1369 = arith.constant 200 : i32
        %eq3A_1370 = arith.constant 0 : i32
        %eq3A_1371 = arith.cmpi eq, %jit3A_1369, %eq3A_1370 : i32
        %jit3A_1372 = arith.constant 1 : i32
        %select_n3A_1373 = arith.select %eq3A_1371, %jit3A_1372, %jit3A_1369 : i32
        %rem3A_1374 = vector.broadcast %select_n3A_1373 : i32 to vector<16xi32>
        %rem3A_1375 = arith.remsi %add3A_1357, %rem3A_1374 : vector<16xi32>
        %ne3A_1376 = arith.constant 0 : i32
        %ne3A_1377 = vector.broadcast %ne3A_1376 : i32 to vector<16xi32>
        %ne3A_1378 = arith.cmpi ne, %rem3A_1375, %ne3A_1377 : vector<16xi32>
        %lt3A_1379 = arith.constant 0 : i32
        %lt3A_1380 = vector.broadcast %lt3A_1379 : i32 to vector<16xi32>
        %lt3A_1381 = arith.cmpi slt, %rem3A_1375, %lt3A_1380 : vector<16xi32>
        %lt3A_1382 = arith.constant 0 : i32
        %lt3A_1383 = arith.cmpi slt, %select_n3A_1373, %lt3A_1382 : i32
        %ne3A_1384 = vector.broadcast %lt3A_1383 : i1 to vector<16xi1>
        %ne3A_1385 = vector.broadcast %ne3A_1384 : vector<16xi1> to vector<16xi1>
        %ne3A_1386 = arith.xori %lt3A_1381, %ne3A_1385 : vector<16xi1>
        %and3A_1387 = arith.andi %ne3A_1386, %ne3A_1378 : vector<16xi1>
        %add3A_1388 = vector.broadcast %select_n3A_1373 : i32 to vector<16xi32>
        %add3A_1389 = arith.addi %rem3A_1375, %add3A_1388 : vector<16xi32>
        %select_n3A_1390 = arith.select %and3A_1387, %add3A_1389, %rem3A_1375 : vector<16xi1>, vector<16xi32>
        %eq3A_1391 = arith.constant 0 : i32
        %eq3A_1392 = vector.broadcast %eq3A_1391 : i32 to vector<16xi32>
        %eq3A_1393 = arith.cmpi eq, %select_n3A_1390, %eq3A_1392 : vector<16xi32>
        %jit3A_1394 = arith.constant 0 : i32
        %broadcast_in_dim3A_1395 = vector.broadcast %jit3A_1394 : i32 to vector<16xi32>
        %select_n3A_1396 = arith.select %eq3A_1393, %broadcast_in_dim3A_1395, %gather3A_1368 : vector<16xi1>, vector<16xi32>
        %mul3A_1397 = arith.constant 256 : i32
        %mul3A_1398 = vector.broadcast %mul3A_1397 : i32 to vector<16xi32>
        %mul3A_1399 = arith.muli %select_n3A_1396, %mul3A_1398 : vector<16xi32>
        %add3A_1400 = arith.addi %mul3A_1399, %get3A_1361 : vector<16xi32>
        %swap3A_1401 = arith.constant 48 : index
        %swap3A_1402 = tpu.vector_load %arg11[%swap3A_1401] {strides = array<i32>} : memref<80xi32, #tpu.memory_space<vmem>>, vector<16xi32>,
        tpu.vector_store %arg11[%swap3A_1401], %add3A_1400 {strides = array<i32>} : memref<80xi32, #tpu.memory_space<vmem>>, vector<16xi32>,
        %add3A_1403 = arith.constant 64 : i32
        %add3A_1404 = arith.addi %mul3A_1206, %add3A_1403 : i32
        %add3A_1405 = vector.broadcast %add3A_1404 : i32 to vector<16xi32>
        %add3A_1406 = arith.addi %add3A_1405, %iota3A : vector<16xi32>
        %add3A_1407 = arith.constant 64 : i32
        %add3A_1408 = arith.addi %mul3A_1206, %add3A_1407 : i32
        %get3A_1409 = arith.index_cast %add3A_1408 : i32 to index
        %get3A_1410 = tpu.vector_load %arg9[%get3A_1409] {strides = array<i32>} : memref<800xi32, #tpu.memory_space<vmem>>, vector<16xi32>,
        %sub3A_1411 = arith.constant 1 : i32
        %sub3A_1412 = vector.broadcast %sub3A_1411 : i32 to vector<16xi32>
        %sub3A_1413 = arith.subi %add3A_1406, %sub3A_1412 : vector<16xi32>
        %max3A_1414 = arith.constant 0 : i32
        %max3A_1415 = vector.broadcast %max3A_1414 : i32 to vector<16xi32>
        %max3A_1416 = arith.maxsi %sub3A_1413, %max3A_1415 : vector<16xi32>
        %gather3A_1417 = tpu.vector_load_idx %arg9[%max3A_1416] : memref<800xi32, #tpu.memory_space<vmem>>[vector<16xi32>], vector<16xi32>,
        %jit3A_1418 = arith.constant 200 : i32
        %eq3A_1419 = arith.constant 0 : i32
        %eq3A_1420 = arith.cmpi eq, %jit3A_1418, %eq3A_1419 : i32
        %jit3A_1421 = arith.constant 1 : i32
        %select_n3A_1422 = arith.select %eq3A_1420, %jit3A_1421, %jit3A_1418 : i32
        %rem3A_1423 = vector.broadcast %select_n3A_1422 : i32 to vector<16xi32>
        %rem3A_1424 = arith.remsi %add3A_1406, %rem3A_1423 : vector<16xi32>
        %ne3A_1425 = arith.constant 0 : i32
        %ne3A_1426 = vector.broadcast %ne3A_1425 : i32 to vector<16xi32>
        %ne3A_1427 = arith.cmpi ne, %rem3A_1424, %ne3A_1426 : vector<16xi32>
        %lt3A_1428 = arith.constant 0 : i32
        %lt3A_1429 = vector.broadcast %lt3A_1428 : i32 to vector<16xi32>
        %lt3A_1430 = arith.cmpi slt, %rem3A_1424, %lt3A_1429 : vector<16xi32>
        %lt3A_1431 = arith.constant 0 : i32
        %lt3A_1432 = arith.cmpi slt, %select_n3A_1422, %lt3A_1431 : i32
        %ne3A_1433 = vector.broadcast %lt3A_1432 : i1 to vector<16xi1>
        %ne3A_1434 = vector.broadcast %ne3A_1433 : vector<16xi1> to vector<16xi1>
        %ne3A_1435 = arith.xori %lt3A_1430, %ne3A_1434 : vector<16xi1>
        %and3A_1436 = arith.andi %ne3A_1435, %ne3A_1427 : vector<16xi1>
        %add3A_1437 = vector.broadcast %select_n3A_1422 : i32 to vector<16xi32>
        %add3A_1438 = arith.addi %rem3A_1424, %add3A_1437 : vector<16xi32>
        %select_n3A_1439 = arith.select %and3A_1436, %add3A_1438, %rem3A_1424 : vector<16xi1>, vector<16xi32>
        %eq3A_1440 = arith.constant 0 : i32
        %eq3A_1441 = vector.broadcast %eq3A_1440 : i32 to vector<16xi32>
        %eq3A_1442 = arith.cmpi eq, %select_n3A_1439, %eq3A_1441 : vector<16xi32>
        %jit3A_1443 = arith.constant 0 : i32
        %broadcast_in_dim3A_1444 = vector.broadcast %jit3A_1443 : i32 to vector<16xi32>
        %select_n3A_1445 = arith.select %eq3A_1442, %broadcast_in_dim3A_1444, %gather3A_1417 : vector<16xi1>, vector<16xi32>
        %mul3A_1446 = arith.constant 256 : i32
        %mul3A_1447 = vector.broadcast %mul3A_1446 : i32 to vector<16xi32>
        %mul3A_1448 = arith.muli %select_n3A_1445, %mul3A_1447 : vector<16xi32>
        %add3A_1449 = arith.addi %mul3A_1448, %get3A_1410 : vector<16xi32>
        %swap3A_1450 = arith.constant 64 : index
        %swap3A_1451 = tpu.vector_load %arg11[%swap3A_1450] {strides = array<i32>} : memref<80xi32, #tpu.memory_space<vmem>>, vector<16xi32>,
        tpu.vector_store %arg11[%swap3A_1450], %add3A_1449 {strides = array<i32>} : memref<80xi32, #tpu.memory_space<vmem>>, vector<16xi32>,
        %dma_start3A_1452 = arith.constant 0 : i32
        %dma_start3A_1453 = arith.constant 0 : i32
        %dma_start3A_1454 = tpu.memref_slice %arg3[%dma_start3A_1452, %dma_start3A_1453] : memref<65536x256xf32, #tpu.memory_space<hbm>> -> memref<65536x256xf32, #tpu.memory_space<hbm>>
        tpu.enqueue_indirect_dma source(%dma_start3A_1454 : memref<65536x256xf32, #tpu.memory_space<hbm>>) target(%arg15 : memref<80x256xf32, #tpu.memory_space<vmem>>) offsets(%arg11 : memref<80xi32, #tpu.memory_space<vmem>>) semaphore(%arg24 : memref<!tpu.dma_semaphore, #tpu.memory_space<semaphore_mem>>)
        %mul3A_1455 = arith.constant 80 : i32
        %mul3A_1456 = arith.muli %add3A_1204, %mul3A_1455 : i32
        %add3A_1457 = arith.addi %mul3A_2, %mul3A_1456 : i32
        %dma_start3A_1458 = arith.constant 0 : i32
        %dma_start3A_1459 = tpu.memref_slice %arg2[%add3A_1457, %dma_start3A_1458] : memref<25600x256xf32, #tpu.memory_space<hbm>> -> memref<80x256xf32, #tpu.memory_space<hbm>>
        %dma_start3A_1460 = arith.constant 0 : i32
        %dma_start3A_1461 = tpu.memref_slice %arg2[%add3A_1457, %dma_start3A_1460] : memref<25600x256xf32, #tpu.memory_space<hbm>> -> memref<80x256xf32, #tpu.memory_space<hbm>>
        tpu.enqueue_dma source(%dma_start3A_1461 : memref<80x256xf32, #tpu.memory_space<hbm>>) target(%arg13 : memref<80x256xf32, #tpu.memory_space<vmem>>) target_semaphore(%arg22 : memref<!tpu.dma_semaphore, #tpu.memory_space<semaphore_mem>>)
      } else {
      }
      %dma_wait3A_729 = arith.constant 0 : i32
      %dma_wait3A_730 = arith.constant 0 : i32
      %dma_wait3A_731 = tpu.memref_slice %arg3[%dma_wait3A_729, %dma_wait3A_730] : memref<65536x256xf32, #tpu.memory_space<hbm>> -> memref<65536x256xf32, #tpu.memory_space<hbm>>
      tpu.wait_indirect_dma semaphore(%arg25 : memref<!tpu.dma_semaphore, #tpu.memory_space<semaphore_mem>>) src(%dma_wait3A_731 : memref<65536x256xf32, #tpu.memory_space<hbm>>) dst(%arg16 : memref<80x256xf32, #tpu.memory_space<vmem>>)
      %dma_wait3A_732 = arith.constant 0 : i32
      %dma_wait3A_733 = arith.constant 0 : i32
      %dma_wait3A_734 = tpu.memref_slice %arg2[%dma_wait3A_732, %dma_wait3A_733] : memref<25600x256xf32, #tpu.memory_space<hbm>> -> memref<80x256xf32, #tpu.memory_space<hbm>>
      %dma_wait3A_735 = arith.constant 0 : i32
      %dma_wait3A_736 = arith.constant 0 : i32
      %dma_wait3A_737 = tpu.memref_slice %arg2[%dma_wait3A_735, %dma_wait3A_736] : memref<25600x256xf32, #tpu.memory_space<hbm>> -> memref<80x256xf32, #tpu.memory_space<hbm>>
      tpu.wait_dma2 semaphore(%arg23 : memref<!tpu.dma_semaphore, #tpu.memory_space<semaphore_mem>>) src(%dma_wait3A_737 : memref<80x256xf32, #tpu.memory_space<hbm>>) dst(%arg14 : memref<80x256xf32, #tpu.memory_space<vmem>>)
      %mul3A_738 = arith.constant 80 : i32
      %mul3A_739 = arith.muli %add3A_721, %mul3A_738 : i32
      %scan3A_740 = arith.constant 0 : i32
      %scan3A_741 = arith.constant 0 : i32
      %scan3A_742 = arith.constant 80 : i32
      %scan3A_743 = arith.addi %scan3A_741, %scan3A_742 : i32
      %scan3A_744 = arith.constant 4 : i32
      %scan3A_745 = scf.for %scan3A_1203 = %scan3A_741 to %scan3A_743 step %scan3A_744 iter_args(%scan3A_1204 = %scan3A_740) -> (i32)  : i32 {
        %get3A_1205 = arith.index_cast %scan3A_1203 : i32 to index
        %get3A_1206 = arith.constant 0 : index
        %get3A_1207 = tpu.vector_load %arg16[%get3A_1205, %get3A_1206] {strides = array<i32>} : memref<80x256xf32, #tpu.memory_space<vmem>>, vector<16xf32>,
        %get3A_1208 = arith.index_cast %scan3A_1203 : i32 to index
        %get3A_1209 = arith.constant 0 : index
        %get3A_1210 = tpu.vector_load %arg14[%get3A_1208, %get3A_1209] {strides = array<i32>} : memref<80x256xf32, #tpu.memory_space<vmem>>, vector<16xf32>,
        %mul3A_1211 = arith.mulf %get3A_1207, %get3A_1210 : vector<16xf32>
        %get3A_1212 = arith.index_cast %scan3A_1203 : i32 to index
        %get3A_1213 = arith.constant 16 : index
        %get3A_1214 = tpu.vector_load %arg16[%get3A_1212, %get3A_1213] {strides = array<i32>} : memref<80x256xf32, #tpu.memory_space<vmem>>, vector<16xf32>,
        %get3A_1215 = arith.index_cast %scan3A_1203 : i32 to index
        %get3A_1216 = arith.constant 16 : index
        %get3A_1217 = tpu.vector_load %arg14[%get3A_1215, %get3A_1216] {strides = array<i32>} : memref<80x256xf32, #tpu.memory_space<vmem>>, vector<16xf32>,
        %mul3A_1218 = arith.mulf %get3A_1214, %get3A_1217 : vector<16xf32>
        %add3A_1219 = arith.addf %mul3A_1211, %mul3A_1218 : vector<16xf32>
        %add3A_1220 = arith.addf %get3A_1207, %get3A_1214 : vector<16xf32>
        %get3A_1221 = arith.index_cast %scan3A_1203 : i32 to index
        %get3A_1222 = arith.constant 32 : index
        %get3A_1223 = tpu.vector_load %arg16[%get3A_1221, %get3A_1222] {strides = array<i32>} : memref<80x256xf32, #tpu.memory_space<vmem>>, vector<16xf32>,
        %get3A_1224 = arith.index_cast %scan3A_1203 : i32 to index
        %get3A_1225 = arith.constant 32 : index
        %get3A_1226 = tpu.vector_load %arg14[%get3A_1224, %get3A_1225] {strides = array<i32>} : memref<80x256xf32, #tpu.memory_space<vmem>>, vector<16xf32>,
        %mul3A_1227 = arith.mulf %get3A_1223, %get3A_1226 : vector<16xf32>
        %add3A_1228 = arith.addf %add3A_1219, %mul3A_1227 : vector<16xf32>
        %add3A_1229 = arith.addf %add3A_1220, %get3A_1223 : vector<16xf32>
        %get3A_1230 = arith.index_cast %scan3A_1203 : i32 to index
        %get3A_1231 = arith.constant 48 : index
        %get3A_1232 = tpu.vector_load %arg16[%get3A_1230, %get3A_1231] {strides = array<i32>} : memref<80x256xf32, #tpu.memory_space<vmem>>, vector<16xf32>,
        %get3A_1233 = arith.index_cast %scan3A_1203 : i32 to index
        %get3A_1234 = arith.constant 48 : index
        %get3A_1235 = tpu.vector_load %arg14[%get3A_1233, %get3A_1234] {strides = array<i32>} : memref<80x256xf32, #tpu.memory_space<vmem>>, vector<16xf32>,
        %mul3A_1236 = arith.mulf %get3A_1232, %get3A_1235 : vector<16xf32>
        %add3A_1237 = arith.addf %add3A_1228, %mul3A_1236 : vector<16xf32>
        %add3A_1238 = arith.addf %add3A_1229, %get3A_1232 : vector<16xf32>
        %get3A_1239 = arith.index_cast %scan3A_1203 : i32 to index
        %get3A_1240 = arith.constant 64 : index
        %get3A_1241 = tpu.vector_load %arg16[%get3A_1239, %get3A_1240] {strides = array<i32>} : memref<80x256xf32, #tpu.memory_space<vmem>>, vector<16xf32>,
        %get3A_1242 = arith.index_cast %scan3A_1203 : i32 to index
        %get3A_1243 = arith.constant 64 : index
        %get3A_1244 = tpu.vector_load %arg14[%get3A_1242, %get3A_1243] {strides = array<i32>} : memref<80x256xf32, #tpu.memory_space<vmem>>, vector<16xf32>,
        %mul3A_1245 = arith.mulf %get3A_1241, %get3A_1244 : vector<16xf32>
        %add3A_1246 = arith.addf %add3A_1237, %mul3A_1245 : vector<16xf32>
        %add3A_1247 = arith.addf %add3A_1238, %get3A_1241 : vector<16xf32>
        %get3A_1248 = arith.index_cast %scan3A_1203 : i32 to index
        %get3A_1249 = arith.constant 80 : index
        %get3A_1250 = tpu.vector_load %arg16[%get3A_1248, %get3A_1249] {strides = array<i32>} : memref<80x256xf32, #tpu.memory_space<vmem>>, vector<16xf32>,
        %get3A_1251 = arith.index_cast %scan3A_1203 : i32 to index
        %get3A_1252 = arith.constant 80 : index
        %get3A_1253 = tpu.vector_load %arg14[%get3A_1251, %get3A_1252] {strides = array<i32>} : memref<80x256xf32, #tpu.memory_space<vmem>>, vector<16xf32>,
        %mul3A_1254 = arith.mulf %get3A_1250, %get3A_1253 : vector<16xf32>
        %add3A_1255 = arith.addf %add3A_1246, %mul3A_1254 : vector<16xf32>
        %add3A_1256 = arith.addf %add3A_1247, %get3A_1250 : vector<16xf32>
        %get3A_1257 = arith.index_cast %scan3A_1203 : i32 to index
        %get3A_1258 = arith.constant 96 : index
        %get3A_1259 = tpu.vector_load %arg16[%get3A_1257, %get3A_1258] {strides = array<i32>} : memref<80x256xf32, #tpu.memory_space<vmem>>, vector<16xf32>,
        %get3A_1260 = arith.index_cast %scan3A_1203 : i32 to index
        %get3A_1261 = arith.constant 96 : index
        %get3A_1262 = tpu.vector_load %arg14[%get3A_1260, %get3A_1261] {strides = array<i32>} : memref<80x256xf32, #tpu.memory_space<vmem>>, vector<16xf32>,
        %mul3A_1263 = arith.mulf %get3A_1259, %get3A_1262 : vector<16xf32>
        %add3A_1264 = arith.addf %add3A_1255, %mul3A_1263 : vector<16xf32>
        %add3A_1265 = arith.addf %add3A_1256, %get3A_1259 : vector<16xf32>
        %get3A_1266 = arith.index_cast %scan3A_1203 : i32 to index
        %get3A_1267 = arith.constant 112 : index
        %get3A_1268 = tpu.vector_load %arg16[%get3A_1266, %get3A_1267] {strides = array<i32>} : memref<80x256xf32, #tpu.memory_space<vmem>>, vector<16xf32>,
        %get3A_1269 = arith.index_cast %scan3A_1203 : i32 to index
        %get3A_1270 = arith.constant 112 : index
        %get3A_1271 = tpu.vector_load %arg14[%get3A_1269, %get3A_1270] {strides = array<i32>} : memref<80x256xf32, #tpu.memory_space<vmem>>, vector<16xf32>,
        %mul3A_1272 = arith.mulf %get3A_1268, %get3A_1271 : vector<16xf32>
        %add3A_1273 = arith.addf %add3A_1264, %mul3A_1272 : vector<16xf32>
        %add3A_1274 = arith.addf %add3A_1265, %get3A_1268 : vector<16xf32>
        %get3A_1275 = arith.index_cast %scan3A_1203 : i32 to index
        %get3A_1276 = arith.constant 128 : index
        %get3A_1277 = tpu.vector_load %arg16[%get3A_1275, %get3A_1276] {strides = array<i32>} : memref<80x256xf32, #tpu.memory_space<vmem>>, vector<16xf32>,
        %get3A_1278 = arith.index_cast %scan3A_1203 : i32 to index
        %get3A_1279 = arith.constant 128 : index
        %get3A_1280 = tpu.vector_load %arg14[%get3A_1278, %get3A_1279] {strides = array<i32>} : memref<80x256xf32, #tpu.memory_space<vmem>>, vector<16xf32>,
        %mul3A_1281 = arith.mulf %get3A_1277, %get3A_1280 : vector<16xf32>
        %add3A_1282 = arith.addf %add3A_1273, %mul3A_1281 : vector<16xf32>
        %add3A_1283 = arith.addf %add3A_1274, %get3A_1277 : vector<16xf32>
        %get3A_1284 = arith.index_cast %scan3A_1203 : i32 to index
        %get3A_1285 = arith.constant 144 : index
        %get3A_1286 = tpu.vector_load %arg16[%get3A_1284, %get3A_1285] {strides = array<i32>} : memref<80x256xf32, #tpu.memory_space<vmem>>, vector<16xf32>,
        %get3A_1287 = arith.index_cast %scan3A_1203 : i32 to index
        %get3A_1288 = arith.constant 144 : index
        %get3A_1289 = tpu.vector_load %arg14[%get3A_1287, %get3A_1288] {strides = array<i32>} : memref<80x256xf32, #tpu.memory_space<vmem>>, vector<16xf32>,
        %mul3A_1290 = arith.mulf %get3A_1286, %get3A_1289 : vector<16xf32>
        %add3A_1291 = arith.addf %add3A_1282, %mul3A_1290 : vector<16xf32>
        %add3A_1292 = arith.addf %add3A_1283, %get3A_1286 : vector<16xf32>
        %get3A_1293 = arith.index_cast %scan3A_1203 : i32 to index
        %get3A_1294 = arith.constant 160 : index
        %get3A_1295 = tpu.vector_load %arg16[%get3A_1293, %get3A_1294] {strides = array<i32>} : memref<80x256xf32, #tpu.memory_space<vmem>>, vector<16xf32>,
        %get3A_1296 = arith.index_cast %scan3A_1203 : i32 to index
        %get3A_1297 = arith.constant 160 : index
        %get3A_1298 = tpu.vector_load %arg14[%get3A_1296, %get3A_1297] {strides = array<i32>} : memref<80x256xf32, #tpu.memory_space<vmem>>, vector<16xf32>,
        %mul3A_1299 = arith.mulf %get3A_1295, %get3A_1298 : vector<16xf32>
        %add3A_1300 = arith.addf %add3A_1291, %mul3A_1299 : vector<16xf32>
        %add3A_1301 = arith.addf %add3A_1292, %get3A_1295 : vector<16xf32>
        %get3A_1302 = arith.index_cast %scan3A_1203 : i32 to index
        %get3A_1303 = arith.constant 176 : index
        %get3A_1304 = tpu.vector_load %arg16[%get3A_1302, %get3A_1303] {strides = array<i32>} : memref<80x256xf32, #tpu.memory_space<vmem>>, vector<16xf32>,
        %get3A_1305 = arith.index_cast %scan3A_1203 : i32 to index
        %get3A_1306 = arith.constant 176 : index
        %get3A_1307 = tpu.vector_load %arg14[%get3A_1305, %get3A_1306] {strides = array<i32>} : memref<80x256xf32, #tpu.memory_space<vmem>>, vector<16xf32>,
        %mul3A_1308 = arith.mulf %get3A_1304, %get3A_1307 : vector<16xf32>
        %add3A_1309 = arith.addf %add3A_1300, %mul3A_1308 : vector<16xf32>
        %add3A_1310 = arith.addf %add3A_1301, %get3A_1304 : vector<16xf32>
        %get3A_1311 = arith.index_cast %scan3A_1203 : i32 to index
        %get3A_1312 = arith.constant 192 : index
        %get3A_1313 = tpu.vector_load %arg16[%get3A_1311, %get3A_1312] {strides = array<i32>} : memref<80x256xf32, #tpu.memory_space<vmem>>, vector<16xf32>,
        %get3A_1314 = arith.index_cast %scan3A_1203 : i32 to index
        %get3A_1315 = arith.constant 192 : index
        %get3A_1316 = tpu.vector_load %arg14[%get3A_1314, %get3A_1315] {strides = array<i32>} : memref<80x256xf32, #tpu.memory_space<vmem>>, vector<16xf32>,
        %mul3A_1317 = arith.mulf %get3A_1313, %get3A_1316 : vector<16xf32>
        %add3A_1318 = arith.addf %add3A_1309, %mul3A_1317 : vector<16xf32>
        %add3A_1319 = arith.addf %add3A_1310, %get3A_1313 : vector<16xf32>
        %get3A_1320 = arith.index_cast %scan3A_1203 : i32 to index
        %get3A_1321 = arith.constant 208 : index
        %get3A_1322 = tpu.vector_load %arg16[%get3A_1320, %get3A_1321] {strides = array<i32>} : memref<80x256xf32, #tpu.memory_space<vmem>>, vector<16xf32>,
        %get3A_1323 = arith.index_cast %scan3A_1203 : i32 to index
        %get3A_1324 = arith.constant 208 : index
        %get3A_1325 = tpu.vector_load %arg14[%get3A_1323, %get3A_1324] {strides = array<i32>} : memref<80x256xf32, #tpu.memory_space<vmem>>, vector<16xf32>,
        %mul3A_1326 = arith.mulf %get3A_1322, %get3A_1325 : vector<16xf32>
        %add3A_1327 = arith.addf %add3A_1318, %mul3A_1326 : vector<16xf32>
        %add3A_1328 = arith.addf %add3A_1319, %get3A_1322 : vector<16xf32>
        %get3A_1329 = arith.index_cast %scan3A_1203 : i32 to index
        %get3A_1330 = arith.constant 224 : index
        %get3A_1331 = tpu.vector_load %arg16[%get3A_1329, %get3A_1330] {strides = array<i32>} : memref<80x256xf32, #tpu.memory_space<vmem>>, vector<16xf32>,
        %get3A_1332 = arith.index_cast %scan3A_1203 : i32 to index
        %get3A_1333 = arith.constant 224 : index
        %get3A_1334 = tpu.vector_load %arg14[%get3A_1332, %get3A_1333] {strides = array<i32>} : memref<80x256xf32, #tpu.memory_space<vmem>>, vector<16xf32>,
        %mul3A_1335 = arith.mulf %get3A_1331, %get3A_1334 : vector<16xf32>
        %add3A_1336 = arith.addf %add3A_1327, %mul3A_1335 : vector<16xf32>
        %add3A_1337 = arith.addf %add3A_1328, %get3A_1331 : vector<16xf32>
        %get3A_1338 = arith.index_cast %scan3A_1203 : i32 to index
        %get3A_1339 = arith.constant 240 : index
        %get3A_1340 = tpu.vector_load %arg16[%get3A_1338, %get3A_1339] {strides = array<i32>} : memref<80x256xf32, #tpu.memory_space<vmem>>, vector<16xf32>,
        %get3A_1341 = arith.index_cast %scan3A_1203 : i32 to index
        %get3A_1342 = arith.constant 240 : index
        %get3A_1343 = tpu.vector_load %arg14[%get3A_1341, %get3A_1342] {strides = array<i32>} : memref<80x256xf32, #tpu.memory_space<vmem>>, vector<16xf32>,
        %mul3A_1344 = arith.mulf %get3A_1340, %get3A_1343 : vector<16xf32>
        %add3A_1345 = arith.addf %add3A_1336, %mul3A_1344 : vector<16xf32>
        %add3A_1346 = arith.addf %add3A_1337, %get3A_1340 : vector<16xf32>
        %reduce_sum3A = arith.constant true
        %reduce_sum3A_1347 = vector.broadcast %reduce_sum3A : i1 to vector<16xi1>
        %reduce_sum3A_1348 = tpu.scan <sum>, %add3A_1345 masked %reduce_sum3A_1347 : vector<16xf32>, vector<16xi1> -> vector<16xf32>
        %reduce_sum3A_1349 = vector.extract %reduce_sum3A_1348[15] : f32 from vector<16xf32>
        %broadcast_in_dim3A_1350 = vector.broadcast %reduce_sum3A_1349 : f32 to vector<16xf32>
        %swap3A_1351 = arith.index_cast %scan3A_1203 : i32 to index
        %swap3A_1352 = arith.constant 0 : index
        %swap3A_1353 = tpu.vector_load %arg17[%swap3A_1351, %swap3A_1352] {strides = array<i32>} : memref<80x16xf32, #tpu.memory_space<vmem>>, vector<16xf32>,
        tpu.vector_store %arg17[%swap3A_1351, %swap3A_1352], %broadcast_in_dim3A_1350 {strides = array<i32>} : memref<80x16xf32, #tpu.memory_space<vmem>>, vector<16xf32>,
        %reduce_sum3A_1354 = arith.constant true
        %reduce_sum3A_1355 = vector.broadcast %reduce_sum3A_1354 : i1 to vector<16xi1>
        %reduce_sum3A_1356 = tpu.scan <sum>, %add3A_1346 masked %reduce_sum3A_1355 : vector<16xf32>, vector<16xi1> -> vector<16xf32>
        %reduce_sum3A_1357 = vector.extract %reduce_sum3A_1356[15] : f32 from vector<16xf32>
        %broadcast_in_dim3A_1358 = vector.broadcast %reduce_sum3A_1357 : f32 to vector<16xf32>
        %swap3A_1359 = arith.index_cast %scan3A_1203 : i32 to index
        %swap3A_1360 = arith.constant 0 : index
        %swap3A_1361 = tpu.vector_load %arg18[%swap3A_1359, %swap3A_1360] {strides = array<i32>} : memref<80x16xf32, #tpu.memory_space<vmem>>, vector<16xf32>,
        tpu.vector_store %arg18[%swap3A_1359, %swap3A_1360], %broadcast_in_dim3A_1358 {strides = array<i32>} : memref<80x16xf32, #tpu.memory_space<vmem>>, vector<16xf32>,
        %scan3A_1362 = arith.constant 0 : i32
        %scan3A_1363 = arith.constant 1 : i32
        %scan3A_1364 = arith.addi %scan3A_1203, %scan3A_1363 : i32
        %get3A_1365 = arith.index_cast %scan3A_1364 : i32 to index
        %get3A_1366 = arith.constant 0 : index
        %get3A_1367 = tpu.vector_load %arg16[%get3A_1365, %get3A_1366] {strides = array<i32>} : memref<80x256xf32, #tpu.memory_space<vmem>>, vector<16xf32>,
        %get3A_1368 = arith.index_cast %scan3A_1364 : i32 to index
        %get3A_1369 = arith.constant 0 : index
        %get3A_1370 = tpu.vector_load %arg14[%get3A_1368, %get3A_1369] {strides = array<i32>} : memref<80x256xf32, #tpu.memory_space<vmem>>, vector<16xf32>,
        %mul3A_1371 = arith.mulf %get3A_1367, %get3A_1370 : vector<16xf32>
        %get3A_1372 = arith.index_cast %scan3A_1364 : i32 to index
        %get3A_1373 = arith.constant 16 : index
        %get3A_1374 = tpu.vector_load %arg16[%get3A_1372, %get3A_1373] {strides = array<i32>} : memref<80x256xf32, #tpu.memory_space<vmem>>, vector<16xf32>,
        %get3A_1375 = arith.index_cast %scan3A_1364 : i32 to index
        %get3A_1376 = arith.constant 16 : index
        %get3A_1377 = tpu.vector_load %arg14[%get3A_1375, %get3A_1376] {strides = array<i32>} : memref<80x256xf32, #tpu.memory_space<vmem>>, vector<16xf32>,
        %mul3A_1378 = arith.mulf %get3A_1374, %get3A_1377 : vector<16xf32>
        %add3A_1379 = arith.addf %mul3A_1371, %mul3A_1378 : vector<16xf32>
        %add3A_1380 = arith.addf %get3A_1367, %get3A_1374 : vector<16xf32>
        %get3A_1381 = arith.index_cast %scan3A_1364 : i32 to index
        %get3A_1382 = arith.constant 32 : index
        %get3A_1383 = tpu.vector_load %arg16[%get3A_1381, %get3A_1382] {strides = array<i32>} : memref<80x256xf32, #tpu.memory_space<vmem>>, vector<16xf32>,
        %get3A_1384 = arith.index_cast %scan3A_1364 : i32 to index
        %get3A_1385 = arith.constant 32 : index
        %get3A_1386 = tpu.vector_load %arg14[%get3A_1384, %get3A_1385] {strides = array<i32>} : memref<80x256xf32, #tpu.memory_space<vmem>>, vector<16xf32>,
        %mul3A_1387 = arith.mulf %get3A_1383, %get3A_1386 : vector<16xf32>
        %add3A_1388 = arith.addf %add3A_1379, %mul3A_1387 : vector<16xf32>
        %add3A_1389 = arith.addf %add3A_1380, %get3A_1383 : vector<16xf32>
        %get3A_1390 = arith.index_cast %scan3A_1364 : i32 to index
        %get3A_1391 = arith.constant 48 : index
        %get3A_1392 = tpu.vector_load %arg16[%get3A_1390, %get3A_1391] {strides = array<i32>} : memref<80x256xf32, #tpu.memory_space<vmem>>, vector<16xf32>,
        %get3A_1393 = arith.index_cast %scan3A_1364 : i32 to index
        %get3A_1394 = arith.constant 48 : index
        %get3A_1395 = tpu.vector_load %arg14[%get3A_1393, %get3A_1394] {strides = array<i32>} : memref<80x256xf32, #tpu.memory_space<vmem>>, vector<16xf32>,
        %mul3A_1396 = arith.mulf %get3A_1392, %get3A_1395 : vector<16xf32>
        %add3A_1397 = arith.addf %add3A_1388, %mul3A_1396 : vector<16xf32>
        %add3A_1398 = arith.addf %add3A_1389, %get3A_1392 : vector<16xf32>
        %get3A_1399 = arith.index_cast %scan3A_1364 : i32 to index
        %get3A_1400 = arith.constant 64 : index
        %get3A_1401 = tpu.vector_load %arg16[%get3A_1399, %get3A_1400] {strides = array<i32>} : memref<80x256xf32, #tpu.memory_space<vmem>>, vector<16xf32>,
        %get3A_1402 = arith.index_cast %scan3A_1364 : i32 to index
        %get3A_1403 = arith.constant 64 : index
        %get3A_1404 = tpu.vector_load %arg14[%get3A_1402, %get3A_1403] {strides = array<i32>} : memref<80x256xf32, #tpu.memory_space<vmem>>, vector<16xf32>,
        %mul3A_1405 = arith.mulf %get3A_1401, %get3A_1404 : vector<16xf32>
        %add3A_1406 = arith.addf %add3A_1397, %mul3A_1405 : vector<16xf32>
        %add3A_1407 = arith.addf %add3A_1398, %get3A_1401 : vector<16xf32>
        %get3A_1408 = arith.index_cast %scan3A_1364 : i32 to index
        %get3A_1409 = arith.constant 80 : index
        %get3A_1410 = tpu.vector_load %arg16[%get3A_1408, %get3A_1409] {strides = array<i32>} : memref<80x256xf32, #tpu.memory_space<vmem>>, vector<16xf32>,
        %get3A_1411 = arith.index_cast %scan3A_1364 : i32 to index
        %get3A_1412 = arith.constant 80 : index
        %get3A_1413 = tpu.vector_load %arg14[%get3A_1411, %get3A_1412] {strides = array<i32>} : memref<80x256xf32, #tpu.memory_space<vmem>>, vector<16xf32>,
        %mul3A_1414 = arith.mulf %get3A_1410, %get3A_1413 : vector<16xf32>
        %add3A_1415 = arith.addf %add3A_1406, %mul3A_1414 : vector<16xf32>
        %add3A_1416 = arith.addf %add3A_1407, %get3A_1410 : vector<16xf32>
        %get3A_1417 = arith.index_cast %scan3A_1364 : i32 to index
        %get3A_1418 = arith.constant 96 : index
        %get3A_1419 = tpu.vector_load %arg16[%get3A_1417, %get3A_1418] {strides = array<i32>} : memref<80x256xf32, #tpu.memory_space<vmem>>, vector<16xf32>,
        %get3A_1420 = arith.index_cast %scan3A_1364 : i32 to index
        %get3A_1421 = arith.constant 96 : index
        %get3A_1422 = tpu.vector_load %arg14[%get3A_1420, %get3A_1421] {strides = array<i32>} : memref<80x256xf32, #tpu.memory_space<vmem>>, vector<16xf32>,
        %mul3A_1423 = arith.mulf %get3A_1419, %get3A_1422 : vector<16xf32>
        %add3A_1424 = arith.addf %add3A_1415, %mul3A_1423 : vector<16xf32>
        %add3A_1425 = arith.addf %add3A_1416, %get3A_1419 : vector<16xf32>
        %get3A_1426 = arith.index_cast %scan3A_1364 : i32 to index
        %get3A_1427 = arith.constant 112 : index
        %get3A_1428 = tpu.vector_load %arg16[%get3A_1426, %get3A_1427] {strides = array<i32>} : memref<80x256xf32, #tpu.memory_space<vmem>>, vector<16xf32>,
        %get3A_1429 = arith.index_cast %scan3A_1364 : i32 to index
        %get3A_1430 = arith.constant 112 : index
        %get3A_1431 = tpu.vector_load %arg14[%get3A_1429, %get3A_1430] {strides = array<i32>} : memref<80x256xf32, #tpu.memory_space<vmem>>, vector<16xf32>,
        %mul3A_1432 = arith.mulf %get3A_1428, %get3A_1431 : vector<16xf32>
        %add3A_1433 = arith.addf %add3A_1424, %mul3A_1432 : vector<16xf32>
        %add3A_1434 = arith.addf %add3A_1425, %get3A_1428 : vector<16xf32>
        %get3A_1435 = arith.index_cast %scan3A_1364 : i32 to index
        %get3A_1436 = arith.constant 128 : index
        %get3A_1437 = tpu.vector_load %arg16[%get3A_1435, %get3A_1436] {strides = array<i32>} : memref<80x256xf32, #tpu.memory_space<vmem>>, vector<16xf32>,
        %get3A_1438 = arith.index_cast %scan3A_1364 : i32 to index
        %get3A_1439 = arith.constant 128 : index
        %get3A_1440 = tpu.vector_load %arg14[%get3A_1438, %get3A_1439] {strides = array<i32>} : memref<80x256xf32, #tpu.memory_space<vmem>>, vector<16xf32>,
        %mul3A_1441 = arith.mulf %get3A_1437, %get3A_1440 : vector<16xf32>
        %add3A_1442 = arith.addf %add3A_1433, %mul3A_1441 : vector<16xf32>
        %add3A_1443 = arith.addf %add3A_1434, %get3A_1437 : vector<16xf32>
        %get3A_1444 = arith.index_cast %scan3A_1364 : i32 to index
        %get3A_1445 = arith.constant 144 : index
        %get3A_1446 = tpu.vector_load %arg16[%get3A_1444, %get3A_1445] {strides = array<i32>} : memref<80x256xf32, #tpu.memory_space<vmem>>, vector<16xf32>,
        %get3A_1447 = arith.index_cast %scan3A_1364 : i32 to index
        %get3A_1448 = arith.constant 144 : index
        %get3A_1449 = tpu.vector_load %arg14[%get3A_1447, %get3A_1448] {strides = array<i32>} : memref<80x256xf32, #tpu.memory_space<vmem>>, vector<16xf32>,
        %mul3A_1450 = arith.mulf %get3A_1446, %get3A_1449 : vector<16xf32>
        %add3A_1451 = arith.addf %add3A_1442, %mul3A_1450 : vector<16xf32>
        %add3A_1452 = arith.addf %add3A_1443, %get3A_1446 : vector<16xf32>
        %get3A_1453 = arith.index_cast %scan3A_1364 : i32 to index
        %get3A_1454 = arith.constant 160 : index
        %get3A_1455 = tpu.vector_load %arg16[%get3A_1453, %get3A_1454] {strides = array<i32>} : memref<80x256xf32, #tpu.memory_space<vmem>>, vector<16xf32>,
        %get3A_1456 = arith.index_cast %scan3A_1364 : i32 to index
        %get3A_1457 = arith.constant 160 : index
        %get3A_1458 = tpu.vector_load %arg14[%get3A_1456, %get3A_1457] {strides = array<i32>} : memref<80x256xf32, #tpu.memory_space<vmem>>, vector<16xf32>,
        %mul3A_1459 = arith.mulf %get3A_1455, %get3A_1458 : vector<16xf32>
        %add3A_1460 = arith.addf %add3A_1451, %mul3A_1459 : vector<16xf32>
        %add3A_1461 = arith.addf %add3A_1452, %get3A_1455 : vector<16xf32>
        %get3A_1462 = arith.index_cast %scan3A_1364 : i32 to index
        %get3A_1463 = arith.constant 176 : index
        %get3A_1464 = tpu.vector_load %arg16[%get3A_1462, %get3A_1463] {strides = array<i32>} : memref<80x256xf32, #tpu.memory_space<vmem>>, vector<16xf32>,
        %get3A_1465 = arith.index_cast %scan3A_1364 : i32 to index
        %get3A_1466 = arith.constant 176 : index
        %get3A_1467 = tpu.vector_load %arg14[%get3A_1465, %get3A_1466] {strides = array<i32>} : memref<80x256xf32, #tpu.memory_space<vmem>>, vector<16xf32>,
        %mul3A_1468 = arith.mulf %get3A_1464, %get3A_1467 : vector<16xf32>
        %add3A_1469 = arith.addf %add3A_1460, %mul3A_1468 : vector<16xf32>
        %add3A_1470 = arith.addf %add3A_1461, %get3A_1464 : vector<16xf32>
        %get3A_1471 = arith.index_cast %scan3A_1364 : i32 to index
        %get3A_1472 = arith.constant 192 : index
        %get3A_1473 = tpu.vector_load %arg16[%get3A_1471, %get3A_1472] {strides = array<i32>} : memref<80x256xf32, #tpu.memory_space<vmem>>, vector<16xf32>,
        %get3A_1474 = arith.index_cast %scan3A_1364 : i32 to index
        %get3A_1475 = arith.constant 192 : index
        %get3A_1476 = tpu.vector_load %arg14[%get3A_1474, %get3A_1475] {strides = array<i32>} : memref<80x256xf32, #tpu.memory_space<vmem>>, vector<16xf32>,
        %mul3A_1477 = arith.mulf %get3A_1473, %get3A_1476 : vector<16xf32>
        %add3A_1478 = arith.addf %add3A_1469, %mul3A_1477 : vector<16xf32>
        %add3A_1479 = arith.addf %add3A_1470, %get3A_1473 : vector<16xf32>
        %get3A_1480 = arith.index_cast %scan3A_1364 : i32 to index
        %get3A_1481 = arith.constant 208 : index
        %get3A_1482 = tpu.vector_load %arg16[%get3A_1480, %get3A_1481] {strides = array<i32>} : memref<80x256xf32, #tpu.memory_space<vmem>>, vector<16xf32>,
        %get3A_1483 = arith.index_cast %scan3A_1364 : i32 to index
        %get3A_1484 = arith.constant 208 : index
        %get3A_1485 = tpu.vector_load %arg14[%get3A_1483, %get3A_1484] {strides = array<i32>} : memref<80x256xf32, #tpu.memory_space<vmem>>, vector<16xf32>,
        %mul3A_1486 = arith.mulf %get3A_1482, %get3A_1485 : vector<16xf32>
        %add3A_1487 = arith.addf %add3A_1478, %mul3A_1486 : vector<16xf32>
        %add3A_1488 = arith.addf %add3A_1479, %get3A_1482 : vector<16xf32>
        %get3A_1489 = arith.index_cast %scan3A_1364 : i32 to index
        %get3A_1490 = arith.constant 224 : index
        %get3A_1491 = tpu.vector_load %arg16[%get3A_1489, %get3A_1490] {strides = array<i32>} : memref<80x256xf32, #tpu.memory_space<vmem>>, vector<16xf32>,
        %get3A_1492 = arith.index_cast %scan3A_1364 : i32 to index
        %get3A_1493 = arith.constant 224 : index
        %get3A_1494 = tpu.vector_load %arg14[%get3A_1492, %get3A_1493] {strides = array<i32>} : memref<80x256xf32, #tpu.memory_space<vmem>>, vector<16xf32>,
        %mul3A_1495 = arith.mulf %get3A_1491, %get3A_1494 : vector<16xf32>
        %add3A_1496 = arith.addf %add3A_1487, %mul3A_1495 : vector<16xf32>
        %add3A_1497 = arith.addf %add3A_1488, %get3A_1491 : vector<16xf32>
        %get3A_1498 = arith.index_cast %scan3A_1364 : i32 to index
        %get3A_1499 = arith.constant 240 : index
        %get3A_1500 = tpu.vector_load %arg16[%get3A_1498, %get3A_1499] {strides = array<i32>} : memref<80x256xf32, #tpu.memory_space<vmem>>, vector<16xf32>,
        %get3A_1501 = arith.index_cast %scan3A_1364 : i32 to index
        %get3A_1502 = arith.constant 240 : index
        %get3A_1503 = tpu.vector_load %arg14[%get3A_1501, %get3A_1502] {strides = array<i32>} : memref<80x256xf32, #tpu.memory_space<vmem>>, vector<16xf32>,
        %mul3A_1504 = arith.mulf %get3A_1500, %get3A_1503 : vector<16xf32>
        %add3A_1505 = arith.addf %add3A_1496, %mul3A_1504 : vector<16xf32>
        %add3A_1506 = arith.addf %add3A_1497, %get3A_1500 : vector<16xf32>
        %reduce_sum3A_1507 = arith.constant true
        %reduce_sum3A_1508 = vector.broadcast %reduce_sum3A_1507 : i1 to vector<16xi1>
        %reduce_sum3A_1509 = tpu.scan <sum>, %add3A_1505 masked %reduce_sum3A_1508 : vector<16xf32>, vector<16xi1> -> vector<16xf32>
        %reduce_sum3A_1510 = vector.extract %reduce_sum3A_1509[15] : f32 from vector<16xf32>
        %broadcast_in_dim3A_1511 = vector.broadcast %reduce_sum3A_1510 : f32 to vector<16xf32>
        %swap3A_1512 = arith.index_cast %scan3A_1364 : i32 to index
        %swap3A_1513 = arith.constant 0 : index
        %swap3A_1514 = tpu.vector_load %arg17[%swap3A_1512, %swap3A_1513] {strides = array<i32>} : memref<80x16xf32, #tpu.memory_space<vmem>>, vector<16xf32>,
        tpu.vector_store %arg17[%swap3A_1512, %swap3A_1513], %broadcast_in_dim3A_1511 {strides = array<i32>} : memref<80x16xf32, #tpu.memory_space<vmem>>, vector<16xf32>,
        %reduce_sum3A_1515 = arith.constant true
        %reduce_sum3A_1516 = vector.broadcast %reduce_sum3A_1515 : i1 to vector<16xi1>
        %reduce_sum3A_1517 = tpu.scan <sum>, %add3A_1506 masked %reduce_sum3A_1516 : vector<16xf32>, vector<16xi1> -> vector<16xf32>
        %reduce_sum3A_1518 = vector.extract %reduce_sum3A_1517[15] : f32 from vector<16xf32>
        %broadcast_in_dim3A_1519 = vector.broadcast %reduce_sum3A_1518 : f32 to vector<16xf32>
        %swap3A_1520 = arith.index_cast %scan3A_1364 : i32 to index
        %swap3A_1521 = arith.constant 0 : index
        %swap3A_1522 = tpu.vector_load %arg18[%swap3A_1520, %swap3A_1521] {strides = array<i32>} : memref<80x16xf32, #tpu.memory_space<vmem>>, vector<16xf32>,
        tpu.vector_store %arg18[%swap3A_1520, %swap3A_1521], %broadcast_in_dim3A_1519 {strides = array<i32>} : memref<80x16xf32, #tpu.memory_space<vmem>>, vector<16xf32>,
        %scan3A_1523 = arith.constant 0 : i32
        %scan3A_1524 = arith.constant 2 : i32
        %scan3A_1525 = arith.addi %scan3A_1203, %scan3A_1524 : i32
        %get3A_1526 = arith.index_cast %scan3A_1525 : i32 to index
        %get3A_1527 = arith.constant 0 : index
        %get3A_1528 = tpu.vector_load %arg16[%get3A_1526, %get3A_1527] {strides = array<i32>} : memref<80x256xf32, #tpu.memory_space<vmem>>, vector<16xf32>,
        %get3A_1529 = arith.index_cast %scan3A_1525 : i32 to index
        %get3A_1530 = arith.constant 0 : index
        %get3A_1531 = tpu.vector_load %arg14[%get3A_1529, %get3A_1530] {strides = array<i32>} : memref<80x256xf32, #tpu.memory_space<vmem>>, vector<16xf32>,
        %mul3A_1532 = arith.mulf %get3A_1528, %get3A_1531 : vector<16xf32>
        %get3A_1533 = arith.index_cast %scan3A_1525 : i32 to index
        %get3A_1534 = arith.constant 16 : index
        %get3A_1535 = tpu.vector_load %arg16[%get3A_1533, %get3A_1534] {strides = array<i32>} : memref<80x256xf32, #tpu.memory_space<vmem>>, vector<16xf32>,
        %get3A_1536 = arith.index_cast %scan3A_1525 : i32 to index
        %get3A_1537 = arith.constant 16 : index
        %get3A_1538 = tpu.vector_load %arg14[%get3A_1536, %get3A_1537] {strides = array<i32>} : memref<80x256xf32, #tpu.memory_space<vmem>>, vector<16xf32>,
        %mul3A_1539 = arith.mulf %get3A_1535, %get3A_1538 : vector<16xf32>
        %add3A_1540 = arith.addf %mul3A_1532, %mul3A_1539 : vector<16xf32>
        %add3A_1541 = arith.addf %get3A_1528, %get3A_1535 : vector<16xf32>
        %get3A_1542 = arith.index_cast %scan3A_1525 : i32 to index
        %get3A_1543 = arith.constant 32 : index
        %get3A_1544 = tpu.vector_load %arg16[%get3A_1542, %get3A_1543] {strides = array<i32>} : memref<80x256xf32, #tpu.memory_space<vmem>>, vector<16xf32>,
        %get3A_1545 = arith.index_cast %scan3A_1525 : i32 to index
        %get3A_1546 = arith.constant 32 : index
        %get3A_1547 = tpu.vector_load %arg14[%get3A_1545, %get3A_1546] {strides = array<i32>} : memref<80x256xf32, #tpu.memory_space<vmem>>, vector<16xf32>,
        %mul3A_1548 = arith.mulf %get3A_1544, %get3A_1547 : vector<16xf32>
        %add3A_1549 = arith.addf %add3A_1540, %mul3A_1548 : vector<16xf32>
        %add3A_1550 = arith.addf %add3A_1541, %get3A_1544 : vector<16xf32>
        %get3A_1551 = arith.index_cast %scan3A_1525 : i32 to index
        %get3A_1552 = arith.constant 48 : index
        %get3A_1553 = tpu.vector_load %arg16[%get3A_1551, %get3A_1552] {strides = array<i32>} : memref<80x256xf32, #tpu.memory_space<vmem>>, vector<16xf32>,
        %get3A_1554 = arith.index_cast %scan3A_1525 : i32 to index
        %get3A_1555 = arith.constant 48 : index
        %get3A_1556 = tpu.vector_load %arg14[%get3A_1554, %get3A_1555] {strides = array<i32>} : memref<80x256xf32, #tpu.memory_space<vmem>>, vector<16xf32>,
        %mul3A_1557 = arith.mulf %get3A_1553, %get3A_1556 : vector<16xf32>
        %add3A_1558 = arith.addf %add3A_1549, %mul3A_1557 : vector<16xf32>
        %add3A_1559 = arith.addf %add3A_1550, %get3A_1553 : vector<16xf32>
        %get3A_1560 = arith.index_cast %scan3A_1525 : i32 to index
        %get3A_1561 = arith.constant 64 : index
        %get3A_1562 = tpu.vector_load %arg16[%get3A_1560, %get3A_1561] {strides = array<i32>} : memref<80x256xf32, #tpu.memory_space<vmem>>, vector<16xf32>,
        %get3A_1563 = arith.index_cast %scan3A_1525 : i32 to index
        %get3A_1564 = arith.constant 64 : index
        %get3A_1565 = tpu.vector_load %arg14[%get3A_1563, %get3A_1564] {strides = array<i32>} : memref<80x256xf32, #tpu.memory_space<vmem>>, vector<16xf32>,
        %mul3A_1566 = arith.mulf %get3A_1562, %get3A_1565 : vector<16xf32>
        %add3A_1567 = arith.addf %add3A_1558, %mul3A_1566 : vector<16xf32>
        %add3A_1568 = arith.addf %add3A_1559, %get3A_1562 : vector<16xf32>
        %get3A_1569 = arith.index_cast %scan3A_1525 : i32 to index
        %get3A_1570 = arith.constant 80 : index
        %get3A_1571 = tpu.vector_load %arg16[%get3A_1569, %get3A_1570] {strides = array<i32>} : memref<80x256xf32, #tpu.memory_space<vmem>>, vector<16xf32>,
        %get3A_1572 = arith.index_cast %scan3A_1525 : i32 to index
        %get3A_1573 = arith.constant 80 : index
        %get3A_1574 = tpu.vector_load %arg14[%get3A_1572, %get3A_1573] {strides = array<i32>} : memref<80x256xf32, #tpu.memory_space<vmem>>, vector<16xf32>,
        %mul3A_1575 = arith.mulf %get3A_1571, %get3A_1574 : vector<16xf32>
        %add3A_1576 = arith.addf %add3A_1567, %mul3A_1575 : vector<16xf32>
        %add3A_1577 = arith.addf %add3A_1568, %get3A_1571 : vector<16xf32>
        %get3A_1578 = arith.index_cast %scan3A_1525 : i32 to index
        %get3A_1579 = arith.constant 96 : index
        %get3A_1580 = tpu.vector_load %arg16[%get3A_1578, %get3A_1579] {strides = array<i32>} : memref<80x256xf32, #tpu.memory_space<vmem>>, vector<16xf32>,
        %get3A_1581 = arith.index_cast %scan3A_1525 : i32 to index
        %get3A_1582 = arith.constant 96 : index
        %get3A_1583 = tpu.vector_load %arg14[%get3A_1581, %get3A_1582] {strides = array<i32>} : memref<80x256xf32, #tpu.memory_space<vmem>>, vector<16xf32>,
        %mul3A_1584 = arith.mulf %get3A_1580, %get3A_1583 : vector<16xf32>
        %add3A_1585 = arith.addf %add3A_1576, %mul3A_1584 : vector<16xf32>
        %add3A_1586 = arith.addf %add3A_1577, %get3A_1580 : vector<16xf32>
        %get3A_1587 = arith.index_cast %scan3A_1525 : i32 to index
        %get3A_1588 = arith.constant 112 : index
        %get3A_1589 = tpu.vector_load %arg16[%get3A_1587, %get3A_1588] {strides = array<i32>} : memref<80x256xf32, #tpu.memory_space<vmem>>, vector<16xf32>,
        %get3A_1590 = arith.index_cast %scan3A_1525 : i32 to index
        %get3A_1591 = arith.constant 112 : index
        %get3A_1592 = tpu.vector_load %arg14[%get3A_1590, %get3A_1591] {strides = array<i32>} : memref<80x256xf32, #tpu.memory_space<vmem>>, vector<16xf32>,
        %mul3A_1593 = arith.mulf %get3A_1589, %get3A_1592 : vector<16xf32>
        %add3A_1594 = arith.addf %add3A_1585, %mul3A_1593 : vector<16xf32>
        %add3A_1595 = arith.addf %add3A_1586, %get3A_1589 : vector<16xf32>
        %get3A_1596 = arith.index_cast %scan3A_1525 : i32 to index
        %get3A_1597 = arith.constant 128 : index
        %get3A_1598 = tpu.vector_load %arg16[%get3A_1596, %get3A_1597] {strides = array<i32>} : memref<80x256xf32, #tpu.memory_space<vmem>>, vector<16xf32>,
        %get3A_1599 = arith.index_cast %scan3A_1525 : i32 to index
        %get3A_1600 = arith.constant 128 : index
        %get3A_1601 = tpu.vector_load %arg14[%get3A_1599, %get3A_1600] {strides = array<i32>} : memref<80x256xf32, #tpu.memory_space<vmem>>, vector<16xf32>,
        %mul3A_1602 = arith.mulf %get3A_1598, %get3A_1601 : vector<16xf32>
        %add3A_1603 = arith.addf %add3A_1594, %mul3A_1602 : vector<16xf32>
        %add3A_1604 = arith.addf %add3A_1595, %get3A_1598 : vector<16xf32>
        %get3A_1605 = arith.index_cast %scan3A_1525 : i32 to index
        %get3A_1606 = arith.constant 144 : index
        %get3A_1607 = tpu.vector_load %arg16[%get3A_1605, %get3A_1606] {strides = array<i32>} : memref<80x256xf32, #tpu.memory_space<vmem>>, vector<16xf32>,
        %get3A_1608 = arith.index_cast %scan3A_1525 : i32 to index
        %get3A_1609 = arith.constant 144 : index
        %get3A_1610 = tpu.vector_load %arg14[%get3A_1608, %get3A_1609] {strides = array<i32>} : memref<80x256xf32, #tpu.memory_space<vmem>>, vector<16xf32>,
        %mul3A_1611 = arith.mulf %get3A_1607, %get3A_1610 : vector<16xf32>
        %add3A_1612 = arith.addf %add3A_1603, %mul3A_1611 : vector<16xf32>
        %add3A_1613 = arith.addf %add3A_1604, %get3A_1607 : vector<16xf32>
        %get3A_1614 = arith.index_cast %scan3A_1525 : i32 to index
        %get3A_1615 = arith.constant 160 : index
        %get3A_1616 = tpu.vector_load %arg16[%get3A_1614, %get3A_1615] {strides = array<i32>} : memref<80x256xf32, #tpu.memory_space<vmem>>, vector<16xf32>,
        %get3A_1617 = arith.index_cast %scan3A_1525 : i32 to index
        %get3A_1618 = arith.constant 160 : index
        %get3A_1619 = tpu.vector_load %arg14[%get3A_1617, %get3A_1618] {strides = array<i32>} : memref<80x256xf32, #tpu.memory_space<vmem>>, vector<16xf32>,
        %mul3A_1620 = arith.mulf %get3A_1616, %get3A_1619 : vector<16xf32>
        %add3A_1621 = arith.addf %add3A_1612, %mul3A_1620 : vector<16xf32>
        %add3A_1622 = arith.addf %add3A_1613, %get3A_1616 : vector<16xf32>
        %get3A_1623 = arith.index_cast %scan3A_1525 : i32 to index
        %get3A_1624 = arith.constant 176 : index
        %get3A_1625 = tpu.vector_load %arg16[%get3A_1623, %get3A_1624] {strides = array<i32>} : memref<80x256xf32, #tpu.memory_space<vmem>>, vector<16xf32>,
        %get3A_1626 = arith.index_cast %scan3A_1525 : i32 to index
        %get3A_1627 = arith.constant 176 : index
        %get3A_1628 = tpu.vector_load %arg14[%get3A_1626, %get3A_1627] {strides = array<i32>} : memref<80x256xf32, #tpu.memory_space<vmem>>, vector<16xf32>,
        %mul3A_1629 = arith.mulf %get3A_1625, %get3A_1628 : vector<16xf32>
        %add3A_1630 = arith.addf %add3A_1621, %mul3A_1629 : vector<16xf32>
        %add3A_1631 = arith.addf %add3A_1622, %get3A_1625 : vector<16xf32>
        %get3A_1632 = arith.index_cast %scan3A_1525 : i32 to index
        %get3A_1633 = arith.constant 192 : index
        %get3A_1634 = tpu.vector_load %arg16[%get3A_1632, %get3A_1633] {strides = array<i32>} : memref<80x256xf32, #tpu.memory_space<vmem>>, vector<16xf32>,
        %get3A_1635 = arith.index_cast %scan3A_1525 : i32 to index
        %get3A_1636 = arith.constant 192 : index
        %get3A_1637 = tpu.vector_load %arg14[%get3A_1635, %get3A_1636] {strides = array<i32>} : memref<80x256xf32, #tpu.memory_space<vmem>>, vector<16xf32>,
        %mul3A_1638 = arith.mulf %get3A_1634, %get3A_1637 : vector<16xf32>
        %add3A_1639 = arith.addf %add3A_1630, %mul3A_1638 : vector<16xf32>
        %add3A_1640 = arith.addf %add3A_1631, %get3A_1634 : vector<16xf32>
        %get3A_1641 = arith.index_cast %scan3A_1525 : i32 to index
        %get3A_1642 = arith.constant 208 : index
        %get3A_1643 = tpu.vector_load %arg16[%get3A_1641, %get3A_1642] {strides = array<i32>} : memref<80x256xf32, #tpu.memory_space<vmem>>, vector<16xf32>,
        %get3A_1644 = arith.index_cast %scan3A_1525 : i32 to index
        %get3A_1645 = arith.constant 208 : index
        %get3A_1646 = tpu.vector_load %arg14[%get3A_1644, %get3A_1645] {strides = array<i32>} : memref<80x256xf32, #tpu.memory_space<vmem>>, vector<16xf32>,
        %mul3A_1647 = arith.mulf %get3A_1643, %get3A_1646 : vector<16xf32>
        %add3A_1648 = arith.addf %add3A_1639, %mul3A_1647 : vector<16xf32>
        %add3A_1649 = arith.addf %add3A_1640, %get3A_1643 : vector<16xf32>
        %get3A_1650 = arith.index_cast %scan3A_1525 : i32 to index
        %get3A_1651 = arith.constant 224 : index
        %get3A_1652 = tpu.vector_load %arg16[%get3A_1650, %get3A_1651] {strides = array<i32>} : memref<80x256xf32, #tpu.memory_space<vmem>>, vector<16xf32>,
        %get3A_1653 = arith.index_cast %scan3A_1525 : i32 to index
        %get3A_1654 = arith.constant 224 : index
        %get3A_1655 = tpu.vector_load %arg14[%get3A_1653, %get3A_1654] {strides = array<i32>} : memref<80x256xf32, #tpu.memory_space<vmem>>, vector<16xf32>,
        %mul3A_1656 = arith.mulf %get3A_1652, %get3A_1655 : vector<16xf32>
        %add3A_1657 = arith.addf %add3A_1648, %mul3A_1656 : vector<16xf32>
        %add3A_1658 = arith.addf %add3A_1649, %get3A_1652 : vector<16xf32>
        %get3A_1659 = arith.index_cast %scan3A_1525 : i32 to index
        %get3A_1660 = arith.constant 240 : index
        %get3A_1661 = tpu.vector_load %arg16[%get3A_1659, %get3A_1660] {strides = array<i32>} : memref<80x256xf32, #tpu.memory_space<vmem>>, vector<16xf32>,
        %get3A_1662 = arith.index_cast %scan3A_1525 : i32 to index
        %get3A_1663 = arith.constant 240 : index
        %get3A_1664 = tpu.vector_load %arg14[%get3A_1662, %get3A_1663] {strides = array<i32>} : memref<80x256xf32, #tpu.memory_space<vmem>>, vector<16xf32>,
        %mul3A_1665 = arith.mulf %get3A_1661, %get3A_1664 : vector<16xf32>
        %add3A_1666 = arith.addf %add3A_1657, %mul3A_1665 : vector<16xf32>
        %add3A_1667 = arith.addf %add3A_1658, %get3A_1661 : vector<16xf32>
        %reduce_sum3A_1668 = arith.constant true
        %reduce_sum3A_1669 = vector.broadcast %reduce_sum3A_1668 : i1 to vector<16xi1>
        %reduce_sum3A_1670 = tpu.scan <sum>, %add3A_1666 masked %reduce_sum3A_1669 : vector<16xf32>, vector<16xi1> -> vector<16xf32>
        %reduce_sum3A_1671 = vector.extract %reduce_sum3A_1670[15] : f32 from vector<16xf32>
        %broadcast_in_dim3A_1672 = vector.broadcast %reduce_sum3A_1671 : f32 to vector<16xf32>
        %swap3A_1673 = arith.index_cast %scan3A_1525 : i32 to index
        %swap3A_1674 = arith.constant 0 : index
        %swap3A_1675 = tpu.vector_load %arg17[%swap3A_1673, %swap3A_1674] {strides = array<i32>} : memref<80x16xf32, #tpu.memory_space<vmem>>, vector<16xf32>,
        tpu.vector_store %arg17[%swap3A_1673, %swap3A_1674], %broadcast_in_dim3A_1672 {strides = array<i32>} : memref<80x16xf32, #tpu.memory_space<vmem>>, vector<16xf32>,
        %reduce_sum3A_1676 = arith.constant true
        %reduce_sum3A_1677 = vector.broadcast %reduce_sum3A_1676 : i1 to vector<16xi1>
        %reduce_sum3A_1678 = tpu.scan <sum>, %add3A_1667 masked %reduce_sum3A_1677 : vector<16xf32>, vector<16xi1> -> vector<16xf32>
        %reduce_sum3A_1679 = vector.extract %reduce_sum3A_1678[15] : f32 from vector<16xf32>
        %broadcast_in_dim3A_1680 = vector.broadcast %reduce_sum3A_1679 : f32 to vector<16xf32>
        %swap3A_1681 = arith.index_cast %scan3A_1525 : i32 to index
        %swap3A_1682 = arith.constant 0 : index
        %swap3A_1683 = tpu.vector_load %arg18[%swap3A_1681, %swap3A_1682] {strides = array<i32>} : memref<80x16xf32, #tpu.memory_space<vmem>>, vector<16xf32>,
        tpu.vector_store %arg18[%swap3A_1681, %swap3A_1682], %broadcast_in_dim3A_1680 {strides = array<i32>} : memref<80x16xf32, #tpu.memory_space<vmem>>, vector<16xf32>,
        %scan3A_1684 = arith.constant 0 : i32
        %scan3A_1685 = arith.constant 3 : i32
        %scan3A_1686 = arith.addi %scan3A_1203, %scan3A_1685 : i32
        %get3A_1687 = arith.index_cast %scan3A_1686 : i32 to index
        %get3A_1688 = arith.constant 0 : index
        %get3A_1689 = tpu.vector_load %arg16[%get3A_1687, %get3A_1688] {strides = array<i32>} : memref<80x256xf32, #tpu.memory_space<vmem>>, vector<16xf32>,
        %get3A_1690 = arith.index_cast %scan3A_1686 : i32 to index
        %get3A_1691 = arith.constant 0 : index
        %get3A_1692 = tpu.vector_load %arg14[%get3A_1690, %get3A_1691] {strides = array<i32>} : memref<80x256xf32, #tpu.memory_space<vmem>>, vector<16xf32>,
        %mul3A_1693 = arith.mulf %get3A_1689, %get3A_1692 : vector<16xf32>
        %get3A_1694 = arith.index_cast %scan3A_1686 : i32 to index
        %get3A_1695 = arith.constant 16 : index
        %get3A_1696 = tpu.vector_load %arg16[%get3A_1694, %get3A_1695] {strides = array<i32>} : memref<80x256xf32, #tpu.memory_space<vmem>>, vector<16xf32>,
        %get3A_1697 = arith.index_cast %scan3A_1686 : i32 to index
        %get3A_1698 = arith.constant 16 : index
        %get3A_1699 = tpu.vector_load %arg14[%get3A_1697, %get3A_1698] {strides = array<i32>} : memref<80x256xf32, #tpu.memory_space<vmem>>, vector<16xf32>,
        %mul3A_1700 = arith.mulf %get3A_1696, %get3A_1699 : vector<16xf32>
        %add3A_1701 = arith.addf %mul3A_1693, %mul3A_1700 : vector<16xf32>
        %add3A_1702 = arith.addf %get3A_1689, %get3A_1696 : vector<16xf32>
        %get3A_1703 = arith.index_cast %scan3A_1686 : i32 to index
        %get3A_1704 = arith.constant 32 : index
        %get3A_1705 = tpu.vector_load %arg16[%get3A_1703, %get3A_1704] {strides = array<i32>} : memref<80x256xf32, #tpu.memory_space<vmem>>, vector<16xf32>,
        %get3A_1706 = arith.index_cast %scan3A_1686 : i32 to index
        %get3A_1707 = arith.constant 32 : index
        %get3A_1708 = tpu.vector_load %arg14[%get3A_1706, %get3A_1707] {strides = array<i32>} : memref<80x256xf32, #tpu.memory_space<vmem>>, vector<16xf32>,
        %mul3A_1709 = arith.mulf %get3A_1705, %get3A_1708 : vector<16xf32>
        %add3A_1710 = arith.addf %add3A_1701, %mul3A_1709 : vector<16xf32>
        %add3A_1711 = arith.addf %add3A_1702, %get3A_1705 : vector<16xf32>
        %get3A_1712 = arith.index_cast %scan3A_1686 : i32 to index
        %get3A_1713 = arith.constant 48 : index
        %get3A_1714 = tpu.vector_load %arg16[%get3A_1712, %get3A_1713] {strides = array<i32>} : memref<80x256xf32, #tpu.memory_space<vmem>>, vector<16xf32>,
        %get3A_1715 = arith.index_cast %scan3A_1686 : i32 to index
        %get3A_1716 = arith.constant 48 : index
        %get3A_1717 = tpu.vector_load %arg14[%get3A_1715, %get3A_1716] {strides = array<i32>} : memref<80x256xf32, #tpu.memory_space<vmem>>, vector<16xf32>,
        %mul3A_1718 = arith.mulf %get3A_1714, %get3A_1717 : vector<16xf32>
        %add3A_1719 = arith.addf %add3A_1710, %mul3A_1718 : vector<16xf32>
        %add3A_1720 = arith.addf %add3A_1711, %get3A_1714 : vector<16xf32>
        %get3A_1721 = arith.index_cast %scan3A_1686 : i32 to index
        %get3A_1722 = arith.constant 64 : index
        %get3A_1723 = tpu.vector_load %arg16[%get3A_1721, %get3A_1722] {strides = array<i32>} : memref<80x256xf32, #tpu.memory_space<vmem>>, vector<16xf32>,
        %get3A_1724 = arith.index_cast %scan3A_1686 : i32 to index
        %get3A_1725 = arith.constant 64 : index
        %get3A_1726 = tpu.vector_load %arg14[%get3A_1724, %get3A_1725] {strides = array<i32>} : memref<80x256xf32, #tpu.memory_space<vmem>>, vector<16xf32>,
        %mul3A_1727 = arith.mulf %get3A_1723, %get3A_1726 : vector<16xf32>
        %add3A_1728 = arith.addf %add3A_1719, %mul3A_1727 : vector<16xf32>
        %add3A_1729 = arith.addf %add3A_1720, %get3A_1723 : vector<16xf32>
        %get3A_1730 = arith.index_cast %scan3A_1686 : i32 to index
        %get3A_1731 = arith.constant 80 : index
        %get3A_1732 = tpu.vector_load %arg16[%get3A_1730, %get3A_1731] {strides = array<i32>} : memref<80x256xf32, #tpu.memory_space<vmem>>, vector<16xf32>,
        %get3A_1733 = arith.index_cast %scan3A_1686 : i32 to index
        %get3A_1734 = arith.constant 80 : index
        %get3A_1735 = tpu.vector_load %arg14[%get3A_1733, %get3A_1734] {strides = array<i32>} : memref<80x256xf32, #tpu.memory_space<vmem>>, vector<16xf32>,
        %mul3A_1736 = arith.mulf %get3A_1732, %get3A_1735 : vector<16xf32>
        %add3A_1737 = arith.addf %add3A_1728, %mul3A_1736 : vector<16xf32>
        %add3A_1738 = arith.addf %add3A_1729, %get3A_1732 : vector<16xf32>
        %get3A_1739 = arith.index_cast %scan3A_1686 : i32 to index
        %get3A_1740 = arith.constant 96 : index
        %get3A_1741 = tpu.vector_load %arg16[%get3A_1739, %get3A_1740] {strides = array<i32>} : memref<80x256xf32, #tpu.memory_space<vmem>>, vector<16xf32>,
        %get3A_1742 = arith.index_cast %scan3A_1686 : i32 to index
        %get3A_1743 = arith.constant 96 : index
        %get3A_1744 = tpu.vector_load %arg14[%get3A_1742, %get3A_1743] {strides = array<i32>} : memref<80x256xf32, #tpu.memory_space<vmem>>, vector<16xf32>,
        %mul3A_1745 = arith.mulf %get3A_1741, %get3A_1744 : vector<16xf32>
        %add3A_1746 = arith.addf %add3A_1737, %mul3A_1745 : vector<16xf32>
        %add3A_1747 = arith.addf %add3A_1738, %get3A_1741 : vector<16xf32>
        %get3A_1748 = arith.index_cast %scan3A_1686 : i32 to index
        %get3A_1749 = arith.constant 112 : index
        %get3A_1750 = tpu.vector_load %arg16[%get3A_1748, %get3A_1749] {strides = array<i32>} : memref<80x256xf32, #tpu.memory_space<vmem>>, vector<16xf32>,
        %get3A_1751 = arith.index_cast %scan3A_1686 : i32 to index
        %get3A_1752 = arith.constant 112 : index
        %get3A_1753 = tpu.vector_load %arg14[%get3A_1751, %get3A_1752] {strides = array<i32>} : memref<80x256xf32, #tpu.memory_space<vmem>>, vector<16xf32>,
        %mul3A_1754 = arith.mulf %get3A_1750, %get3A_1753 : vector<16xf32>
        %add3A_1755 = arith.addf %add3A_1746, %mul3A_1754 : vector<16xf32>
        %add3A_1756 = arith.addf %add3A_1747, %get3A_1750 : vector<16xf32>
        %get3A_1757 = arith.index_cast %scan3A_1686 : i32 to index
        %get3A_1758 = arith.constant 128 : index
        %get3A_1759 = tpu.vector_load %arg16[%get3A_1757, %get3A_1758] {strides = array<i32>} : memref<80x256xf32, #tpu.memory_space<vmem>>, vector<16xf32>,
        %get3A_1760 = arith.index_cast %scan3A_1686 : i32 to index
        %get3A_1761 = arith.constant 128 : index
        %get3A_1762 = tpu.vector_load %arg14[%get3A_1760, %get3A_1761] {strides = array<i32>} : memref<80x256xf32, #tpu.memory_space<vmem>>, vector<16xf32>,
        %mul3A_1763 = arith.mulf %get3A_1759, %get3A_1762 : vector<16xf32>
        %add3A_1764 = arith.addf %add3A_1755, %mul3A_1763 : vector<16xf32>
        %add3A_1765 = arith.addf %add3A_1756, %get3A_1759 : vector<16xf32>
        %get3A_1766 = arith.index_cast %scan3A_1686 : i32 to index
        %get3A_1767 = arith.constant 144 : index
        %get3A_1768 = tpu.vector_load %arg16[%get3A_1766, %get3A_1767] {strides = array<i32>} : memref<80x256xf32, #tpu.memory_space<vmem>>, vector<16xf32>,
        %get3A_1769 = arith.index_cast %scan3A_1686 : i32 to index
        %get3A_1770 = arith.constant 144 : index
        %get3A_1771 = tpu.vector_load %arg14[%get3A_1769, %get3A_1770] {strides = array<i32>} : memref<80x256xf32, #tpu.memory_space<vmem>>, vector<16xf32>,
        %mul3A_1772 = arith.mulf %get3A_1768, %get3A_1771 : vector<16xf32>
        %add3A_1773 = arith.addf %add3A_1764, %mul3A_1772 : vector<16xf32>
        %add3A_1774 = arith.addf %add3A_1765, %get3A_1768 : vector<16xf32>
        %get3A_1775 = arith.index_cast %scan3A_1686 : i32 to index
        %get3A_1776 = arith.constant 160 : index
        %get3A_1777 = tpu.vector_load %arg16[%get3A_1775, %get3A_1776] {strides = array<i32>} : memref<80x256xf32, #tpu.memory_space<vmem>>, vector<16xf32>,
        %get3A_1778 = arith.index_cast %scan3A_1686 : i32 to index
        %get3A_1779 = arith.constant 160 : index
        %get3A_1780 = tpu.vector_load %arg14[%get3A_1778, %get3A_1779] {strides = array<i32>} : memref<80x256xf32, #tpu.memory_space<vmem>>, vector<16xf32>,
        %mul3A_1781 = arith.mulf %get3A_1777, %get3A_1780 : vector<16xf32>
        %add3A_1782 = arith.addf %add3A_1773, %mul3A_1781 : vector<16xf32>
        %add3A_1783 = arith.addf %add3A_1774, %get3A_1777 : vector<16xf32>
        %get3A_1784 = arith.index_cast %scan3A_1686 : i32 to index
        %get3A_1785 = arith.constant 176 : index
        %get3A_1786 = tpu.vector_load %arg16[%get3A_1784, %get3A_1785] {strides = array<i32>} : memref<80x256xf32, #tpu.memory_space<vmem>>, vector<16xf32>,
        %get3A_1787 = arith.index_cast %scan3A_1686 : i32 to index
        %get3A_1788 = arith.constant 176 : index
        %get3A_1789 = tpu.vector_load %arg14[%get3A_1787, %get3A_1788] {strides = array<i32>} : memref<80x256xf32, #tpu.memory_space<vmem>>, vector<16xf32>,
        %mul3A_1790 = arith.mulf %get3A_1786, %get3A_1789 : vector<16xf32>
        %add3A_1791 = arith.addf %add3A_1782, %mul3A_1790 : vector<16xf32>
        %add3A_1792 = arith.addf %add3A_1783, %get3A_1786 : vector<16xf32>
        %get3A_1793 = arith.index_cast %scan3A_1686 : i32 to index
        %get3A_1794 = arith.constant 192 : index
        %get3A_1795 = tpu.vector_load %arg16[%get3A_1793, %get3A_1794] {strides = array<i32>} : memref<80x256xf32, #tpu.memory_space<vmem>>, vector<16xf32>,
        %get3A_1796 = arith.index_cast %scan3A_1686 : i32 to index
        %get3A_1797 = arith.constant 192 : index
        %get3A_1798 = tpu.vector_load %arg14[%get3A_1796, %get3A_1797] {strides = array<i32>} : memref<80x256xf32, #tpu.memory_space<vmem>>, vector<16xf32>,
        %mul3A_1799 = arith.mulf %get3A_1795, %get3A_1798 : vector<16xf32>
        %add3A_1800 = arith.addf %add3A_1791, %mul3A_1799 : vector<16xf32>
        %add3A_1801 = arith.addf %add3A_1792, %get3A_1795 : vector<16xf32>
        %get3A_1802 = arith.index_cast %scan3A_1686 : i32 to index
        %get3A_1803 = arith.constant 208 : index
        %get3A_1804 = tpu.vector_load %arg16[%get3A_1802, %get3A_1803] {strides = array<i32>} : memref<80x256xf32, #tpu.memory_space<vmem>>, vector<16xf32>,
        %get3A_1805 = arith.index_cast %scan3A_1686 : i32 to index
        %get3A_1806 = arith.constant 208 : index
        %get3A_1807 = tpu.vector_load %arg14[%get3A_1805, %get3A_1806] {strides = array<i32>} : memref<80x256xf32, #tpu.memory_space<vmem>>, vector<16xf32>,
        %mul3A_1808 = arith.mulf %get3A_1804, %get3A_1807 : vector<16xf32>
        %add3A_1809 = arith.addf %add3A_1800, %mul3A_1808 : vector<16xf32>
        %add3A_1810 = arith.addf %add3A_1801, %get3A_1804 : vector<16xf32>
        %get3A_1811 = arith.index_cast %scan3A_1686 : i32 to index
        %get3A_1812 = arith.constant 224 : index
        %get3A_1813 = tpu.vector_load %arg16[%get3A_1811, %get3A_1812] {strides = array<i32>} : memref<80x256xf32, #tpu.memory_space<vmem>>, vector<16xf32>,
        %get3A_1814 = arith.index_cast %scan3A_1686 : i32 to index
        %get3A_1815 = arith.constant 224 : index
        %get3A_1816 = tpu.vector_load %arg14[%get3A_1814, %get3A_1815] {strides = array<i32>} : memref<80x256xf32, #tpu.memory_space<vmem>>, vector<16xf32>,
        %mul3A_1817 = arith.mulf %get3A_1813, %get3A_1816 : vector<16xf32>
        %add3A_1818 = arith.addf %add3A_1809, %mul3A_1817 : vector<16xf32>
        %add3A_1819 = arith.addf %add3A_1810, %get3A_1813 : vector<16xf32>
        %get3A_1820 = arith.index_cast %scan3A_1686 : i32 to index
        %get3A_1821 = arith.constant 240 : index
        %get3A_1822 = tpu.vector_load %arg16[%get3A_1820, %get3A_1821] {strides = array<i32>} : memref<80x256xf32, #tpu.memory_space<vmem>>, vector<16xf32>,
        %get3A_1823 = arith.index_cast %scan3A_1686 : i32 to index
        %get3A_1824 = arith.constant 240 : index
        %get3A_1825 = tpu.vector_load %arg14[%get3A_1823, %get3A_1824] {strides = array<i32>} : memref<80x256xf32, #tpu.memory_space<vmem>>, vector<16xf32>,
        %mul3A_1826 = arith.mulf %get3A_1822, %get3A_1825 : vector<16xf32>
        %add3A_1827 = arith.addf %add3A_1818, %mul3A_1826 : vector<16xf32>
        %add3A_1828 = arith.addf %add3A_1819, %get3A_1822 : vector<16xf32>
        %reduce_sum3A_1829 = arith.constant true
        %reduce_sum3A_1830 = vector.broadcast %reduce_sum3A_1829 : i1 to vector<16xi1>
        %reduce_sum3A_1831 = tpu.scan <sum>, %add3A_1827 masked %reduce_sum3A_1830 : vector<16xf32>, vector<16xi1> -> vector<16xf32>
        %reduce_sum3A_1832 = vector.extract %reduce_sum3A_1831[15] : f32 from vector<16xf32>
        %broadcast_in_dim3A_1833 = vector.broadcast %reduce_sum3A_1832 : f32 to vector<16xf32>
        %swap3A_1834 = arith.index_cast %scan3A_1686 : i32 to index
        %swap3A_1835 = arith.constant 0 : index
        %swap3A_1836 = tpu.vector_load %arg17[%swap3A_1834, %swap3A_1835] {strides = array<i32>} : memref<80x16xf32, #tpu.memory_space<vmem>>, vector<16xf32>,
        tpu.vector_store %arg17[%swap3A_1834, %swap3A_1835], %broadcast_in_dim3A_1833 {strides = array<i32>} : memref<80x16xf32, #tpu.memory_space<vmem>>, vector<16xf32>,
        %reduce_sum3A_1837 = arith.constant true
        %reduce_sum3A_1838 = vector.broadcast %reduce_sum3A_1837 : i1 to vector<16xi1>
        %reduce_sum3A_1839 = tpu.scan <sum>, %add3A_1828 masked %reduce_sum3A_1838 : vector<16xf32>, vector<16xi1> -> vector<16xf32>
        %reduce_sum3A_1840 = vector.extract %reduce_sum3A_1839[15] : f32 from vector<16xf32>
        %broadcast_in_dim3A_1841 = vector.broadcast %reduce_sum3A_1840 : f32 to vector<16xf32>
        %swap3A_1842 = arith.index_cast %scan3A_1686 : i32 to index
        %swap3A_1843 = arith.constant 0 : index
        %swap3A_1844 = tpu.vector_load %arg18[%swap3A_1842, %swap3A_1843] {strides = array<i32>} : memref<80x16xf32, #tpu.memory_space<vmem>>, vector<16xf32>,
        tpu.vector_store %arg18[%swap3A_1842, %swap3A_1843], %broadcast_in_dim3A_1841 {strides = array<i32>} : memref<80x16xf32, #tpu.memory_space<vmem>>, vector<16xf32>,
        %scan3A_1845 = arith.constant 0 : i32
        scf.yield %scan3A_1845 : i32
      }
      %scan3A_746 = arith.constant 80 : i32
      %add3A_747 = arith.constant 0 : i32
      %add3A_748 = arith.addi %mul3A_739, %add3A_747 : i32
      %add3A_749 = vector.broadcast %add3A_748 : i32 to vector<16xi32>
      %add3A_750 = arith.addi %add3A_749, %iota3A : vector<16xi32>
      %add3A_751 = arith.constant 0 : i32
      %add3A_752 = arith.addi %mul3A_739, %add3A_751 : i32
      %get3A_753 = arith.index_cast %add3A_752 : i32 to index
      %get3A_754 = tpu.vector_load %arg9[%get3A_753] {strides = array<i32>} : memref<800xi32, #tpu.memory_space<vmem>>, vector<16xi32>,
      %add3A_755 = arith.constant 0 : i32
      %add3A_756 = vector.broadcast %add3A_755 : i32 to vector<16xi32>
      %add3A_757 = arith.addi %add3A_756, %iota3A : vector<16xi32>
      %gather3A_758 = tpu.vector_load_idx %arg14[%add3A_757, %get3A_754] : memref<80x256xf32, #tpu.memory_space<vmem>>[vector<16xi32>, vector<16xi32>], vector<16xf32>,
      %gather3A_759 = tpu.vector_load_idx %arg16[%add3A_757, %get3A_754] : memref<80x256xf32, #tpu.memory_space<vmem>>[vector<16xi32>, vector<16xi32>], vector<16xf32>,
      %broadcast_in_dim3A_760 = arith.constant 0 : i32
      %broadcast_in_dim3A_761 = vector.broadcast %broadcast_in_dim3A_760 : i32 to vector<16xi32>
      %gather3A_762 = tpu.vector_load_idx %arg17[%add3A_757, %broadcast_in_dim3A_761] : memref<80x16xf32, #tpu.memory_space<vmem>>[vector<16xi32>, vector<16xi32>], vector<16xf32>,
      %gather3A_763 = tpu.vector_load_idx %arg18[%add3A_757, %broadcast_in_dim3A_761] : memref<80x16xf32, #tpu.memory_space<vmem>>[vector<16xi32>, vector<16xi32>], vector<16xf32>,
      %mul3A_764 = arith.constant 4 : i32
      %mul3A_765 = arith.muli %add3A, %mul3A_764 : i32
      %jit3A_766 = arith.constant 200 : i32
      %div3A_767 = vector.broadcast %jit3A_766 : i32 to vector<16xi32>
      %div3A_768 = arith.divsi %add3A_750, %div3A_767 : vector<16xi32>
      %sign3A_769 = arith.constant 0 : i32
      %sign3A_770 = vector.broadcast %sign3A_769 : i32 to vector<16xi32>
      %sign3A_771 = arith.cmpi sgt, %add3A_750, %sign3A_770 : vector<16xi32>
      %sign3A_772 = arith.extui %sign3A_771 : vector<16xi1> to vector<16xi32>
      %sign3A_773 = arith.constant 0 : i32
      %sign3A_774 = vector.broadcast %sign3A_773 : i32 to vector<16xi32>
      %sign3A_775 = arith.cmpi slt, %add3A_750, %sign3A_774 : vector<16xi32>
      %sign3A_776 = arith.extui %sign3A_775 : vector<16xi1> to vector<16xi32>
      %sign3A_777 = arith.subi %sign3A_772, %sign3A_776 : vector<16xi32>
      %sign3A_778 = arith.constant 0 : i32
      %sign3A_779 = arith.cmpi sgt, %jit3A_766, %sign3A_778 : i32
      %sign3A_780 = arith.extui %sign3A_779 : i1 to i32
      %sign3A_781 = arith.constant 0 : i32
      %sign3A_782 = arith.cmpi slt, %jit3A_766, %sign3A_781 : i32
      %sign3A_783 = arith.extui %sign3A_782 : i1 to i32
      %sign3A_784 = arith.subi %sign3A_780, %sign3A_783 : i32
      %ne3A_785 = vector.broadcast %sign3A_784 : i32 to vector<16xi32>
      %ne3A_786 = arith.cmpi ne, %sign3A_777, %ne3A_785 : vector<16xi32>
      %rem3A_787 = vector.broadcast %jit3A_766 : i32 to vector<16xi32>
      %rem3A_788 = arith.remsi %add3A_750, %rem3A_787 : vector<16xi32>
      %ne3A_789 = arith.constant 0 : i32
      %ne3A_790 = vector.broadcast %ne3A_789 : i32 to vector<16xi32>
      %ne3A_791 = arith.cmpi ne, %rem3A_788, %ne3A_790 : vector<16xi32>
      %and3A_792 = arith.andi %ne3A_786, %ne3A_791 : vector<16xi1>
      %sub3A_793 = arith.constant 1 : i32
      %sub3A_794 = vector.broadcast %sub3A_793 : i32 to vector<16xi32>
      %sub3A_795 = arith.subi %div3A_768, %sub3A_794 : vector<16xi32>
      %select_n3A_796 = arith.select %and3A_792, %sub3A_795, %div3A_768 : vector<16xi1>, vector<16xi32>
      %add3A_797 = vector.broadcast %mul3A_765 : i32 to vector<16xi32>
      %add3A_798 = arith.addi %add3A_797, %select_n3A_796 : vector<16xi32>
      %gather3A_799 = tpu.vector_load_idx %arg10[%add3A_798] : memref<128xf32, #tpu.memory_space<vmem>>[vector<16xi32>], vector<16xf32>,
      %div3A_800 = arith.constant -0.105360515 : f32
      %div3A_801 = vector.broadcast %div3A_800 : f32 to vector<16xf32>
      %div3A_802 = arith.divf %div3A_801, %gather3A_799 : vector<16xf32>
      %exp3A_803 = math.exp %div3A_802 : vector<16xf32>
      %sub3A_804 = arith.constant 1.000000e+00 : f32
      %sub3A_805 = vector.broadcast %sub3A_804 : f32 to vector<16xf32>
      %sub3A_806 = arith.subf %sub3A_805, %exp3A_803 : vector<16xf32>
      %ne3A_807 = arith.constant 0 : i32
      %ne3A_808 = vector.broadcast %ne3A_807 : i32 to vector<16xi32>
      %ne3A_809 = arith.cmpi ne, %get3A_754, %ne3A_808 : vector<16xi32>
      %convert_element_type3A_810 = arith.extui %ne3A_809 : vector<16xi1> to vector<16xi32>
      %convert_element_type3A_811 = arith.sitofp %convert_element_type3A_810 : vector<16xi32> to vector<16xf32>
      %mul3A_812 = arith.mulf %sub3A_806, %convert_element_type3A_811 : vector<16xf32>
      %mul3A_813 = arith.mulf %mul3A_812, %gather3A_763 : vector<16xf32>
      %sub3A_814 = arith.subf %convert_element_type3A_811, %mul3A_813 : vector<16xf32>
      %mul3A_815 = arith.mulf %mul3A_812, %gather3A_759 : vector<16xf32>
      %sub3A_816 = arith.subf %sub3A_814, %mul3A_815 : vector<16xf32>
      %add3A_817 = arith.addf %mul3A_813, %sub3A_816 : vector<16xf32>
      %add3A_818 = arith.constant 0 : i32
      %add3A_819 = arith.addi %mul3A_739, %add3A_818 : i32
      %swap3A_820 = arith.index_cast %add3A_819 : i32 to index
      %swap3A_821 = tpu.vector_load %arg19[%swap3A_820] {strides = array<i32>} : memref<800xf32, #tpu.memory_space<vmem>>, vector<16xf32>,
      tpu.vector_store %arg19[%swap3A_820], %add3A_817 {strides = array<i32>} : memref<800xf32, #tpu.memory_space<vmem>>, vector<16xf32>,
      %get3A_822 = arith.constant 0 : index
      %get3A_823 = tpu.vector_load %arg20[%get3A_822] {strides = array<i32>} : memref<16xf32, #tpu.memory_space<vmem>>, vector<16xf32>,
      %mul3A_824 = arith.mulf %mul3A_812, %gather3A_762 : vector<16xf32>
      %add3A_825 = arith.addf %get3A_823, %mul3A_824 : vector<16xf32>
      %mul3A_826 = arith.mulf %sub3A_816, %gather3A_758 : vector<16xf32>
      %add3A_827 = arith.addf %add3A_825, %mul3A_826 : vector<16xf32>
      %swap3A_828 = arith.constant 0 : index
      %swap3A_829 = tpu.vector_load %arg20[%swap3A_828] {strides = array<i32>} : memref<16xf32, #tpu.memory_space<vmem>>, vector<16xf32>,
      tpu.vector_store %arg20[%swap3A_828], %add3A_827 {strides = array<i32>} : memref<16xf32, #tpu.memory_space<vmem>>, vector<16xf32>,
      %get3A_830 = arith.constant 0 : index
      %get3A_831 = tpu.vector_load %arg21[%get3A_830] {strides = array<i32>} : memref<16xf32, #tpu.memory_space<vmem>>, vector<16xf32>,
      %sub3A_832 = arith.constant 1.000000e+00 : f32
      %sub3A_833 = vector.broadcast %sub3A_832 : f32 to vector<16xf32>
      %sub3A_834 = arith.subf %sub3A_833, %convert_element_type3A_811 : vector<16xf32>
      %add3A_835 = arith.addf %get3A_831, %sub3A_834 : vector<16xf32>
      %swap3A_836 = arith.constant 0 : index
      %swap3A_837 = tpu.vector_load %arg21[%swap3A_836] {strides = array<i32>} : memref<16xf32, #tpu.memory_space<vmem>>, vector<16xf32>,
      tpu.vector_store %arg21[%swap3A_836], %add3A_835 {strides = array<i32>} : memref<16xf32, #tpu.memory_space<vmem>>, vector<16xf32>,
      %add3A_838 = arith.constant 16 : i32
      %add3A_839 = arith.addi %mul3A_739, %add3A_838 : i32
      %add3A_840 = vector.broadcast %add3A_839 : i32 to vector<16xi32>
      %add3A_841 = arith.addi %add3A_840, %iota3A : vector<16xi32>
      %add3A_842 = arith.constant 16 : i32
      %add3A_843 = arith.addi %mul3A_739, %add3A_842 : i32
      %get3A_844 = arith.index_cast %add3A_843 : i32 to index
      %get3A_845 = tpu.vector_load %arg9[%get3A_844] {strides = array<i32>} : memref<800xi32, #tpu.memory_space<vmem>>, vector<16xi32>,
      %add3A_846 = arith.constant 16 : i32
      %add3A_847 = vector.broadcast %add3A_846 : i32 to vector<16xi32>
      %add3A_848 = arith.addi %add3A_847, %iota3A : vector<16xi32>
      %gather3A_849 = tpu.vector_load_idx %arg14[%add3A_848, %get3A_845] : memref<80x256xf32, #tpu.memory_space<vmem>>[vector<16xi32>, vector<16xi32>], vector<16xf32>,
      %gather3A_850 = tpu.vector_load_idx %arg16[%add3A_848, %get3A_845] : memref<80x256xf32, #tpu.memory_space<vmem>>[vector<16xi32>, vector<16xi32>], vector<16xf32>,
      %broadcast_in_dim3A_851 = arith.constant 0 : i32
      %broadcast_in_dim3A_852 = vector.broadcast %broadcast_in_dim3A_851 : i32 to vector<16xi32>
      %gather3A_853 = tpu.vector_load_idx %arg17[%add3A_848, %broadcast_in_dim3A_852] : memref<80x16xf32, #tpu.memory_space<vmem>>[vector<16xi32>, vector<16xi32>], vector<16xf32>,
      %gather3A_854 = tpu.vector_load_idx %arg18[%add3A_848, %broadcast_in_dim3A_852] : memref<80x16xf32, #tpu.memory_space<vmem>>[vector<16xi32>, vector<16xi32>], vector<16xf32>,
      %mul3A_855 = arith.constant 4 : i32
      %mul3A_856 = arith.muli %add3A, %mul3A_855 : i32
      %jit3A_857 = arith.constant 200 : i32
      %div3A_858 = vector.broadcast %jit3A_857 : i32 to vector<16xi32>
      %div3A_859 = arith.divsi %add3A_841, %div3A_858 : vector<16xi32>
      %sign3A_860 = arith.constant 0 : i32
      %sign3A_861 = vector.broadcast %sign3A_860 : i32 to vector<16xi32>
      %sign3A_862 = arith.cmpi sgt, %add3A_841, %sign3A_861 : vector<16xi32>
      %sign3A_863 = arith.extui %sign3A_862 : vector<16xi1> to vector<16xi32>
      %sign3A_864 = arith.constant 0 : i32
      %sign3A_865 = vector.broadcast %sign3A_864 : i32 to vector<16xi32>
      %sign3A_866 = arith.cmpi slt, %add3A_841, %sign3A_865 : vector<16xi32>
      %sign3A_867 = arith.extui %sign3A_866 : vector<16xi1> to vector<16xi32>
      %sign3A_868 = arith.subi %sign3A_863, %sign3A_867 : vector<16xi32>
      %sign3A_869 = arith.constant 0 : i32
      %sign3A_870 = arith.cmpi sgt, %jit3A_857, %sign3A_869 : i32
      %sign3A_871 = arith.extui %sign3A_870 : i1 to i32
      %sign3A_872 = arith.constant 0 : i32
      %sign3A_873 = arith.cmpi slt, %jit3A_857, %sign3A_872 : i32
      %sign3A_874 = arith.extui %sign3A_873 : i1 to i32
      %sign3A_875 = arith.subi %sign3A_871, %sign3A_874 : i32
      %ne3A_876 = vector.broadcast %sign3A_875 : i32 to vector<16xi32>
      %ne3A_877 = arith.cmpi ne, %sign3A_868, %ne3A_876 : vector<16xi32>
      %rem3A_878 = vector.broadcast %jit3A_857 : i32 to vector<16xi32>
      %rem3A_879 = arith.remsi %add3A_841, %rem3A_878 : vector<16xi32>
      %ne3A_880 = arith.constant 0 : i32
      %ne3A_881 = vector.broadcast %ne3A_880 : i32 to vector<16xi32>
      %ne3A_882 = arith.cmpi ne, %rem3A_879, %ne3A_881 : vector<16xi32>
      %and3A_883 = arith.andi %ne3A_877, %ne3A_882 : vector<16xi1>
      %sub3A_884 = arith.constant 1 : i32
      %sub3A_885 = vector.broadcast %sub3A_884 : i32 to vector<16xi32>
      %sub3A_886 = arith.subi %div3A_859, %sub3A_885 : vector<16xi32>
      %select_n3A_887 = arith.select %and3A_883, %sub3A_886, %div3A_859 : vector<16xi1>, vector<16xi32>
      %add3A_888 = vector.broadcast %mul3A_856 : i32 to vector<16xi32>
      %add3A_889 = arith.addi %add3A_888, %select_n3A_887 : vector<16xi32>
      %gather3A_890 = tpu.vector_load_idx %arg10[%add3A_889] : memref<128xf32, #tpu.memory_space<vmem>>[vector<16xi32>], vector<16xf32>,
      %div3A_891 = arith.constant -0.105360515 : f32
      %div3A_892 = vector.broadcast %div3A_891 : f32 to vector<16xf32>
      %div3A_893 = arith.divf %div3A_892, %gather3A_890 : vector<16xf32>
      %exp3A_894 = math.exp %div3A_893 : vector<16xf32>
      %sub3A_895 = arith.constant 1.000000e+00 : f32
      %sub3A_896 = vector.broadcast %sub3A_895 : f32 to vector<16xf32>
      %sub3A_897 = arith.subf %sub3A_896, %exp3A_894 : vector<16xf32>
      %ne3A_898 = arith.constant 0 : i32
      %ne3A_899 = vector.broadcast %ne3A_898 : i32 to vector<16xi32>
      %ne3A_900 = arith.cmpi ne, %get3A_845, %ne3A_899 : vector<16xi32>
      %convert_element_type3A_901 = arith.extui %ne3A_900 : vector<16xi1> to vector<16xi32>
      %convert_element_type3A_902 = arith.sitofp %convert_element_type3A_901 : vector<16xi32> to vector<16xf32>
      %mul3A_903 = arith.mulf %sub3A_897, %convert_element_type3A_902 : vector<16xf32>
      %mul3A_904 = arith.mulf %mul3A_903, %gather3A_854 : vector<16xf32>
      %sub3A_905 = arith.subf %convert_element_type3A_902, %mul3A_904 : vector<16xf32>
      %mul3A_906 = arith.mulf %mul3A_903, %gather3A_850 : vector<16xf32>
      %sub3A_907 = arith.subf %sub3A_905, %mul3A_906 : vector<16xf32>
      %add3A_908 = arith.addf %mul3A_904, %sub3A_907 : vector<16xf32>
      %add3A_909 = arith.constant 16 : i32
      %add3A_910 = arith.addi %mul3A_739, %add3A_909 : i32
      %swap3A_911 = arith.index_cast %add3A_910 : i32 to index
      %swap3A_912 = tpu.vector_load %arg19[%swap3A_911] {strides = array<i32>} : memref<800xf32, #tpu.memory_space<vmem>>, vector<16xf32>,
      tpu.vector_store %arg19[%swap3A_911], %add3A_908 {strides = array<i32>} : memref<800xf32, #tpu.memory_space<vmem>>, vector<16xf32>,
      %get3A_913 = arith.constant 0 : index
      %get3A_914 = tpu.vector_load %arg20[%get3A_913] {strides = array<i32>} : memref<16xf32, #tpu.memory_space<vmem>>, vector<16xf32>,
      %mul3A_915 = arith.mulf %mul3A_903, %gather3A_853 : vector<16xf32>
      %add3A_916 = arith.addf %get3A_914, %mul3A_915 : vector<16xf32>
      %mul3A_917 = arith.mulf %sub3A_907, %gather3A_849 : vector<16xf32>
      %add3A_918 = arith.addf %add3A_916, %mul3A_917 : vector<16xf32>
      %swap3A_919 = arith.constant 0 : index
      %swap3A_920 = tpu.vector_load %arg20[%swap3A_919] {strides = array<i32>} : memref<16xf32, #tpu.memory_space<vmem>>, vector<16xf32>,
      tpu.vector_store %arg20[%swap3A_919], %add3A_918 {strides = array<i32>} : memref<16xf32, #tpu.memory_space<vmem>>, vector<16xf32>,
      %get3A_921 = arith.constant 0 : index
      %get3A_922 = tpu.vector_load %arg21[%get3A_921] {strides = array<i32>} : memref<16xf32, #tpu.memory_space<vmem>>, vector<16xf32>,
      %sub3A_923 = arith.constant 1.000000e+00 : f32
      %sub3A_924 = vector.broadcast %sub3A_923 : f32 to vector<16xf32>
      %sub3A_925 = arith.subf %sub3A_924, %convert_element_type3A_902 : vector<16xf32>
      %add3A_926 = arith.addf %get3A_922, %sub3A_925 : vector<16xf32>
      %swap3A_927 = arith.constant 0 : index
      %swap3A_928 = tpu.vector_load %arg21[%swap3A_927] {strides = array<i32>} : memref<16xf32, #tpu.memory_space<vmem>>, vector<16xf32>,
      tpu.vector_store %arg21[%swap3A_927], %add3A_926 {strides = array<i32>} : memref<16xf32, #tpu.memory_space<vmem>>, vector<16xf32>,
      %add3A_929 = arith.constant 32 : i32
      %add3A_930 = arith.addi %mul3A_739, %add3A_929 : i32
      %add3A_931 = vector.broadcast %add3A_930 : i32 to vector<16xi32>
      %add3A_932 = arith.addi %add3A_931, %iota3A : vector<16xi32>
      %add3A_933 = arith.constant 32 : i32
      %add3A_934 = arith.addi %mul3A_739, %add3A_933 : i32
      %get3A_935 = arith.index_cast %add3A_934 : i32 to index
      %get3A_936 = tpu.vector_load %arg9[%get3A_935] {strides = array<i32>} : memref<800xi32, #tpu.memory_space<vmem>>, vector<16xi32>,
      %add3A_937 = arith.constant 32 : i32
      %add3A_938 = vector.broadcast %add3A_937 : i32 to vector<16xi32>
      %add3A_939 = arith.addi %add3A_938, %iota3A : vector<16xi32>
      %gather3A_940 = tpu.vector_load_idx %arg14[%add3A_939, %get3A_936] : memref<80x256xf32, #tpu.memory_space<vmem>>[vector<16xi32>, vector<16xi32>], vector<16xf32>,
      %gather3A_941 = tpu.vector_load_idx %arg16[%add3A_939, %get3A_936] : memref<80x256xf32, #tpu.memory_space<vmem>>[vector<16xi32>, vector<16xi32>], vector<16xf32>,
      %broadcast_in_dim3A_942 = arith.constant 0 : i32
      %broadcast_in_dim3A_943 = vector.broadcast %broadcast_in_dim3A_942 : i32 to vector<16xi32>
      %gather3A_944 = tpu.vector_load_idx %arg17[%add3A_939, %broadcast_in_dim3A_943] : memref<80x16xf32, #tpu.memory_space<vmem>>[vector<16xi32>, vector<16xi32>], vector<16xf32>,
      %gather3A_945 = tpu.vector_load_idx %arg18[%add3A_939, %broadcast_in_dim3A_943] : memref<80x16xf32, #tpu.memory_space<vmem>>[vector<16xi32>, vector<16xi32>], vector<16xf32>,
      %mul3A_946 = arith.constant 4 : i32
      %mul3A_947 = arith.muli %add3A, %mul3A_946 : i32
      %jit3A_948 = arith.constant 200 : i32
      %div3A_949 = vector.broadcast %jit3A_948 : i32 to vector<16xi32>
      %div3A_950 = arith.divsi %add3A_932, %div3A_949 : vector<16xi32>
      %sign3A_951 = arith.constant 0 : i32
      %sign3A_952 = vector.broadcast %sign3A_951 : i32 to vector<16xi32>
      %sign3A_953 = arith.cmpi sgt, %add3A_932, %sign3A_952 : vector<16xi32>
      %sign3A_954 = arith.extui %sign3A_953 : vector<16xi1> to vector<16xi32>
      %sign3A_955 = arith.constant 0 : i32
      %sign3A_956 = vector.broadcast %sign3A_955 : i32 to vector<16xi32>
      %sign3A_957 = arith.cmpi slt, %add3A_932, %sign3A_956 : vector<16xi32>
      %sign3A_958 = arith.extui %sign3A_957 : vector<16xi1> to vector<16xi32>
      %sign3A_959 = arith.subi %sign3A_954, %sign3A_958 : vector<16xi32>
      %sign3A_960 = arith.constant 0 : i32
      %sign3A_961 = arith.cmpi sgt, %jit3A_948, %sign3A_960 : i32
      %sign3A_962 = arith.extui %sign3A_961 : i1 to i32
      %sign3A_963 = arith.constant 0 : i32
      %sign3A_964 = arith.cmpi slt, %jit3A_948, %sign3A_963 : i32
      %sign3A_965 = arith.extui %sign3A_964 : i1 to i32
      %sign3A_966 = arith.subi %sign3A_962, %sign3A_965 : i32
      %ne3A_967 = vector.broadcast %sign3A_966 : i32 to vector<16xi32>
      %ne3A_968 = arith.cmpi ne, %sign3A_959, %ne3A_967 : vector<16xi32>
      %rem3A_969 = vector.broadcast %jit3A_948 : i32 to vector<16xi32>
      %rem3A_970 = arith.remsi %add3A_932, %rem3A_969 : vector<16xi32>
      %ne3A_971 = arith.constant 0 : i32
      %ne3A_972 = vector.broadcast %ne3A_971 : i32 to vector<16xi32>
      %ne3A_973 = arith.cmpi ne, %rem3A_970, %ne3A_972 : vector<16xi32>
      %and3A_974 = arith.andi %ne3A_968, %ne3A_973 : vector<16xi1>
      %sub3A_975 = arith.constant 1 : i32
      %sub3A_976 = vector.broadcast %sub3A_975 : i32 to vector<16xi32>
      %sub3A_977 = arith.subi %div3A_950, %sub3A_976 : vector<16xi32>
      %select_n3A_978 = arith.select %and3A_974, %sub3A_977, %div3A_950 : vector<16xi1>, vector<16xi32>
      %add3A_979 = vector.broadcast %mul3A_947 : i32 to vector<16xi32>
      %add3A_980 = arith.addi %add3A_979, %select_n3A_978 : vector<16xi32>
      %gather3A_981 = tpu.vector_load_idx %arg10[%add3A_980] : memref<128xf32, #tpu.memory_space<vmem>>[vector<16xi32>], vector<16xf32>,
      %div3A_982 = arith.constant -0.105360515 : f32
      %div3A_983 = vector.broadcast %div3A_982 : f32 to vector<16xf32>
      %div3A_984 = arith.divf %div3A_983, %gather3A_981 : vector<16xf32>
      %exp3A_985 = math.exp %div3A_984 : vector<16xf32>
      %sub3A_986 = arith.constant 1.000000e+00 : f32
      %sub3A_987 = vector.broadcast %sub3A_986 : f32 to vector<16xf32>
      %sub3A_988 = arith.subf %sub3A_987, %exp3A_985 : vector<16xf32>
      %ne3A_989 = arith.constant 0 : i32
      %ne3A_990 = vector.broadcast %ne3A_989 : i32 to vector<16xi32>
      %ne3A_991 = arith.cmpi ne, %get3A_936, %ne3A_990 : vector<16xi32>
      %convert_element_type3A_992 = arith.extui %ne3A_991 : vector<16xi1> to vector<16xi32>
      %convert_element_type3A_993 = arith.sitofp %convert_element_type3A_992 : vector<16xi32> to vector<16xf32>
      %mul3A_994 = arith.mulf %sub3A_988, %convert_element_type3A_993 : vector<16xf32>
      %mul3A_995 = arith.mulf %mul3A_994, %gather3A_945 : vector<16xf32>
      %sub3A_996 = arith.subf %convert_element_type3A_993, %mul3A_995 : vector<16xf32>
      %mul3A_997 = arith.mulf %mul3A_994, %gather3A_941 : vector<16xf32>
      %sub3A_998 = arith.subf %sub3A_996, %mul3A_997 : vector<16xf32>
      %add3A_999 = arith.addf %mul3A_995, %sub3A_998 : vector<16xf32>
      %add3A_1000 = arith.constant 32 : i32
      %add3A_1001 = arith.addi %mul3A_739, %add3A_1000 : i32
      %swap3A_1002 = arith.index_cast %add3A_1001 : i32 to index
      %swap3A_1003 = tpu.vector_load %arg19[%swap3A_1002] {strides = array<i32>} : memref<800xf32, #tpu.memory_space<vmem>>, vector<16xf32>,
      tpu.vector_store %arg19[%swap3A_1002], %add3A_999 {strides = array<i32>} : memref<800xf32, #tpu.memory_space<vmem>>, vector<16xf32>,
      %get3A_1004 = arith.constant 0 : index
      %get3A_1005 = tpu.vector_load %arg20[%get3A_1004] {strides = array<i32>} : memref<16xf32, #tpu.memory_space<vmem>>, vector<16xf32>,
      %mul3A_1006 = arith.mulf %mul3A_994, %gather3A_944 : vector<16xf32>
      %add3A_1007 = arith.addf %get3A_1005, %mul3A_1006 : vector<16xf32>
      %mul3A_1008 = arith.mulf %sub3A_998, %gather3A_940 : vector<16xf32>
      %add3A_1009 = arith.addf %add3A_1007, %mul3A_1008 : vector<16xf32>
      %swap3A_1010 = arith.constant 0 : index
      %swap3A_1011 = tpu.vector_load %arg20[%swap3A_1010] {strides = array<i32>} : memref<16xf32, #tpu.memory_space<vmem>>, vector<16xf32>,
      tpu.vector_store %arg20[%swap3A_1010], %add3A_1009 {strides = array<i32>} : memref<16xf32, #tpu.memory_space<vmem>>, vector<16xf32>,
      %get3A_1012 = arith.constant 0 : index
      %get3A_1013 = tpu.vector_load %arg21[%get3A_1012] {strides = array<i32>} : memref<16xf32, #tpu.memory_space<vmem>>, vector<16xf32>,
      %sub3A_1014 = arith.constant 1.000000e+00 : f32
      %sub3A_1015 = vector.broadcast %sub3A_1014 : f32 to vector<16xf32>
      %sub3A_1016 = arith.subf %sub3A_1015, %convert_element_type3A_993 : vector<16xf32>
      %add3A_1017 = arith.addf %get3A_1013, %sub3A_1016 : vector<16xf32>
      %swap3A_1018 = arith.constant 0 : index
      %swap3A_1019 = tpu.vector_load %arg21[%swap3A_1018] {strides = array<i32>} : memref<16xf32, #tpu.memory_space<vmem>>, vector<16xf32>,
      tpu.vector_store %arg21[%swap3A_1018], %add3A_1017 {strides = array<i32>} : memref<16xf32, #tpu.memory_space<vmem>>, vector<16xf32>,
      %add3A_1020 = arith.constant 48 : i32
      %add3A_1021 = arith.addi %mul3A_739, %add3A_1020 : i32
      %add3A_1022 = vector.broadcast %add3A_1021 : i32 to vector<16xi32>
      %add3A_1023 = arith.addi %add3A_1022, %iota3A : vector<16xi32>
      %add3A_1024 = arith.constant 48 : i32
      %add3A_1025 = arith.addi %mul3A_739, %add3A_1024 : i32
      %get3A_1026 = arith.index_cast %add3A_1025 : i32 to index
      %get3A_1027 = tpu.vector_load %arg9[%get3A_1026] {strides = array<i32>} : memref<800xi32, #tpu.memory_space<vmem>>, vector<16xi32>,
      %add3A_1028 = arith.constant 48 : i32
      %add3A_1029 = vector.broadcast %add3A_1028 : i32 to vector<16xi32>
      %add3A_1030 = arith.addi %add3A_1029, %iota3A : vector<16xi32>
      %gather3A_1031 = tpu.vector_load_idx %arg14[%add3A_1030, %get3A_1027] : memref<80x256xf32, #tpu.memory_space<vmem>>[vector<16xi32>, vector<16xi32>], vector<16xf32>,
      %gather3A_1032 = tpu.vector_load_idx %arg16[%add3A_1030, %get3A_1027] : memref<80x256xf32, #tpu.memory_space<vmem>>[vector<16xi32>, vector<16xi32>], vector<16xf32>,
      %broadcast_in_dim3A_1033 = arith.constant 0 : i32
      %broadcast_in_dim3A_1034 = vector.broadcast %broadcast_in_dim3A_1033 : i32 to vector<16xi32>
      %gather3A_1035 = tpu.vector_load_idx %arg17[%add3A_1030, %broadcast_in_dim3A_1034] : memref<80x16xf32, #tpu.memory_space<vmem>>[vector<16xi32>, vector<16xi32>], vector<16xf32>,
      %gather3A_1036 = tpu.vector_load_idx %arg18[%add3A_1030, %broadcast_in_dim3A_1034] : memref<80x16xf32, #tpu.memory_space<vmem>>[vector<16xi32>, vector<16xi32>], vector<16xf32>,
      %mul3A_1037 = arith.constant 4 : i32
      %mul3A_1038 = arith.muli %add3A, %mul3A_1037 : i32
      %jit3A_1039 = arith.constant 200 : i32
      %div3A_1040 = vector.broadcast %jit3A_1039 : i32 to vector<16xi32>
      %div3A_1041 = arith.divsi %add3A_1023, %div3A_1040 : vector<16xi32>
      %sign3A_1042 = arith.constant 0 : i32
      %sign3A_1043 = vector.broadcast %sign3A_1042 : i32 to vector<16xi32>
      %sign3A_1044 = arith.cmpi sgt, %add3A_1023, %sign3A_1043 : vector<16xi32>
      %sign3A_1045 = arith.extui %sign3A_1044 : vector<16xi1> to vector<16xi32>
      %sign3A_1046 = arith.constant 0 : i32
      %sign3A_1047 = vector.broadcast %sign3A_1046 : i32 to vector<16xi32>
      %sign3A_1048 = arith.cmpi slt, %add3A_1023, %sign3A_1047 : vector<16xi32>
      %sign3A_1049 = arith.extui %sign3A_1048 : vector<16xi1> to vector<16xi32>
      %sign3A_1050 = arith.subi %sign3A_1045, %sign3A_1049 : vector<16xi32>
      %sign3A_1051 = arith.constant 0 : i32
      %sign3A_1052 = arith.cmpi sgt, %jit3A_1039, %sign3A_1051 : i32
      %sign3A_1053 = arith.extui %sign3A_1052 : i1 to i32
      %sign3A_1054 = arith.constant 0 : i32
      %sign3A_1055 = arith.cmpi slt, %jit3A_1039, %sign3A_1054 : i32
      %sign3A_1056 = arith.extui %sign3A_1055 : i1 to i32
      %sign3A_1057 = arith.subi %sign3A_1053, %sign3A_1056 : i32
      %ne3A_1058 = vector.broadcast %sign3A_1057 : i32 to vector<16xi32>
      %ne3A_1059 = arith.cmpi ne, %sign3A_1050, %ne3A_1058 : vector<16xi32>
      %rem3A_1060 = vector.broadcast %jit3A_1039 : i32 to vector<16xi32>
      %rem3A_1061 = arith.remsi %add3A_1023, %rem3A_1060 : vector<16xi32>
      %ne3A_1062 = arith.constant 0 : i32
      %ne3A_1063 = vector.broadcast %ne3A_1062 : i32 to vector<16xi32>
      %ne3A_1064 = arith.cmpi ne, %rem3A_1061, %ne3A_1063 : vector<16xi32>
      %and3A_1065 = arith.andi %ne3A_1059, %ne3A_1064 : vector<16xi1>
      %sub3A_1066 = arith.constant 1 : i32
      %sub3A_1067 = vector.broadcast %sub3A_1066 : i32 to vector<16xi32>
      %sub3A_1068 = arith.subi %div3A_1041, %sub3A_1067 : vector<16xi32>
      %select_n3A_1069 = arith.select %and3A_1065, %sub3A_1068, %div3A_1041 : vector<16xi1>, vector<16xi32>
      %add3A_1070 = vector.broadcast %mul3A_1038 : i32 to vector<16xi32>
      %add3A_1071 = arith.addi %add3A_1070, %select_n3A_1069 : vector<16xi32>
      %gather3A_1072 = tpu.vector_load_idx %arg10[%add3A_1071] : memref<128xf32, #tpu.memory_space<vmem>>[vector<16xi32>], vector<16xf32>,
      %div3A_1073 = arith.constant -0.105360515 : f32
      %div3A_1074 = vector.broadcast %div3A_1073 : f32 to vector<16xf32>
      %div3A_1075 = arith.divf %div3A_1074, %gather3A_1072 : vector<16xf32>
      %exp3A_1076 = math.exp %div3A_1075 : vector<16xf32>
      %sub3A_1077 = arith.constant 1.000000e+00 : f32
      %sub3A_1078 = vector.broadcast %sub3A_1077 : f32 to vector<16xf32>
      %sub3A_1079 = arith.subf %sub3A_1078, %exp3A_1076 : vector<16xf32>
      %ne3A_1080 = arith.constant 0 : i32
      %ne3A_1081 = vector.broadcast %ne3A_1080 : i32 to vector<16xi32>
      %ne3A_1082 = arith.cmpi ne, %get3A_1027, %ne3A_1081 : vector<16xi32>
      %convert_element_type3A_1083 = arith.extui %ne3A_1082 : vector<16xi1> to vector<16xi32>
      %convert_element_type3A_1084 = arith.sitofp %convert_element_type3A_1083 : vector<16xi32> to vector<16xf32>
      %mul3A_1085 = arith.mulf %sub3A_1079, %convert_element_type3A_1084 : vector<16xf32>
      %mul3A_1086 = arith.mulf %mul3A_1085, %gather3A_1036 : vector<16xf32>
      %sub3A_1087 = arith.subf %convert_element_type3A_1084, %mul3A_1086 : vector<16xf32>
      %mul3A_1088 = arith.mulf %mul3A_1085, %gather3A_1032 : vector<16xf32>
      %sub3A_1089 = arith.subf %sub3A_1087, %mul3A_1088 : vector<16xf32>
      %add3A_1090 = arith.addf %mul3A_1086, %sub3A_1089 : vector<16xf32>
      %add3A_1091 = arith.constant 48 : i32
      %add3A_1092 = arith.addi %mul3A_739, %add3A_1091 : i32
      %swap3A_1093 = arith.index_cast %add3A_1092 : i32 to index
      %swap3A_1094 = tpu.vector_load %arg19[%swap3A_1093] {strides = array<i32>} : memref<800xf32, #tpu.memory_space<vmem>>, vector<16xf32>,
      tpu.vector_store %arg19[%swap3A_1093], %add3A_1090 {strides = array<i32>} : memref<800xf32, #tpu.memory_space<vmem>>, vector<16xf32>,
      %get3A_1095 = arith.constant 0 : index
      %get3A_1096 = tpu.vector_load %arg20[%get3A_1095] {strides = array<i32>} : memref<16xf32, #tpu.memory_space<vmem>>, vector<16xf32>,
      %mul3A_1097 = arith.mulf %mul3A_1085, %gather3A_1035 : vector<16xf32>
      %add3A_1098 = arith.addf %get3A_1096, %mul3A_1097 : vector<16xf32>
      %mul3A_1099 = arith.mulf %sub3A_1089, %gather3A_1031 : vector<16xf32>
      %add3A_1100 = arith.addf %add3A_1098, %mul3A_1099 : vector<16xf32>
      %swap3A_1101 = arith.constant 0 : index
      %swap3A_1102 = tpu.vector_load %arg20[%swap3A_1101] {strides = array<i32>} : memref<16xf32, #tpu.memory_space<vmem>>, vector<16xf32>,
      tpu.vector_store %arg20[%swap3A_1101], %add3A_1100 {strides = array<i32>} : memref<16xf32, #tpu.memory_space<vmem>>, vector<16xf32>,
      %get3A_1103 = arith.constant 0 : index
      %get3A_1104 = tpu.vector_load %arg21[%get3A_1103] {strides = array<i32>} : memref<16xf32, #tpu.memory_space<vmem>>, vector<16xf32>,
      %sub3A_1105 = arith.constant 1.000000e+00 : f32
      %sub3A_1106 = vector.broadcast %sub3A_1105 : f32 to vector<16xf32>
      %sub3A_1107 = arith.subf %sub3A_1106, %convert_element_type3A_1084 : vector<16xf32>
      %add3A_1108 = arith.addf %get3A_1104, %sub3A_1107 : vector<16xf32>
      %swap3A_1109 = arith.constant 0 : index
      %swap3A_1110 = tpu.vector_load %arg21[%swap3A_1109] {strides = array<i32>} : memref<16xf32, #tpu.memory_space<vmem>>, vector<16xf32>,
      tpu.vector_store %arg21[%swap3A_1109], %add3A_1108 {strides = array<i32>} : memref<16xf32, #tpu.memory_space<vmem>>, vector<16xf32>,
      %add3A_1111 = arith.constant 64 : i32
      %add3A_1112 = arith.addi %mul3A_739, %add3A_1111 : i32
      %add3A_1113 = vector.broadcast %add3A_1112 : i32 to vector<16xi32>
      %add3A_1114 = arith.addi %add3A_1113, %iota3A : vector<16xi32>
      %add3A_1115 = arith.constant 64 : i32
      %add3A_1116 = arith.addi %mul3A_739, %add3A_1115 : i32
      %get3A_1117 = arith.index_cast %add3A_1116 : i32 to index
      %get3A_1118 = tpu.vector_load %arg9[%get3A_1117] {strides = array<i32>} : memref<800xi32, #tpu.memory_space<vmem>>, vector<16xi32>,
      %add3A_1119 = arith.constant 64 : i32
      %add3A_1120 = vector.broadcast %add3A_1119 : i32 to vector<16xi32>
      %add3A_1121 = arith.addi %add3A_1120, %iota3A : vector<16xi32>
      %gather3A_1122 = tpu.vector_load_idx %arg14[%add3A_1121, %get3A_1118] : memref<80x256xf32, #tpu.memory_space<vmem>>[vector<16xi32>, vector<16xi32>], vector<16xf32>,
      %gather3A_1123 = tpu.vector_load_idx %arg16[%add3A_1121, %get3A_1118] : memref<80x256xf32, #tpu.memory_space<vmem>>[vector<16xi32>, vector<16xi32>], vector<16xf32>,
      %broadcast_in_dim3A_1124 = arith.constant 0 : i32
      %broadcast_in_dim3A_1125 = vector.broadcast %broadcast_in_dim3A_1124 : i32 to vector<16xi32>
      %gather3A_1126 = tpu.vector_load_idx %arg17[%add3A_1121, %broadcast_in_dim3A_1125] : memref<80x16xf32, #tpu.memory_space<vmem>>[vector<16xi32>, vector<16xi32>], vector<16xf32>,
      %gather3A_1127 = tpu.vector_load_idx %arg18[%add3A_1121, %broadcast_in_dim3A_1125] : memref<80x16xf32, #tpu.memory_space<vmem>>[vector<16xi32>, vector<16xi32>], vector<16xf32>,
      %mul3A_1128 = arith.constant 4 : i32
      %mul3A_1129 = arith.muli %add3A, %mul3A_1128 : i32
      %jit3A_1130 = arith.constant 200 : i32
      %div3A_1131 = vector.broadcast %jit3A_1130 : i32 to vector<16xi32>
      %div3A_1132 = arith.divsi %add3A_1114, %div3A_1131 : vector<16xi32>
      %sign3A_1133 = arith.constant 0 : i32
      %sign3A_1134 = vector.broadcast %sign3A_1133 : i32 to vector<16xi32>
      %sign3A_1135 = arith.cmpi sgt, %add3A_1114, %sign3A_1134 : vector<16xi32>
      %sign3A_1136 = arith.extui %sign3A_1135 : vector<16xi1> to vector<16xi32>
      %sign3A_1137 = arith.constant 0 : i32
      %sign3A_1138 = vector.broadcast %sign3A_1137 : i32 to vector<16xi32>
      %sign3A_1139 = arith.cmpi slt, %add3A_1114, %sign3A_1138 : vector<16xi32>
      %sign3A_1140 = arith.extui %sign3A_1139 : vector<16xi1> to vector<16xi32>
      %sign3A_1141 = arith.subi %sign3A_1136, %sign3A_1140 : vector<16xi32>
      %sign3A_1142 = arith.constant 0 : i32
      %sign3A_1143 = arith.cmpi sgt, %jit3A_1130, %sign3A_1142 : i32
      %sign3A_1144 = arith.extui %sign3A_1143 : i1 to i32
      %sign3A_1145 = arith.constant 0 : i32
      %sign3A_1146 = arith.cmpi slt, %jit3A_1130, %sign3A_1145 : i32
      %sign3A_1147 = arith.extui %sign3A_1146 : i1 to i32
      %sign3A_1148 = arith.subi %sign3A_1144, %sign3A_1147 : i32
      %ne3A_1149 = vector.broadcast %sign3A_1148 : i32 to vector<16xi32>
      %ne3A_1150 = arith.cmpi ne, %sign3A_1141, %ne3A_1149 : vector<16xi32>
      %rem3A_1151 = vector.broadcast %jit3A_1130 : i32 to vector<16xi32>
      %rem3A_1152 = arith.remsi %add3A_1114, %rem3A_1151 : vector<16xi32>
      %ne3A_1153 = arith.constant 0 : i32
      %ne3A_1154 = vector.broadcast %ne3A_1153 : i32 to vector<16xi32>
      %ne3A_1155 = arith.cmpi ne, %rem3A_1152, %ne3A_1154 : vector<16xi32>
      %and3A_1156 = arith.andi %ne3A_1150, %ne3A_1155 : vector<16xi1>
      %sub3A_1157 = arith.constant 1 : i32
      %sub3A_1158 = vector.broadcast %sub3A_1157 : i32 to vector<16xi32>
      %sub3A_1159 = arith.subi %div3A_1132, %sub3A_1158 : vector<16xi32>
      %select_n3A_1160 = arith.select %and3A_1156, %sub3A_1159, %div3A_1132 : vector<16xi1>, vector<16xi32>
      %add3A_1161 = vector.broadcast %mul3A_1129 : i32 to vector<16xi32>
      %add3A_1162 = arith.addi %add3A_1161, %select_n3A_1160 : vector<16xi32>
      %gather3A_1163 = tpu.vector_load_idx %arg10[%add3A_1162] : memref<128xf32, #tpu.memory_space<vmem>>[vector<16xi32>], vector<16xf32>,
      %div3A_1164 = arith.constant -0.105360515 : f32
      %div3A_1165 = vector.broadcast %div3A_1164 : f32 to vector<16xf32>
      %div3A_1166 = arith.divf %div3A_1165, %gather3A_1163 : vector<16xf32>
      %exp3A_1167 = math.exp %div3A_1166 : vector<16xf32>
      %sub3A_1168 = arith.constant 1.000000e+00 : f32
      %sub3A_1169 = vector.broadcast %sub3A_1168 : f32 to vector<16xf32>
      %sub3A_1170 = arith.subf %sub3A_1169, %exp3A_1167 : vector<16xf32>
      %ne3A_1171 = arith.constant 0 : i32
      %ne3A_1172 = vector.broadcast %ne3A_1171 : i32 to vector<16xi32>
      %ne3A_1173 = arith.cmpi ne, %get3A_1118, %ne3A_1172 : vector<16xi32>
      %convert_element_type3A_1174 = arith.extui %ne3A_1173 : vector<16xi1> to vector<16xi32>
      %convert_element_type3A_1175 = arith.sitofp %convert_element_type3A_1174 : vector<16xi32> to vector<16xf32>
      %mul3A_1176 = arith.mulf %sub3A_1170, %convert_element_type3A_1175 : vector<16xf32>
      %mul3A_1177 = arith.mulf %mul3A_1176, %gather3A_1127 : vector<16xf32>
      %sub3A_1178 = arith.subf %convert_element_type3A_1175, %mul3A_1177 : vector<16xf32>
      %mul3A_1179 = arith.mulf %mul3A_1176, %gather3A_1123 : vector<16xf32>
      %sub3A_1180 = arith.subf %sub3A_1178, %mul3A_1179 : vector<16xf32>
      %add3A_1181 = arith.addf %mul3A_1177, %sub3A_1180 : vector<16xf32>
      %add3A_1182 = arith.constant 64 : i32
      %add3A_1183 = arith.addi %mul3A_739, %add3A_1182 : i32
      %swap3A_1184 = arith.index_cast %add3A_1183 : i32 to index
      %swap3A_1185 = tpu.vector_load %arg19[%swap3A_1184] {strides = array<i32>} : memref<800xf32, #tpu.memory_space<vmem>>, vector<16xf32>,
      tpu.vector_store %arg19[%swap3A_1184], %add3A_1181 {strides = array<i32>} : memref<800xf32, #tpu.memory_space<vmem>>, vector<16xf32>,
      %get3A_1186 = arith.constant 0 : index
      %get3A_1187 = tpu.vector_load %arg20[%get3A_1186] {strides = array<i32>} : memref<16xf32, #tpu.memory_space<vmem>>, vector<16xf32>,
      %mul3A_1188 = arith.mulf %mul3A_1176, %gather3A_1126 : vector<16xf32>
      %add3A_1189 = arith.addf %get3A_1187, %mul3A_1188 : vector<16xf32>
      %mul3A_1190 = arith.mulf %sub3A_1180, %gather3A_1122 : vector<16xf32>
      %add3A_1191 = arith.addf %add3A_1189, %mul3A_1190 : vector<16xf32>
      %swap3A_1192 = arith.constant 0 : index
      %swap3A_1193 = tpu.vector_load %arg20[%swap3A_1192] {strides = array<i32>} : memref<16xf32, #tpu.memory_space<vmem>>, vector<16xf32>,
      tpu.vector_store %arg20[%swap3A_1192], %add3A_1191 {strides = array<i32>} : memref<16xf32, #tpu.memory_space<vmem>>, vector<16xf32>,
      %get3A_1194 = arith.constant 0 : index
      %get3A_1195 = tpu.vector_load %arg21[%get3A_1194] {strides = array<i32>} : memref<16xf32, #tpu.memory_space<vmem>>, vector<16xf32>,
      %sub3A_1196 = arith.constant 1.000000e+00 : f32
      %sub3A_1197 = vector.broadcast %sub3A_1196 : f32 to vector<16xf32>
      %sub3A_1198 = arith.subf %sub3A_1197, %convert_element_type3A_1175 : vector<16xf32>
      %add3A_1199 = arith.addf %get3A_1195, %sub3A_1198 : vector<16xf32>
      %swap3A_1200 = arith.constant 0 : index
      %swap3A_1201 = tpu.vector_load %arg21[%swap3A_1200] {strides = array<i32>} : memref<16xf32, #tpu.memory_space<vmem>>, vector<16xf32>,
      tpu.vector_store %arg21[%swap3A_1200], %add3A_1199 {strides = array<i32>} : memref<16xf32, #tpu.memory_space<vmem>>, vector<16xf32>,
      %scan3A_1202 = arith.constant 0 : i32
      scf.yield %scan3A_1202 : i32
    }
    %scan3A_239 = arith.constant 5 : i32
    "tpu.region"() ({
      %run_scoped3A = tpu.sem_alloc : memref<!tpu.dma_semaphore, #tpu.memory_space<semaphore_mem>>
      %dma_start3A_240 = tpu.memref_slice %arg6[%mul3A_2] : memref<25600xf32, #tpu.memory_space<hbm>> -> memref<800xf32, #tpu.memory_space<hbm>>
      %dma_start3A_241 = tpu.memref_slice %arg6[%mul3A_2] : memref<25600xf32, #tpu.memory_space<hbm>> -> memref<800xf32, #tpu.memory_space<hbm>>
      tpu.enqueue_dma source(%arg19 : memref<800xf32, #tpu.memory_space<vmem>>) target(%dma_start3A_241 : memref<800xf32, #tpu.memory_space<hbm>>) target_semaphore(%run_scoped3A : memref<!tpu.dma_semaphore, #tpu.memory_space<semaphore_mem>>)
      %dma_wait3A = tpu.memref_slice %arg6[%mul3A_2] : memref<25600xf32, #tpu.memory_space<hbm>> -> memref<800xf32, #tpu.memory_space<hbm>>
      %dma_wait3A_242 = tpu.memref_slice %arg6[%mul3A_2] : memref<25600xf32, #tpu.memory_space<hbm>> -> memref<800xf32, #tpu.memory_space<hbm>>
      tpu.wait_dma2 semaphore(%run_scoped3A : memref<!tpu.dma_semaphore, #tpu.memory_space<semaphore_mem>>) src(%arg19 : memref<800xf32, #tpu.memory_space<vmem>>) dst(%dma_wait3A_242 : memref<800xf32, #tpu.memory_space<hbm>>)
      tpu.yield
    }) : () -> ()
    "tpu.region"() ({
      %run_scoped3A = tpu.sem_alloc : memref<!tpu.dma_semaphore, #tpu.memory_space<semaphore_mem>>
      %dma_start3A_240 = arith.constant 0 : i32
      %dma_start3A_241 = tpu.memref_slice %arg7[%add3A, %dma_start3A_240] : memref<32x16xf32, #tpu.memory_space<hbm>> -> memref<1x16xf32, #tpu.memory_space<hbm>>
      %dma_start3A_242 = tpu.memref_squeeze %dma_start3A_241 : memref<1x16xf32, #tpu.memory_space<hbm>> -> memref<16xf32, #tpu.memory_space<hbm>>
      %dma_start3A_243 = arith.constant 0 : i32
      %dma_start3A_244 = tpu.memref_slice %arg7[%add3A, %dma_start3A_243] : memref<32x16xf32, #tpu.memory_space<hbm>> -> memref<1x16xf32, #tpu.memory_space<hbm>>
      %dma_start3A_245 = tpu.memref_squeeze %dma_start3A_244 : memref<1x16xf32, #tpu.memory_space<hbm>> -> memref<16xf32, #tpu.memory_space<hbm>>
      tpu.enqueue_dma source(%arg20 : memref<16xf32, #tpu.memory_space<vmem>>) target(%dma_start3A_245 : memref<16xf32, #tpu.memory_space<hbm>>) target_semaphore(%run_scoped3A : memref<!tpu.dma_semaphore, #tpu.memory_space<semaphore_mem>>)
      %dma_wait3A = arith.constant 0 : i32
      %dma_wait3A_246 = tpu.memref_slice %arg7[%add3A, %dma_wait3A] : memref<32x16xf32, #tpu.memory_space<hbm>> -> memref<1x16xf32, #tpu.memory_space<hbm>>
      %dma_wait3A_247 = tpu.memref_squeeze %dma_wait3A_246 : memref<1x16xf32, #tpu.memory_space<hbm>> -> memref<16xf32, #tpu.memory_space<hbm>>
      %dma_wait3A_248 = arith.constant 0 : i32
      %dma_wait3A_249 = tpu.memref_slice %arg7[%add3A, %dma_wait3A_248] : memref<32x16xf32, #tpu.memory_space<hbm>> -> memref<1x16xf32, #tpu.memory_space<hbm>>
      %dma_wait3A_250 = tpu.memref_squeeze %dma_wait3A_249 : memref<1x16xf32, #tpu.memory_space<hbm>> -> memref<16xf32, #tpu.memory_space<hbm>>
      tpu.wait_dma2 semaphore(%run_scoped3A : memref<!tpu.dma_semaphore, #tpu.memory_space<semaphore_mem>>) src(%arg20 : memref<16xf32, #tpu.memory_space<vmem>>) dst(%dma_wait3A_250 : memref<16xf32, #tpu.memory_space<hbm>>)
      tpu.yield
    }) : () -> ()
    "tpu.region"() ({
      %run_scoped3A = tpu.sem_alloc : memref<!tpu.dma_semaphore, #tpu.memory_space<semaphore_mem>>
      %dma_start3A_240 = arith.constant 0 : i32
      %dma_start3A_241 = tpu.memref_slice %arg8[%add3A, %dma_start3A_240] : memref<32x16xf32, #tpu.memory_space<hbm>> -> memref<1x16xf32, #tpu.memory_space<hbm>>
      %dma_start3A_242 = tpu.memref_squeeze %dma_start3A_241 : memref<1x16xf32, #tpu.memory_space<hbm>> -> memref<16xf32, #tpu.memory_space<hbm>>
      %dma_start3A_243 = arith.constant 0 : i32
      %dma_start3A_244 = tpu.memref_slice %arg8[%add3A, %dma_start3A_243] : memref<32x16xf32, #tpu.memory_space<hbm>> -> memref<1x16xf32, #tpu.memory_space<hbm>>
      %dma_start3A_245 = tpu.memref_squeeze %dma_start3A_244 : memref<1x16xf32, #tpu.memory_space<hbm>> -> memref<16xf32, #tpu.memory_space<hbm>>
      tpu.enqueue_dma source(%arg21 : memref<16xf32, #tpu.memory_space<vmem>>) target(%dma_start3A_245 : memref<16xf32, #tpu.memory_space<hbm>>) target_semaphore(%run_scoped3A : memref<!tpu.dma_semaphore, #tpu.memory_space<semaphore_mem>>)
      %dma_wait3A = arith.constant 0 : i32
      %dma_wait3A_246 = tpu.memref_slice %arg8[%add3A, %dma_wait3A] : memref<32x16xf32, #tpu.memory_space<hbm>> -> memref<1x16xf32, #tpu.memory_space<hbm>>
      %dma_wait3A_247 = tpu.memref_squeeze %dma_wait3A_246 : memref<1x16xf32, #tpu.memory_space<hbm>> -> memref<16xf32, #tpu.memory_space<hbm>>
      %dma_wait3A_248 = arith.constant 0 : i32
      %dma_wait3A_249 = tpu.memref_slice %arg8[%add3A, %dma_wait3A_248] : memref<32x16xf32, #tpu.memory_space<hbm>> -> memref<1x16xf32, #tpu.memory_space<hbm>>
      %dma_wait3A_250 = tpu.memref_squeeze %dma_wait3A_249 : memref<1x16xf32, #tpu.memory_space<hbm>> -> memref<16xf32, #tpu.memory_space<hbm>>
      tpu.wait_dma2 semaphore(%run_scoped3A : memref<!tpu.dma_semaphore, #tpu.memory_space<semaphore_mem>>) src(%arg21 : memref<16xf32, #tpu.memory_space<vmem>>) dst(%dma_wait3A_250 : memref<16xf32, #tpu.memory_space<hbm>>)
      tpu.yield
    }) : () -> ()
    return
  }
}

module attributes {stable_mosaic.version = 14 : i64} {
  func.func @body(%arg0: i32, %arg1: memref<3200x256xf32, #tpu.memory_space<vmem>>, %arg2: memref<3200x1xf32, #tpu.memory_space<vmem>>) attributes {dimension_semantics = [#tpu.dimension_semantics<arbitrary>], iteration_bounds = array<i64: 8>, scalar_prefetch = 0 : i64, scratch_operands = 0 : i64, tpu.core_type = #tpu.core_type<tc>, window_params = [{transform_indices = @transform_0, window_bounds = array<i64: 3200, 256>}, {transform_indices = @transform_1, window_bounds = array<i64: 3200, 1>}]} {
    %get3A = arith.constant 0 : index
    %get3A_0 = arith.constant 0 : index
    %get3A_1 = vector.load %arg1[%get3A, %get3A_0] : memref<3200x256xf32, #tpu.memory_space<vmem>>, vector<3200x256xf32>
    %reduce_max3A = arith.constant dense<0xFF800000> : vector<3200xf32>
    %reduce_max3A_2 = vector.multi_reduction <maximumf>, %get3A_1, %reduce_max3A [1] : vector<3200x256xf32> to vector<3200xf32>
    %broadcast_in_dim3A = vector.shape_cast %reduce_max3A_2 : vector<3200xf32> to vector<3200x1xf32>
    %sub3A = vector.broadcast %broadcast_in_dim3A : vector<3200x1xf32> to vector<3200x256xf32>
    %sub3A_3 = arith.subf %get3A_1, %sub3A : vector<3200x256xf32>
    %exp3A = math.exp %sub3A_3 : vector<3200x256xf32>
    %reduce_sum3A = arith.constant dense<0.000000e+00> : vector<3200xf32>
    %reduce_sum3A_4 = vector.multi_reduction <add>, %exp3A, %reduce_sum3A [1] : vector<3200x256xf32> to vector<3200xf32>
    %broadcast_in_dim3A_5 = vector.shape_cast %reduce_sum3A_4 : vector<3200xf32> to vector<3200x1xf32>
    %log3A = math.log %broadcast_in_dim3A_5 : vector<3200x1xf32>
    %add3A = arith.addf %broadcast_in_dim3A, %log3A : vector<3200x1xf32>
    %swap3A = arith.constant 0 : index
    %swap3A_6 = arith.constant 0 : index
    %swap3A_7 = vector.load %arg2[%swap3A, %swap3A_6] : memref<3200x1xf32, #tpu.memory_space<vmem>>, vector<3200x1xf32>
    tpu.vector_store %arg2[%swap3A, %swap3A_6], %add3A {strides = array<i32>} : memref<3200x1xf32, #tpu.memory_space<vmem>>, vector<3200x1xf32>,
    return
  }
  func.func @transform_0(%arg0: i32) -> (i32, i32) {
    %c0_i32 = arith.constant 0 : i32
    %c0_i32_0 = arith.constant 0 : i32
    return %arg0, %c0_i32 : i32, i32
  }
  func.func @transform_1(%arg0: i32) -> (i32, i32) {
    %c0_i32 = arith.constant 0 : i32
    %c0_i32_0 = arith.constant 0 : i32
    return %arg0, %c0_i32 : i32, i32
  }
}

</mosaic_0001>

<sc_bundles>
// kernel: kernel.4.cloned.1.call-start
scs
__scs_entry_jumppad:
0x0: {  	(pc) =	sbr.rel $0x88, $3  }
0x1: {  	(tag) =	ssettag $0x0;
	lr =	simm.s32 $0x1  }
0x2: {  	[smem:$0x3F9D] =	sst lr;
	_ =	strace $0xD0000000  }
0x3: {  	_ = 	snop  }
0x4: {  	_ = 	snop  }
0x5: {  	_ = 	snop  }
0x6: {  	_ = 	snop  }
0x7: {  	_ = 	snop  }
__scs_overlays_trampoline_lowered:
0x8: {  	[smem:$0x3FAC] =	sst s0  }
0x9: {  	[smem:$0x3FAD] =	sst s1  }
0xa: {  	[smem:$0x3FAE] =	sst s2  }
0xb: {  	[smem:$0x3FAF] =	sst s3  }
0xc: {  	[smem:$0x3FB0] =	sst s4  }
0xd: {  	[smem:$0x3FB1] =	sst s5  }
0xe: {  	[smem:$0x3FB2] =	sst s6  }
0xf: {  	[smem:$0x3FB3] =	sst s7  }
0x10: {  	[smem:$0x3FB4] =	sst s8  }
0x11: {  	[smem:$0x3FB5] =	sst s9;
	s0 =	simm.s32 @!p0 $0x0  }
0x12: {  	s1 =	sld [smem:$0x3F9B];
	s0 =	simm.s32 @p0 $0x1  }
0x13: {  	[smem:$0x3FB6] =	sst s0;
	s0 =	simm.s32 @!p1 $0x0  }
0x14: {  	s2 =	sld [smem:$0x3F9A];
	s0 =	simm.s32 @p1 $0x1  }
0x15: {  	[smem:$0x3FB7] =	sst s0;
	s0 =	simm.s32 @!p2 $0x0  }
0x16: {  	s3 =	sld [smem:$0x3FDB];
	s0 =	simm.s32 @p2 $0x1  }
0x17: {  	s4 =	simm.s32 $0x1BF5;
	[smem:$0x3FB9] =	sst s0  }
0x18: {  	s0 =	sld [smem:$0x3F9C];
	_ =	swait.ge [sflag:s4], $0x0  }
0x19: {  	s7 =	sld [smem:$0x3F9D]  }
0x1a: {  	s8 =	sadd.s32 $0xFFFFE003, lr  }
0x1b: {  	s9 =	sadd.s32 $0xFFFFFEF7, lr;
	s5 =	simm.s32 $0xFFFFFFFF;
	p2 =	slt.u32 s8, $0xFFFFF086  }
0x1c: {  	p1 =	slt.u32 s9, $0xF7A;
	s5 =	simm.s32 @!p2 $0x0  }
0x1d: {  	s5 =	simm.s32 @p1 $0x1;
	p0 =	seq.s32 s7, s2  }
0x1e: {  	s7 =	smul.u32 @!p0 $0xF7A, s2;
	p2 =	seq.s32 @!p0 s5, $0x0  }
0x1f: {  	s9 =	smul.u32 $0xF7A, s1;
	s8 =	simm.s32 @!p0 $0x1BF5;
	p2 =	por !p2, p0  }
0x20: {  	[sflag:s8] =	ssyncset.s32 @!p0 $0xFFFFF086;
	s6 =	sadd.s32 @!p0 s3, s7;
	s7 =	simm.s32 @!p0 $0x108  }
0x21: {  	s3 =	sadd.s32 s3, s9;
	s6 =	sadd.s32 @!p0 $0x88, s6;
	s7 =	simm.s32 @p2 $0x1082  }
0x22: {  	[simem:s7], [sflag:s8] =	dma.local @!p0 [hbm:s6], $0xF7A  }
0x23: {  	s9 =	sor.u32 $0xD0000000, s2;
	s6 =	simm.s32 $0x108;
	_ =	swait.ge @!p0 [sflag:s8], $0x0  }
0x24: {  	s3 =	sadd.s32 $0x88, s3;
	s6 =	simm.s32 @!p1 $0x1082;
	[sflag:s4] =	ssyncset.s32 $0xFFFFF086  }
0x25: {  	[simem:s6], [sflag:s4] =	dma.local [hbm:s3], $0xF7A  }
0x26: {  	[smem:$0x3F9D] =	sst s1;
	(tag) =	ssettag s2;
	_ =	strace s9  }
0x27: {  	s1 =	sld [smem:$0x3FAD]  }
0x28: {  	s2 =	sld [smem:$0x3FAE]  }
0x29: {  	s4 =	sld [smem:$0x3FB0]  }
0x2a: {  	p0 =	seq.s32 s5, $0x0;
	s5 =	sld [smem:$0x3FB1]  }
0x2b: {  	s6 =	sld [smem:$0x3FB2]  }
0x2c: {  	s7 =	sld [smem:$0x3FB3]  }
0x2d: {  	s3 =	simm.s32 $0x108;
	s8 =	sld [smem:$0x3FB4]  }
0x2e: {  	s3 =	simm.s32 @!p0 $0x1082;
	s9 =	sld [smem:$0x3FB5]  }
0x2f: {  	lr =	sadd.s32 s0, s3;
	s0 =	sld [smem:$0x3FAC]  }
0x30: {  	s3 =	sld [smem:$0x3FAF]  }
0x31: {  	[smem:$0x3FB8] =	sst s10  }
0x32: {  	s10 =	sld [smem:$0x3FB6];
	_ =	sdelay $0x3  }
0x33: {  	p0 =	seq.s32 s10, $0x1;
	s10 =	sld [smem:$0x3FB8];
	_ =	sdelay $0x3  }
0x34: {  	[smem:$0x3FB8] =	sst s10  }
0x35: {  	s10 =	sld [smem:$0x3FB7];
	_ =	sdelay $0x3  }
0x36: {  	p1 =	seq.s32 s10, $0x1;
	s10 =	sld [smem:$0x3FB8];
	_ =	sdelay $0x3  }
0x37: {  	[smem:$0x3FB8] =	sst s10  }
0x38: {  	s10 =	sld [smem:$0x3FB9]  }
0x39: {  	_ = 	snop;
	(pc) =	sbr.ind lr, $3  }
0x3a: {  	_ = 	snop  }
0x3b: {  	_ = 	snop  }
0x3c: {  	p2 =	seq.s32 s10, $0x1;
	s10 =	sld [smem:$0x3FB8]  }
0x3d: {  	_ =	shalt  }
0x3e: {  	_ =	shalt  }
0x3f: {  	_ =	shalt  }
0x40: {  	_ =	shalt  }
0x41: {  	_ =	shalt  }
0x42: {  	_ =	shalt  }
0x43: {  	_ =	shalt  }
0x44: {  	_ =	shalt  }
0x45: {  	_ =	shalt  }
0x46: {  	_ =	shalt  }
0x47: {  	_ =	shalt  }
0x48: {  	_ =	shalt  }
0x49: {  	_ =	shalt  }
0x4a: {  	_ =	shalt  }
0x4b: {  	_ =	shalt  }
0x4c: {  	_ =	shalt  }
0x4d: {  	_ =	shalt  }
0x4e: {  	_ =	shalt  }
0x4f: {  	_ =	shalt  }
0x50: {  	_ =	shalt  }
0x51: {  	_ =	shalt  }
0x52: {  	_ =	shalt  }
0x53: {  	_ =	shalt  }
0x54: {  	_ =	shalt  }
0x55: {  	_ =	shalt  }
0x56: {  	_ =	shalt  }
0x57: {  	_ =	shalt  }
0x58: {  	_ =	shalt  }
0x59: {  	_ =	shalt  }
0x5a: {  	_ =	shalt  }
0x5b: {  	_ =	shalt  }
0x5c: {  	_ =	shalt  }
0x5d: {  	_ =	shalt  }
0x5e: {  	_ =	shalt  }
0x5f: {  	_ =	shalt  }
0x60: {  	_ =	shalt  }
0x61: {  	_ =	shalt  }
0x62: {  	_ =	shalt  }
0x63: {  	_ =	shalt  }
0x64: {  	_ =	shalt  }
0x65: {  	_ =	shalt  }
0x66: {  	_ =	shalt  }
0x67: {  	_ =	shalt  }
0x68: {  	_ =	shalt  }
0x69: {  	_ =	shalt  }
0x6a: {  	_ =	shalt  }
0x6b: {  	_ =	shalt  }
0x6c: {  	_ =	shalt  }
0x6d: {  	_ =	shalt  }
0x6e: {  	_ =	shalt  }
0x6f: {  	_ =	shalt  }
0x70: {  	_ =	shalt  }
0x71: {  	_ =	shalt  }
0x72: {  	_ =	shalt  }
0x73: {  	_ =	shalt  }
0x74: {  	_ =	shalt  }
0x75: {  	_ =	shalt  }
0x76: {  	_ =	shalt  }
0x77: {  	_ =	shalt  }
0x78: {  	_ =	shalt  }
0x79: {  	_ =	shalt  }
0x7a: {  	_ =	shalt  }
0x7b: {  	_ =	shalt  }
0x7c: {  	_ =	shalt  }
0x7d: {  	_ =	shalt  }
0x7e: {  	_ =	shalt  }
0x7f: {  	_ =	shalt  }
0x80: {  	_ =	shalt  }
0x81: {  	_ =	shalt  }
0x82: {  	_ =	shalt  }
0x83: {  	_ =	shalt  }
0x84: {  	_ =	shalt  }
0x85: {  	_ =	shalt  }
0x86: {  	_ =	shalt  }
0x87: {  	_ =	shalt  }
.Lfunc_end0:
.L_simem_size_0:
called_computation_lowered:
.L_overlay_start_0:
0x88: {  	s2 =	sld [smem:$0x3FD9]  }
0x89: {  	s3 =	sld [smem:$0x3FFE];
	_ =	sdelay $0x1  }
0x8a: {  	s1 =	srdreg.scid  }
0x8b: {  	s0 =	sand.u32 $0x1, s1  }
0x8c: {  	s17 =	sshll.u32 s0, $0xA;
	s2 =	sadd.s32 s3, s2  }
0x8d: {  	s2 =	sadd.s32 s2, s17  }
0x8e: {  	[smem:$0x3FC4] =	sst s2  }
0x8f: {  	_ = 	snop  }
0x90: {  	s2 =	sld [smem:$0x3FC9]  }
0x91: {  	s18 =	sld [smem:$0x3FC8]  }
0x92: {  	s4 =	sld [smem:$0x3FC7];
	(tm) =	ssettm $0x1  }
0x93: {  	s5 =	sld [smem:$0x3FFB];
	_ =	sdelay $0x3  }
0x94: {  	_ =	strace s5  }
0x95: {  	s5 =	sld [smem:$0x3FFC];
	_ =	sdelay $0x3  }
0x96: {  	_ =	strace s5  }
0x97: {  	s5 =	sld [smem:$0x3FFD];
	_ =	sdelay $0x3  }
0x98: {  	_ =	strace s5  }
0x99: {  	_ =	strace $0x8FFFFFFF  }
0x9a: {  	s19 =	sld [smem:$0x3FDB];
	_ =	sdelay $0x1  }
0x9b: {  	s6 =	simm.s32 $_scs_section_size  }
0x9c: {  	s7 =	simm.s32 $_size__tile_overlayer_lowered;
	s8 =	simm.s32 $_tile_overlayer_lowered  }
0x9d: {  	s22 =	simm.s32 $0x1BFF;
	s21 =	sshll.u32 s8, $0x1;
	s5 =	sadd.s32 s6, s19  }
0x9e: {  	s9 =	simm.s32 $0x0;
	s20 =	sshll.u32 s7, $0x1;
	s7 =	sadd.s32 s21, s5  }
0x9f: {  	[timem:s9], [sflag:s22] =	dma.local [hbm:s7], s20  }
0xa0: {  	_ =	swait.ge [sflag:s22], s20  }
0xa1: {  	s6 =	ssub.s32 $0x0, s20;
	[sflag:s22] =	ssyncset.done $0x0  }
0xa2: {  	[sflag:s22] =	ssyncadd.s32 s6;
	_ =	sdelay $0x1  }
0xa3: {  	s23 =	simm.s32 $0x1B8B  }
0xa4: {  	_ =	swait.ge [sflag:s23], $0x1  }
0xa5: {  	[sflag:s23] =	ssyncset.done $0x0  }
0xa6: {  	s25 =	simm.s32 $0x1B8E;
	s24 =	sld [smem:$0x3FFE];
	[sflag:s23] =	ssyncadd.s32 $0xFFFFFFFF  }
0xa7: {  	s26 =	simm.s32 $execute0_lowered;
	[smem:$0x3FD2] =	sst s25  }
0xa8: {  	s7 =	sshll.u32 s26, $0x1;
	_ =	strace $0x80000046;
	[dreg:$0x1] =	wrdreg $0xFFFFFFFF  }
0xa9: {  	s28 =	simm.s32 $_size_execute0_lowered;
	s5 =	sadd.s32 s5, s7;
	[dreg:$0x0] =	wrdreg $0x0  }
0xaa: {  	s7 =	sshll.u32 s28, $0x1;
	[dreg:$0x2] =	wrdreg s5  }
0xab: {  	[dreg:$0x3] =	wrdreg s7  }
0xac: {  	[dreg:$0x4] =	wrdreg $0xC0  }
0xad: {  	_ =	task [dreg:s9], $0x5FFFF  }
0xae: {  	[dreg:$0x1] =	wrdreg $0xFFFFFFFF  }
0xaf: {  	[dreg:$0x0] =	wrdreg $0x60  }
0xb0: {  	[dreg:$0x2] =	wrdreg s2  }
0xb1: {  	[dreg:$0x3] =	wrdreg s18  }
0xb2: {  	[dreg:$0x4] =	wrdreg s4  }
0xb3: {  	[dreg:$0x5] =	wrdreg s24  }
0xb4: {  	[dreg:$0x6] =	wrdreg $0x9  }
0xb5: {  	_ =	task.clear_ibuf [dreg:s9], $0x7FFFF;
	_ =	strace $0x90000046  }
0xb6: {  	s29 =	simm.s32 $0x9;
	_ =	strace $0x80000048  }
0xb7: {  	_ =	swait.ge [sflag:s29], $0x1  }
0xb8: {  	[sflag:s29] =	ssyncadd.s32 $0xFFFFFFFF  }
0xb9: {  	_ =	strace $0x90000048  }
0xba: {  	_ =	sfence  }
0xbb: {  	s30 =	sld [smem:$0x0];
	_ =	sdelay $0x2  }
0xbc: {  	s31 =	sshll.u32 s1, $0xD;
	s1 =	sshrl.u32 s1, $0x2  }
0xbd: {  	s3 =	sand.u32 $0x4000, s31;
	s1 =	sadd.s32 s1, s30  }
0xbe: {  	s0 =	sor.u32 s3, s0;
	s1 =	sshll.u32 s1, $0x11  }
0xbf: {  	s0 =	sor.u32 s1, s0  }
0xc0: {  	s0 =	sadd.s32 $0x8F2B, s0  }
0xc1: {  	[sflag:s0] =	ssyncadd.remote.s32 $0x1  }
0xc2: {  	_ =	sfence.sel $0xFFFF  }
0xc3: {  	[dreg:$0x0] =	wrdreg $0xFFFFFFFF;
	(pc) =	sbr.abs _section_cstart, $3  }
0xc4: {  	[dreg:$0x1] =	wrdreg $0xFFFFFFFF  }
0xc5: {  	_ =	task.clear_ibuf [dreg:s9], $0x2FFFF;
	_ =	strace $0x9FFFFFFF  }
0xc6: {  	(tm) =	ssettm $0x7FFFFFFF  }
0xc7: {  	_ =	shalt  }
tec
execute0_lowered:
.L_overlay_start_1:
0x0: {  	(tag) =	ssettag $0x1  }
0x1: {  	v0 =	vimm.s32 $0xEDCBA987  }
0x2: {  	v1 =	vimm.s32 $0x65432100;
	vm0 =	vmmov $0xffff;
	v13 =	vimm.s32 $0xB80  }
0x3: {  	vm15 =	vcmask $0x300;
	v14 =	vimm.s32 $0x1B80;
	vm14 =	vcmask $0x704  }
0x4: {  	vm13 =	vcmask $0xB08;
	vm12 =	vcmask $0xF0C;
	vm11 =	vcmask $0x1310  }
0x5: {  	vm10 =	vcmask $0x1714;
	vm9 =	vcmask $0x1B18;
	vm7 =	vcmask $0x1F1C  }
0x6: {  	vm8 =	vcmask $0x2320;
	vm6 =	vcmask $0x2724;
	vm5 =	vcmask $0x2B28  }
0x7: {  	vm4 =	vcmask $0x2F2C;
	vm3 =	vcmask $0x3330;
	vm2 =	vcmask $0x3734  }
0x8: {  	vm1 =	vcmask $0x3B38;
	v16 =	vimm.s32 $0x2B80;
	v17 =	vimm.s32 $0x3B80  }
0x9: {  	v18 =	vimm.s32 $0x4B80;
	v0 =	vunpack.c.l.s4.s8 v0;
	v1 =	vunpack.c.l.s4.s8 v1  }
0xa: {  	v13 =	vsel vm15, $0x0, v13;
	v14 =	vsel vm15, $0x1000, v14;
	v16 =	vsel vm15, $0x2000, v16  }
0xb: {  	v17 =	vsel vm15, $0x3000, v17;
	v18 =	vsel vm15, $0x4000, v18;
	v13 =	vsel vm14, $0x80, v13  }
0xc: {  	s0 =	srdreg.scid;
	s2 =	stileid.u32;
	v14 =	vsel vm14, $0x1080, v14;
	v16 =	vsel vm14, $0x2080, v16;
	v17 =	vsel vm14, $0x3080, v17  }
0xd: {  	s1 =	sand.u32 $0x1, s0;
	s25 =	sshll.u32 s2, $0x1;
	v18 =	vsel vm14, $0x4080, v18;
	v2 =	vunpack.c.0.s8.s32 v0;
	v3 =	vunpack.c.0.s8.s32 v1  }
0xe: {  	s0 =	sor.u32 s1, s25;
	v1 =	vimm.f32 $0.0e+00;
	v13 =	vsel vm13, $0x100, v13;
	v14 =	vsel vm13, $0x1100, v14  }
0xf: {  	s26 =	sshll.u32 s0, $0x2;
	v16 =	vsel vm13, $0x2100, v16;
	v17 =	vsel vm13, $0x3100, v17;
	v18 =	vsel vm13, $0x4100, v18  }
0x10: {  	v0 =	vmov s26;
	v13 =	vsel vm12, $0x180, v13;
	v14 =	vsel vm12, $0x1180, v14  }
0x11: {  	v16 =	vsel vm12, $0x2180, v16;
	v17 =	vsel vm12, $0x3180, v17;
	v18 =	vsel vm12, $0x4180, v18  }
0x12: {  	v4 =	vand.u32 $0xF, v2;
	v2 =	vlaneseq.u32;
	v13 =	vsel vm11, $0x200, v13  }
0x13: {  	v14 =	vsel vm11, $0x1200, v14;
	v16 =	vsel vm11, $0x2200, v16;
	v17 =	vsel vm11, $0x3200, v17  }
0x14: {  	v18 =	vsel vm11, $0x4200, v18;
	v3 =	vcombine.low v3, v4;
	v4 =	vadd.s32 $0xF, v2  }
0x15: {  	v5 =	vadd.s32 $0x1F, v2;
	v6 =	vadd.s32 $0x2F, v2;
	v9 =	vshrl.u32 v2, $0x3  }
0x16: {  	v7 =	vadd.s32 $0x3F, v2;
	v8 =	vand.u32 $0x7, v2;
	v10 =	vor.u32 $0x8, v2  }
0x17: {  	v11 =	vadd.s32 $0xFFFFFFFF, v2;
	v12 =	vmul.u32 $0xFFFFFFFF, v2;
	v13 =	vsel vm10, $0x280, v13  }
0x18: {  	v14 =	vsel vm10, $0x1280, v14;
	v16 =	vsel vm10, $0x2280, v16;
	v17 =	vsel vm10, $0x3280, v17  }
0x19: {  	v18 =	vsel vm10, $0x4280, v18;
	v9 =	vmul.u32 $0x8, v9;
	v13 =	vsel vm9, $0x300, v13  }
0x1a: {  	v14 =	vsel vm9, $0x1300, v14;
	v16 =	vsel vm9, $0x2300, v16;
	v17 =	vsel vm9, $0x3300, v17  }
0x1b: {  	s8 =	rddreg [dreg:$0x0];
	v18 =	vsel vm9, $0x4300, v18;
	v13 =	vsel vm7, $0x380, v13;
	v14 =	vsel vm7, $0x1380, v14  }
0x1c: {  	s3 =	rddreg [dreg:$0x3];
	v16 =	vsel vm7, $0x2380, v16;
	v17 =	vsel vm7, $0x3380, v17;
	v18 =	vsel vm7, $0x4380, v18  }
0x1d: {  	s5 =	simm.s32 $0x0;
	s14 =	simm.s32 $0x380;
	s15 =	simm.s32 $0xA500;
	v13 =	vsel vm8, $0x800, v13;
	v14 =	vsel vm8, $0x1800, v14;
	v16 =	vsel vm8, $0x2800, v16  }
0x1e: {  	s10 =	simm.s32 $0x5500;
	s13 =	simm.s32 $0x16D00;
	s16 =	simm.s32 $0x4;
	v17 =	vsel vm8, $0x3800, v17;
	v18 =	vsel vm8, $0x4800, v18;
	v13 =	vsel vm6, $0x880, v13  }
0x1f: {  	s17 =	simm.s32 $0x2;
	s2 =	rddreg [dreg:$0x1];
	s7 =	smul.u32 $0x320, s0;
	v14 =	vsel vm6, $0x1880, v14;
	v16 =	vsel vm6, $0x2880, v16;
	v17 =	vsel vm6, $0x3880, v17  }
0x20: {  	[smem:$0x7FF] =	sst s5;
	s4 =	sshll.u32 s0, $0x4;
	s0 =	smul.u32 $0x6400, s0;
	v18 =	vsel vm6, $0x4880, v18;
	v13 =	vsel vm5, $0x900, v13;
	v14 =	vsel vm5, $0x1900, v14  }
0x21: {  	_ =	strace $0x80000047;
	s1 =	ssub.s32 $0x2, s1;
	s25 =	simm.s32 $0x500;
	v16 =	vsel vm5, $0x2900, v16;
	v17 =	vsel vm5, $0x3900, v17;
	v18 =	vsel vm5, $0x4900, v18  }
0x22: {  	s4 =	sadd.s32 s4, s3;
	[dreg:$0x5] =	wrdreg s7;
	s0 =	sadd.s32 s8, s0;
	v13 =	vsel vm4, $0x980, v13;
	v14 =	vsel vm4, $0x1980, v14;
	v16 =	vsel vm4, $0x2980, v16  }
0x23: {  	s6 =	sshrl.u32 s1, $0x1;
	s29 =	sadd.s32 $0x1000, s4;
	[dreg:$0x7] =	wrdreg s0;
	v17 =	vsel vm4, $0x3980, v17;
	v18 =	vsel vm4, $0x4980, v18;
	v13 =	vsel vm3, $0xA00, v13  }
0x24: {  	s1 =	ssub.s32 s1, s6;
	s30 =	sadd.s32 $0xE00, s4;
	[dreg:$0x9] =	wrdreg s29;
	v14 =	vsel vm3, $0x1A00, v14;
	v16 =	vsel vm3, $0x2A00, v16;
	v17 =	vsel vm3, $0x3A00, v17  }
0x25: {  	s7 =	sshrl.u32 s7, $0x3;
	s31 =	smax.u32 s1, $0x1;
	[dreg:$0xa] =	wrdreg s30;
	v18 =	vsel vm3, $0x4A00, v18;
	v13 =	vsel vm2, $0xA80, v13;
	v15 =	vsel vm2, $0x1A80, v14  }
0x26: {  	s26 =	simm.s32 $0xF500;
	s3 =	sadd.s32 s3, s7;
	[dreg:$0xb] =	wrdreg s31;
	v14 =	vimm.s32 $0x0;
	v16 =	vsel vm2, $0x2A80, v16;
	v17 =	vsel vm2, $0x3A80, v17  }
0x27: {  	s1 =	simm.s32 $0x5;
	[dreg:$0x6] =	wrdreg s3;
	s28 =	sadd.s32 $0x1200, s3;
	v18 =	vsel vm2, $0x4A80, v18;
	v13 =	vsel vm1, $0xB00, v13;
	v15 =	vsel vm1, $0x1B00, v15  }
0x28: {  	s7 =	simm.s32 $0x14500;
	s3 =	simm.s32 $0x0;
	[dreg:$0x8] =	wrdreg s28;
	v16 =	vsel vm1, $0x2B00, v16;
	v17 =	vsel vm1, $0x3B00, v17;
	v18 =	vsel vm1, $0x4B00, v18  }
.LBB2_1:
0x29: {  	[dreg:$0xc] =	wrdreg s3  }
0x2a: {  	s0 =	rddreg [dreg:$0x6]  }
0x2b: {  	[tilespmem:s5], [sflag:$0x5] =	stream.linear.gather [hbm4b:s0+s5], $0x320, $0x38;
	[tilespmem:$0x19980] =	vst v63  }
0x2c: {  	_ =	swait.ge [sflag:s1], $0x320  }
0x2d: {  	[sflag:s1] =	ssyncset.done $0x0  }
0x2e: {  	[sflag:s1] =	ssyncadd.s32 $0xFFFFFCE0  }
0x2f: {  	s18 =	rddreg [dreg:$0x2]  }
0x30: {  	[tilespmem:s14], [sflag:$0x5] =	stream.linear.gather [hbm4b:s18+s5], $0x80, $0x38;
	[tilespmem:$0x19980] =	vst v63  }
0x31: {  	_ =	swait.ge [sflag:s1], $0x80  }
0x32: {  	[sflag:s1] =	ssyncset.done $0x0  }
0x33: {  	[sflag:s1] =	ssyncadd.s32 $0xFFFFFF80  }
0x34: {  	[tilespmem:$0x19880] =	vst v1  }
0x35: {  	[tilespmem:$0x19900] =	vst v1  }
0x36: {  	v19 =	vld.idx.msk [tilespmem:v3+s5+$0x0], $0xffff;
	_ =	sdelay $0x1  }
0x37: {  	v20 =	vld [tilespmem:$0x0];
	_ =	sdelay $0x1  }
0x38: {  	vm1 =	veq.s32 v2, $0x0  }
0x39: {  	v19 =	vsel vm1, $0x0, v19  }
0x3a: {  	v19 =	vshll.u32 v19, $0x8  }
0x3b: {  	v19 =	vadd.s32 v20, v19  }
0x3c: {  	[tilespmem:$0x400] =	vst v19  }
0x3d: {  	v21 =	vld.idx.msk [tilespmem:v4+s5+$0x0], $0xffff  }
0x3e: {  	v22 =	vld [tilespmem:$0x10];
	_ =	sdelay $0x3  }
0x3f: {  	v21 =	vshll.u32 v21, $0x8  }
0x40: {  	v21 =	vadd.s32 v22, v21  }
0x41: {  	[tilespmem:$0x410] =	vst v21  }
0x42: {  	v21 =	vld.idx.msk [tilespmem:v5+s5+$0x0], $0xffff  }
0x43: {  	v61 =	vld [tilespmem:$0x20];
	_ =	sdelay $0x3  }
0x44: {  	v21 =	vshll.u32 v21, $0x8  }
0x45: {  	v21 =	vadd.s32 v61, v21  }
0x46: {  	[tilespmem:$0x420] =	vst v21  }
0x47: {  	v21 =	vld.idx.msk [tilespmem:v6+s5+$0x0], $0xffff  }
0x48: {  	v62 =	vld [tilespmem:$0x30];
	_ =	sdelay $0x3  }
0x49: {  	v21 =	vshll.u32 v21, $0x8  }
0x4a: {  	v19 =	vshll.u32 v19, $0x1;
	v21 =	vadd.s32 v62, v21  }
0x4b: {  	v20 =	vand.u32 $0x7, v20;
	v19 =	vand.u32 $0xFFFFFFF0, v19;
	[tilespmem:$0x430] =	vst v21  }
0x4c: {  	v19 =	vor.u32 v20, v19;
	v21 =	vld.idx.msk [tilespmem:v7+s5+$0x0], $0xffff  }
0x4d: {  	v20 =	vld [tilespmem:$0x40];
	v63 =	vperm.xlane v19, v8;
	_ =	sdelay $0x1  }
0x4e: {  	v19 =	vperm.xlane v19, v10;
	v22 =	vadd.s32 v9, v63;
	_ =	sdelay $0x1  }
0x4f: {  	v19 =	vadd.s32 v9, v19;
	v21 =	vshll.u32 v21, $0x8  }
0x50: {  	v20 =	vadd.s32 v20, v21  }
0x51: {  	[tilespmem:$0x440] =	vst v20  }
0x52: {  	[tilespmem:s15], [sflag:$0x3] =	stream.indirect_vreg.gather [hbm4b:s2+s5], $0x80, v22, vm0, $0xb8;
	[tilespmem:$0x19980] =	vst v63  }
0x53: {  	s19 =	simm.s32 $0xAD00  }
0x54: {  	[tilespmem:s19], [sflag:$0x3] =	stream.indirect_vreg.gather [hbm4b:s2+s5], $0x80, v19, vm0, $0xb8;
	[tilespmem:$0x19980] =	vst v63  }
0x55: {  	v19 =	vld [tilespmem:$0x410];
	_ =	sdelay $0x4  }
0x56: {  	v20 =	vshll.u32 v19, $0x1  }
0x57: {  	v19 =	vand.u32 $0x7, v19;
	v20 =	vand.u32 $0xFFFFFFF0, v20  }
0x58: {  	v19 =	vor.u32 v19, v20  }
0x59: {  	v20 =	vperm.xlane v19, v8;
	_ =	sdelay $0x1  }
0x5a: {  	v19 =	vperm.xlane v19, v10;
	v20 =	vadd.s32 v9, v20;
	_ =	sdelay $0x1  }
0x5b: {  	v19 =	vadd.s32 v9, v19;
	_ =	sdelay $0x1  }
0x5c: {  	s20 =	simm.s32 $0xB500  }
0x5d: {  	[tilespmem:s20], [sflag:$0x3] =	stream.indirect_vreg.gather [hbm4b:s2+s5], $0x80, v20, vm0, $0xb8;
	[tilespmem:$0x19980] =	vst v63  }
0x5e: {  	s21 =	simm.s32 $0xBD00  }
0x5f: {  	[tilespmem:s21], [sflag:$0x3] =	stream.indirect_vreg.gather [hbm4b:s2+s5], $0x80, v19, vm0, $0xb8;
	[tilespmem:$0x19980] =	vst v63  }
0x60: {  	v19 =	vld [tilespmem:$0x420];
	_ =	sdelay $0x4  }
0x61: {  	v20 =	vshll.u32 v19, $0x1  }
0x62: {  	v19 =	vand.u32 $0x7, v19;
	v20 =	vand.u32 $0xFFFFFFF0, v20  }
0x63: {  	v19 =	vor.u32 v19, v20  }
0x64: {  	v20 =	vperm.xlane v19, v8;
	_ =	sdelay $0x1  }
0x65: {  	v19 =	vperm.xlane v19, v10;
	v20 =	vadd.s32 v9, v20;
	_ =	sdelay $0x1  }
0x66: {  	v19 =	vadd.s32 v9, v19;
	_ =	sdelay $0x1  }
0x67: {  	s22 =	simm.s32 $0xC500  }
0x68: {  	[tilespmem:s22], [sflag:$0x3] =	stream.indirect_vreg.gather [hbm4b:s2+s5], $0x80, v20, vm0, $0xb8;
	[tilespmem:$0x19980] =	vst v63  }
0x69: {  	s23 =	simm.s32 $0xCD00  }
0x6a: {  	[tilespmem:s23], [sflag:$0x3] =	stream.indirect_vreg.gather [hbm4b:s2+s5], $0x80, v19, vm0, $0xb8;
	[tilespmem:$0x19980] =	vst v63  }
0x6b: {  	v19 =	vld [tilespmem:$0x430];
	_ =	sdelay $0x4  }
0x6c: {  	v20 =	vshll.u32 v19, $0x1  }
0x6d: {  	v19 =	vand.u32 $0x7, v19;
	v20 =	vand.u32 $0xFFFFFFF0, v20  }
0x6e: {  	v19 =	vor.u32 v19, v20  }
0x6f: {  	v20 =	vperm.xlane v19, v8;
	_ =	sdelay $0x1  }
0x70: {  	v19 =	vperm.xlane v19, v10;
	v20 =	vadd.s32 v9, v20;
	_ =	sdelay $0x1  }
0x71: {  	v19 =	vadd.s32 v9, v19;
	_ =	sdelay $0x1  }
0x72: {  	s24 =	simm.s32 $0xD500  }
0x73: {  	[tilespmem:s24], [sflag:$0x3] =	stream.indirect_vreg.gather [hbm4b:s2+s5], $0x80, v20, vm0, $0xb8;
	[tilespmem:$0x19980] =	vst v63  }
0x74: {  	s28 =	simm.s32 $0xDD00  }
0x75: {  	[tilespmem:s28], [sflag:$0x3] =	stream.indirect_vreg.gather [hbm4b:s2+s5], $0x80, v19, vm0, $0xb8;
	[tilespmem:$0x19980] =	vst v63  }
0x76: {  	v19 =	vld [tilespmem:$0x440];
	_ =	sdelay $0x4  }
0x77: {  	v20 =	vshll.u32 v19, $0x1  }
0x78: {  	v19 =	vand.u32 $0x7, v19;
	v20 =	vand.u32 $0xFFFFFFF0, v20  }
0x79: {  	v19 =	vor.u32 v19, v20  }
0x7a: {  	v20 =	vperm.xlane v19, v8;
	_ =	sdelay $0x1  }
0x7b: {  	v19 =	vperm.xlane v19, v10;
	v20 =	vadd.s32 v9, v20;
	_ =	sdelay $0x1  }
0x7c: {  	v19 =	vadd.s32 v9, v19;
	_ =	sdelay $0x1  }
0x7d: {  	s29 =	simm.s32 $0xE500  }
0x7e: {  	[tilespmem:s29], [sflag:$0x3] =	stream.indirect_vreg.gather [hbm4b:s2+s5], $0x80, v20, vm0, $0xb8;
	[tilespmem:$0x19980] =	vst v63  }
0x7f: {  	s30 =	simm.s32 $0xED00  }
0x80: {  	[tilespmem:s30], [sflag:$0x3] =	stream.indirect_vreg.gather [hbm4b:s2+s5], $0x80, v19, vm0, $0xb8;
	[tilespmem:$0x19980] =	vst v63  }
0x81: {  	s18 =	simm.s32 $0x0;
	s31 =	rddreg [dreg:$0x7]  }
0x82: {  	[tilespmem:s25], [sflag:$0x1] =	stream.linear.gather [hbm4b:s31+s5], $0x5000, $0x38;
	[tilespmem:$0x19980] =	vst v63  }
.LBB2_2:
0x83: {  	s19 =	smul.u32 $0xA0, s18;
	_ =	sdelay $0x1  }
0x84: {  	s24 =	sadd.s32 $0x50, s19  }
0x85: {  	v19 =	vmov s24  }
0x86: {  	v19 =	vbroadcast v19, $0x0;
	_ =	sdelay $0x1  }
0x87: {  	v20 =	vadd.s32 v11, v19  }
0x88: {  	vm1 =	vgt.s32 v20, $0x0  }
0x89: {  	v20 =	vnsel vm1, $0x0, v20;
	_ =	sdelay $0x2  }
0x8a: {  	s23 =	sadd.s32 $0x60, s19  }
0x8b: {  	s28 =	simm.s32 $0x0;
	v22 =	vmov s23;
	v21 =	vor.u32 v2, v19  }
0x8c: {  	v24 =	vbroadcast v22, $0x0;
	v21 =	vmulhi.u32 $0x51EB851F, v21;
	v20 =	vld.idx.msk [tilespmem:v20+s28+$0x0], $0xffff;
	_ =	sdelay $0x1  }
0x8d: {  	v25 =	vld [tilespmem:s19+$0x50];
	v23 =	vshrl.u32 v21, $0x6;
	v21 =	vadd.s32 v11, v24  }
0x8e: {  	v22 =	vmul.u32 $0xFFFFFF38, v23;
	vm1 =	vgt.s32 v21, $0x0  }
0x8f: {  	v19 =	vsub.s32 v12, v19;
	v21 =	vnsel vm1, $0x0, v21  }
0x90: {  	vm1 =	veq.s32 v22, v19;
	v19 =	vshll.u32 v20, $0x8  }
0x91: {  	v19 =	vsel vm1, $0x0, v19  }
0x92: {  	s22 =	sadd.s32 $0x70, s19;
	v19 =	vadd.s32 v25, v19  }
0x93: {  	v22 =	vmov s22;
	v20 =	vor.u32 v2, v24;
	[tilespmem:$0x480] =	vst v19  }
0x94: {  	v26 =	vbroadcast v22, $0x0;
	v20 =	vmulhi.u32 $0x51EB851F, v20;
	v21 =	vld.idx.msk [tilespmem:v21+s28+$0x0], $0xffff;
	_ =	sdelay $0x1  }
0x95: {  	v22 =	vshrl.u32 v20, $0x6;
	v20 =	vadd.s32 v11, v26;
	v27 =	vld [tilespmem:s19+$0x60]  }
0x96: {  	v28 =	vmul.u32 $0xFFFFFF38, v22;
	vm1 =	vgt.s32 v20, $0x0  }
0x97: {  	v24 =	vsub.s32 v12, v24;
	v20 =	vnsel vm1, $0x0, v20  }
0x98: {  	vm1 =	veq.s32 v28, v24;
	v21 =	vshll.u32 v21, $0x8  }
0x99: {  	v21 =	vsel vm1, $0x0, v21  }
0x9a: {  	s21 =	sadd.s32 $0x80, s19;
	v21 =	vadd.s32 v27, v21  }
0x9b: {  	v24 =	vmov s21;
	[tilespmem:$0x490] =	vst v21;
	v21 =	vor.u32 v2, v26  }
0x9c: {  	v24 =	vbroadcast v24, $0x0;
	v20 =	vld.idx.msk [tilespmem:v20+s28+$0x0], $0xffff;
	v21 =	vmulhi.u32 $0x51EB851F, v21;
	_ =	sdelay $0x1  }
0x9d: {  	v50 =	vadd.s32 v11, v24;
	v27 =	vld [tilespmem:s19+$0x70];
	v21 =	vshrl.u32 v21, $0x6  }
0x9e: {  	vm1 =	vgt.s32 v50, $0x0;
	v29 =	vmul.u32 $0xFFFFFF38, v21  }
0x9f: {  	v28 =	vnsel vm1, $0x0, v50;
	v26 =	vsub.s32 v12, v26  }
0xa0: {  	vm1 =	veq.s32 v29, v26;
	v20 =	vshll.u32 v20, $0x8  }
0xa1: {  	v20 =	vsel vm1, $0x0, v20  }
0xa2: {  	s20 =	sadd.s32 $0x90, s19;
	v20 =	vadd.s32 v27, v20  }
0xa3: {  	v26 =	vmov s20;
	[tilespmem:$0x4A0] =	vst v20;
	v20 =	vor.u32 v2, v24  }
0xa4: {  	v26 =	vbroadcast v26, $0x0;
	v27 =	vld.idx.msk [tilespmem:v28+s28+$0x0], $0xffff;
	v20 =	vmulhi.u32 $0x51EB851F, v20;
	_ =	sdelay $0x1  }
0xa5: {  	v52 =	vadd.s32 v11, v26;
	v51 =	vld [tilespmem:s19+$0x80];
	v20 =	vshrl.u32 v20, $0x6  }
0xa6: {  	vm1 =	vgt.s32 v52, $0x0;
	v30 =	vmul.u32 $0xFFFFFF38, v20  }
0xa7: {  	v24 =	vsub.s32 v12, v24;
	v29 =	vnsel vm1, $0x0, v52  }
0xa8: {  	vm1 =	veq.s32 v30, v24;
	v24 =	vshll.u32 v27, $0x8  }
0xa9: {  	v24 =	vsel vm1, $0x0, v24  }
0xaa: {  	v24 =	vadd.s32 v51, v24  }
0xab: {  	v19 =	vshll.u32 v19, $0x1;
	[tilespmem:$0x4B0] =	vst v24;
	v24 =	vor.u32 v2, v26  }
0xac: {  	v25 =	vand.u32 $0x7, v25;
	v19 =	vand.u32 $0xFFFFFFF0, v19;
	v27 =	vld.idx.msk [tilespmem:v29+s28+$0x0], $0xffff;
	v24 =	vmulhi.u32 $0x51EB851F, v24  }
0xad: {  	v25 =	vor.u32 v25, v19  }
0xae: {  	v53 =	vld [tilespmem:s19+$0x90];
	v19 =	vshrl.u32 v24, $0x6;
	v24 =	vperm.xlane v25, v8  }
0xaf: {  	v54 =	vmul.u32 $0xFFFFFF38, v19  }
0xb0: {  	v26 =	vsub.s32 v12, v26;
	v25 =	vperm.xlane v25, v10;
	v24 =	vadd.s32 v9, v24  }
0xb1: {  	vm1 =	veq.s32 v54, v26;
	v26 =	vshll.u32 v27, $0x8  }
0xb2: {  	v25 =	vadd.s32 v9, v25;
	v26 =	vsel vm1, $0x0, v26  }
0xb3: {  	v26 =	vadd.s32 v53, v26  }
0xb4: {  	[tilespmem:$0x4C0] =	vst v26  }
0xb5: {  	[tilespmem:s26], [sflag:$0x4] =	stream.indirect_vreg.gather [hbm4b:s2+s28], $0x80, v24, vm0, $0xb8;
	[tilespmem:$0x19980] =	vst v63  }
0xb6: {  	s0 =	simm.s32 $0xFD00  }
0xb7: {  	[tilespmem:s0], [sflag:$0x4] =	stream.indirect_vreg.gather [hbm4b:s2+s28], $0x80, v25, vm0, $0xb8;
	[tilespmem:$0x19980] =	vst v63  }
0xb8: {  	v24 =	vld [tilespmem:$0x490];
	_ =	sdelay $0x4  }
0xb9: {  	v25 =	vshll.u32 v24, $0x1  }
0xba: {  	v24 =	vand.u32 $0x7, v24;
	v25 =	vand.u32 $0xFFFFFFF0, v25  }
0xbb: {  	v24 =	vor.u32 v24, v25  }
0xbc: {  	v25 =	vperm.xlane v24, v8;
	_ =	sdelay $0x1  }
0xbd: {  	v24 =	vperm.xlane v24, v10;
	v25 =	vadd.s32 v9, v25;
	_ =	sdelay $0x1  }
0xbe: {  	v24 =	vadd.s32 v9, v24;
	_ =	sdelay $0x1  }
0xbf: {  	s3 =	simm.s32 $0x10500  }
0xc0: {  	[tilespmem:s3], [sflag:$0x4] =	stream.indirect_vreg.gather [hbm4b:s2+s28], $0x80, v25, vm0, $0xb8;
	[tilespmem:$0x19980] =	vst v63  }
0xc1: {  	s4 =	simm.s32 $0x10D00  }
0xc2: {  	[tilespmem:s4], [sflag:$0x4] =	stream.indirect_vreg.gather [hbm4b:s2+s28], $0x80, v24, vm0, $0xb8;
	[tilespmem:$0x19980] =	vst v63  }
0xc3: {  	v24 =	vld [tilespmem:$0x4A0];
	_ =	sdelay $0x4  }
0xc4: {  	v25 =	vshll.u32 v24, $0x1  }
0xc5: {  	v24 =	vand.u32 $0x7, v24;
	v25 =	vand.u32 $0xFFFFFFF0, v25  }
0xc6: {  	v24 =	vor.u32 v24, v25  }
0xc7: {  	v25 =	vperm.xlane v24, v8;
	_ =	sdelay $0x1  }
0xc8: {  	v24 =	vperm.xlane v24, v10;
	v25 =	vadd.s32 v9, v25;
	_ =	sdelay $0x1  }
0xc9: {  	v24 =	vadd.s32 v9, v24;
	_ =	sdelay $0x1  }
0xca: {  	s6 =	simm.s32 $0x11500  }
0xcb: {  	[tilespmem:s6], [sflag:$0x4] =	stream.indirect_vreg.gather [hbm4b:s2+s28], $0x80, v25, vm0, $0xb8;
	[tilespmem:$0x19980] =	vst v63  }
0xcc: {  	s8 =	simm.s32 $0x11D00  }
0xcd: {  	[tilespmem:s8], [sflag:$0x4] =	stream.indirect_vreg.gather [hbm4b:s2+s28], $0x80, v24, vm0, $0xb8;
	[tilespmem:$0x19980] =	vst v63  }
0xce: {  	v24 =	vld [tilespmem:$0x4B0];
	_ =	sdelay $0x4  }
0xcf: {  	v25 =	vshll.u32 v24, $0x1  }
0xd0: {  	v24 =	vand.u32 $0x7, v24;
	v25 =	vand.u32 $0xFFFFFFF0, v25  }
0xd1: {  	v24 =	vor.u32 v24, v25  }
0xd2: {  	v25 =	vperm.xlane v24, v8;
	_ =	sdelay $0x1  }
0xd3: {  	v24 =	vperm.xlane v24, v10;
	v25 =	vadd.s32 v9, v25;
	_ =	sdelay $0x1  }
0xd4: {  	v24 =	vadd.s32 v9, v24;
	_ =	sdelay $0x1  }
0xd5: {  	s9 =	simm.s32 $0x12500  }
0xd6: {  	[tilespmem:s9], [sflag:$0x4] =	stream.indirect_vreg.gather [hbm4b:s2+s28], $0x80, v25, vm0, $0xb8;
	[tilespmem:$0x19980] =	vst v63  }
0xd7: {  	s11 =	simm.s32 $0x12D00  }
0xd8: {  	[tilespmem:s11], [sflag:$0x4] =	stream.indirect_vreg.gather [hbm4b:s2+s28], $0x80, v24, vm0, $0xb8;
	[tilespmem:$0x19980] =	vst v63  }
0xd9: {  	v24 =	vld [tilespmem:$0x4C0];
	_ =	sdelay $0x4  }
0xda: {  	v25 =	vshll.u32 v24, $0x1  }
0xdb: {  	v24 =	vand.u32 $0x7, v24;
	v25 =	vand.u32 $0xFFFFFFF0, v25  }
0xdc: {  	v24 =	vor.u32 v24, v25  }
0xdd: {  	v25 =	vperm.xlane v24, v8;
	_ =	sdelay $0x1  }
0xde: {  	v24 =	vperm.xlane v24, v10;
	v25 =	vadd.s32 v9, v25;
	_ =	sdelay $0x1  }
0xdf: {  	v24 =	vadd.s32 v9, v24;
	_ =	sdelay $0x1  }
0xe0: {  	s12 =	simm.s32 $0x13500;
	s3 =	rddreg [dreg:$0x5]  }
0xe1: {  	[tilespmem:s12], [sflag:$0x4] =	stream.indirect_vreg.gather [hbm4b:s2+s28], $0x80, v25, vm0, $0xb8;
	[tilespmem:$0x19980] =	vst v63  }
0xe2: {  	s1 =	simm.s32 $0x13D00;
	s0 =	sadd.s32 s3, s24  }
0xe3: {  	[tilespmem:s1], [sflag:$0x4] =	stream.indirect_vreg.gather [hbm4b:s2+s28], $0x80, v24, vm0, $0xb8;
	[tilespmem:$0x19980] =	vst v63  }
0xe4: {  	s0 =	sshll.u32 s0, $0x5;
	s1 =	rddreg [dreg:$0x0]  }
0xe5: {  	s4 =	simm.s32 $0x3;
	s0 =	sadd.s32 s1, s0  }
0xe6: {  	[tilespmem:s10], [sflag:$0x2] =	stream.linear.gather [hbm4b:s0+s28], $0x5000, $0x38;
	[tilespmem:$0x19980] =	vst v63  }
0xe7: {  	_ =	swait.ge [sflag:s4], $0x5000  }
0xe8: {  	[sflag:s4] =	ssyncset.done $0x0  }
0xe9: {  	s3 =	simm.s32 $0x1;
	[sflag:s4] =	ssyncadd.s32 $0xFFFFB000  }
0xea: {  	s6 =	simm.s32 $0x0;
	_ =	swait.ge [sflag:s3], $0x5000  }
0xeb: {  	s1 =	sand.u32 $0x200, s6;
	s0 =	sand.u32 $0x7800, s28;
	[sflag:s3] =	ssyncset.done $0x0  }
0xec: {  	s1 =	sor.u32 s1, s0;
	[sflag:s3] =	ssyncadd.s32 $0xFFFFB000  }
0xed: {  	v24 =	vld [tilespmem:s1+$0x510]  }
0xee: {  	v25 =	vld [tilespmem:s1+$0xA500]  }
0xef: {  	v26 =	vld [tilespmem:s1+$0xA510]  }
0xf0: {  	v27 =	vld [tilespmem:s1+$0x500]  }
0xf1: {  	v55 =	vld [tilespmem:s1+$0xA520]  }
0xf2: {  	v56 =	vld [tilespmem:s1+$0x520]  }
0xf3: {  	v57 =	vld [tilespmem:s1+$0xA530]  }
0xf4: {  	v31 =	vld [tilespmem:s1+$0x530]  }
0xf5: {  	v32 =	vld [tilespmem:s1+$0xA540];
	v24 =	vmul.f32 v24, v26;
	v27 =	vmul.f32 v27, v25  }
0xf6: {  	v25 =	vadd.f32 v26, v25;
	v26 =	vld [tilespmem:s1+$0x540]  }
0xf7: {  	v58 =	vld [tilespmem:s1+$0xA550];
	v24 =	vadd.f32 v24, v27;
	v27 =	vmul.f32 v56, v55  }
0xf8: {  	p0 =	por $0x0, $0x0;
	s3 =	simm.s32 $0x1;
	v59 =	vld [tilespmem:s1+$0x550];
	v25 =	vadd.f32 v55, v25  }
0xf9: {  	s3 =	simm.s32 @!p0 $0x0;
	v60 =	vld [tilespmem:s1+$0xA560];
	v24 =	vadd.f32 v27, v24;
	v27 =	vmul.f32 v31, v57  }
0xfa: {  	v61 =	vld [tilespmem:s1+$0x560];
	s3 =	sshll.u32 s3, $0x9;
	v25 =	vadd.f32 v57, v25  }
0xfb: {  	v62 =	vld [tilespmem:s1+$0x570];
	s3 =	sadd.s32 $0x0, s3;
	v26 =	vmul.f32 v26, v32;
	v24 =	vadd.f32 v27, v24  }
0xfc: {  	s8 =	sor.u32 $0x400, s3;
	v27 =	vld [tilespmem:s1+$0xA570];
	v25 =	vadd.f32 v32, v25  }
0xfd: {  	v63 =	vld [tilespmem:s8+$0xA500];
	v24 =	vadd.f32 v26, v24;
	v26 =	vmul.f32 v59, v58  }
0xfe: {  	s9 =	sor.u32 $0x410, s3;
	v36 =	vld [tilespmem:s8+$0x500];
	v25 =	vadd.f32 v58, v25  }
0xff: {  	v37 =	vld [tilespmem:s9+$0xA500];
	v24 =	vadd.f32 v26, v24;
	v26 =	vmul.f32 v61, v60  }
0x100: {  	s11 =	sor.u32 $0x420, s3;
	v38 =	vld [tilespmem:s9+$0x500];
	v25 =	vadd.f32 v60, v25  }
0x101: {  	v39 =	vld [tilespmem:s11+$0xA500];
	v24 =	vadd.f32 v26, v24;
	v26 =	vmul.f32 v62, v27  }
0x102: {  	s12 =	sor.u32 $0x430, s3;
	v25 =	vadd.f32 v27, v25;
	v27 =	vld [tilespmem:s11+$0x500]  }
0x103: {  	v40 =	vld [tilespmem:s12+$0xA500];
	v24 =	vadd.f32 v26, v24;
	v26 =	vmul.f32 v36, v63  }
0x104: {  	s4 =	sor.u32 $0x440, s3;
	v41 =	vld [tilespmem:s12+$0x500];
	v25 =	vadd.f32 v63, v25  }
0x105: {  	v42 =	vld [tilespmem:s4+$0xA500];
	v24 =	vadd.f32 v26, v24;
	v26 =	vmul.f32 v38, v37  }
0x106: {  	s6 =	sor.u32 $0x450, s3;
	v43 =	vld [tilespmem:s4+$0x500];
	v25 =	vadd.f32 v37, v25  }
0x107: {  	v44 =	vld [tilespmem:s6+$0x500];
	v24 =	vadd.f32 v26, v24;
	v26 =	vmul.f32 v27, v39  }
0x108: {  	s8 =	sor.u32 $0x460, s3;
	v27 =	vld [tilespmem:s6+$0xA500];
	v25 =	vadd.f32 v39, v25  }
0x109: {  	v45 =	vld [tilespmem:s8+$0xA500];
	v24 =	vadd.f32 v26, v24;
	v26 =	vmul.f32 v41, v40  }
0x10a: {  	s9 =	sor.u32 $0x470, s3;
	v46 =	vld [tilespmem:s8+$0x500];
	v25 =	vadd.f32 v40, v25  }
0x10b: {  	v47 =	vld [tilespmem:s9+$0xA500];
	v24 =	vadd.f32 v26, v24;
	v26 =	vmul.f32 v43, v42  }
0x10c: {  	v48 =	vld [tilespmem:s9+$0x500];
	v25 =	vadd.f32 v42, v25  }
0x10d: {  	v24 =	vadd.f32 v26, v24;
	v26 =	vmul.f32 v44, v27  }
0x10e: {  	v25 =	vadd.f32 v27, v25  }
0x10f: {  	v24 =	vadd.f32 v26, v24;
	v26 =	vmul.f32 v46, v45  }
0x110: {  	v25 =	vadd.f32 v45, v25  }
0x111: {  	v24 =	vadd.f32 v26, v24;
	v26 =	vmul.f32 v48, v47  }
0x112: {  	v25 =	vadd.f32 v47, v25  }
0x113: {  	v24 =	vadd.f32 v26, v24  }
0x114: {  	(xrf2) =	vadd.scan.msk.f32 $0xffff, v25  }
0x115: {  	(xrf2) =	vadd.scan.msk.f32 $0xffff, v24;
	_ =	sdelay $0x8  }
0x116: {  	v24, _, _ =	vpop (xrf2)  }
0x117: {  	v25, _, _ =	vpop (xrf2)  }
0x118: {  	v25 =	vbroadcast v25, $0xF  }
0x119: {  	s29 =	simm.s32 $0x14600;
	s11 =	simm.s32 $0x80;
	v24 =	vbroadcast v24, $0xF  }
0x11a: {  	s30 =	simm.s32 $0x16E00;
	s1 =	sand.u32 $0x280, s11;
	[tilespmem:s29+$0xFFFFFF00] =	vst v25  }
0x11b: {  	s12 =	sor.u32 s0, s1;
	[tilespmem:s30+$0xFFFFFF00] =	vst v24  }
0x11c: {  	v24 =	vld [tilespmem:s12+$0xA500]  }
0x11d: {  	v25 =	vld [tilespmem:s12+$0x500]  }
0x11e: {  	v26 =	vld [tilespmem:s12+$0x510]  }
0x11f: {  	v27 =	vld [tilespmem:s12+$0xA510]  }
0x120: {  	v49 =	vld [tilespmem:s12+$0xA520]  }
0x121: {  	v50 =	vld [tilespmem:s12+$0x520]  }
0x122: {  	v51 =	vld [tilespmem:s12+$0x530]  }
0x123: {  	v52 =	vld [tilespmem:s12+$0xA530]  }
0x124: {  	v53 =	vld [tilespmem:s12+$0x540];
	v25 =	vmul.f32 v25, v24;
	v26 =	vmul.f32 v26, v27  }
0x125: {  	v24 =	vadd.f32 v27, v24;
	v27 =	vld [tilespmem:s12+$0xA540]  }
0x126: {  	v54 =	vld [tilespmem:s12+$0x550];
	v25 =	vadd.f32 v26, v25;
	v26 =	vmul.f32 v50, v49  }
0x127: {  	s4 =	sand.u32 $0x7, s28;
	v55 =	vld [tilespmem:s12+$0xA550];
	v24 =	vadd.f32 v49, v24  }
0x128: {  	s1 =	sshll.u32 s4, $0x7;
	v56 =	vld [tilespmem:s12+$0x560];
	v25 =	vadd.f32 v26, v25;
	v26 =	vmul.f32 v51, v52  }
0x129: {  	s1 =	sadd.s32 $0x0, s1;
	v57 =	vld [tilespmem:s12+$0xA560];
	v24 =	vadd.f32 v52, v24  }
0x12a: {  	s4 =	sadd.s32 $0x80, s1;
	v58 =	vld [tilespmem:s12+$0x570];
	v25 =	vadd.f32 v26, v25;
	v26 =	vmul.f32 v53, v27  }
0x12b: {  	s6 =	sor.u32 $0x400, s4;
	v24 =	vadd.f32 v27, v24;
	v27 =	vld [tilespmem:s12+$0xA570]  }
0x12c: {  	v59 =	vld [tilespmem:s6+$0x500];
	v25 =	vadd.f32 v26, v25;
	v26 =	vmul.f32 v54, v55  }
0x12d: {  	s8 =	sor.u32 $0x410, s4;
	v60 =	vld [tilespmem:s6+$0xA500];
	v24 =	vadd.f32 v55, v24  }
0x12e: {  	v61 =	vld [tilespmem:s8+$0x500];
	v25 =	vadd.f32 v26, v25;
	v26 =	vmul.f32 v56, v57  }
0x12f: {  	s9 =	sor.u32 $0x420, s4;
	v62 =	vld [tilespmem:s8+$0xA500];
	v24 =	vadd.f32 v57, v24  }
0x130: {  	v63 =	vld [tilespmem:s9+$0x500];
	v25 =	vadd.f32 v26, v25;
	v26 =	vmul.f32 v58, v27  }
0x131: {  	s11 =	sor.u32 $0x430, s4;
	v24 =	vadd.f32 v27, v24;
	v27 =	vld [tilespmem:s9+$0xA500]  }
0x132: {  	v36 =	vld [tilespmem:s11+$0x500];
	v25 =	vadd.f32 v26, v25;
	v26 =	vmul.f32 v59, v60  }
0x133: {  	v37 =	vld [tilespmem:s11+$0xA500];
	s12 =	sor.u32 $0x440, s4;
	v24 =	vadd.f32 v60, v24  }
0x134: {  	v38 =	vld [tilespmem:s12+$0x500];
	v25 =	vadd.f32 v26, v25;
	v26 =	vmul.f32 v61, v62  }
0x135: {  	s6 =	sor.u32 $0x450, s4;
	v39 =	vld [tilespmem:s12+$0xA500];
	v24 =	vadd.f32 v62, v24  }
0x136: {  	v40 =	vld [tilespmem:s6+$0x500];
	v25 =	vadd.f32 v26, v25;
	v26 =	vmul.f32 v63, v27  }
0x137: {  	s8 =	sor.u32 $0x460, s4;
	v24 =	vadd.f32 v27, v24;
	v27 =	vld [tilespmem:s6+$0xA500]  }
0x138: {  	v41 =	vld [tilespmem:s8+$0x500];
	v25 =	vadd.f32 v26, v25;
	v26 =	vmul.f32 v36, v37  }
0x139: {  	v42 =	vld [tilespmem:s8+$0xA500];
	s9 =	sor.u32 $0x470, s4;
	v24 =	vadd.f32 v37, v24  }
0x13a: {  	v43 =	vld [tilespmem:s9+$0x500];
	v25 =	vadd.f32 v26, v25;
	v26 =	vmul.f32 v38, v39  }
0x13b: {  	v44 =	vld [tilespmem:s9+$0xA500];
	v24 =	vadd.f32 v39, v24  }
0x13c: {  	v25 =	vadd.f32 v26, v25;
	v26 =	vmul.f32 v40, v27  }
0x13d: {  	v24 =	vadd.f32 v27, v24  }
0x13e: {  	v25 =	vadd.f32 v26, v25;
	v26 =	vmul.f32 v41, v42  }
0x13f: {  	v24 =	vadd.f32 v42, v24  }
0x140: {  	v25 =	vadd.f32 v26, v25;
	v26 =	vmul.f32 v43, v44  }
0x141: {  	v24 =	vadd.f32 v44, v24  }
0x142: {  	v25 =	vadd.f32 v26, v25  }
0x143: {  	(xrf2) =	vadd.scan.msk.f32 $0xffff, v24  }
0x144: {  	(xrf2) =	vadd.scan.msk.f32 $0xffff, v25;
	_ =	sdelay $0x8  }
0x145: {  	v24, _, _ =	vpop (xrf2)  }
0x146: {  	v25, _, _ =	vpop (xrf2)  }
0x147: {  	v25 =	vbroadcast v25, $0xF  }
0x148: {  	s11 =	simm.s32 $0x100;
	v24 =	vbroadcast v24, $0xF  }
0x149: {  	s3 =	sand.u32 $0x300, s11;
	[tilespmem:s29+$0xFFFFFF80] =	vst v25  }
0x14a: {  	s3 =	sor.u32 s0, s3;
	[tilespmem:s30+$0xFFFFFF80] =	vst v24  }
0x14b: {  	v24 =	vld [tilespmem:s3+$0xA500]  }
0x14c: {  	v25 =	vld [tilespmem:s3+$0x500]  }
0x14d: {  	v26 =	vld [tilespmem:s3+$0x510]  }
0x14e: {  	v27 =	vld [tilespmem:s3+$0xA510]  }
0x14f: {  	v45 =	vld [tilespmem:s3+$0x520]  }
0x150: {  	v46 =	vld [tilespmem:s3+$0xA520]  }
0x151: {  	v47 =	vld [tilespmem:s3+$0x530]  }
0x152: {  	v48 =	vld [tilespmem:s3+$0xA530]  }
0x153: {  	v49 =	vld [tilespmem:s3+$0x540];
	v25 =	vmul.f32 v25, v24;
	v26 =	vmul.f32 v26, v27  }
0x154: {  	v24 =	vadd.f32 v27, v24;
	v27 =	vld [tilespmem:s3+$0xA540]  }
0x155: {  	v50 =	vld [tilespmem:s3+$0x550];
	v25 =	vadd.f32 v26, v25;
	v26 =	vmul.f32 v45, v46  }
0x156: {  	s12 =	sand.u32 $0x3, s28;
	v51 =	vld [tilespmem:s3+$0xA550];
	v24 =	vadd.f32 v46, v24  }
0x157: {  	s4 =	sshll.u32 s12, $0x8;
	v52 =	vld [tilespmem:s3+$0x560];
	v25 =	vadd.f32 v26, v25;
	v26 =	vmul.f32 v47, v48  }
0x158: {  	s4 =	sadd.s32 $0x0, s4;
	v53 =	vld [tilespmem:s3+$0xA560];
	v24 =	vadd.f32 v48, v24  }
0x159: {  	s4 =	sadd.s32 $0x100, s4;
	v54 =	vld [tilespmem:s3+$0x570];
	v25 =	vadd.f32 v26, v25;
	v26 =	vmul.f32 v49, v27  }
0x15a: {  	s6 =	sor.u32 $0x400, s4;
	v24 =	vadd.f32 v27, v24;
	v27 =	vld [tilespmem:s3+$0xA570]  }
0x15b: {  	v55 =	vld [tilespmem:s6+$0x500];
	v25 =	vadd.f32 v26, v25;
	v26 =	vmul.f32 v50, v51  }
0x15c: {  	s8 =	sor.u32 $0x410, s4;
	v56 =	vld [tilespmem:s6+$0xA500];
	v24 =	vadd.f32 v51, v24  }
0x15d: {  	v57 =	vld [tilespmem:s8+$0x500];
	v25 =	vadd.f32 v26, v25;
	v26 =	vmul.f32 v52, v53  }
0x15e: {  	s9 =	sor.u32 $0x420, s4;
	v58 =	vld [tilespmem:s8+$0xA500];
	v24 =	vadd.f32 v53, v24  }
0x15f: {  	v59 =	vld [tilespmem:s9+$0x500];
	v25 =	vadd.f32 v26, v25;
	v26 =	vmul.f32 v54, v27  }
0x160: {  	s11 =	sor.u32 $0x430, s4;
	v24 =	vadd.f32 v27, v24;
	v27 =	vld [tilespmem:s9+$0xA500]  }
0x161: {  	v60 =	vld [tilespmem:s11+$0x500];
	v25 =	vadd.f32 v26, v25;
	v26 =	vmul.f32 v55, v56  }
0x162: {  	s12 =	sor.u32 $0x440, s4;
	v61 =	vld [tilespmem:s11+$0xA500];
	v24 =	vadd.f32 v56, v24  }
0x163: {  	v62 =	vld [tilespmem:s12+$0x500];
	v25 =	vadd.f32 v26, v25;
	v26 =	vmul.f32 v57, v58  }
0x164: {  	v63 =	vld [tilespmem:s12+$0xA500];
	s6 =	sor.u32 $0x450, s4;
	v24 =	vadd.f32 v58, v24  }
0x165: {  	v36 =	vld [tilespmem:s6+$0x500];
	v25 =	vadd.f32 v26, v25;
	v26 =	vmul.f32 v59, v27  }
0x166: {  	s8 =	sor.u32 $0x460, s4;
	v24 =	vadd.f32 v27, v24;
	v27 =	vld [tilespmem:s6+$0xA500]  }
0x167: {  	v37 =	vld [tilespmem:s8+$0x500];
	v25 =	vadd.f32 v26, v25;
	v26 =	vmul.f32 v60, v61  }
0x168: {  	v38 =	vld [tilespmem:s8+$0xA500];
	s9 =	sor.u32 $0x470, s4;
	v24 =	vadd.f32 v61, v24  }
0x169: {  	v39 =	vld [tilespmem:s9+$0x500];
	v25 =	vadd.f32 v26, v25;
	v26 =	vmul.f32 v62, v63  }
0x16a: {  	v40 =	vld [tilespmem:s9+$0xA500];
	v24 =	vadd.f32 v63, v24  }
0x16b: {  	v25 =	vadd.f32 v26, v25;
	v26 =	vmul.f32 v36, v27  }
0x16c: {  	v24 =	vadd.f32 v27, v24  }
0x16d: {  	v25 =	vadd.f32 v26, v25;
	v26 =	vmul.f32 v37, v38  }
0x16e: {  	v24 =	vadd.f32 v38, v24  }
0x16f: {  	v25 =	vadd.f32 v26, v25;
	v26 =	vmul.f32 v39, v40  }
0x170: {  	v24 =	vadd.f32 v40, v24  }
0x171: {  	v25 =	vadd.f32 v26, v25  }
0x172: {  	(xrf2) =	vadd.scan.msk.f32 $0xffff, v24  }
0x173: {  	(xrf2) =	vadd.scan.msk.f32 $0xffff, v25;
	_ =	sdelay $0x8  }
0x174: {  	v24, _, _ =	vpop (xrf2)  }
0x175: {  	v25, _, _ =	vpop (xrf2)  }
0x176: {  	v25 =	vbroadcast v25, $0xF  }
0x177: {  	s31 =	simm.s32 $0x180;
	v24 =	vbroadcast v24, $0xF  }
0x178: {  	s11 =	sand.u32 $0x380, s31;
	[tilespmem:s29+$0x0] =	vst v25  }
0x179: {  	s0 =	sor.u32 s0, s11;
	[tilespmem:s30+$0x0] =	vst v24  }
0x17a: {  	v24 =	vld [tilespmem:s0+$0x510]  }
0x17b: {  	v25 =	vld [tilespmem:s0+$0xA500]  }
0x17c: {  	v26 =	vld [tilespmem:s0+$0x500]  }
0x17d: {  	v27 =	vld [tilespmem:s0+$0xA510]  }
0x17e: {  	v41 =	vld [tilespmem:s0+$0xA520]  }
0x17f: {  	v42 =	vld [tilespmem:s0+$0x520]  }
0x180: {  	v43 =	vld [tilespmem:s0+$0xA530]  }
0x181: {  	v44 =	vld [tilespmem:s0+$0x530]  }
0x182: {  	v45 =	vld [tilespmem:s0+$0xA540];
	v26 =	vmul.f32 v26, v25;
	v24 =	vmul.f32 v24, v27;
	v25 =	vadd.f32 v27, v25  }
0x183: {  	v27 =	vld [tilespmem:s0+$0x540]  }
0x184: {  	v33 =	vld [tilespmem:s0+$0xA550];
	v29 =	vmul.f32 v42, v41;
	v24 =	vadd.f32 v24, v26;
	v25 =	vadd.f32 v41, v25  }
0x185: {  	v26 =	vld [tilespmem:s0+$0x550]  }
0x186: {  	v47 =	vld [tilespmem:s0+$0xA560];
	v46 =	vmul.f32 v44, v43;
	v24 =	vadd.f32 v29, v24;
	v25 =	vadd.f32 v43, v25  }
0x187: {  	v48 =	vld [tilespmem:s0+$0x560]  }
0x188: {  	s1 =	sadd.s32 $0x180, s1;
	v49 =	vld [tilespmem:s0+$0xA570];
	v27 =	vmul.f32 v27, v45;
	v24 =	vadd.f32 v46, v24;
	v25 =	vadd.f32 v45, v25  }
0x189: {  	s12 =	sor.u32 $0x400, s1;
	v50 =	vld [tilespmem:s0+$0x570]  }
0x18a: {  	v51 =	vld [tilespmem:s12+$0xA500];
	v26 =	vmul.f32 v26, v33;
	v24 =	vadd.f32 v27, v24;
	v25 =	vadd.f32 v33, v25  }
0x18b: {  	s3 =	sor.u32 $0x410, s1;
	v27 =	vld [tilespmem:s12+$0x500]  }
0x18c: {  	v52 =	vld [tilespmem:s3+$0xA500];
	v29 =	vmul.f32 v48, v47;
	v24 =	vadd.f32 v26, v24;
	v25 =	vadd.f32 v47, v25  }
0x18d: {  	s4 =	sor.u32 $0x420, s1;
	v26 =	vld [tilespmem:s3+$0x500]  }
0x18e: {  	v53 =	vld [tilespmem:s4+$0xA500];
	v28 =	vmul.f32 v50, v49;
	v24 =	vadd.f32 v29, v24;
	v25 =	vadd.f32 v49, v25  }
0x18f: {  	s6 =	sor.u32 $0x430, s1;
	v54 =	vld [tilespmem:s4+$0x500]  }
0x190: {  	v55 =	vld [tilespmem:s6+$0xA500];
	v27 =	vmul.f32 v27, v51;
	v24 =	vadd.f32 v28, v24;
	v25 =	vadd.f32 v51, v25  }
0x191: {  	s8 =	sor.u32 $0x440, s1;
	v56 =	vld [tilespmem:s6+$0x500]  }
0x192: {  	v57 =	vld [tilespmem:s8+$0xA500];
	v26 =	vmul.f32 v26, v52;
	v24 =	vadd.f32 v27, v24;
	v25 =	vadd.f32 v52, v25  }
0x193: {  	s9 =	sor.u32 $0x450, s1;
	v27 =	vld [tilespmem:s8+$0x500]  }
0x194: {  	v58 =	vld [tilespmem:s9+$0xA500];
	v29 =	vmul.f32 v54, v53;
	v24 =	vadd.f32 v26, v24;
	v25 =	vadd.f32 v53, v25  }
0x195: {  	s11 =	sor.u32 $0x460, s1;
	v26 =	vld [tilespmem:s9+$0x500]  }
0x196: {  	v59 =	vld [tilespmem:s11+$0xA500];
	v28 =	vmul.f32 v56, v55;
	v24 =	vadd.f32 v29, v24;
	v25 =	vadd.f32 v55, v25  }
0x197: {  	v60 =	vld [tilespmem:s11+$0x500]  }
0x198: {  	s12 =	sor.u32 $0x470, s1;
	v27 =	vmul.f32 v27, v57;
	v24 =	vadd.f32 v28, v24;
	v25 =	vadd.f32 v57, v25  }
0x199: {  	v61 =	vld [tilespmem:s12+$0xA500]  }
0x19a: {  	v62 =	vld [tilespmem:s12+$0x500];
	v26 =	vmul.f32 v26, v58;
	v24 =	vadd.f32 v27, v24;
	v25 =	vadd.f32 v58, v25;
	_ =	sdelay $0x1  }
0x19b: {  	v27 =	vmul.f32 v60, v59;
	v26 =	vadd.f32 v26, v24;
	v63 =	vadd.f32 v59, v25;
	_ =	sdelay $0x1  }
0x19c: {  	p0 =	por !p0, !p0;
	s4 =	simm.s32 $0x0;
	s0 =	simm.s32 $0x17000;
	v25 =	vadd.f32 v27, v26;
	v26 =	vadd.f32 v61, v63  }
0x19d: {  	s3 =	simm.s32 $0x14800;
	s8 =	simm.s32 $0x4;
	s9 =	simm.s32 $0x2;
	v24 =	vmul.f32 v62, v61  }
.LBB2_3:
0x19e: {  	s4 =	sadd.s32 $0x4, s4;
	s31 =	sadd.s32 $0x200, s31;
	s28 =	sadd.s32 $0x400, s28;
	(xrf2) =	vadd.scan.msk.f32 $0xffff, v26  }
0x19f: {  	v24 =	vadd.f32 v24, v25;
	p1 =	slt.u32 s4, $0x4C;
	_ =	sdelay $0x1  }
0x1a0: {  	(xrf2) =	vadd.scan.msk.f32 $0xffff, v24;
	_ =	sdelay $0x6  }
0x1a1: {  	v24, _, _ =	vpop (xrf2);
	_ =	sdelay $0x2  }
0x1a2: {  	v25, _, _ =	vpop (xrf2)  }
0x1a3: {  	v25 =	vbroadcast v25, $0xF  }
0x1a4: {  	s6 =	sadd.s32 $0xFFFFFE80, s31;
	v24 =	vbroadcast v24, $0xF  }
0x1a5: {  	s1 =	sand.u32 $0x7800, s28;
	s6 =	sand.u32 $0x200, s6;
	[tilespmem:s29+$0x80] =	vst v25;
	s29 =	smov.u32 s3  }
0x1a6: {  	s6 =	sor.u32 s6, s1;
	[tilespmem:s30+$0x80] =	vst v24;
	s30 =	smov.u32 s0  }
0x1a7: {  	v24 =	vld [tilespmem:s6+$0x510]  }
0x1a8: {  	v25 =	vld [tilespmem:s6+$0xA500]  }
0x1a9: {  	v26 =	vld [tilespmem:s6+$0xA510]  }
0x1aa: {  	v27 =	vld [tilespmem:s6+$0x500]  }
0x1ab: {  	v28 =	vld [tilespmem:s6+$0xA520]  }
0x1ac: {  	v29 =	vld [tilespmem:s6+$0x520]  }
0x1ad: {  	v30 =	vld [tilespmem:s6+$0xA530]  }
0x1ae: {  	v24 =	vmul.f32 v24, v26;
	v26 =	vadd.f32 v26, v25;
	v31 =	vld [tilespmem:s6+$0x530]  }
0x1af: {  	v25 =	vmul.f32 v27, v25;
	v27 =	vld [tilespmem:s6+$0xA540]  }
0x1b0: {  	v26 =	vadd.f32 v28, v26;
	v32 =	vld [tilespmem:s6+$0x540]  }
0x1b1: {  	v24 =	vadd.f32 v24, v25;
	v25 =	vmul.f32 v29, v28;
	v28 =	vld [tilespmem:s6+$0xA550]  }
0x1b2: {  	s11 =	simm.s32 $0x1;
	v26 =	vadd.f32 v30, v26;
	v29 =	vld [tilespmem:s6+$0x550]  }
0x1b3: {  	s11 =	simm.s32 @!p0 $0x0;
	v24 =	vadd.f32 v25, v24;
	v25 =	vmul.f32 v31, v30;
	v30 =	vld [tilespmem:s6+$0xA560]  }
0x1b4: {  	s11 =	sshll.u32 s11, $0x9;
	v26 =	vadd.f32 v27, v26;
	v31 =	vld [tilespmem:s6+$0x560]  }
0x1b5: {  	s11 =	sadd.s32 s11, s28;
	v24 =	vadd.f32 v25, v24;
	v25 =	vmul.f32 v32, v27;
	v27 =	vld [tilespmem:s6+$0xA570]  }
0x1b6: {  	v26 =	vadd.f32 v28, v26;
	v32 =	vld [tilespmem:s6+$0x570];
	s6 =	sor.u32 $0x400, s11  }
0x1b7: {  	v24 =	vadd.f32 v25, v24;
	v25 =	vmul.f32 v29, v28;
	v28 =	vld [tilespmem:s6+$0xA500]  }
0x1b8: {  	v26 =	vadd.f32 v30, v26;
	v29 =	vld [tilespmem:s6+$0x500];
	s6 =	sor.u32 $0x410, s11  }
0x1b9: {  	v24 =	vadd.f32 v25, v24;
	v25 =	vmul.f32 v31, v30;
	v30 =	vld [tilespmem:s6+$0xA500]  }
0x1ba: {  	v26 =	vadd.f32 v27, v26;
	v31 =	vld [tilespmem:s6+$0x500];
	s6 =	sor.u32 $0x420, s11  }
0x1bb: {  	v24 =	vadd.f32 v25, v24;
	v25 =	vmul.f32 v32, v27;
	v27 =	vld [tilespmem:s6+$0xA500]  }
0x1bc: {  	v26 =	vadd.f32 v28, v26;
	v32 =	vld [tilespmem:s6+$0x500];
	s6 =	sor.u32 $0x430, s11  }
0x1bd: {  	v24 =	vadd.f32 v25, v24;
	v25 =	vmul.f32 v29, v28;
	v28 =	vld [tilespmem:s6+$0xA500]  }
0x1be: {  	v26 =	vadd.f32 v30, v26;
	v29 =	vld [tilespmem:s6+$0x500];
	s6 =	sor.u32 $0x440, s11  }
0x1bf: {  	v24 =	vadd.f32 v25, v24;
	v25 =	vmul.f32 v31, v30;
	v30 =	vld [tilespmem:s6+$0xA500]  }
0x1c0: {  	v26 =	vadd.f32 v27, v26;
	v31 =	vld [tilespmem:s6+$0x500];
	s6 =	sor.u32 $0x450, s11  }
0x1c1: {  	v24 =	vadd.f32 v25, v24;
	v25 =	vmul.f32 v32, v27;
	v27 =	vld [tilespmem:s6+$0xA500]  }
0x1c2: {  	v26 =	vadd.f32 v28, v26;
	v32 =	vld [tilespmem:s6+$0x500];
	s6 =	sor.u32 $0x460, s11  }
0x1c3: {  	v24 =	vadd.f32 v25, v24;
	v25 =	vmul.f32 v29, v28;
	v28 =	vld [tilespmem:s6+$0xA500]  }
0x1c4: {  	v26 =	vadd.f32 v30, v26;
	v29 =	vld [tilespmem:s6+$0x500];
	s6 =	sor.u32 $0x470, s11  }
0x1c5: {  	v24 =	vadd.f32 v25, v24;
	v25 =	vmul.f32 v31, v30;
	v30 =	vld [tilespmem:s6+$0xA500]  }
0x1c6: {  	v26 =	vadd.f32 v27, v26;
	v31 =	vld [tilespmem:s6+$0x500]  }
0x1c7: {  	v24 =	vadd.f32 v25, v24;
	v25 =	vmul.f32 v32, v27  }
0x1c8: {  	v26 =	vadd.f32 v28, v26  }
0x1c9: {  	v24 =	vadd.f32 v25, v24;
	v25 =	vmul.f32 v29, v28  }
0x1ca: {  	v26 =	vadd.f32 v30, v26  }
0x1cb: {  	v24 =	vadd.f32 v25, v24;
	v25 =	vmul.f32 v31, v30  }
0x1cc: {  	(xrf2) =	vadd.scan.msk.f32 $0xffff, v26  }
0x1cd: {  	v24 =	vadd.f32 v25, v24;
	_ =	sdelay $0x1  }
0x1ce: {  	(xrf2) =	vadd.scan.msk.f32 $0xffff, v24;
	_ =	sdelay $0x6  }
0x1cf: {  	v24, _, _ =	vpop (xrf2);
	_ =	sdelay $0x2  }
0x1d0: {  	v25, _, _ =	vpop (xrf2)  }
0x1d1: {  	v25 =	vbroadcast v25, $0xF  }
0x1d2: {  	s6 =	sadd.s32 $0xFFFFFF00, s31;
	v24 =	vbroadcast v24, $0xF  }
0x1d3: {  	s6 =	sand.u32 $0x280, s6;
	[tilespmem:s3+$0xFFFFFF00] =	vst v25  }
0x1d4: {  	s11 =	sor.u32 s1, s6;
	[tilespmem:s0+$0xFFFFFF00] =	vst v24  }
0x1d5: {  	v24 =	vld [tilespmem:s11+$0xA500]  }
0x1d6: {  	v25 =	vld [tilespmem:s11+$0x500]  }
0x1d7: {  	v26 =	vld [tilespmem:s11+$0x510]  }
0x1d8: {  	v27 =	vld [tilespmem:s11+$0xA510]  }
0x1d9: {  	v28 =	vld [tilespmem:s11+$0xA520]  }
0x1da: {  	v29 =	vld [tilespmem:s11+$0x520]  }
0x1db: {  	v25 =	vmul.f32 v25, v24;
	v30 =	vld [tilespmem:s11+$0x530]  }
0x1dc: {  	v31 =	vld [tilespmem:s11+$0xA530]  }
0x1dd: {  	v26 =	vmul.f32 v26, v27;
	v24 =	vadd.f32 v27, v24;
	v27 =	vld [tilespmem:s11+$0x540]  }
0x1de: {  	v32 =	vld [tilespmem:s11+$0xA540]  }
0x1df: {  	v25 =	vadd.f32 v26, v25;
	v26 =	vmul.f32 v29, v28;
	v24 =	vadd.f32 v28, v24;
	v28 =	vld [tilespmem:s11+$0x550]  }
0x1e0: {  	s6 =	sand.u32 $0x7, s8;
	v29 =	vld [tilespmem:s11+$0xA550]  }
0x1e1: {  	s6 =	sshll.u32 s6, $0x7;
	v25 =	vadd.f32 v26, v25;
	v26 =	vmul.f32 v30, v31;
	v24 =	vadd.f32 v31, v24;
	v30 =	vld [tilespmem:s11+$0x560]  }
0x1e2: {  	s6 =	sadd.s32 s6, s28;
	v31 =	vld [tilespmem:s11+$0xA560]  }
0x1e3: {  	s12 =	sadd.s32 $0x80, s6;
	s6 =	sadd.s32 $0x180, s6;
	v25 =	vadd.f32 v26, v25;
	v26 =	vmul.f32 v27, v32;
	v24 =	vadd.f32 v32, v24;
	v27 =	vld [tilespmem:s11+$0x570]  }
0x1e4: {  	v32 =	vld [tilespmem:s11+$0xA570];
	s11 =	sor.u32 $0x400, s12  }
0x1e5: {  	v25 =	vadd.f32 v26, v25;
	v26 =	vmul.f32 v28, v29;
	v24 =	vadd.f32 v29, v24;
	v28 =	vld [tilespmem:s11+$0x500]  }
0x1e6: {  	v29 =	vld [tilespmem:s11+$0xA500];
	s11 =	sor.u32 $0x410, s12  }
0x1e7: {  	v25 =	vadd.f32 v26, v25;
	v26 =	vmul.f32 v30, v31;
	v24 =	vadd.f32 v31, v24;
	v30 =	vld [tilespmem:s11+$0x500]  }
0x1e8: {  	v31 =	vld [tilespmem:s11+$0xA500];
	s11 =	sor.u32 $0x420, s12  }
0x1e9: {  	v25 =	vadd.f32 v26, v25;
	v26 =	vmul.f32 v27, v32;
	v24 =	vadd.f32 v32, v24;
	v27 =	vld [tilespmem:s11+$0x500]  }
0x1ea: {  	v32 =	vld [tilespmem:s11+$0xA500];
	s11 =	sor.u32 $0x430, s12  }
0x1eb: {  	v25 =	vadd.f32 v26, v25;
	v26 =	vmul.f32 v28, v29;
	v24 =	vadd.f32 v29, v24;
	v28 =	vld [tilespmem:s11+$0x500]  }
0x1ec: {  	v29 =	vld [tilespmem:s11+$0xA500];
	s11 =	sor.u32 $0x440, s12  }
0x1ed: {  	v25 =	vadd.f32 v26, v25;
	v26 =	vmul.f32 v30, v31;
	v24 =	vadd.f32 v31, v24;
	v30 =	vld [tilespmem:s11+$0x500]  }
0x1ee: {  	v31 =	vld [tilespmem:s11+$0xA500];
	s11 =	sor.u32 $0x450, s12  }
0x1ef: {  	v25 =	vadd.f32 v26, v25;
	v26 =	vmul.f32 v27, v32;
	v24 =	vadd.f32 v32, v24;
	v27 =	vld [tilespmem:s11+$0x500]  }
0x1f0: {  	v32 =	vld [tilespmem:s11+$0xA500];
	s11 =	sor.u32 $0x460, s12  }
0x1f1: {  	v25 =	vadd.f32 v26, v25;
	v26 =	vmul.f32 v28, v29;
	v24 =	vadd.f32 v29, v24;
	v28 =	vld [tilespmem:s11+$0x500]  }
0x1f2: {  	v29 =	vld [tilespmem:s11+$0xA500];
	s11 =	sor.u32 $0x470, s12  }
0x1f3: {  	v25 =	vadd.f32 v26, v25;
	v26 =	vmul.f32 v30, v31;
	v24 =	vadd.f32 v31, v24;
	v30 =	vld [tilespmem:s11+$0x500]  }
0x1f4: {  	v31 =	vld [tilespmem:s11+$0xA500]  }
0x1f5: {  	v25 =	vadd.f32 v26, v25;
	v26 =	vmul.f32 v27, v32;
	v24 =	vadd.f32 v32, v24;
	_ =	sdelay $0x1  }
0x1f6: {  	v25 =	vadd.f32 v26, v25;
	v26 =	vmul.f32 v28, v29;
	v24 =	vadd.f32 v29, v24;
	_ =	sdelay $0x1  }
0x1f7: {  	v25 =	vadd.f32 v26, v25;
	v26 =	vmul.f32 v30, v31;
	v24 =	vadd.f32 v31, v24;
	_ =	sdelay $0x1  }
0x1f8: {  	v25 =	vadd.f32 v26, v25;
	(xrf2) =	vadd.scan.msk.f32 $0xffff, v24;
	_ =	sdelay $0x2  }
0x1f9: {  	(xrf2) =	vadd.scan.msk.f32 $0xffff, v25;
	_ =	sdelay $0x6  }
0x1fa: {  	v24, _, _ =	vpop (xrf2);
	_ =	sdelay $0x2  }
0x1fb: {  	v25, _, _ =	vpop (xrf2)  }
0x1fc: {  	v25 =	vbroadcast v25, $0xF  }
0x1fd: {  	s11 =	sadd.s32 $0xFFFFFF80, s31;
	v24 =	vbroadcast v24, $0xF  }
0x1fe: {  	s11 =	sand.u32 $0x300, s11;
	[tilespmem:s3+$0xFFFFFF80] =	vst v25  }
0x1ff: {  	s11 =	sor.u32 s1, s11;
	[tilespmem:s0+$0xFFFFFF80] =	vst v24  }
0x200: {  	v24 =	vld [tilespmem:s11+$0xA500]  }
0x201: {  	v25 =	vld [tilespmem:s11+$0x500]  }
0x202: {  	v26 =	vld [tilespmem:s11+$0x510]  }
0x203: {  	v27 =	vld [tilespmem:s11+$0xA510]  }
0x204: {  	v28 =	vld [tilespmem:s11+$0x520]  }
0x205: {  	v29 =	vld [tilespmem:s11+$0xA520]  }
0x206: {  	v25 =	vmul.f32 v25, v24;
	v30 =	vld [tilespmem:s11+$0x530]  }
0x207: {  	v31 =	vld [tilespmem:s11+$0xA530]  }
0x208: {  	v26 =	vmul.f32 v26, v27;
	v24 =	vadd.f32 v27, v24;
	v27 =	vld [tilespmem:s11+$0x540]  }
0x209: {  	v32 =	vld [tilespmem:s11+$0xA540]  }
0x20a: {  	v25 =	vadd.f32 v26, v25;
	v26 =	vmul.f32 v28, v29;
	v24 =	vadd.f32 v29, v24;
	v28 =	vld [tilespmem:s11+$0x550]  }
0x20b: {  	s12 =	sand.u32 $0x3, s9;
	v29 =	vld [tilespmem:s11+$0xA550]  }
0x20c: {  	s12 =	sshll.u32 s12, $0x8;
	v25 =	vadd.f32 v26, v25;
	v26 =	vmul.f32 v30, v31;
	v24 =	vadd.f32 v31, v24;
	v30 =	vld [tilespmem:s11+$0x560]  }
0x20d: {  	s12 =	sadd.s32 s28, s12;
	v31 =	vld [tilespmem:s11+$0xA560]  }
0x20e: {  	s12 =	sadd.s32 $0x100, s12;
	v25 =	vadd.f32 v26, v25;
	v26 =	vmul.f32 v27, v32;
	v24 =	vadd.f32 v32, v24;
	v27 =	vld [tilespmem:s11+$0x570]  }
0x20f: {  	v32 =	vld [tilespmem:s11+$0xA570];
	s11 =	sor.u32 $0x400, s12  }
0x210: {  	v25 =	vadd.f32 v26, v25;
	v26 =	vmul.f32 v28, v29;
	v24 =	vadd.f32 v29, v24;
	v28 =	vld [tilespmem:s11+$0x500]  }
0x211: {  	v29 =	vld [tilespmem:s11+$0xA500];
	s11 =	sor.u32 $0x410, s12  }
0x212: {  	v25 =	vadd.f32 v26, v25;
	v26 =	vmul.f32 v30, v31;
	v24 =	vadd.f32 v31, v24;
	v30 =	vld [tilespmem:s11+$0x500]  }
0x213: {  	v31 =	vld [tilespmem:s11+$0xA500];
	s11 =	sor.u32 $0x420, s12  }
0x214: {  	v25 =	vadd.f32 v26, v25;
	v26 =	vmul.f32 v27, v32;
	v24 =	vadd.f32 v32, v24;
	v27 =	vld [tilespmem:s11+$0x500]  }
0x215: {  	v32 =	vld [tilespmem:s11+$0xA500];
	s11 =	sor.u32 $0x430, s12  }
0x216: {  	v25 =	vadd.f32 v26, v25;
	v26 =	vmul.f32 v28, v29;
	v24 =	vadd.f32 v29, v24;
	v28 =	vld [tilespmem:s11+$0x500]  }
0x217: {  	v29 =	vld [tilespmem:s11+$0xA500];
	s11 =	sor.u32 $0x440, s12  }
0x218: {  	v25 =	vadd.f32 v26, v25;
	v26 =	vmul.f32 v30, v31;
	v24 =	vadd.f32 v31, v24;
	v30 =	vld [tilespmem:s11+$0x500]  }
0x219: {  	v31 =	vld [tilespmem:s11+$0xA500];
	s11 =	sor.u32 $0x450, s12  }
0x21a: {  	v25 =	vadd.f32 v26, v25;
	v26 =	vmul.f32 v27, v32;
	v24 =	vadd.f32 v32, v24;
	v27 =	vld [tilespmem:s11+$0x500]  }
0x21b: {  	v32 =	vld [tilespmem:s11+$0xA500];
	s11 =	sor.u32 $0x460, s12  }
0x21c: {  	v25 =	vadd.f32 v26, v25;
	v26 =	vmul.f32 v28, v29;
	v24 =	vadd.f32 v29, v24;
	v28 =	vld [tilespmem:s11+$0x500]  }
0x21d: {  	v29 =	vld [tilespmem:s11+$0xA500];
	s11 =	sor.u32 $0x470, s12  }
0x21e: {  	v25 =	vadd.f32 v26, v25;
	v26 =	vmul.f32 v30, v31;
	v24 =	vadd.f32 v31, v24;
	v30 =	vld [tilespmem:s11+$0x500]  }
0x21f: {  	v31 =	vld [tilespmem:s11+$0xA500]  }
0x220: {  	v25 =	vadd.f32 v26, v25;
	v26 =	vmul.f32 v27, v32;
	v24 =	vadd.f32 v32, v24;
	_ =	sdelay $0x1  }
0x221: {  	v25 =	vadd.f32 v26, v25;
	v26 =	vmul.f32 v28, v29;
	v24 =	vadd.f32 v29, v24;
	_ =	sdelay $0x1  }
0x222: {  	v25 =	vadd.f32 v26, v25;
	v26 =	vmul.f32 v30, v31;
	v24 =	vadd.f32 v31, v24;
	_ =	sdelay $0x1  }
0x223: {  	v25 =	vadd.f32 v26, v25;
	(xrf2) =	vadd.scan.msk.f32 $0xffff, v24;
	_ =	sdelay $0x2  }
0x224: {  	(xrf2) =	vadd.scan.msk.f32 $0xffff, v25;
	_ =	sdelay $0x6  }
0x225: {  	v24, _, _ =	vpop (xrf2);
	_ =	sdelay $0x2  }
0x226: {  	v25, _, _ =	vpop (xrf2)  }
0x227: {  	v25 =	vbroadcast v25, $0xF  }
0x228: {  	v24 =	vbroadcast v24, $0xF  }
0x229: {  	s11 =	sand.u32 $0x380, s31;
	[tilespmem:s3+$0x0] =	vst v25  }
0x22a: {  	s1 =	sor.u32 s1, s11;
	[tilespmem:s0+$0x0] =	vst v24  }
0x22b: {  	v24 =	vld [tilespmem:s1+$0xA520]  }
0x22c: {  	v25 =	vld [tilespmem:s1+$0x510]  }
0x22d: {  	v26 =	vld [tilespmem:s1+$0xA500]  }
0x22e: {  	v27 =	vld [tilespmem:s1+$0x500]  }
0x22f: {  	v28 =	vld [tilespmem:s1+$0x520]  }
0x230: {  	v29 =	vld [tilespmem:s1+$0xA510]  }
0x231: {  	v30 =	vld [tilespmem:s1+$0xA530]  }
0x232: {  	v31 =	vld [tilespmem:s1+$0x530]  }
0x233: {  	v27 =	vmul.f32 v27, v26;
	v32 =	vld [tilespmem:s1+$0xA540]  }
0x234: {  	v28 =	vmul.f32 v28, v24;
	v33 =	vld [tilespmem:s1+$0x540]  }
0x235: {  	v25 =	vmul.f32 v25, v29;
	v26 =	vadd.f32 v29, v26;
	v29 =	vld [tilespmem:s1+$0xA550]  }
0x236: {  	v34 =	vld [tilespmem:s1+$0x550]  }
0x237: {  	v25 =	vadd.f32 v25, v27;
	v24 =	vadd.f32 v24, v26;
	v26 =	vmul.f32 v31, v30;
	v27 =	vld [tilespmem:s1+$0xA560]  }
0x238: {  	v31 =	vld [tilespmem:s1+$0x560]  }
0x239: {  	v25 =	vadd.f32 v28, v25;
	v24 =	vadd.f32 v30, v24;
	v28 =	vmul.f32 v33, v32;
	v30 =	vld [tilespmem:s1+$0xA570]  }
0x23a: {  	v33 =	vld [tilespmem:s1+$0x570];
	s1 =	sor.u32 $0x400, s6  }
0x23b: {  	v25 =	vadd.f32 v26, v25;
	v24 =	vadd.f32 v32, v24;
	v26 =	vmul.f32 v34, v29;
	v32 =	vld [tilespmem:s1+$0xA500]  }
0x23c: {  	v34 =	vld [tilespmem:s1+$0x500];
	s1 =	sor.u32 $0x410, s6  }
0x23d: {  	v25 =	vadd.f32 v28, v25;
	v24 =	vadd.f32 v29, v24;
	v28 =	vmul.f32 v31, v27;
	v29 =	vld [tilespmem:s1+$0xA500]  }
0x23e: {  	v31 =	vld [tilespmem:s1+$0x500];
	s1 =	sor.u32 $0x420, s6  }
0x23f: {  	v25 =	vadd.f32 v26, v25;
	v24 =	vadd.f32 v27, v24;
	v26 =	vld [tilespmem:s1+$0xA500]  }
0x240: {  	v27 =	vld [tilespmem:s1+$0x500];
	s1 =	sor.u32 $0x430, s6  }
0x241: {  	v25 =	vadd.f32 v28, v25;
	v28 =	vmul.f32 v33, v30;
	v24 =	vadd.f32 v30, v24;
	v30 =	vld [tilespmem:s1+$0xA500]  }
0x242: {  	v33 =	vmul.f32 v34, v32;
	v34 =	vld [tilespmem:s1+$0x500];
	s1 =	sor.u32 $0x440, s6  }
0x243: {  	v25 =	vadd.f32 v28, v25;
	v24 =	vadd.f32 v32, v24;
	v28 =	vmul.f32 v31, v29;
	v31 =	vld [tilespmem:s1+$0xA500]  }
0x244: {  	v32 =	vld [tilespmem:s1+$0x500];
	s1 =	sor.u32 $0x450, s6  }
0x245: {  	v25 =	vadd.f32 v33, v25;
	v24 =	vadd.f32 v29, v24;
	v27 =	vmul.f32 v27, v26;
	v29 =	vld [tilespmem:s1+$0xA500]  }
0x246: {  	v33 =	vld [tilespmem:s1+$0x500];
	s1 =	sor.u32 $0x460, s6  }
0x247: {  	v25 =	vadd.f32 v28, v25;
	v24 =	vadd.f32 v26, v24;
	v26 =	vmul.f32 v34, v30;
	v28 =	vld [tilespmem:s1+$0xA500]  }
0x248: {  	v34 =	vld [tilespmem:s1+$0x500];
	s1 =	sor.u32 $0x470, s6  }
0x249: {  	v25 =	vadd.f32 v27, v25;
	v24 =	vadd.f32 v30, v24;
	v27 =	vld [tilespmem:s1+$0xA500]  }
0x24a: {  	v30 =	vld [tilespmem:s1+$0x500]  }
0x24b: {  	v25 =	vadd.f32 v26, v25;
	v26 =	vmul.f32 v32, v31;
	v24 =	vadd.f32 v31, v24  }
0x24c: {  	v31 =	vmul.f32 v33, v29  }
0x24d: {  	v25 =	vadd.f32 v26, v25;
	v24 =	vadd.f32 v29, v24;
	v26 =	vmul.f32 v34, v28  }
.Ltmp0:
0x24e: {  	(pc) =	sbr.rel @p1 .LBB2_3-.Ltmp0, $3  }
0x24f: {  	v25 =	vadd.f32 v31, v25;
	v28 =	vadd.f32 v28, v24;
	v24 =	vmul.f32 v30, v27;
	_ =	sdelay $0x1  }
0x250: {  	s3 =	sadd.s32 $0x200, s3;
	s0 =	sadd.s32 $0x200, s0;
	v25 =	vadd.f32 v26, v25;
	v26 =	vadd.f32 v27, v28  }
0x251: {  	p0 =	por !p0, !p0;
	s8 =	sadd.s32 $0x4, s8;
	s9 =	sadd.s32 $0x2, s9  }
0x252: {  	v24 =	vadd.f32 v24, v25  }
0x253: {  	(xrf2) =	vadd.scan.msk.f32 $0xffff, v26  }
0x254: {  	(xrf2) =	vadd.scan.msk.f32 $0xffff, v24  }
0x255: {  	v24 =	vor.u32 s19, v2  }
0x256: {  	v24 =	vmulhi.u32 $0x51EB851F, v24;
	_ =	sdelay $0x1  }
0x257: {  	v24 =	vshrl.u32 v24, $0x6  }
0x258: {  	v25 =	vmov s19;
	v26 =	vmul.u32 $0xFFFFFF38, v24  }
0x259: {  	v27 =	vsub.s32 v12, v25  }
0x25a: {  	vm1 =	veq.s32 v25, v2;
	vm2 =	vne.s32 v26, v27  }
0x25b: {  	vm1 =	vmand vm1, vm2  }
0x25c: {  	v24 =	vadd.s32 v0, v24;
	v25, _, _ =	vpop (xrf2);
	v26 =	vsel vm1, $0xFFFFFFFF, v14  }
0x25d: {  	v24 =	vadd.s32 v26, v24;
	v27, _, _ =	vpop (xrf2)  }
0x25e: {  	v26 =	vbroadcast v27, $0xF  }
0x25f: {  	v25 =	vbroadcast v25, $0xF  }
0x260: {  	[tilespmem:s29+$0x80] =	vst v26  }
0x261: {  	[tilespmem:s30+$0x80] =	vst v25  }
0x262: {  	v24 =	vld.idx.msk [tilespmem:v24+s14+$0x0], $0xffff;
	_ =	sdelay $0x4  }
0x263: {  	(erf) = vrcp.f32 v24;
	_ =	sdelay $0x8  }
0x264: {  	v24 =	vpop (erf)  }
0x265: {  	v24 =	vmul.f32 $-1.053605150e-01, v24;
	_ =	sdelay $0x1  }
0x266: {  	v25 =	vld [tilespmem:s19+$0x0];
	v24 =	vmul.f32 $1.442695020e+00, v24;
	_ =	sdelay $0x1  }
0x267: {  	(erf) = vpow2.f32 v24;
	_ =	sdelay $0x2  }
0x268: {  	v26 =	vshll.u32 v25, $0x3;
	v24 =	vmul.u32 $0x80, v2  }
0x269: {  	v27 =	vand.u32 $0x7F, v25;
	v26 =	vand.u32 $0xFFFFFC00, v26  }
0x26a: {  	v26 =	vor.u32 v27, v26  }
0x26b: {  	v26 =	vadd.s32 v13, v26;
	_ =	sdelay $0x2  }
0x26c: {  	v27 =	vld.idx.msk [tilespmem:v24+s13+$0x0], $0xffff;
	v28 =	vpop (erf)  }
0x26d: {  	vm1 =	vne.s32 v25, $0x0;
	v28 =	vsub.f32 $1.000000000e+00, v28  }
0x26e: {  	v29 =	vsel vm1, $0x3F800000, v14;
	v25 =	vld.idx.msk [tilespmem:v26+s15+$0x0], $0xffff  }
0x26f: {  	v28 =	vmul.f32 v29, v28;
	_ =	sdelay $0x1  }
0x270: {  	v27 =	vmul.f32 v28, v27;
	_ =	sdelay $0x1  }
0x271: {  	v25 =	vmul.f32 v28, v25;
	v30 =	vsub.f32 v29, v27;
	_ =	sdelay $0x1  }
0x272: {  	v25 =	vsub.f32 v30, v25;
	_ =	sdelay $0x1  }
0x273: {  	v27 =	vadd.f32 v25, v27  }
0x274: {  	v30 =	vld.idx.msk [tilespmem:v24+s7+$0x0], $0xffff  }
0x275: {  	v26 =	vld.idx.msk [tilespmem:v26+s25+$0x0], $0xffff;
	[tilespmem:s19+$0x19500] =	vst v27  }
0x276: {  	v27 =	vld [tilespmem:$0x19880]  }
0x277: {  	s0 =	sor.u32 $0x10, s19  }
0x278: {  	v31 =	vor.u32 s0, v2  }
0x279: {  	v31 =	vmulhi.u32 $0x51EB851F, v31;
	v28 =	vmul.f32 v28, v30;
	v30 =	vld [tilespmem:$0x19900];
	_ =	sdelay $0x1  }
0x27a: {  	v25 =	vmul.f32 v25, v26;
	v26 =	vshrl.u32 v31, $0x6;
	v27 =	vadd.f32 v28, v27  }
0x27b: {  	v26 =	vadd.s32 v0, v26;
	v28 =	vsub.f32 $1.000000000e+00, v29  }
0x27c: {  	v25 =	vadd.f32 v25, v27  }
0x27d: {  	v27 =	vadd.f32 v30, v28  }
0x27e: {  	[tilespmem:$0x19880] =	vst v25  }
0x27f: {  	[tilespmem:$0x19900] =	vst v27  }
0x280: {  	v25 =	vld.idx.msk [tilespmem:v26+s14+$0x0], $0xffff;
	_ =	sdelay $0x4  }
0x281: {  	(erf) = vrcp.f32 v25;
	_ =	sdelay $0x8  }
0x282: {  	v25 =	vpop (erf)  }
0x283: {  	v25 =	vmul.f32 $-1.053605150e-01, v25;
	_ =	sdelay $0x1  }
0x284: {  	v26 =	vld [tilespmem:s0+$0x0];
	v25 =	vmul.f32 $1.442695020e+00, v25;
	_ =	sdelay $0x1  }
0x285: {  	(erf) = vpow2.f32 v25;
	_ =	sdelay $0x2  }
0x286: {  	v25 =	vshll.u32 v26, $0x3  }
0x287: {  	v27 =	vand.u32 $0x7F, v26;
	v28 =	vand.u32 $0xFFFFFC00, v25;
	v25 =	vor.u32 $0x800, v24  }
0x288: {  	v27 =	vor.u32 v27, v28  }
0x289: {  	v27 =	vadd.s32 v15, v27;
	_ =	sdelay $0x2  }
0x28a: {  	v28 =	vld.idx.msk [tilespmem:v25+s13+$0x0], $0xffff;
	v29 =	vpop (erf)  }
0x28b: {  	vm1 =	vne.s32 v26, $0x0;
	v29 =	vsub.f32 $1.000000000e+00, v29  }
0x28c: {  	v30 =	vsel vm1, $0x3F800000, v14;
	v26 =	vld.idx.msk [tilespmem:v27+s15+$0x0], $0xffff  }
0x28d: {  	v29 =	vmul.f32 v30, v29;
	_ =	sdelay $0x1  }
0x28e: {  	v28 =	vmul.f32 v29, v28;
	_ =	sdelay $0x1  }
0x28f: {  	v26 =	vmul.f32 v29, v26;
	v31 =	vsub.f32 v30, v28;
	_ =	sdelay $0x1  }
0x290: {  	v26 =	vsub.f32 v31, v26;
	_ =	sdelay $0x1  }
0x291: {  	v28 =	vadd.f32 v26, v28  }
0x292: {  	v31 =	vld.idx.msk [tilespmem:v25+s7+$0x0], $0xffff  }
0x293: {  	v27 =	vld.idx.msk [tilespmem:v27+s25+$0x0], $0xffff;
	[tilespmem:s19+$0x19510] =	vst v28  }
0x294: {  	v28 =	vld [tilespmem:$0x19880]  }
0x295: {  	s29 =	sadd.s32 $0x20, s19  }
0x296: {  	v32 =	vor.u32 s29, v2  }
0x297: {  	v32 =	vmulhi.u32 $0x51EB851F, v32;
	v29 =	vmul.f32 v29, v31;
	v31 =	vld [tilespmem:$0x19900];
	_ =	sdelay $0x1  }
0x298: {  	v26 =	vmul.f32 v26, v27;
	v27 =	vshrl.u32 v32, $0x6;
	v28 =	vadd.f32 v29, v28  }
0x299: {  	v27 =	vadd.s32 v0, v27;
	v29 =	vsub.f32 $1.000000000e+00, v30  }
0x29a: {  	v26 =	vadd.f32 v26, v28  }
0x29b: {  	v28 =	vadd.f32 v31, v29  }
0x29c: {  	[tilespmem:$0x19880] =	vst v26  }
0x29d: {  	[tilespmem:$0x19900] =	vst v28  }
0x29e: {  	v26 =	vld.idx.msk [tilespmem:v27+s14+$0x0], $0xffff;
	_ =	sdelay $0x4  }
0x29f: {  	(erf) = vrcp.f32 v26;
	_ =	sdelay $0x8  }
0x2a0: {  	v26 =	vpop (erf)  }
0x2a1: {  	v26 =	vmul.f32 $-1.053605150e-01, v26;
	_ =	sdelay $0x1  }
0x2a2: {  	v27 =	vld [tilespmem:s19+$0x20];
	v26 =	vmul.f32 $1.442695020e+00, v26;
	_ =	sdelay $0x1  }
0x2a3: {  	(erf) = vpow2.f32 v26;
	_ =	sdelay $0x2  }
0x2a4: {  	v26 =	vshll.u32 v27, $0x3  }
0x2a5: {  	v28 =	vand.u32 $0x7F, v27;
	v29 =	vand.u32 $0xFFFFFC00, v26;
	v26 =	vor.u32 $0x1000, v24  }
0x2a6: {  	v28 =	vor.u32 v28, v29  }
0x2a7: {  	v28 =	vadd.s32 v16, v28;
	_ =	sdelay $0x2  }
0x2a8: {  	v29 =	vld.idx.msk [tilespmem:v26+s13+$0x0], $0xffff;
	v30 =	vpop (erf)  }
0x2a9: {  	vm1 =	vne.s32 v27, $0x0;
	v30 =	vsub.f32 $1.000000000e+00, v30  }
0x2aa: {  	v31 =	vsel vm1, $0x3F800000, v14;
	v27 =	vld.idx.msk [tilespmem:v28+s15+$0x0], $0xffff  }
0x2ab: {  	v30 =	vmul.f32 v31, v30;
	_ =	sdelay $0x1  }
0x2ac: {  	v29 =	vmul.f32 v30, v29;
	_ =	sdelay $0x1  }
0x2ad: {  	v27 =	vmul.f32 v30, v27;
	v52 =	vsub.f32 v31, v29;
	_ =	sdelay $0x1  }
0x2ae: {  	v27 =	vsub.f32 v52, v27;
	_ =	sdelay $0x1  }
0x2af: {  	v29 =	vadd.f32 v27, v29  }
0x2b0: {  	v53 =	vld.idx.msk [tilespmem:v26+s7+$0x0], $0xffff  }
0x2b1: {  	v28 =	vld.idx.msk [tilespmem:v28+s25+$0x0], $0xffff;
	[tilespmem:s19+$0x19520] =	vst v29  }
0x2b2: {  	v29 =	vld [tilespmem:$0x19880]  }
0x2b3: {  	s30 =	sadd.s32 $0x30, s19  }
0x2b4: {  	v33 =	vor.u32 s30, v2  }
0x2b5: {  	v33 =	vmulhi.u32 $0x51EB851F, v33;
	v30 =	vmul.f32 v30, v53;
	v54 =	vld [tilespmem:$0x19900];
	_ =	sdelay $0x1  }
0x2b6: {  	v27 =	vmul.f32 v27, v28;
	v28 =	vshrl.u32 v33, $0x6;
	v29 =	vadd.f32 v30, v29  }
0x2b7: {  	v28 =	vadd.s32 v0, v28;
	v30 =	vsub.f32 $1.000000000e+00, v31  }
0x2b8: {  	v27 =	vadd.f32 v27, v29  }
0x2b9: {  	v29 =	vadd.f32 v54, v30  }
0x2ba: {  	[tilespmem:$0x19880] =	vst v27  }
0x2bb: {  	[tilespmem:$0x19900] =	vst v29  }
0x2bc: {  	v27 =	vld.idx.msk [tilespmem:v28+s14+$0x0], $0xffff;
	_ =	sdelay $0x4  }
0x2bd: {  	(erf) = vrcp.f32 v27;
	_ =	sdelay $0x8  }
0x2be: {  	v27 =	vpop (erf)  }
0x2bf: {  	v27 =	vmul.f32 $-1.053605150e-01, v27;
	_ =	sdelay $0x1  }
0x2c0: {  	v28 =	vld [tilespmem:s19+$0x30];
	v27 =	vmul.f32 $1.442695020e+00, v27;
	_ =	sdelay $0x1  }
0x2c1: {  	(erf) = vpow2.f32 v27;
	_ =	sdelay $0x2  }
0x2c2: {  	v27 =	vshll.u32 v28, $0x3  }
0x2c3: {  	v29 =	vand.u32 $0x7F, v28;
	v30 =	vand.u32 $0xFFFFFC00, v27;
	v27 =	vor.u32 $0x1800, v24  }
0x2c4: {  	v29 =	vor.u32 v29, v30  }
0x2c5: {  	v29 =	vadd.s32 v17, v29;
	_ =	sdelay $0x2  }
0x2c6: {  	v30 =	vld.idx.msk [tilespmem:v27+s13+$0x0], $0xffff;
	v31 =	vpop (erf)  }
0x2c7: {  	vm1 =	vne.s32 v28, $0x0;
	v31 =	vsub.f32 $1.000000000e+00, v31  }
0x2c8: {  	v55 =	vsel vm1, $0x3F800000, v14;
	v28 =	vld.idx.msk [tilespmem:v29+s15+$0x0], $0xffff  }
0x2c9: {  	v31 =	vmul.f32 v55, v31;
	_ =	sdelay $0x1  }
0x2ca: {  	v30 =	vmul.f32 v31, v30;
	_ =	sdelay $0x1  }
0x2cb: {  	v28 =	vmul.f32 v31, v28;
	v56 =	vsub.f32 v55, v30;
	_ =	sdelay $0x1  }
0x2cc: {  	v28 =	vsub.f32 v56, v28;
	_ =	sdelay $0x1  }
0x2cd: {  	v30 =	vadd.f32 v28, v30  }
0x2ce: {  	v57 =	vld.idx.msk [tilespmem:v27+s7+$0x0], $0xffff  }
0x2cf: {  	v29 =	vld.idx.msk [tilespmem:v29+s25+$0x0], $0xffff;
	[tilespmem:s19+$0x19530] =	vst v30  }
0x2d0: {  	v30 =	vld [tilespmem:$0x19880]  }
0x2d1: {  	s31 =	sadd.s32 $0x40, s19  }
0x2d2: {  	v34 =	vor.u32 s31, v2  }
0x2d3: {  	v34 =	vmulhi.u32 $0x51EB851F, v34;
	v31 =	vmul.f32 v31, v57;
	v58 =	vld [tilespmem:$0x19900];
	_ =	sdelay $0x1  }
0x2d4: {  	v28 =	vmul.f32 v28, v29;
	v29 =	vshrl.u32 v34, $0x6;
	v30 =	vadd.f32 v31, v30  }
0x2d5: {  	v29 =	vadd.s32 v0, v29;
	v31 =	vsub.f32 $1.000000000e+00, v55  }
0x2d6: {  	v28 =	vadd.f32 v28, v30  }
0x2d7: {  	v30 =	vadd.f32 v58, v31  }
0x2d8: {  	[tilespmem:$0x19880] =	vst v28  }
0x2d9: {  	[tilespmem:$0x19900] =	vst v30  }
0x2da: {  	v28 =	vld.idx.msk [tilespmem:v29+s14+$0x0], $0xffff;
	_ =	sdelay $0x4  }
0x2db: {  	(erf) = vrcp.f32 v28;
	_ =	sdelay $0x8  }
0x2dc: {  	v28 =	vpop (erf)  }
0x2dd: {  	v28 =	vmul.f32 $-1.053605150e-01, v28;
	_ =	sdelay $0x1  }
0x2de: {  	v29 =	vld [tilespmem:s19+$0x40];
	v28 =	vmul.f32 $1.442695020e+00, v28;
	_ =	sdelay $0x1  }
0x2df: {  	(erf) = vpow2.f32 v28;
	_ =	sdelay $0x2  }
0x2e0: {  	v28 =	vshll.u32 v29, $0x3  }
0x2e1: {  	v30 =	vand.u32 $0x7F, v29;
	v31 =	vand.u32 $0xFFFFFC00, v28;
	v28 =	vor.u32 $0x2000, v24  }
0x2e2: {  	v30 =	vor.u32 v30, v31  }
0x2e3: {  	v30 =	vadd.s32 v18, v30;
	_ =	sdelay $0x2  }
0x2e4: {  	v31 =	vld.idx.msk [tilespmem:v28+s13+$0x0], $0xffff;
	v59 =	vpop (erf)  }
0x2e5: {  	vm1 =	vne.s32 v29, $0x0;
	v32 =	vsub.f32 $1.000000000e+00, v59  }
0x2e6: {  	v60 =	vsel vm1, $0x3F800000, v14;
	v29 =	vld.idx.msk [tilespmem:v30+s15+$0x0], $0xffff  }
0x2e7: {  	v32 =	vmul.f32 v60, v32;
	_ =	sdelay $0x1  }
0x2e8: {  	v31 =	vmul.f32 v32, v31;
	_ =	sdelay $0x1  }
0x2e9: {  	v29 =	vmul.f32 v32, v29;
	v61 =	vsub.f32 v60, v31;
	_ =	sdelay $0x1  }
0x2ea: {  	v29 =	vsub.f32 v61, v29;
	_ =	sdelay $0x1  }
0x2eb: {  	v31 =	vadd.f32 v29, v31  }
0x2ec: {  	v62 =	vld.idx.msk [tilespmem:v28+s7+$0x0], $0xffff  }
0x2ed: {  	v30 =	vld.idx.msk [tilespmem:v30+s25+$0x0], $0xffff;
	[tilespmem:s19+$0x19540] =	vst v31  }
0x2ee: {  	v31 =	vld [tilespmem:$0x19880]  }
0x2ef: {  	v63 =	vld [tilespmem:$0x19900];
	_ =	sdelay $0x1  }
0x2f0: {  	v32 =	vmul.f32 v32, v62  }
0x2f1: {  	p0 =	seq.s32 s18, $0x4;
	v29 =	vmul.f32 v29, v30;
	v30 =	vsub.f32 $1.000000000e+00, v60  }
.Ltmp1:
0x2f2: {  	v31 =	vadd.f32 v32, v31;
	(pc) =	sbr.rel @p0 .LBB2_6-.Ltmp1, $4  }
0x2f3: {  	v30 =	vadd.f32 v63, v30  }
0x2f4: {  	v29 =	vadd.f32 v29, v31  }
0x2f5: {  	[tilespmem:$0x19900] =	vst v30  }
0x2f6: {  	[tilespmem:$0x19880] =	vst v29  }
0x2f7: {  	s0 =	sadd.s32 $0xA0, s19  }
0x2f8: {  	v29 =	vadd.s32 s0, v11  }
0x2f9: {  	vm1 =	vgt.s32 v29, $0x0  }
0x2fa: {  	v29 =	vnsel vm1, $0x0, v29;
	_ =	sdelay $0x4  }
0x2fb: {  	v30 =	vor.u32 s0, v2;
	v29 =	vld.idx.msk [tilespmem:v29+s5+$0x0], $0xffff  }
0x2fc: {  	s1 =	sadd.s32 $0xB0, s19;
	v30 =	vmul.u32 $0xC28F5C29, v30  }
0x2fd: {  	v31 =	vld [tilespmem:s19+$0xA0];
	v32 =	vadd.s32 s1, v11  }
0x2fe: {  	vm1 =	vgt.s32 v32, $0x0;
	v33 =	vshll.u32 v30, $0x1D;
	v30 =	vshrl.u32 v30, $0x3  }
0x2ff: {  	v32 =	vnsel vm1, $0x0, v32;
	v30 =	vor.u32 v33, v30  }
0x300: {  	vm1 =	vle.u32 v30, $0x147AE14;
	v29 =	vshll.u32 v29, $0x8  }
0x301: {  	v29 =	vsel vm1, $0x0, v29  }
0x302: {  	v29 =	vadd.s32 v31, v29  }
0x303: {  	[tilespmem:$0x400] =	vst v29  }
0x304: {  	v30 =	vor.u32 s1, v2;
	v32 =	vld.idx.msk [tilespmem:v32+s5+$0x0], $0xffff  }
0x305: {  	s29 =	sadd.s32 $0xC0, s19;
	v30 =	vmul.u32 $0xC28F5C29, v30  }
0x306: {  	v34 =	vadd.s32 s29, v11;
	v52 =	vld [tilespmem:s19+$0xB0]  }
0x307: {  	v35 =	vshll.u32 v30, $0x1D;
	v30 =	vshrl.u32 v30, $0x3;
	vm1 =	vgt.s32 v34, $0x0  }
0x308: {  	v30 =	vor.u32 v35, v30;
	v34 =	vnsel vm1, $0x0, v34  }
0x309: {  	vm1 =	vle.u32 v30, $0x147AE14;
	v30 =	vshll.u32 v32, $0x8  }
0x30a: {  	v30 =	vsel vm1, $0x0, v30  }
0x30b: {  	v30 =	vadd.s32 v52, v30  }
0x30c: {  	[tilespmem:$0x410] =	vst v30  }
0x30d: {  	v30 =	vor.u32 s29, v2;
	v53 =	vld.idx.msk [tilespmem:v34+s5+$0x0], $0xffff  }
0x30e: {  	s30 =	sadd.s32 $0xD0, s19;
	v30 =	vmul.u32 $0xC28F5C29, v30  }
0x30f: {  	v55 =	vadd.s32 s30, v11;
	v54 =	vld [tilespmem:s19+$0xC0]  }
0x310: {  	vm1 =	vgt.s32 v55, $0x0;
	v56 =	vshll.u32 v30, $0x1D;
	v30 =	vshrl.u32 v30, $0x3  }
0x311: {  	v34 =	vnsel vm1, $0x0, v55;
	v30 =	vor.u32 v56, v30  }
0x312: {  	vm1 =	vle.u32 v30, $0x147AE14;
	v30 =	vshll.u32 v53, $0x8  }
0x313: {  	v30 =	vsel vm1, $0x0, v30  }
0x314: {  	v30 =	vadd.s32 v54, v30  }
0x315: {  	[tilespmem:$0x420] =	vst v30  }
0x316: {  	v30 =	vor.u32 s30, v2;
	v57 =	vld.idx.msk [tilespmem:v34+s5+$0x0], $0xffff  }
0x317: {  	s31 =	sadd.s32 $0xE0, s19;
	v30 =	vmul.u32 $0xC28F5C29, v30  }
0x318: {  	v59 =	vadd.s32 s31, v11;
	v58 =	vld [tilespmem:s19+$0xD0]  }
0x319: {  	vm1 =	vgt.s32 v59, $0x0;
	v60 =	vshll.u32 v30, $0x1D;
	v30 =	vshrl.u32 v30, $0x3  }
0x31a: {  	v34 =	vnsel vm1, $0x0, v59;
	v30 =	vor.u32 v60, v30  }
0x31b: {  	vm1 =	vle.u32 v30, $0x147AE14;
	v30 =	vshll.u32 v57, $0x8  }
0x31c: {  	v30 =	vsel vm1, $0x0, v30  }
0x31d: {  	v30 =	vadd.s32 v58, v30  }
0x31e: {  	v29 =	vshll.u32 v29, $0x1;
	[tilespmem:$0x430] =	vst v30  }
0x31f: {  	v31 =	vand.u32 $0x7, v31;
	v29 =	vand.u32 $0xFFFFFFF0, v29;
	v30 =	vor.u32 s31, v2;
	v61 =	vld.idx.msk [tilespmem:v34+s5+$0x0], $0xffff  }
0x320: {  	v29 =	vor.u32 v31, v29;
	v30 =	vmul.u32 $0xC28F5C29, v30  }
0x321: {  	v62 =	vperm.xlane v29, v8;
	v31 =	vld [tilespmem:s19+$0xE0]  }
0x322: {  	v63 =	vshll.u32 v30, $0x1D;
	v30 =	vshrl.u32 v30, $0x3  }
0x323: {  	v29 =	vperm.xlane v29, v10;
	v33 =	vadd.s32 v9, v62;
	v30 =	vor.u32 v63, v30  }
0x324: {  	vm1 =	vle.u32 v30, $0x147AE14;
	v30 =	vshll.u32 v61, $0x8  }
0x325: {  	v29 =	vadd.s32 v9, v29;
	v30 =	vsel vm1, $0x0, v30  }
0x326: {  	v30 =	vadd.s32 v31, v30  }
0x327: {  	[tilespmem:$0x440] =	vst v30  }
0x328: {  	[tilespmem:s15], [sflag:$0x3] =	stream.indirect_vreg.gather [hbm4b:s2+s5], $0x80, v33, vm0, $0xb8;
	[tilespmem:$0x19980] =	vst v63  }
0x329: {  	s3 =	simm.s32 $0xAD00  }
0x32a: {  	[tilespmem:s3], [sflag:$0x3] =	stream.indirect_vreg.gather [hbm4b:s2+s5], $0x80, v29, vm0, $0xb8;
	[tilespmem:$0x19980] =	vst v63  }
0x32b: {  	v29 =	vld [tilespmem:$0x410];
	_ =	sdelay $0x4  }
0x32c: {  	v30 =	vshll.u32 v29, $0x1  }
0x32d: {  	v29 =	vand.u32 $0x7, v29;
	v30 =	vand.u32 $0xFFFFFFF0, v30  }
0x32e: {  	v29 =	vor.u32 v29, v30  }
0x32f: {  	v30 =	vperm.xlane v29, v8;
	_ =	sdelay $0x1  }
0x330: {  	v29 =	vperm.xlane v29, v10;
	v30 =	vadd.s32 v9, v30;
	_ =	sdelay $0x1  }
0x331: {  	v29 =	vadd.s32 v9, v29;
	_ =	sdelay $0x1  }
0x332: {  	s4 =	simm.s32 $0xB500  }
0x333: {  	[tilespmem:s4], [sflag:$0x3] =	stream.indirect_vreg.gather [hbm4b:s2+s5], $0x80, v30, vm0, $0xb8;
	[tilespmem:$0x19980] =	vst v63  }
0x334: {  	s6 =	simm.s32 $0xBD00  }
0x335: {  	[tilespmem:s6], [sflag:$0x3] =	stream.indirect_vreg.gather [hbm4b:s2+s5], $0x80, v29, vm0, $0xb8;
	[tilespmem:$0x19980] =	vst v63  }
0x336: {  	v29 =	vld [tilespmem:$0x420];
	_ =	sdelay $0x4  }
0x337: {  	v30 =	vshll.u32 v29, $0x1  }
0x338: {  	v29 =	vand.u32 $0x7, v29;
	v30 =	vand.u32 $0xFFFFFFF0, v30  }
0x339: {  	v29 =	vor.u32 v29, v30  }
0x33a: {  	v30 =	vperm.xlane v29, v8;
	_ =	sdelay $0x1  }
0x33b: {  	v29 =	vperm.xlane v29, v10;
	v30 =	vadd.s32 v9, v30;
	_ =	sdelay $0x1  }
0x33c: {  	v29 =	vadd.s32 v9, v29;
	_ =	sdelay $0x1  }
0x33d: {  	s8 =	simm.s32 $0xC500  }
0x33e: {  	[tilespmem:s8], [sflag:$0x3] =	stream.indirect_vreg.gather [hbm4b:s2+s5], $0x80, v30, vm0, $0xb8;
	[tilespmem:$0x19980] =	vst v63  }
0x33f: {  	s9 =	simm.s32 $0xCD00  }
0x340: {  	[tilespmem:s9], [sflag:$0x3] =	stream.indirect_vreg.gather [hbm4b:s2+s5], $0x80, v29, vm0, $0xb8;
	[tilespmem:$0x19980] =	vst v63  }
0x341: {  	v29 =	vld [tilespmem:$0x430];
	_ =	sdelay $0x4  }
0x342: {  	v30 =	vshll.u32 v29, $0x1  }
0x343: {  	v29 =	vand.u32 $0x7, v29;
	v30 =	vand.u32 $0xFFFFFFF0, v30  }
0x344: {  	v29 =	vor.u32 v29, v30  }
0x345: {  	v30 =	vperm.xlane v29, v8;
	_ =	sdelay $0x1  }
0x346: {  	v29 =	vperm.xlane v29, v10;
	v30 =	vadd.s32 v9, v30;
	_ =	sdelay $0x1  }
0x347: {  	v29 =	vadd.s32 v9, v29;
	_ =	sdelay $0x1  }
0x348: {  	s11 =	simm.s32 $0xD500  }
0x349: {  	[tilespmem:s11], [sflag:$0x3] =	stream.indirect_vreg.gather [hbm4b:s2+s5], $0x80, v30, vm0, $0xb8;
	[tilespmem:$0x19980] =	vst v63  }
0x34a: {  	s12 =	simm.s32 $0xDD00  }
0x34b: {  	[tilespmem:s12], [sflag:$0x3] =	stream.indirect_vreg.gather [hbm4b:s2+s5], $0x80, v29, vm0, $0xb8;
	[tilespmem:$0x19980] =	vst v63  }
0x34c: {  	v29 =	vld [tilespmem:$0x440];
	_ =	sdelay $0x4  }
0x34d: {  	v30 =	vshll.u32 v29, $0x1  }
0x34e: {  	v29 =	vand.u32 $0x7, v29;
	v30 =	vand.u32 $0xFFFFFFF0, v30  }
0x34f: {  	v29 =	vor.u32 v29, v30  }
0x350: {  	v30 =	vperm.xlane v29, v8;
	_ =	sdelay $0x1  }
0x351: {  	v29 =	vperm.xlane v29, v10;
	v30 =	vadd.s32 v9, v30;
	_ =	sdelay $0x1  }
0x352: {  	v29 =	vadd.s32 v9, v29  }
0x353: {  	s30 =	rddreg [dreg:$0x5]  }
0x354: {  	s28 =	simm.s32 $0xE500;
	s0 =	sadd.s32 s30, s0  }
0x355: {  	[tilespmem:s28], [sflag:$0x3] =	stream.indirect_vreg.gather [hbm4b:s2+s5], $0x80, v30, vm0, $0xb8;
	[tilespmem:$0x19980] =	vst v63  }
0x356: {  	s29 =	simm.s32 $0xED00;
	s0 =	sshll.u32 s0, $0x5;
	s31 =	rddreg [dreg:$0x0]  }
0x357: {  	[tilespmem:s29], [sflag:$0x3] =	stream.indirect_vreg.gather [hbm4b:s2+s5], $0x80, v29, vm0, $0xb8;
	[tilespmem:$0x19980] =	vst v63  }
0x358: {  	s0 =	sadd.s32 s31, s0  }
0x359: {  	[tilespmem:s25], [sflag:$0x1] =	stream.linear.gather [hbm4b:s0+s5], $0x5000, $0x38;
	[tilespmem:$0x19980] =	vst v63  }
.LBB2_6:
0x35a: {  	_ =	swait.ge [sflag:s16], $0x5000  }
0x35b: {  	[sflag:s16] =	ssyncset.done $0x0  }
0x35c: {  	[sflag:s16] =	ssyncadd.s32 $0xFFFFB000  }
0x35d: {  	s28 =	simm.s32 $0x0;
	s1 =	simm.s32 $0x0;
	_ =	swait.ge [sflag:s17], $0x5000  }
0x35e: {  	s0 =	sand.u32 $0x7800, s28;
	s1 =	sand.u32 $0x200, s1;
	[sflag:s17] =	ssyncset.done $0x0  }
0x35f: {  	s1 =	sor.u32 s1, s0;
	[sflag:s17] =	ssyncadd.s32 $0xFFFFB000  }
0x360: {  	v29 =	vld [tilespmem:s1+$0x5510]  }
0x361: {  	v30 =	vld [tilespmem:s1+$0xF500]  }
0x362: {  	v31 =	vld [tilespmem:s1+$0xF510]  }
0x363: {  	v32 =	vld [tilespmem:s1+$0x5500]  }
0x364: {  	v33 =	vld [tilespmem:s1+$0xF520]  }
0x365: {  	v34 =	vld [tilespmem:s1+$0x5520]  }
0x366: {  	v35 =	vld [tilespmem:s1+$0xF530]  }
0x367: {  	v36 =	vld [tilespmem:s1+$0x5530]  }
0x368: {  	v37 =	vld [tilespmem:s1+$0xF540];
	v29 =	vmul.f32 v29, v31;
	v32 =	vmul.f32 v32, v30  }
0x369: {  	v30 =	vadd.f32 v31, v30;
	v31 =	vld [tilespmem:s1+$0x5540]  }
0x36a: {  	v51 =	vld [tilespmem:s1+$0xF550];
	v50 =	vmul.f32 v34, v33;
	v29 =	vadd.f32 v29, v32  }
0x36b: {  	p0 =	por $0x0, $0x0;
	s3 =	simm.s32 $0x1;
	v52 =	vld [tilespmem:s1+$0x5550];
	v30 =	vadd.f32 v33, v30  }
0x36c: {  	s3 =	simm.s32 @!p0 $0x0;
	v54 =	vld [tilespmem:s1+$0xF560];
	v53 =	vmul.f32 v36, v35;
	v29 =	vadd.f32 v50, v29  }
0x36d: {  	s3 =	sshll.u32 s3, $0x9;
	v55 =	vld [tilespmem:s1+$0x5560];
	v30 =	vadd.f32 v35, v30  }
0x36e: {  	s3 =	sadd.s32 $0x0, s3;
	v56 =	vld [tilespmem:s1+$0xF570];
	v31 =	vmul.f32 v31, v37;
	v29 =	vadd.f32 v53, v29  }
0x36f: {  	s8 =	sor.u32 $0x400, s3;
	v57 =	vld [tilespmem:s1+$0x5570];
	v30 =	vadd.f32 v37, v30  }
0x370: {  	v58 =	vld [tilespmem:s8+$0xF500];
	v29 =	vadd.f32 v31, v29;
	v31 =	vmul.f32 v52, v51  }
0x371: {  	s9 =	sor.u32 $0x410, s3;
	v59 =	vld [tilespmem:s8+$0x5500];
	v30 =	vadd.f32 v51, v30  }
0x372: {  	v60 =	vld [tilespmem:s9+$0xF500];
	v29 =	vadd.f32 v31, v29;
	v31 =	vmul.f32 v55, v54  }
0x373: {  	s11 =	sor.u32 $0x420, s3;
	v61 =	vld [tilespmem:s9+$0x5500];
	v30 =	vadd.f32 v54, v30  }
0x374: {  	v62 =	vld [tilespmem:s11+$0xF500];
	v29 =	vadd.f32 v31, v29;
	v31 =	vmul.f32 v57, v56  }
0x375: {  	s12 =	sor.u32 $0x430, s3;
	v63 =	vld [tilespmem:s11+$0x5500];
	v30 =	vadd.f32 v56, v30  }
0x376: {  	v40 =	vld [tilespmem:s12+$0xF500];
	v29 =	vadd.f32 v31, v29;
	v31 =	vmul.f32 v59, v58  }
0x377: {  	s4 =	sor.u32 $0x440, s3;
	v41 =	vld [tilespmem:s12+$0x5500];
	v30 =	vadd.f32 v58, v30  }
0x378: {  	v42 =	vld [tilespmem:s4+$0xF500];
	v29 =	vadd.f32 v31, v29;
	v31 =	vmul.f32 v61, v60  }
0x379: {  	s6 =	sor.u32 $0x450, s3;
	v43 =	vld [tilespmem:s4+$0x5500];
	v30 =	vadd.f32 v60, v30  }
0x37a: {  	v44 =	vld [tilespmem:s6+$0xF500];
	v29 =	vadd.f32 v31, v29;
	v31 =	vmul.f32 v63, v62  }
0x37b: {  	v45 =	vld [tilespmem:s6+$0x5500];
	s8 =	sor.u32 $0x460, s3;
	v30 =	vadd.f32 v62, v30  }
0x37c: {  	v46 =	vld [tilespmem:s8+$0xF500];
	v29 =	vadd.f32 v31, v29;
	v31 =	vmul.f32 v41, v40  }
0x37d: {  	s9 =	sor.u32 $0x470, s3;
	v47 =	vld [tilespmem:s8+$0x5500];
	v30 =	vadd.f32 v40, v30  }
0x37e: {  	v48 =	vld [tilespmem:s9+$0xF500];
	v29 =	vadd.f32 v31, v29;
	v31 =	vmul.f32 v43, v42  }
0x37f: {  	v49 =	vld [tilespmem:s9+$0x5500];
	v30 =	vadd.f32 v42, v30  }
0x380: {  	v29 =	vadd.f32 v31, v29;
	v31 =	vmul.f32 v45, v44  }
0x381: {  	v30 =	vadd.f32 v44, v30  }
0x382: {  	v29 =	vadd.f32 v31, v29;
	v31 =	vmul.f32 v47, v46  }
0x383: {  	v30 =	vadd.f32 v46, v30  }
0x384: {  	v29 =	vadd.f32 v31, v29;
	v31 =	vmul.f32 v49, v48  }
0x385: {  	v30 =	vadd.f32 v48, v30  }
0x386: {  	v29 =	vadd.f32 v31, v29  }
0x387: {  	(xrf2) =	vadd.scan.msk.f32 $0xffff, v30  }
0x388: {  	(xrf2) =	vadd.scan.msk.f32 $0xffff, v29;
	_ =	sdelay $0x8  }
0x389: {  	v29, _, _ =	vpop (xrf2)  }
0x38a: {  	v30, _, _ =	vpop (xrf2)  }
0x38b: {  	v30 =	vbroadcast v30, $0xF  }
0x38c: {  	s29 =	simm.s32 $0x14600;
	s11 =	simm.s32 $0x80;
	v29 =	vbroadcast v29, $0xF  }
0x38d: {  	s30 =	simm.s32 $0x16E00;
	s1 =	sand.u32 $0x280, s11;
	[tilespmem:s29+$0xFFFFFF00] =	vst v30  }
0x38e: {  	s12 =	sor.u32 s0, s1;
	[tilespmem:s30+$0xFFFFFF00] =	vst v29  }
0x38f: {  	v29 =	vld [tilespmem:s12+$0xF500]  }
0x390: {  	v30 =	vld [tilespmem:s12+$0x5500]  }
0x391: {  	v31 =	vld [tilespmem:s12+$0x5510]  }
0x392: {  	v50 =	vld [tilespmem:s12+$0xF510]  }
0x393: {  	v51 =	vld [tilespmem:s12+$0xF520]  }
0x394: {  	v52 =	vld [tilespmem:s12+$0x5520]  }
0x395: {  	v53 =	vld [tilespmem:s12+$0x5530]  }
0x396: {  	v54 =	vld [tilespmem:s12+$0xF530]  }
0x397: {  	v55 =	vld [tilespmem:s12+$0x5540];
	v30 =	vmul.f32 v30, v29;
	v31 =	vmul.f32 v31, v50  }
0x398: {  	v56 =	vld [tilespmem:s12+$0xF540];
	v29 =	vadd.f32 v50, v29  }
0x399: {  	v57 =	vld [tilespmem:s12+$0x5550];
	v30 =	vadd.f32 v31, v30;
	v31 =	vmul.f32 v52, v51  }
0x39a: {  	s4 =	sand.u32 $0x7, s28;
	v58 =	vld [tilespmem:s12+$0xF550];
	v29 =	vadd.f32 v51, v29  }
0x39b: {  	s1 =	sshll.u32 s4, $0x7;
	v59 =	vld [tilespmem:s12+$0x5560];
	v30 =	vadd.f32 v31, v30;
	v31 =	vmul.f32 v53, v54  }
0x39c: {  	s1 =	sadd.s32 $0x0, s1;
	v60 =	vld [tilespmem:s12+$0xF560];
	v29 =	vadd.f32 v54, v29  }
0x39d: {  	s4 =	sadd.s32 $0x80, s1;
	v61 =	vld [tilespmem:s12+$0x5570];
	v30 =	vadd.f32 v31, v30;
	v31 =	vmul.f32 v55, v56  }
0x39e: {  	s6 =	sor.u32 $0x400, s4;
	v62 =	vld [tilespmem:s12+$0xF570];
	v29 =	vadd.f32 v56, v29  }
0x39f: {  	v63 =	vld [tilespmem:s6+$0x5500];
	v30 =	vadd.f32 v31, v30;
	v31 =	vmul.f32 v57, v58  }
0x3a0: {  	s8 =	sor.u32 $0x410, s4;
	v40 =	vld [tilespmem:s6+$0xF500];
	v29 =	vadd.f32 v58, v29  }
0x3a1: {  	v41 =	vld [tilespmem:s8+$0x5500];
	v30 =	vadd.f32 v31, v30;
	v31 =	vmul.f32 v59, v60  }
0x3a2: {  	s9 =	sor.u32 $0x420, s4;
	v42 =	vld [tilespmem:s8+$0xF500];
	v29 =	vadd.f32 v60, v29  }
0x3a3: {  	v43 =	vld [tilespmem:s9+$0x5500];
	v30 =	vadd.f32 v31, v30;
	v31 =	vmul.f32 v61, v62  }
0x3a4: {  	s11 =	sor.u32 $0x430, s4;
	v44 =	vld [tilespmem:s9+$0xF500];
	v29 =	vadd.f32 v62, v29  }
0x3a5: {  	v45 =	vld [tilespmem:s11+$0x5500];
	v30 =	vadd.f32 v31, v30;
	v31 =	vmul.f32 v63, v40  }
0x3a6: {  	v46 =	vld [tilespmem:s11+$0xF500];
	s12 =	sor.u32 $0x440, s4;
	v29 =	vadd.f32 v40, v29  }
0x3a7: {  	v47 =	vld [tilespmem:s12+$0x5500];
	v30 =	vadd.f32 v31, v30;
	v31 =	vmul.f32 v41, v42  }
0x3a8: {  	s6 =	sor.u32 $0x450, s4;
	v48 =	vld [tilespmem:s12+$0xF500];
	v29 =	vadd.f32 v42, v29  }
0x3a9: {  	v49 =	vld [tilespmem:s6+$0x5500];
	v30 =	vadd.f32 v31, v30;
	v31 =	vmul.f32 v43, v44  }
0x3aa: {  	s8 =	sor.u32 $0x460, s4;
	v50 =	vld [tilespmem:s6+$0xF500];
	v29 =	vadd.f32 v44, v29  }
0x3ab: {  	v51 =	vld [tilespmem:s8+$0x5500];
	v30 =	vadd.f32 v31, v30;
	v31 =	vmul.f32 v45, v46  }
0x3ac: {  	s9 =	sor.u32 $0x470, s4;
	v52 =	vld [tilespmem:s8+$0xF500];
	v29 =	vadd.f32 v46, v29  }
0x3ad: {  	v53 =	vld [tilespmem:s9+$0x5500];
	v30 =	vadd.f32 v31, v30;
	v31 =	vmul.f32 v47, v48  }
0x3ae: {  	v54 =	vld [tilespmem:s9+$0xF500];
	v29 =	vadd.f32 v48, v29  }
0x3af: {  	v30 =	vadd.f32 v31, v30;
	v31 =	vmul.f32 v49, v50  }
0x3b0: {  	v29 =	vadd.f32 v50, v29  }
0x3b1: {  	v30 =	vadd.f32 v31, v30;
	v31 =	vmul.f32 v51, v52  }
0x3b2: {  	v29 =	vadd.f32 v52, v29  }
0x3b3: {  	v30 =	vadd.f32 v31, v30;
	v31 =	vmul.f32 v53, v54  }
0x3b4: {  	v29 =	vadd.f32 v54, v29  }
0x3b5: {  	v30 =	vadd.f32 v31, v30  }
0x3b6: {  	(xrf2) =	vadd.scan.msk.f32 $0xffff, v29  }
0x3b7: {  	(xrf2) =	vadd.scan.msk.f32 $0xffff, v30;
	_ =	sdelay $0x8  }
0x3b8: {  	v29, _, _ =	vpop (xrf2)  }
0x3b9: {  	v30, _, _ =	vpop (xrf2)  }
0x3ba: {  	v30 =	vbroadcast v30, $0xF  }
0x3bb: {  	s11 =	simm.s32 $0x100;
	v29 =	vbroadcast v29, $0xF  }
0x3bc: {  	s3 =	sand.u32 $0x300, s11;
	[tilespmem:s29+$0xFFFFFF80] =	vst v30  }
0x3bd: {  	s3 =	sor.u32 s0, s3;
	[tilespmem:s30+$0xFFFFFF80] =	vst v29  }
0x3be: {  	v29 =	vld [tilespmem:s3+$0xF500]  }
0x3bf: {  	v30 =	vld [tilespmem:s3+$0x5500]  }
0x3c0: {  	v31 =	vld [tilespmem:s3+$0x5510]  }
0x3c1: {  	v55 =	vld [tilespmem:s3+$0xF510]  }
0x3c2: {  	v56 =	vld [tilespmem:s3+$0x5520]  }
0x3c3: {  	v57 =	vld [tilespmem:s3+$0xF520]  }
0x3c4: {  	v58 =	vld [tilespmem:s3+$0x5530]  }
0x3c5: {  	v59 =	vld [tilespmem:s3+$0xF530]  }
0x3c6: {  	v60 =	vld [tilespmem:s3+$0x5540];
	v30 =	vmul.f32 v30, v29;
	v31 =	vmul.f32 v31, v55  }
0x3c7: {  	v61 =	vld [tilespmem:s3+$0xF540];
	v29 =	vadd.f32 v55, v29  }
0x3c8: {  	v62 =	vld [tilespmem:s3+$0x5550];
	v30 =	vadd.f32 v31, v30;
	v31 =	vmul.f32 v56, v57  }
0x3c9: {  	s12 =	sand.u32 $0x3, s28;
	v63 =	vld [tilespmem:s3+$0xF550];
	v29 =	vadd.f32 v57, v29  }
0x3ca: {  	s4 =	sshll.u32 s12, $0x8;
	v40 =	vld [tilespmem:s3+$0x5560];
	v30 =	vadd.f32 v31, v30;
	v31 =	vmul.f32 v58, v59  }
0x3cb: {  	s4 =	sadd.s32 $0x0, s4;
	v41 =	vld [tilespmem:s3+$0xF560];
	v29 =	vadd.f32 v59, v29  }
0x3cc: {  	s4 =	sadd.s32 $0x100, s4;
	v42 =	vld [tilespmem:s3+$0x5570];
	v30 =	vadd.f32 v31, v30;
	v31 =	vmul.f32 v60, v61  }
0x3cd: {  	s6 =	sor.u32 $0x400, s4;
	v43 =	vld [tilespmem:s3+$0xF570];
	v29 =	vadd.f32 v61, v29  }
0x3ce: {  	v44 =	vld [tilespmem:s6+$0x5500];
	v30 =	vadd.f32 v31, v30;
	v31 =	vmul.f32 v62, v63  }
0x3cf: {  	s8 =	sor.u32 $0x410, s4;
	v45 =	vld [tilespmem:s6+$0xF500];
	v29 =	vadd.f32 v63, v29  }
0x3d0: {  	v46 =	vld [tilespmem:s8+$0x5500];
	v30 =	vadd.f32 v31, v30;
	v31 =	vmul.f32 v40, v41  }
0x3d1: {  	s9 =	sor.u32 $0x420, s4;
	v47 =	vld [tilespmem:s8+$0xF500];
	v29 =	vadd.f32 v41, v29  }
0x3d2: {  	v48 =	vld [tilespmem:s9+$0x5500];
	v30 =	vadd.f32 v31, v30;
	v31 =	vmul.f32 v42, v43  }
0x3d3: {  	s11 =	sor.u32 $0x430, s4;
	v49 =	vld [tilespmem:s9+$0xF500];
	v29 =	vadd.f32 v43, v29  }
0x3d4: {  	v50 =	vld [tilespmem:s11+$0x5500];
	v30 =	vadd.f32 v31, v30;
	v31 =	vmul.f32 v44, v45  }
0x3d5: {  	s12 =	sor.u32 $0x440, s4;
	v51 =	vld [tilespmem:s11+$0xF500];
	v29 =	vadd.f32 v45, v29  }
0x3d6: {  	v52 =	vld [tilespmem:s12+$0x5500];
	v30 =	vadd.f32 v31, v30;
	v31 =	vmul.f32 v46, v47  }
0x3d7: {  	v53 =	vld [tilespmem:s12+$0xF500];
	s6 =	sor.u32 $0x450, s4;
	v29 =	vadd.f32 v47, v29  }
0x3d8: {  	v54 =	vld [tilespmem:s6+$0x5500];
	v30 =	vadd.f32 v31, v30;
	v31 =	vmul.f32 v48, v49  }
0x3d9: {  	s8 =	sor.u32 $0x460, s4;
	v55 =	vld [tilespmem:s6+$0xF500];
	v29 =	vadd.f32 v49, v29  }
0x3da: {  	v56 =	vld [tilespmem:s8+$0x5500];
	v30 =	vadd.f32 v31, v30;
	v31 =	vmul.f32 v50, v51  }
0x3db: {  	s9 =	sor.u32 $0x470, s4;
	v57 =	vld [tilespmem:s8+$0xF500];
	v29 =	vadd.f32 v51, v29  }
0x3dc: {  	v58 =	vld [tilespmem:s9+$0x5500];
	v30 =	vadd.f32 v31, v30;
	v31 =	vmul.f32 v52, v53  }
0x3dd: {  	v59 =	vld [tilespmem:s9+$0xF500];
	v29 =	vadd.f32 v53, v29  }
0x3de: {  	v30 =	vadd.f32 v31, v30;
	v31 =	vmul.f32 v54, v55  }
0x3df: {  	v29 =	vadd.f32 v55, v29  }
0x3e0: {  	v30 =	vadd.f32 v31, v30;
	v31 =	vmul.f32 v56, v57  }
0x3e1: {  	v29 =	vadd.f32 v57, v29  }
0x3e2: {  	v30 =	vadd.f32 v31, v30;
	v31 =	vmul.f32 v58, v59  }
0x3e3: {  	v29 =	vadd.f32 v59, v29  }
0x3e4: {  	v30 =	vadd.f32 v31, v30  }
0x3e5: {  	(xrf2) =	vadd.scan.msk.f32 $0xffff, v29  }
0x3e6: {  	(xrf2) =	vadd.scan.msk.f32 $0xffff, v30;
	_ =	sdelay $0x8  }
0x3e7: {  	v29, _, _ =	vpop (xrf2)  }
0x3e8: {  	v30, _, _ =	vpop (xrf2)  }
0x3e9: {  	v30 =	vbroadcast v30, $0xF  }
0x3ea: {  	s31 =	simm.s32 $0x180;
	v29 =	vbroadcast v29, $0xF  }
0x3eb: {  	s11 =	sand.u32 $0x380, s31;
	[tilespmem:s29+$0x0] =	vst v30  }
0x3ec: {  	s0 =	sor.u32 s0, s11;
	[tilespmem:s30+$0x0] =	vst v29  }
0x3ed: {  	v29 =	vld [tilespmem:s0+$0x5510]  }
0x3ee: {  	v30 =	vld [tilespmem:s0+$0xF500]  }
0x3ef: {  	v31 =	vld [tilespmem:s0+$0x5500]  }
0x3f0: {  	v60 =	vld [tilespmem:s0+$0xF510]  }
0x3f1: {  	v61 =	vld [tilespmem:s0+$0xF520]  }
0x3f2: {  	v62 =	vld [tilespmem:s0+$0x5520]  }
0x3f3: {  	v63 =	vld [tilespmem:s0+$0xF530]  }
0x3f4: {  	v40 =	vld [tilespmem:s0+$0x5530]  }
0x3f5: {  	v41 =	vld [tilespmem:s0+$0xF540];
	v31 =	vmul.f32 v31, v30;
	v29 =	vmul.f32 v29, v60;
	v30 =	vadd.f32 v60, v30  }
0x3f6: {  	v42 =	vld [tilespmem:s0+$0x5540]  }
0x3f7: {  	v38 =	vld [tilespmem:s0+$0xF550];
	v34 =	vmul.f32 v62, v61;
	v29 =	vadd.f32 v29, v31;
	v30 =	vadd.f32 v61, v30  }
0x3f8: {  	v31 =	vld [tilespmem:s0+$0x5550]  }
0x3f9: {  	v44 =	vld [tilespmem:s0+$0xF560];
	v43 =	vmul.f32 v40, v63;
	v29 =	vadd.f32 v34, v29;
	v30 =	vadd.f32 v63, v30  }
0x3fa: {  	v45 =	vld [tilespmem:s0+$0x5560]  }
0x3fb: {  	s1 =	sadd.s32 $0x180, s1;
	v46 =	vld [tilespmem:s0+$0xF570];
	v32 =	vmul.f32 v42, v41;
	v29 =	vadd.f32 v43, v29;
	v30 =	vadd.f32 v41, v30  }
0x3fc: {  	s12 =	sor.u32 $0x400, s1;
	v47 =	vld [tilespmem:s0+$0x5570]  }
0x3fd: {  	v48 =	vld [tilespmem:s12+$0xF500];
	v31 =	vmul.f32 v31, v38;
	v29 =	vadd.f32 v32, v29;
	v30 =	vadd.f32 v38, v30  }
0x3fe: {  	s3 =	sor.u32 $0x410, s1;
	v49 =	vld [tilespmem:s12+$0x5500]  }
0x3ff: {  	v50 =	vld [tilespmem:s3+$0xF500];
	v34 =	vmul.f32 v45, v44;
	v29 =	vadd.f32 v31, v29;
	v30 =	vadd.f32 v44, v30  }
0x400: {  	s4 =	sor.u32 $0x420, s1;
	v31 =	vld [tilespmem:s3+$0x5500]  }
0x401: {  	v51 =	vld [tilespmem:s4+$0xF500];
	v33 =	vmul.f32 v47, v46;
	v29 =	vadd.f32 v34, v29;
	v30 =	vadd.f32 v46, v30  }
0x402: {  	s6 =	sor.u32 $0x430, s1;
	v52 =	vld [tilespmem:s4+$0x5500]  }
0x403: {  	v53 =	vld [tilespmem:s6+$0xF500];
	v32 =	vmul.f32 v49, v48;
	v29 =	vadd.f32 v33, v29;
	v30 =	vadd.f32 v48, v30  }
0x404: {  	s8 =	sor.u32 $0x440, s1;
	v54 =	vld [tilespmem:s6+$0x5500]  }
0x405: {  	v55 =	vld [tilespmem:s8+$0xF500];
	v31 =	vmul.f32 v31, v50;
	v29 =	vadd.f32 v32, v29;
	v30 =	vadd.f32 v50, v30  }
0x406: {  	s9 =	sor.u32 $0x450, s1;
	v56 =	vld [tilespmem:s8+$0x5500]  }
0x407: {  	v57 =	vld [tilespmem:s9+$0xF500];
	v34 =	vmul.f32 v52, v51;
	v29 =	vadd.f32 v31, v29;
	v30 =	vadd.f32 v51, v30  }
0x408: {  	s11 =	sor.u32 $0x460, s1;
	v31 =	vld [tilespmem:s9+$0x5500]  }
0x409: {  	v58 =	vld [tilespmem:s11+$0xF500];
	v33 =	vmul.f32 v54, v53;
	v29 =	vadd.f32 v34, v29;
	v30 =	vadd.f32 v53, v30  }
0x40a: {  	v59 =	vld [tilespmem:s11+$0x5500]  }
0x40b: {  	s12 =	sor.u32 $0x470, s1;
	v32 =	vmul.f32 v56, v55;
	v29 =	vadd.f32 v33, v29;
	v30 =	vadd.f32 v55, v30  }
0x40c: {  	v60 =	vld [tilespmem:s12+$0xF500]  }
0x40d: {  	v61 =	vld [tilespmem:s12+$0x5500];
	v31 =	vmul.f32 v31, v57;
	v29 =	vadd.f32 v32, v29;
	v30 =	vadd.f32 v57, v30;
	_ =	sdelay $0x1  }
0x40e: {  	v62 =	vmul.f32 v59, v58;
	v31 =	vadd.f32 v31, v29;
	v63 =	vadd.f32 v58, v30;
	_ =	sdelay $0x1  }
0x40f: {  	p0 =	por !p0, !p0;
	s4 =	simm.s32 $0x0;
	s8 =	simm.s32 $0x4;
	v30 =	vadd.f32 v62, v31;
	v31 =	vadd.f32 v60, v63  }
0x410: {  	s0 =	simm.s32 $0x17000;
	s3 =	simm.s32 $0x14800;
	s9 =	simm.s32 $0x2;
	v29 =	vmul.f32 v61, v60  }
.LBB2_7:
0x411: {  	s4 =	sadd.s32 $0x4, s4;
	s31 =	sadd.s32 $0x200, s31;
	s28 =	sadd.s32 $0x400, s28;
	(xrf2) =	vadd.scan.msk.f32 $0xffff, v31  }
0x412: {  	v29 =	vadd.f32 v29, v30;
	p1 =	slt.u32 s4, $0x4C;
	_ =	sdelay $0x1  }
0x413: {  	(xrf2) =	vadd.scan.msk.f32 $0xffff, v29;
	_ =	sdelay $0x6  }
0x414: {  	v29, _, _ =	vpop (xrf2);
	_ =	sdelay $0x2  }
0x415: {  	v30, _, _ =	vpop (xrf2)  }
0x416: {  	v30 =	vbroadcast v30, $0xF  }
0x417: {  	s6 =	sadd.s32 $0xFFFFFE80, s31;
	v29 =	vbroadcast v29, $0xF  }
0x418: {  	s1 =	sand.u32 $0x7800, s28;
	s6 =	sand.u32 $0x200, s6;
	[tilespmem:s29+$0x80] =	vst v30;
	s29 =	smov.u32 s3  }
0x419: {  	s6 =	sor.u32 s6, s1;
	[tilespmem:s30+$0x80] =	vst v29;
	s30 =	smov.u32 s0  }
0x41a: {  	v29 =	vld [tilespmem:s6+$0x5510]  }
0x41b: {  	v30 =	vld [tilespmem:s6+$0xF500]  }
0x41c: {  	v31 =	vld [tilespmem:s6+$0xF510]  }
0x41d: {  	v32 =	vld [tilespmem:s6+$0x5500]  }
0x41e: {  	v33 =	vld [tilespmem:s6+$0xF520]  }
0x41f: {  	v34 =	vld [tilespmem:s6+$0x5520]  }
0x420: {  	v35 =	vld [tilespmem:s6+$0xF530]  }
0x421: {  	v29 =	vmul.f32 v29, v31;
	v31 =	vadd.f32 v31, v30;
	v36 =	vld [tilespmem:s6+$0x5530]  }
0x422: {  	v30 =	vmul.f32 v32, v30;
	v32 =	vld [tilespmem:s6+$0xF540]  }
0x423: {  	v31 =	vadd.f32 v33, v31;
	v37 =	vld [tilespmem:s6+$0x5540]  }
0x424: {  	v29 =	vadd.f32 v29, v30;
	v30 =	vmul.f32 v34, v33;
	v33 =	vld [tilespmem:s6+$0xF550]  }
0x425: {  	s11 =	simm.s32 $0x1;
	v31 =	vadd.f32 v35, v31;
	v34 =	vld [tilespmem:s6+$0x5550]  }
0x426: {  	s11 =	simm.s32 @!p0 $0x0;
	v29 =	vadd.f32 v30, v29;
	v30 =	vmul.f32 v36, v35;
	v35 =	vld [tilespmem:s6+$0xF560]  }
0x427: {  	s11 =	sshll.u32 s11, $0x9;
	v31 =	vadd.f32 v32, v31;
	v36 =	vld [tilespmem:s6+$0x5560]  }
0x428: {  	s11 =	sadd.s32 s11, s28;
	v29 =	vadd.f32 v30, v29;
	v30 =	vmul.f32 v37, v32;
	v32 =	vld [tilespmem:s6+$0xF570]  }
0x429: {  	v31 =	vadd.f32 v33, v31;
	v37 =	vld [tilespmem:s6+$0x5570];
	s6 =	sor.u32 $0x400, s11  }
0x42a: {  	v29 =	vadd.f32 v30, v29;
	v30 =	vmul.f32 v34, v33;
	v33 =	vld [tilespmem:s6+$0xF500]  }
0x42b: {  	v31 =	vadd.f32 v35, v31;
	v34 =	vld [tilespmem:s6+$0x5500];
	s6 =	sor.u32 $0x410, s11  }
0x42c: {  	v29 =	vadd.f32 v30, v29;
	v30 =	vmul.f32 v36, v35;
	v35 =	vld [tilespmem:s6+$0xF500]  }
0x42d: {  	v31 =	vadd.f32 v32, v31;
	v36 =	vld [tilespmem:s6+$0x5500];
	s6 =	sor.u32 $0x420, s11  }
0x42e: {  	v29 =	vadd.f32 v30, v29;
	v30 =	vmul.f32 v37, v32;
	v32 =	vld [tilespmem:s6+$0xF500]  }
0x42f: {  	v31 =	vadd.f32 v33, v31;
	v37 =	vld [tilespmem:s6+$0x5500];
	s6 =	sor.u32 $0x430, s11  }
0x430: {  	v29 =	vadd.f32 v30, v29;
	v30 =	vmul.f32 v34, v33;
	v33 =	vld [tilespmem:s6+$0xF500]  }
0x431: {  	v31 =	vadd.f32 v35, v31;
	v34 =	vld [tilespmem:s6+$0x5500];
	s6 =	sor.u32 $0x440, s11  }
0x432: {  	v29 =	vadd.f32 v30, v29;
	v30 =	vmul.f32 v36, v35;
	v35 =	vld [tilespmem:s6+$0xF500]  }
0x433: {  	v31 =	vadd.f32 v32, v31;
	v36 =	vld [tilespmem:s6+$0x5500];
	s6 =	sor.u32 $0x450, s11  }
0x434: {  	v29 =	vadd.f32 v30, v29;
	v30 =	vmul.f32 v37, v32;
	v32 =	vld [tilespmem:s6+$0xF500]  }
0x435: {  	v31 =	vadd.f32 v33, v31;
	v37 =	vld [tilespmem:s6+$0x5500];
	s6 =	sor.u32 $0x460, s11  }
0x436: {  	v29 =	vadd.f32 v30, v29;
	v30 =	vmul.f32 v34, v33;
	v33 =	vld [tilespmem:s6+$0xF500]  }
0x437: {  	v31 =	vadd.f32 v35, v31;
	v34 =	vld [tilespmem:s6+$0x5500];
	s6 =	sor.u32 $0x470, s11  }
0x438: {  	v29 =	vadd.f32 v30, v29;
	v30 =	vmul.f32 v36, v35;
	v35 =	vld [tilespmem:s6+$0xF500]  }
0x439: {  	v31 =	vadd.f32 v32, v31;
	v36 =	vld [tilespmem:s6+$0x5500]  }
0x43a: {  	v29 =	vadd.f32 v30, v29;
	v30 =	vmul.f32 v37, v32  }
0x43b: {  	v31 =	vadd.f32 v33, v31  }
0x43c: {  	v29 =	vadd.f32 v30, v29;
	v30 =	vmul.f32 v34, v33  }
0x43d: {  	v31 =	vadd.f32 v35, v31  }
0x43e: {  	v29 =	vadd.f32 v30, v29;
	v30 =	vmul.f32 v36, v35  }
0x43f: {  	(xrf2) =	vadd.scan.msk.f32 $0xffff, v31  }
0x440: {  	v29 =	vadd.f32 v30, v29;
	_ =	sdelay $0x1  }
0x441: {  	(xrf2) =	vadd.scan.msk.f32 $0xffff, v29;
	_ =	sdelay $0x6  }
0x442: {  	v29, _, _ =	vpop (xrf2);
	_ =	sdelay $0x2  }
0x443: {  	v30, _, _ =	vpop (xrf2)  }
0x444: {  	v30 =	vbroadcast v30, $0xF  }
0x445: {  	s6 =	sadd.s32 $0xFFFFFF00, s31;
	v29 =	vbroadcast v29, $0xF  }
0x446: {  	s6 =	sand.u32 $0x280, s6;
	[tilespmem:s3+$0xFFFFFF00] =	vst v30  }
0x447: {  	s11 =	sor.u32 s1, s6;
	[tilespmem:s0+$0xFFFFFF00] =	vst v29  }
0x448: {  	v29 =	vld [tilespmem:s11+$0xF500]  }
0x449: {  	v30 =	vld [tilespmem:s11+$0x5500]  }
0x44a: {  	v31 =	vld [tilespmem:s11+$0x5510]  }
0x44b: {  	v32 =	vld [tilespmem:s11+$0xF510]  }
0x44c: {  	v33 =	vld [tilespmem:s11+$0xF520]  }
0x44d: {  	v34 =	vld [tilespmem:s11+$0x5520]  }
0x44e: {  	v30 =	vmul.f32 v30, v29;
	v35 =	vld [tilespmem:s11+$0x5530]  }
0x44f: {  	v36 =	vld [tilespmem:s11+$0xF530]  }
0x450: {  	v31 =	vmul.f32 v31, v32;
	v29 =	vadd.f32 v32, v29;
	v32 =	vld [tilespmem:s11+$0x5540]  }
0x451: {  	v37 =	vld [tilespmem:s11+$0xF540]  }
0x452: {  	v30 =	vadd.f32 v31, v30;
	v31 =	vmul.f32 v34, v33;
	v29 =	vadd.f32 v33, v29;
	v33 =	vld [tilespmem:s11+$0x5550]  }
0x453: {  	s6 =	sand.u32 $0x7, s8;
	v34 =	vld [tilespmem:s11+$0xF550]  }
0x454: {  	s6 =	sshll.u32 s6, $0x7;
	v30 =	vadd.f32 v31, v30;
	v31 =	vmul.f32 v35, v36;
	v29 =	vadd.f32 v36, v29;
	v35 =	vld [tilespmem:s11+$0x5560]  }
0x455: {  	s6 =	sadd.s32 s6, s28;
	v36 =	vld [tilespmem:s11+$0xF560]  }
0x456: {  	s12 =	sadd.s32 $0x80, s6;
	s6 =	sadd.s32 $0x180, s6;
	v30 =	vadd.f32 v31, v30;
	v31 =	vmul.f32 v32, v37;
	v29 =	vadd.f32 v37, v29;
	v32 =	vld [tilespmem:s11+$0x5570]  }
0x457: {  	v37 =	vld [tilespmem:s11+$0xF570];
	s11 =	sor.u32 $0x400, s12  }
0x458: {  	v30 =	vadd.f32 v31, v30;
	v31 =	vmul.f32 v33, v34;
	v29 =	vadd.f32 v34, v29;
	v33 =	vld [tilespmem:s11+$0x5500]  }
0x459: {  	v34 =	vld [tilespmem:s11+$0xF500];
	s11 =	sor.u32 $0x410, s12  }
0x45a: {  	v30 =	vadd.f32 v31, v30;
	v31 =	vmul.f32 v35, v36;
	v29 =	vadd.f32 v36, v29;
	v35 =	vld [tilespmem:s11+$0x5500]  }
0x45b: {  	v36 =	vld [tilespmem:s11+$0xF500];
	s11 =	sor.u32 $0x420, s12  }
0x45c: {  	v30 =	vadd.f32 v31, v30;
	v31 =	vmul.f32 v32, v37;
	v29 =	vadd.f32 v37, v29;
	v32 =	vld [tilespmem:s11+$0x5500]  }
0x45d: {  	v37 =	vld [tilespmem:s11+$0xF500];
	s11 =	sor.u32 $0x430, s12  }
0x45e: {  	v30 =	vadd.f32 v31, v30;
	v31 =	vmul.f32 v33, v34;
	v29 =	vadd.f32 v34, v29;
	v33 =	vld [tilespmem:s11+$0x5500]  }
0x45f: {  	v34 =	vld [tilespmem:s11+$0xF500];
	s11 =	sor.u32 $0x440, s12  }
0x460: {  	v30 =	vadd.f32 v31, v30;
	v31 =	vmul.f32 v35, v36;
	v29 =	vadd.f32 v36, v29;
	v35 =	vld [tilespmem:s11+$0x5500]  }
0x461: {  	v36 =	vld [tilespmem:s11+$0xF500];
	s11 =	sor.u32 $0x450, s12  }
0x462: {  	v30 =	vadd.f32 v31, v30;
	v31 =	vmul.f32 v32, v37;
	v29 =	vadd.f32 v37, v29;
	v32 =	vld [tilespmem:s11+$0x5500]  }
0x463: {  	v37 =	vld [tilespmem:s11+$0xF500];
	s11 =	sor.u32 $0x460, s12  }
0x464: {  	v30 =	vadd.f32 v31, v30;
	v31 =	vmul.f32 v33, v34;
	v29 =	vadd.f32 v34, v29;
	v33 =	vld [tilespmem:s11+$0x5500]  }
0x465: {  	v34 =	vld [tilespmem:s11+$0xF500];
	s11 =	sor.u32 $0x470, s12  }
0x466: {  	v30 =	vadd.f32 v31, v30;
	v31 =	vmul.f32 v35, v36;
	v29 =	vadd.f32 v36, v29;
	v35 =	vld [tilespmem:s11+$0x5500]  }
0x467: {  	v36 =	vld [tilespmem:s11+$0xF500]  }
0x468: {  	v30 =	vadd.f32 v31, v30;
	v31 =	vmul.f32 v32, v37;
	v29 =	vadd.f32 v37, v29;
	_ =	sdelay $0x1  }
0x469: {  	v30 =	vadd.f32 v31, v30;
	v31 =	vmul.f32 v33, v34;
	v29 =	vadd.f32 v34, v29;
	_ =	sdelay $0x1  }
0x46a: {  	v30 =	vadd.f32 v31, v30;
	v31 =	vmul.f32 v35, v36;
	v29 =	vadd.f32 v36, v29;
	_ =	sdelay $0x1  }
0x46b: {  	v30 =	vadd.f32 v31, v30;
	(xrf2) =	vadd.scan.msk.f32 $0xffff, v29;
	_ =	sdelay $0x2  }
0x46c: {  	(xrf2) =	vadd.scan.msk.f32 $0xffff, v30;
	_ =	sdelay $0x6  }
0x46d: {  	v29, _, _ =	vpop (xrf2);
	_ =	sdelay $0x2  }
0x46e: {  	v30, _, _ =	vpop (xrf2)  }
0x46f: {  	v30 =	vbroadcast v30, $0xF  }
0x470: {  	s11 =	sadd.s32 $0xFFFFFF80, s31;
	v29 =	vbroadcast v29, $0xF  }
0x471: {  	s11 =	sand.u32 $0x300, s11;
	[tilespmem:s3+$0xFFFFFF80] =	vst v30  }
0x472: {  	s11 =	sor.u32 s1, s11;
	[tilespmem:s0+$0xFFFFFF80] =	vst v29  }
0x473: {  	v29 =	vld [tilespmem:s11+$0xF500]  }
0x474: {  	v30 =	vld [tilespmem:s11+$0x5500]  }
0x475: {  	v31 =	vld [tilespmem:s11+$0x5510]  }
0x476: {  	v32 =	vld [tilespmem:s11+$0xF510]  }
0x477: {  	v33 =	vld [tilespmem:s11+$0x5520]  }
0x478: {  	v34 =	vld [tilespmem:s11+$0xF520]  }
0x479: {  	v30 =	vmul.f32 v30, v29;
	v35 =	vld [tilespmem:s11+$0x5530]  }
0x47a: {  	v36 =	vld [tilespmem:s11+$0xF530]  }
0x47b: {  	v31 =	vmul.f32 v31, v32;
	v29 =	vadd.f32 v32, v29;
	v32 =	vld [tilespmem:s11+$0x5540]  }
0x47c: {  	v37 =	vld [tilespmem:s11+$0xF540]  }
0x47d: {  	v30 =	vadd.f32 v31, v30;
	v31 =	vmul.f32 v33, v34;
	v29 =	vadd.f32 v34, v29;
	v33 =	vld [tilespmem:s11+$0x5550]  }
0x47e: {  	s12 =	sand.u32 $0x3, s9;
	v34 =	vld [tilespmem:s11+$0xF550]  }
0x47f: {  	s12 =	sshll.u32 s12, $0x8;
	v30 =	vadd.f32 v31, v30;
	v31 =	vmul.f32 v35, v36;
	v29 =	vadd.f32 v36, v29;
	v35 =	vld [tilespmem:s11+$0x5560]  }
0x480: {  	s12 =	sadd.s32 s28, s12;
	v36 =	vld [tilespmem:s11+$0xF560]  }
0x481: {  	s12 =	sadd.s32 $0x100, s12;
	v30 =	vadd.f32 v31, v30;
	v31 =	vmul.f32 v32, v37;
	v29 =	vadd.f32 v37, v29;
	v32 =	vld [tilespmem:s11+$0x5570]  }
0x482: {  	v37 =	vld [tilespmem:s11+$0xF570];
	s11 =	sor.u32 $0x400, s12  }
0x483: {  	v30 =	vadd.f32 v31, v30;
	v31 =	vmul.f32 v33, v34;
	v29 =	vadd.f32 v34, v29;
	v33 =	vld [tilespmem:s11+$0x5500]  }
0x484: {  	v34 =	vld [tilespmem:s11+$0xF500];
	s11 =	sor.u32 $0x410, s12  }
0x485: {  	v30 =	vadd.f32 v31, v30;
	v31 =	vmul.f32 v35, v36;
	v29 =	vadd.f32 v36, v29;
	v35 =	vld [tilespmem:s11+$0x5500]  }
0x486: {  	v36 =	vld [tilespmem:s11+$0xF500];
	s11 =	sor.u32 $0x420, s12  }
0x487: {  	v30 =	vadd.f32 v31, v30;
	v31 =	vmul.f32 v32, v37;
	v29 =	vadd.f32 v37, v29;
	v32 =	vld [tilespmem:s11+$0x5500]  }
0x488: {  	v37 =	vld [tilespmem:s11+$0xF500];
	s11 =	sor.u32 $0x430, s12  }
0x489: {  	v30 =	vadd.f32 v31, v30;
	v31 =	vmul.f32 v33, v34;
	v29 =	vadd.f32 v34, v29;
	v33 =	vld [tilespmem:s11+$0x5500]  }
0x48a: {  	v34 =	vld [tilespmem:s11+$0xF500];
	s11 =	sor.u32 $0x440, s12  }
0x48b: {  	v30 =	vadd.f32 v31, v30;
	v31 =	vmul.f32 v35, v36;
	v29 =	vadd.f32 v36, v29;
	v35 =	vld [tilespmem:s11+$0x5500]  }
0x48c: {  	v36 =	vld [tilespmem:s11+$0xF500];
	s11 =	sor.u32 $0x450, s12  }
0x48d: {  	v30 =	vadd.f32 v31, v30;
	v31 =	vmul.f32 v32, v37;
	v29 =	vadd.f32 v37, v29;
	v32 =	vld [tilespmem:s11+$0x5500]  }
0x48e: {  	v37 =	vld [tilespmem:s11+$0xF500];
	s11 =	sor.u32 $0x460, s12  }
0x48f: {  	v30 =	vadd.f32 v31, v30;
	v31 =	vmul.f32 v33, v34;
	v29 =	vadd.f32 v34, v29;
	v33 =	vld [tilespmem:s11+$0x5500]  }
0x490: {  	v34 =	vld [tilespmem:s11+$0xF500];
	s11 =	sor.u32 $0x470, s12  }
0x491: {  	v30 =	vadd.f32 v31, v30;
	v31 =	vmul.f32 v35, v36;
	v29 =	vadd.f32 v36, v29;
	v35 =	vld [tilespmem:s11+$0x5500]  }
0x492: {  	v36 =	vld [tilespmem:s11+$0xF500]  }
0x493: {  	v30 =	vadd.f32 v31, v30;
	v31 =	vmul.f32 v32, v37;
	v29 =	vadd.f32 v37, v29;
	_ =	sdelay $0x1  }
0x494: {  	v30 =	vadd.f32 v31, v30;
	v31 =	vmul.f32 v33, v34;
	v29 =	vadd.f32 v34, v29;
	_ =	sdelay $0x1  }
0x495: {  	v30 =	vadd.f32 v31, v30;
	v31 =	vmul.f32 v35, v36;
	v29 =	vadd.f32 v36, v29;
	_ =	sdelay $0x1  }
0x496: {  	v30 =	vadd.f32 v31, v30;
	(xrf2) =	vadd.scan.msk.f32 $0xffff, v29;
	_ =	sdelay $0x2  }
0x497: {  	(xrf2) =	vadd.scan.msk.f32 $0xffff, v30;
	_ =	sdelay $0x6  }
0x498: {  	v29, _, _ =	vpop (xrf2);
	_ =	sdelay $0x2  }
0x499: {  	v30, _, _ =	vpop (xrf2)  }
0x49a: {  	v30 =	vbroadcast v30, $0xF  }
0x49b: {  	v29 =	vbroadcast v29, $0xF  }
0x49c: {  	s11 =	sand.u32 $0x380, s31;
	[tilespmem:s3+$0x0] =	vst v30  }
0x49d: {  	s1 =	sor.u32 s1, s11;
	[tilespmem:s0+$0x0] =	vst v29  }
0x49e: {  	v29 =	vld [tilespmem:s1+$0xF520]  }
0x49f: {  	v30 =	vld [tilespmem:s1+$0x5510]  }
0x4a0: {  	v31 =	vld [tilespmem:s1+$0xF500]  }
0x4a1: {  	v32 =	vld [tilespmem:s1+$0x5500]  }
0x4a2: {  	v33 =	vld [tilespmem:s1+$0x5520]  }
0x4a3: {  	v34 =	vld [tilespmem:s1+$0xF510]  }
0x4a4: {  	v35 =	vld [tilespmem:s1+$0xF530]  }
0x4a5: {  	v36 =	vld [tilespmem:s1+$0x5530]  }
0x4a6: {  	v32 =	vmul.f32 v32, v31;
	v37 =	vld [tilespmem:s1+$0xF540]  }
0x4a7: {  	v33 =	vmul.f32 v33, v29;
	v38 =	vld [tilespmem:s1+$0x5540]  }
0x4a8: {  	v30 =	vmul.f32 v30, v34;
	v31 =	vadd.f32 v34, v31;
	v34 =	vld [tilespmem:s1+$0xF550]  }
0x4a9: {  	v39 =	vld [tilespmem:s1+$0x5550]  }
0x4aa: {  	v30 =	vadd.f32 v30, v32;
	v29 =	vadd.f32 v29, v31;
	v31 =	vmul.f32 v36, v35;
	v32 =	vld [tilespmem:s1+$0xF560]  }
0x4ab: {  	v36 =	vld [tilespmem:s1+$0x5560]  }
0x4ac: {  	v30 =	vadd.f32 v33, v30;
	v29 =	vadd.f32 v35, v29;
	v33 =	vmul.f32 v38, v37;
	v35 =	vld [tilespmem:s1+$0xF570]  }
0x4ad: {  	v38 =	vld [tilespmem:s1+$0x5570];
	s1 =	sor.u32 $0x400, s6  }
0x4ae: {  	v30 =	vadd.f32 v31, v30;
	v29 =	vadd.f32 v37, v29;
	v31 =	vmul.f32 v39, v34;
	v37 =	vld [tilespmem:s1+$0xF500]  }
0x4af: {  	v39 =	vld [tilespmem:s1+$0x5500];
	s1 =	sor.u32 $0x410, s6  }
0x4b0: {  	v30 =	vadd.f32 v33, v30;
	v29 =	vadd.f32 v34, v29;
	v33 =	vmul.f32 v36, v32;
	v34 =	vld [tilespmem:s1+$0xF500]  }
0x4b1: {  	v36 =	vld [tilespmem:s1+$0x5500];
	s1 =	sor.u32 $0x420, s6  }
0x4b2: {  	v30 =	vadd.f32 v31, v30;
	v29 =	vadd.f32 v32, v29;
	v31 =	vld [tilespmem:s1+$0xF500]  }
0x4b3: {  	v32 =	vld [tilespmem:s1+$0x5500];
	s1 =	sor.u32 $0x430, s6  }
0x4b4: {  	v30 =	vadd.f32 v33, v30;
	v33 =	vmul.f32 v38, v35;
	v29 =	vadd.f32 v35, v29;
	v35 =	vld [tilespmem:s1+$0xF500]  }
0x4b5: {  	v38 =	vmul.f32 v39, v37;
	v39 =	vld [tilespmem:s1+$0x5500];
	s1 =	sor.u32 $0x440, s6  }
0x4b6: {  	v30 =	vadd.f32 v33, v30;
	v29 =	vadd.f32 v37, v29;
	v33 =	vmul.f32 v36, v34;
	v36 =	vld [tilespmem:s1+$0xF500]  }
0x4b7: {  	v37 =	vld [tilespmem:s1+$0x5500];
	s1 =	sor.u32 $0x450, s6  }
0x4b8: {  	v30 =	vadd.f32 v38, v30;
	v29 =	vadd.f32 v34, v29;
	v32 =	vmul.f32 v32, v31;
	v34 =	vld [tilespmem:s1+$0xF500]  }
0x4b9: {  	v38 =	vld [tilespmem:s1+$0x5500];
	s1 =	sor.u32 $0x460, s6  }
0x4ba: {  	v30 =	vadd.f32 v33, v30;
	v29 =	vadd.f32 v31, v29;
	v31 =	vmul.f32 v39, v35;
	v33 =	vld [tilespmem:s1+$0xF500]  }
0x4bb: {  	v39 =	vld [tilespmem:s1+$0x5500];
	s1 =	sor.u32 $0x470, s6  }
0x4bc: {  	v30 =	vadd.f32 v32, v30;
	v29 =	vadd.f32 v35, v29;
	v32 =	vld [tilespmem:s1+$0xF500]  }
0x4bd: {  	v35 =	vld [tilespmem:s1+$0x5500]  }
0x4be: {  	v30 =	vadd.f32 v31, v30;
	v31 =	vmul.f32 v37, v36;
	v29 =	vadd.f32 v36, v29  }
0x4bf: {  	v36 =	vmul.f32 v38, v34  }
0x4c0: {  	v30 =	vadd.f32 v31, v30;
	v29 =	vadd.f32 v34, v29;
	v31 =	vmul.f32 v39, v33  }
.Ltmp2:
0x4c1: {  	(pc) =	sbr.rel @p1 .LBB2_7-.Ltmp2, $3  }
0x4c2: {  	v30 =	vadd.f32 v36, v30;
	v33 =	vadd.f32 v33, v29;
	v29 =	vmul.f32 v35, v32;
	_ =	sdelay $0x1  }
0x4c3: {  	s3 =	sadd.s32 $0x200, s3;
	s0 =	sadd.s32 $0x200, s0;
	v30 =	vadd.f32 v31, v30;
	v31 =	vadd.f32 v32, v33  }
0x4c4: {  	p0 =	por !p0, !p0;
	s8 =	sadd.s32 $0x4, s8;
	s9 =	sadd.s32 $0x2, s9  }
0x4c5: {  	v29 =	vadd.f32 v29, v30  }
0x4c6: {  	(xrf2) =	vadd.scan.msk.f32 $0xffff, v31  }
0x4c7: {  	(xrf2) =	vadd.scan.msk.f32 $0xffff, v29;
	_ =	sdelay $0x8  }
0x4c8: {  	v48, _, _ =	vpop (xrf2)  }
0x4c9: {  	v23 =	vadd.s32 v0, v23;
	v49, _, _ =	vpop (xrf2)  }
0x4ca: {  	v30 =	vbroadcast v49, $0xF  }
0x4cb: {  	v29 =	vbroadcast v48, $0xF  }
0x4cc: {  	[tilespmem:s29+$0x80] =	vst v30  }
0x4cd: {  	[tilespmem:s30+$0x80] =	vst v29  }
0x4ce: {  	v23 =	vld.idx.msk [tilespmem:v23+s14+$0x0], $0xffff;
	_ =	sdelay $0x4  }
0x4cf: {  	(erf) = vrcp.f32 v23;
	_ =	sdelay $0x8  }
0x4d0: {  	v23 =	vpop (erf)  }
0x4d1: {  	v23 =	vmul.f32 $-1.053605150e-01, v23;
	_ =	sdelay $0x1  }
0x4d2: {  	v29 =	vld [tilespmem:s19+$0x50];
	v23 =	vmul.f32 $1.442695020e+00, v23;
	_ =	sdelay $0x1  }
0x4d3: {  	(erf) = vpow2.f32 v23;
	_ =	sdelay $0x2  }
0x4d4: {  	v50 =	vshll.u32 v29, $0x3  }
0x4d5: {  	v51 =	vand.u32 $0x7F, v29;
	v23 =	vand.u32 $0xFFFFFC00, v50  }
0x4d6: {  	v23 =	vor.u32 v51, v23  }
0x4d7: {  	v23 =	vadd.s32 v13, v23;
	_ =	sdelay $0x2  }
0x4d8: {  	v52 =	vld.idx.msk [tilespmem:v24+s13+$0x0], $0xffff;
	v53 =	vpop (erf)  }
0x4d9: {  	vm1 =	vne.s32 v29, $0x0;
	v31 =	vsub.f32 $1.000000000e+00, v53  }
0x4da: {  	v32 =	vsel vm1, $0x3F800000, v14;
	v54 =	vld.idx.msk [tilespmem:v23+s26+$0x0], $0xffff  }
0x4db: {  	v31 =	vmul.f32 v32, v31;
	_ =	sdelay $0x1  }
0x4dc: {  	v30 =	vmul.f32 v31, v52;
	_ =	sdelay $0x1  }
0x4dd: {  	v29 =	vmul.f32 v31, v54;
	v33 =	vsub.f32 v32, v30;
	_ =	sdelay $0x1  }
0x4de: {  	v29 =	vsub.f32 v33, v29;
	_ =	sdelay $0x1  }
0x4df: {  	v30 =	vadd.f32 v29, v30  }
0x4e0: {  	v55 =	vld.idx.msk [tilespmem:v24+s7+$0x0], $0xffff  }
0x4e1: {  	v23 =	vld.idx.msk [tilespmem:v23+s10+$0x0], $0xffff;
	[tilespmem:s24+$0x19500] =	vst v30  }
0x4e2: {  	v30 =	vld [tilespmem:$0x19880]  }
0x4e3: {  	v56 =	vld [tilespmem:$0x19900];
	_ =	sdelay $0x1  }
0x4e4: {  	v24 =	vmul.f32 v31, v55  }
0x4e5: {  	v57 =	vsub.f32 $1.000000000e+00, v32  }
0x4e6: {  	v22 =	vadd.s32 v0, v22;
	v23 =	vmul.f32 v29, v23;
	v24 =	vadd.f32 v24, v30  }
0x4e7: {  	v58 =	vadd.f32 v56, v57  }
0x4e8: {  	v23 =	vadd.f32 v23, v24  }
0x4e9: {  	[tilespmem:$0x19900] =	vst v58  }
0x4ea: {  	[tilespmem:$0x19880] =	vst v23  }
0x4eb: {  	v22 =	vld.idx.msk [tilespmem:v22+s14+$0x0], $0xffff;
	_ =	sdelay $0x4  }
0x4ec: {  	(erf) = vrcp.f32 v22;
	_ =	sdelay $0x8  }
0x4ed: {  	v22 =	vpop (erf)  }
0x4ee: {  	v22 =	vmul.f32 $-1.053605150e-01, v22;
	_ =	sdelay $0x1  }
0x4ef: {  	v23 =	vld [tilespmem:s19+$0x60];
	v22 =	vmul.f32 $1.442695020e+00, v22;
	_ =	sdelay $0x1  }
0x4f0: {  	(erf) = vpow2.f32 v22;
	_ =	sdelay $0x2  }
0x4f1: {  	v59 =	vshll.u32 v23, $0x3  }
0x4f2: {  	v60 =	vand.u32 $0x7F, v23;
	v22 =	vand.u32 $0xFFFFFC00, v59  }
0x4f3: {  	v22 =	vor.u32 v60, v22  }
0x4f4: {  	v22 =	vadd.s32 v15, v22;
	_ =	sdelay $0x2  }
0x4f5: {  	v61 =	vld.idx.msk [tilespmem:v25+s13+$0x0], $0xffff;
	v62 =	vpop (erf)  }
0x4f6: {  	vm1 =	vne.s32 v23, $0x0;
	v29 =	vsub.f32 $1.000000000e+00, v62  }
0x4f7: {  	v33 =	vsel vm1, $0x3F800000, v14;
	v63 =	vld.idx.msk [tilespmem:v22+s26+$0x0], $0xffff  }
0x4f8: {  	v29 =	vmul.f32 v33, v29;
	_ =	sdelay $0x1  }
0x4f9: {  	v24 =	vmul.f32 v29, v61;
	_ =	sdelay $0x1  }
0x4fa: {  	v23 =	vmul.f32 v29, v63;
	v34 =	vsub.f32 v33, v24;
	_ =	sdelay $0x1  }
0x4fb: {  	v23 =	vsub.f32 v34, v23;
	_ =	sdelay $0x1  }
0x4fc: {  	v24 =	vadd.f32 v23, v24  }
0x4fd: {  	v35 =	vld.idx.msk [tilespmem:v25+s7+$0x0], $0xffff  }
0x4fe: {  	v22 =	vld.idx.msk [tilespmem:v22+s10+$0x0], $0xffff;
	[tilespmem:s23+$0x19500] =	vst v24  }
0x4ff: {  	v24 =	vld [tilespmem:$0x19880]  }
0x500: {  	v36 =	vld [tilespmem:$0x19900];
	_ =	sdelay $0x1  }
0x501: {  	v25 =	vmul.f32 v29, v35  }
0x502: {  	v37 =	vsub.f32 $1.000000000e+00, v33  }
0x503: {  	v21 =	vadd.s32 v0, v21;
	v22 =	vmul.f32 v23, v22;
	v24 =	vadd.f32 v25, v24  }
0x504: {  	v23 =	vadd.f32 v36, v37  }
0x505: {  	v22 =	vadd.f32 v22, v24  }
0x506: {  	[tilespmem:$0x19900] =	vst v23  }
0x507: {  	[tilespmem:$0x19880] =	vst v22  }
0x508: {  	v21 =	vld.idx.msk [tilespmem:v21+s14+$0x0], $0xffff;
	_ =	sdelay $0x4  }
0x509: {  	(erf) = vrcp.f32 v21;
	_ =	sdelay $0x8  }
0x50a: {  	v21 =	vpop (erf)  }
0x50b: {  	v21 =	vmul.f32 $-1.053605150e-01, v21;
	_ =	sdelay $0x1  }
0x50c: {  	v22 =	vld [tilespmem:s19+$0x70];
	v21 =	vmul.f32 $1.442695020e+00, v21;
	_ =	sdelay $0x1  }
0x50d: {  	(erf) = vpow2.f32 v21;
	_ =	sdelay $0x2  }
0x50e: {  	v38 =	vshll.u32 v22, $0x3  }
0x50f: {  	v39 =	vand.u32 $0x7F, v22;
	v21 =	vand.u32 $0xFFFFFC00, v38  }
0x510: {  	v21 =	vor.u32 v39, v21  }
0x511: {  	v21 =	vadd.s32 v16, v21;
	_ =	sdelay $0x2  }
0x512: {  	v40 =	vld.idx.msk [tilespmem:v26+s13+$0x0], $0xffff;
	v41 =	vpop (erf)  }
0x513: {  	vm1 =	vne.s32 v22, $0x0;
	v24 =	vsub.f32 $1.000000000e+00, v41  }
0x514: {  	v43 =	vsel vm1, $0x3F800000, v14;
	v42 =	vld.idx.msk [tilespmem:v21+s26+$0x0], $0xffff  }
0x515: {  	v24 =	vmul.f32 v43, v24;
	_ =	sdelay $0x1  }
0x516: {  	v23 =	vmul.f32 v24, v40;
	_ =	sdelay $0x1  }
0x517: {  	v22 =	vmul.f32 v24, v42;
	v44 =	vsub.f32 v43, v23;
	_ =	sdelay $0x1  }
0x518: {  	v22 =	vsub.f32 v44, v22;
	_ =	sdelay $0x1  }
0x519: {  	v23 =	vadd.f32 v22, v23  }
0x51a: {  	v45 =	vld.idx.msk [tilespmem:v26+s7+$0x0], $0xffff  }
0x51b: {  	v21 =	vld.idx.msk [tilespmem:v21+s10+$0x0], $0xffff;
	[tilespmem:s22+$0x19500] =	vst v23  }
0x51c: {  	v23 =	vld [tilespmem:$0x19880]  }
0x51d: {  	v46 =	vld [tilespmem:$0x19900];
	_ =	sdelay $0x1  }
0x51e: {  	v24 =	vmul.f32 v24, v45  }
0x51f: {  	v47 =	vsub.f32 $1.000000000e+00, v43  }
0x520: {  	v20 =	vadd.s32 v0, v20;
	v21 =	vmul.f32 v22, v21;
	v23 =	vadd.f32 v24, v23  }
0x521: {  	v22 =	vadd.f32 v46, v47  }
0x522: {  	v21 =	vadd.f32 v21, v23  }
0x523: {  	[tilespmem:$0x19900] =	vst v22  }
0x524: {  	[tilespmem:$0x19880] =	vst v21  }
0x525: {  	v20 =	vld.idx.msk [tilespmem:v20+s14+$0x0], $0xffff;
	_ =	sdelay $0x4  }
0x526: {  	(erf) = vrcp.f32 v20;
	_ =	sdelay $0x8  }
0x527: {  	v20 =	vpop (erf)  }
0x528: {  	v20 =	vmul.f32 $-1.053605150e-01, v20;
	_ =	sdelay $0x1  }
0x529: {  	v21 =	vld [tilespmem:s19+$0x80];
	v20 =	vmul.f32 $1.442695020e+00, v20;
	_ =	sdelay $0x1  }
0x52a: {  	(erf) = vpow2.f32 v20;
	_ =	sdelay $0x2  }
0x52b: {  	v20 =	vshll.u32 v21, $0x3  }
0x52c: {  	v48 =	vand.u32 $0x7F, v21;
	v20 =	vand.u32 $0xFFFFFC00, v20  }
0x52d: {  	v20 =	vor.u32 v48, v20  }
0x52e: {  	v20 =	vadd.s32 v17, v20;
	_ =	sdelay $0x2  }
0x52f: {  	v49 =	vld.idx.msk [tilespmem:v27+s13+$0x0], $0xffff;
	v50 =	vpop (erf)  }
0x530: {  	vm1 =	vne.s32 v21, $0x0;
	v23 =	vsub.f32 $1.000000000e+00, v50  }
0x531: {  	v52 =	vsel vm1, $0x3F800000, v14;
	v51 =	vld.idx.msk [tilespmem:v20+s26+$0x0], $0xffff  }
0x532: {  	v23 =	vmul.f32 v52, v23;
	_ =	sdelay $0x1  }
0x533: {  	v22 =	vmul.f32 v23, v49;
	_ =	sdelay $0x1  }
0x534: {  	v21 =	vmul.f32 v23, v51;
	v53 =	vsub.f32 v52, v22;
	_ =	sdelay $0x1  }
0x535: {  	v21 =	vsub.f32 v53, v21;
	_ =	sdelay $0x1  }
0x536: {  	v22 =	vadd.f32 v21, v22  }
0x537: {  	v54 =	vld.idx.msk [tilespmem:v27+s7+$0x0], $0xffff  }
0x538: {  	v20 =	vld.idx.msk [tilespmem:v20+s10+$0x0], $0xffff;
	[tilespmem:s21+$0x19500] =	vst v22  }
0x539: {  	v22 =	vld [tilespmem:$0x19880]  }
0x53a: {  	v55 =	vld [tilespmem:$0x19900];
	_ =	sdelay $0x1  }
0x53b: {  	v23 =	vmul.f32 v23, v54  }
0x53c: {  	v56 =	vsub.f32 $1.000000000e+00, v52  }
0x53d: {  	v19 =	vadd.s32 v0, v19;
	v20 =	vmul.f32 v21, v20;
	v22 =	vadd.f32 v23, v22  }
0x53e: {  	v21 =	vadd.f32 v55, v56  }
0x53f: {  	v20 =	vadd.f32 v20, v22  }
0x540: {  	[tilespmem:$0x19900] =	vst v21  }
0x541: {  	[tilespmem:$0x19880] =	vst v20  }
0x542: {  	v19 =	vld.idx.msk [tilespmem:v19+s14+$0x0], $0xffff;
	_ =	sdelay $0x4  }
0x543: {  	(erf) = vrcp.f32 v19;
	_ =	sdelay $0x8  }
0x544: {  	v19 =	vpop (erf)  }
0x545: {  	v19 =	vmul.f32 $-1.053605150e-01, v19;
	_ =	sdelay $0x1  }
0x546: {  	v20 =	vld [tilespmem:s19+$0x90];
	v19 =	vmul.f32 $1.442695020e+00, v19;
	_ =	sdelay $0x1  }
0x547: {  	(erf) = vpow2.f32 v19;
	_ =	sdelay $0x2  }
0x548: {  	v19 =	vshll.u32 v20, $0x3  }
0x549: {  	v57 =	vand.u32 $0x7F, v20;
	v19 =	vand.u32 $0xFFFFFC00, v19  }
0x54a: {  	v19 =	vor.u32 v57, v19  }
0x54b: {  	v19 =	vadd.s32 v18, v19;
	_ =	sdelay $0x2  }
0x54c: {  	v58 =	vld.idx.msk [tilespmem:v28+s13+$0x0], $0xffff;
	v59 =	vpop (erf)  }
0x54d: {  	vm1 =	vne.s32 v20, $0x0;
	v22 =	vsub.f32 $1.000000000e+00, v59  }
0x54e: {  	v60 =	vsel vm1, $0x3F800000, v14;
	v20 =	vld.idx.msk [tilespmem:v19+s26+$0x0], $0xffff  }
0x54f: {  	v22 =	vmul.f32 v60, v22;
	_ =	sdelay $0x1  }
0x550: {  	v21 =	vmul.f32 v22, v58;
	_ =	sdelay $0x1  }
0x551: {  	v20 =	vmul.f32 v22, v20;
	v61 =	vsub.f32 v60, v21;
	_ =	sdelay $0x1  }
0x552: {  	v20 =	vsub.f32 v61, v20;
	_ =	sdelay $0x1  }
0x553: {  	v21 =	vadd.f32 v20, v21  }
0x554: {  	v62 =	vld.idx.msk [tilespmem:v28+s7+$0x0], $0xffff  }
0x555: {  	v19 =	vld.idx.msk [tilespmem:v19+s10+$0x0], $0xffff;
	[tilespmem:s20+$0x19500] =	vst v21  }
0x556: {  	v21 =	vld [tilespmem:$0x19880]  }
0x557: {  	v63 =	vld [tilespmem:$0x19900];
	_ =	sdelay $0x1  }
0x558: {  	s18 =	sadd.s32 $0x1, s18;
	v22 =	vmul.f32 v22, v62  }
0x559: {  	p0 =	sne.s32 s18, $0x5;
	v19 =	vmul.f32 v20, v19;
	v20 =	vsub.f32 $1.000000000e+00, v60  }
.Ltmp3:
0x55a: {  	v21 =	vadd.f32 v22, v21;
	(pc) =	sbr.rel @p0 .LBB2_2-.Ltmp3, $4  }
0x55b: {  	v20 =	vadd.f32 v63, v20  }
0x55c: {  	v19 =	vadd.f32 v19, v21  }
0x55d: {  	[tilespmem:$0x19900] =	vst v20  }
0x55e: {  	[tilespmem:$0x19880] =	vst v19  }
0x55f: {  	s0 =	rddreg [dreg:$0x8];
	s1 =	simm.s32 $0x19500  }
0x560: {  	[hbm4b:s0+s5] =	stream.linear.scatter [tilespmem:s1], [sflag:$0x5], $0x320, $0x38;
	[tilespmem:$0x19980] =	vst v63  }
0x561: {  	s1 =	simm.s32 $0x5  }
0x562: {  	_ =	swait.ge [sflag:s1], $0x320  }
0x563: {  	[sflag:s1] =	ssyncset.done $0x0  }
0x564: {  	s3 =	simm.s32 $0x19880;
	s24 =	rddreg [dreg:$0x9];
	[sflag:s1] =	ssyncadd.s32 $0xFFFFFCE0  }
0x565: {  	[hbm4b:s24+s5] =	stream.linear.scatter [tilespmem:s3], [sflag:$0x5], $0x80, $0x38;
	[tilespmem:$0x19980] =	vst v63  }
0x566: {  	_ =	swait.ge [sflag:s1], $0x80  }
0x567: {  	[sflag:s1] =	ssyncset.done $0x0  }
0x568: {  	s29 =	simm.s32 $0x19900;
	s28 =	rddreg [dreg:$0xa];
	[sflag:s1] =	ssyncadd.s32 $0xFFFFFF80  }
0x569: {  	[hbm4b:s28+s5] =	stream.linear.scatter [tilespmem:s29], [sflag:$0x5], $0x80, $0x38;
	[tilespmem:$0x19980] =	vst v63  }
0x56a: {  	_ =	swait.ge [sflag:s1], $0x80  }
0x56b: {  	s30 =	rddreg [dreg:$0xc]  }
0x56c: {  	s31 =	rddreg [dreg:$0xb];
	s3 =	sadd.s32 $0x1, s30  }
0x56d: {  	p0 =	sne.s32 s3, s31  }
.Ltmp4:
0x56e: {  	_ = 	snop;
	(pc) =	sbr.rel @p0 .LBB2_1-.Ltmp4, $3  }
0x56f: {  	_ =	sdelay $0x1  }
0x570: {  	[sflag:s1] =	ssyncset.done $0x0  }
0x571: {  	[sflag:s1] =	ssyncadd.s32 $0xFFFFFF80  }
0x572: {  	_ =	sfence.sel $0x180000  }
0x573: {  	[bflag:$0x0] =	sbarrier.arrive $0xFFFF  }
0x574: {  	_ =	strace $0x90000047  }
0x575: {  	s0 =	stileid.u32;
	[bflag:$0x2] =	sbarrier.arrive $0xFFFF  }
0x576: {  	p0 =	sne.s32 s0, $0x0;
	s0 =	rddreg [dreg:$0x4]  }
0x577: {  	s0 =	sadd.s32 @!p0 $0x100000, s0  }
0x578: {  	[sflag:s0] =	ssyncadd.tile.s32 @!p0 $0x1;
	_ =	shalt  }
.Lfunc_end2:
_tile_overlayer_lowered:
.L_overlay_start_2:
0x579: {  	(tag) =	ssettag $0x2  }
0x57a: {  	s0 =	rddreg [dreg:$0x0];
	s2 =	stileid.u32  }
0x57b: {  	s1 =	rddreg [dreg:$0x1];
	p0 =	sne.s32 s2, $0x0  }
0x57c: {  	s3 =	rddreg [dreg:$0x2];
	[bflag:$0x3] =	sbarrier.arrive $0xFFFF;
	s2 =	simm.s32 @!p0 $0x1C05  }
0x57d: {  	[timem:s3], [sflag:s2] =	dma.local @!p0 [hbm:s0], s1  }
0x57e: {  	s0 =	simm.s32 @!p0 $0x5  }
0x57f: {  	_ =	swait.ge @!p0 [sflag:s0], s1  }
0x580: {  	s1 =	ssub.s32 @!p0 $0x0, s1;
	[sflag:s0] =	ssyncset.done @!p0 $0x0  }
0x581: {  	[sflag:s0] =	ssyncadd.s32 @!p0 s1  }
0x582: {  	[bflag:$0x3] =	sbarrier.arrive $0xFFFF  }
0x583: {  	_ =	shalt  }

</sc_bundles>
